<compile_context>
chip_gen: v7x
topology: tpu7x:2x2x1
jax: 0.10.2.dev20260603
libtpu: 0.0.44.dev20260713+nightly
codegen_flags: <defaults>
</compile_context>

<pallas_src>
import functools

import jax
import jax.numpy as jnp
from jax import lax
from jax.experimental import pallas as pl
from jax.experimental.pallas import tpu as pltpu
from jax.experimental.pallas import tpu_sc as plsc

N = 10000
E = 320000
D = 128
H = 128
C = 64
K = 5

NC = 2
NS = 16
NW = NC * NS
EW = E // NW
ECH = 80
ENC = EW // ECH

RW = N // NW
RTAIL = N - RW * NW
RCH = 104

BN = 1000
GRID = N // BN

@functools.cache
def _mesh():
  return plsc.VectorSubcoreMesh(
      core_axis_name="c", subcore_axis_name="s", num_cores=NC, num_subcores=NS)


def _wid():
  return lax.axis_index("c") * NS + lax.axis_index("s")



NP = 640 * NS
STRIPE = NP // NS


def _deg_body(dstr_hbm, out_hbm, idx_all, ones_v, tmp_v, acc_sh):
  cid = lax.axis_index("c")
  sid = lax.axis_index("s")
  w = _wid()
  for i in range(ECH // 16):
    ones_v[pl.ds(i * 16, 16)] = jnp.ones((16,), jnp.float32)
    tmp_v[pl.ds(i * 16, 16)] = jnp.zeros((16,), jnp.float32)
  sb = pl.multiple_of(sid * STRIPE, 8)
  for j in range(STRIPE // ECH):
    pltpu.sync_copy(tmp_v, acc_sh.at[pl.ds(sb + j * ECH, ECH)])
  pltpu.sync_copy(dstr_hbm.at[w], idx_all)
  plsc.subcore_barrier()

  @pl.loop(0, ENC)
  def _(c):
    pltpu.sync_copy(ones_v, acc_sh.at[idx_all.at[c]], add=True)

  plsc.subcore_barrier()
  for j in range(STRIPE // ECH):
    pltpu.sync_copy(acc_sh.at[pl.ds(sb + j * ECH, ECH)], tmp_v)
    pltpu.sync_copy(tmp_v, out_hbm.at[pl.ds(cid * NP + sb + j * ECH, ECH)])


def _deg(dstr):
  return pl.kernel(
      _deg_body,
      out_type=jax.ShapeDtypeStruct((NC * NP,), jnp.float32),
      mesh=_mesh(),
      scratch_types=[
          pltpu.VMEM((ENC, ECH), jnp.int32),
          pltpu.VMEM((ECH,), jnp.float32),
          pltpu.VMEM((ECH,), jnp.float32),
          pltpu.VMEM_SHARED((NP,), jnp.float32),
      ],
  )(dstr)


def _make_edge_body(f):
  def _edge_body(xs_hbm, srcr_hbm, dstr_hbm, out_hbm,
                 idx_s, idx_d, rows0, rows1, zb_v, acc_sh,
                 sem0, sem1):
    cid = lax.axis_index("c")
    sid = lax.axis_index("s")
    w = _wid()
    for r in range(16):
      for cc in range(f // 16):
        zb_v[r, pl.ds(cc * 16, 16)] = jnp.zeros((16,), jnp.float32)
    sb = pl.multiple_of(sid * STRIPE, 8)

    @pl.loop(0, STRIPE // 16)
    def _(j):
      pltpu.sync_copy(zb_v, acc_sh.at[pl.ds(sb + j * 16, 16)])

    pltpu.sync_copy(srcr_hbm.at[w], idx_s)
    pltpu.sync_copy(dstr_hbm.at[w], idx_d)
    plsc.subcore_barrier()

    rows = (rows0, rows1)
    sems = (sem0, sem1)
    for b in range(2):
      pltpu.async_copy(xs_hbm.at[idx_s.at[b]], rows[b], sems[b])

    @pl.loop(0, ENC // 2)
    def _(g):
      for b in range(2):
        i = g * 2 + b
        pltpu.make_async_copy(xs_hbm.at[idx_s.at[i]], rows[b], sems[b]).wait()
        pltpu.sync_copy(rows[b], acc_sh.at[idx_d.at[i]], add=True)
        if (ENC // 2) * 2 + b < ENC:
          pltpu.async_copy(xs_hbm.at[idx_s.at[i + 2]], rows[b], sems[b])
        else:
          @pl.when(i + 2 < ENC)
          def _():
            pltpu.async_copy(xs_hbm.at[idx_s.at[i + 2]], rows[b], sems[b])

    for b in range(ENC - (ENC // 2) * 2):
      i = (ENC // 2) * 2 + b
      pltpu.make_async_copy(xs_hbm.at[idx_s.at[i]], rows[b], sems[b]).wait()
      pltpu.sync_copy(rows[b], acc_sh.at[idx_d.at[i]], add=True)

    plsc.subcore_barrier()
    for j in range(STRIPE // ECH):
      pltpu.sync_copy(acc_sh.at[pl.ds(sb + j * ECH, ECH)], rows0)
      pltpu.sync_copy(rows0, out_hbm.at[cid, pl.ds(sb + j * ECH, ECH)])

  return _edge_body


def _edge_pass(xs, srcr, dstr, f):
  return pl.kernel(
      _make_edge_body(f),
      out_type=jax.ShapeDtypeStruct((NC, NP, f), jnp.float32),
      mesh=_mesh(),
      compiler_params=pltpu.CompilerParams(use_tc_tiling_on_sc=False),
      scratch_types=[
          pltpu.VMEM((ENC, ECH), jnp.int32),
          pltpu.VMEM((ENC, ECH), jnp.int32),
          pltpu.VMEM((ECH, f), jnp.float32),
          pltpu.VMEM((ECH, f), jnp.float32),
          pltpu.VMEM((16, f), jnp.float32),
          pltpu.VMEM_SHARED((NP, f), jnp.float32),
          pltpu.SemaphoreType.DMA,
          pltpu.SemaphoreType.DMA,
      ],
  )(xs, srcr, dstr)


def _gather_body(tab_hbm, ord_hbm, out_hbm, idx_v, rows_v, idx_t, rows_t, sem):
  w = _wid()
  base = w * RW
  for c in range(RW // RCH):
    off = pl.multiple_of(base + c * RCH, 8)
    pltpu.sync_copy(ord_hbm.at[pl.ds(off, RCH)], idx_v)
    pltpu.async_copy(tab_hbm.at[idx_v], rows_v, sem).wait()
    pltpu.sync_copy(rows_v, out_hbm.at[pl.ds(off, RCH)])

  @pl.when(w == NW - 1)
  def _():
    pltpu.sync_copy(ord_hbm.at[pl.ds(RW * NW, RTAIL)], idx_t)
    pltpu.async_copy(tab_hbm.at[idx_t], rows_t, sem).wait()
    pltpu.sync_copy(rows_t, out_hbm.at[pl.ds(RW * NW, RTAIL)])


def _gather_rows(tab, order):
  return pl.kernel(
      _gather_body,
      out_type=jax.ShapeDtypeStruct((N, C), jnp.float32),
      mesh=_mesh(),
      compiler_params=pltpu.CompilerParams(use_tc_tiling_on_sc=False),
      scratch_types=[
          pltpu.VMEM((RCH,), jnp.int32),
          pltpu.VMEM((RCH, C), jnp.float32),
          pltpu.VMEM((RTAIL,), jnp.int32),
          pltpu.VMEM((RTAIL, C), jnp.float32),
          pltpu.SemaphoreType.DMA,
      ],
  )(tab, order)


def _scatter_body(rows_hbm, ord_hbm, out_hbm, idx_v, rows_v, idx_t, rows_t, sem):
  w = _wid()
  base = w * RW
  for c in range(RW // RCH):
    off = pl.multiple_of(base + c * RCH, 8)
    pltpu.sync_copy(ord_hbm.at[pl.ds(off, RCH)], idx_v)
    pltpu.sync_copy(rows_hbm.at[pl.ds(off, RCH)], rows_v)
    pltpu.async_copy(rows_v, out_hbm.at[idx_v], sem).wait()

  @pl.when(w == NW - 1)
  def _():
    pltpu.sync_copy(ord_hbm.at[pl.ds(RW * NW, RTAIL)], idx_t)
    pltpu.sync_copy(rows_hbm.at[pl.ds(RW * NW, RTAIL)], rows_t)
    pltpu.async_copy(rows_t, out_hbm.at[idx_t], sem).wait()


def _scatter_rows(rows, order):
  return pl.kernel(
      _scatter_body,
      out_type=jax.ShapeDtypeStruct((N, C), jnp.float32),
      mesh=_mesh(),
      compiler_params=pltpu.CompilerParams(use_tc_tiling_on_sc=False),
      scratch_types=[
          pltpu.VMEM((RCH,), jnp.int32),
          pltpu.VMEM((RCH, C), jnp.float32),
          pltpu.VMEM((RTAIL,), jnp.int32),
          pltpu.VMEM((RTAIL, C), jnp.float32),
          pltpu.SemaphoreType.DMA,
      ],
  )(rows, order)



def _dinv_of(degp_ref):
  deg = degp_ref[0] + degp_ref[1] + 1.0
  return lax.rsqrt(deg)


def _xw_scale_body(x_ref, w_ref, degp_ref, o_ref):
  dinv = _dinv_of(degp_ref)
  xw = jnp.dot(x_ref[...], w_ref[...], preferred_element_type=jnp.float32)
  o_ref[...] = xw * dinv


def _layer1_body(p_ref, xs_ref, degp_ref, b1_ref, w2_ref, o_ref):
  dinv = _dinv_of(degp_ref)
  s = p_ref[0] + p_ref[1] + xs_ref[...]
  h = jnp.maximum(s * dinv + b1_ref[...], 0.0)
  o_ref[...] = jnp.dot(h, w2_ref[...],
                       preferred_element_type=jnp.float32) * dinv


def _layer2_body(p_ref, hs_ref, degp_ref, b2_ref, h1_ref):
  dinv = _dinv_of(degp_ref)
  s = p_ref[0] + p_ref[1] + hs_ref[...]
  h1_ref[...] = s * dinv + b2_ref[...]


def _shifted(xv, sh, io):
  r = pltpu.roll(xv, (-sh) % xv.shape[0], axis=0)
  if sh < 0:
    r = jnp.where(io < -sh, 0.0, r)
  elif sh > 0:
    r = jnp.where(io >= xv.shape[0] - sh, 0.0, r)
  return r


def _conv_body(sx_ref, gs_ref, w1_ref, b1_ref, w2_ref, b2_ref,
               lw_ref, lb_ref, o_ref):
  sx = sx_ref[...]
  xv = sx * gs_ref[...]
  io = lax.broadcasted_iota(jnp.int32, (N, 1), 0)
  y = jnp.zeros((N, C), jnp.float32)
  for k in range(K):
    y = y + jnp.dot(_shifted(xv, k - 2, io), w1_ref[k],
                    preferred_element_type=jnp.float32)
  y = jnp.maximum(y + b1_ref[...], 0.0)
  z = jnp.zeros((N, C), jnp.float32)
  for k in range(K):
    z = z + jnp.dot(_shifted(y, k - 2, io), w2_ref[k],
                    preferred_element_type=jnp.float32)
  y2 = z + b2_ref[...]
  o_ref[...] = (
      jnp.dot(sx, lw_ref[0:C, :], preferred_element_type=jnp.float32)
      + jnp.dot(y2, lw_ref[C:2 * C, :], preferred_element_type=jnp.float32)
      + lb_ref[...])


def _row_spec(f):
  return pl.BlockSpec((BN, f), lambda i: (i, 0))


def _full_spec(shape):
  nd = len(shape)
  return pl.BlockSpec(shape, lambda i: (0,) * nd)


_degp_spec = pl.BlockSpec((NC, BN, 1), lambda i: (0, i, 0))



def kernel(x, edge_index, W1, b1, W2, b2, pW, pb, c1W, c1b, c2W, c2b,
           linW, linb):
  srcr = edge_index[0].reshape(NW, ENC, ECH)
  dstr = edge_index[1].reshape(NW, ENC, ECH)
  degp = _deg(dstr).reshape(NC, NP)[:, :N].reshape(NC, N, 1)

  xs = pl.pallas_call(
      _xw_scale_body,
      grid=(GRID,),
      in_specs=[_row_spec(D), _full_spec((D, H)), _degp_spec],
      out_specs=_row_spec(H),
      out_shape=jax.ShapeDtypeStruct((N, H), jnp.float32),
  )(x, W1, degp)

  p1 = _edge_pass(xs, srcr, dstr, H)[:, :N]

  hs = pl.pallas_call(
      _layer1_body,
      grid=(GRID,),
      in_specs=[
          pl.BlockSpec((NC, BN, H), lambda i: (0, i, 0)),
          _row_spec(H),
          _degp_spec,
          _full_spec((1, H)),
          _full_spec((H, C)),
      ],
      out_specs=_row_spec(C),
      out_shape=jax.ShapeDtypeStruct((N, C), jnp.float32),
  )(p1, xs, degp, b1.reshape(1, H), W2)

  p2 = _edge_pass(hs, srcr, dstr, C)[:, :N]

  h1 = pl.pallas_call(
      _layer2_body,
      grid=(GRID,),
      in_specs=[
          pl.BlockSpec((NC, BN, C), lambda i: (0, i, 0)),
          _row_spec(C),
          _degp_spec,
          _full_spec((1, C)),
      ],
      out_specs=_row_spec(C),
      out_shape=jax.ShapeDtypeStruct((N, C), jnp.float32),
  )(p2, hs, degp, b2.reshape(1, C))

  g = h1 @ pW + pb
  g_sorted, order = lax.sort_key_val(g[:, 0], jnp.arange(N, dtype=jnp.int32),
                                     is_stable=True)

  sx = _gather_rows(h1, order)

  ys = pl.pallas_call(
      _conv_body,
      grid=(1,),
      in_specs=[
          _full_spec((N, C)),
          _full_spec((N, 1)),
          _full_spec((K, C, C)),
          _full_spec((1, C)),
          _full_spec((K, C, C)),
          _full_spec((1, C)),
          _full_spec((2 * C, C)),
          _full_spec((1, C)),
      ],
      out_specs=_full_spec((N, C)),
      out_shape=jax.ShapeDtypeStruct((N, C), jnp.float32),
  )(sx, g_sorted.reshape(N, 1), jnp.transpose(c1W, (2, 1, 0)),
    c1b.reshape(1, C), jnp.transpose(c2W, (2, 1, 0)), c2b.reshape(1, C),
    linW, linb.reshape(1, C))

  return _scatter_rows(ys, order)

# --- scband reference (transcript-rebuilt; emitter-appended) ---
"""Pipeline reference for scband-nlgnn-15075335209141 (READ-ONLY COPY).

The authoritative reference and input builder live on the scoring server;
editing this copy changes nothing except your own understanding.
"""

import jax, jax.numpy as jnp
import numpy as np

N = 10000
E = 320000
D = 128
H = 128
C = 64
K = 5
PAD = (K - 1) // 2


def gcn_conv(x, src, dst, W, b, n):
    # GCNConv: x' = D^{-1/2} (A + I) D^{-1/2} X W + b
    x = x @ W
    loop = jnp.arange(n, dtype=src.dtype)
    s = jnp.concatenate([src, loop])
    d = jnp.concatenate([dst, loop])
    deg = jnp.zeros((n,), dtype=x.dtype).at[d].add(1.0)
    dinv = jnp.where(deg > 0, jax.lax.rsqrt(deg), 0.0)
    norm = dinv[s] * dinv[d]
    msg = x[s] * norm[:, None]
    out = jnp.zeros_like(x).at[d].add(msg)
    return out + b


def conv1d(x, W, b):
    # x: [1, C, L], W: [O, I, K]
    y = jax.lax.conv_general_dilated(x, W, window_strides=(1,), padding=((PAD, PAD),), dimension_numbers=('NCH', 'OIH', 'NCH'))
    return y + b[None, :, None]


def setup_inputs(seed: int = 0):
    key = jax.random.key(seed)
    ks = jax.random.split(key, 16)
    x = jax.random.normal(ks[0], (N, D), dtype=jnp.float32)
    edge_index = jax.random.randint(ks[1], (2, E), 0, N, dtype=jnp.int32)
    W1 = jax.random.normal(ks[2], (D, H), dtype=jnp.float32) * (1.0 / np.sqrt(D))
    b1 = jnp.zeros((H,), dtype=jnp.float32)
    W2 = jax.random.normal(ks[3], (H, C), dtype=jnp.float32) * (1.0 / np.sqrt(H))
    b2 = jnp.zeros((C,), dtype=jnp.float32)
    pW = jax.random.normal(ks[4], (C, 1), dtype=jnp.float32) * (1.0 / np.sqrt(C))
    pb = jnp.zeros((1,), dtype=jnp.float32)
    c1W = jax.random.normal(ks[5], (C, C, K), dtype=jnp.float32) * (1.0 / np.sqrt(C * K))
    c1b = jnp.zeros((C,), dtype=jnp.float32)
    c2W = jax.random.normal(ks[6], (C, C, K), dtype=jnp.float32) * (1.0 / np.sqrt(C * K))
    c2b = jnp.zeros((C,), dtype=jnp.float32)
    linW = jax.random.normal(ks[7], (2 * C, C), dtype=jnp.float32) * (1.0 / np.sqrt(2 * C))
    linb = jnp.zeros((C,), dtype=jnp.float32)
    return {"x": x, "edge_index": edge_index, "W1": W1, "b1": b1, "W2": W2, "b2": b2, "pW": pW, "pb": pb, "c1W": c1W, "c1b": c1b, "c2W": c2W, "c2b": c2b, "linW": linW, "linb": linb}


def reference(x, edge_index, W1, b1, W2, b2, pW, pb, c1W, c1b, c2W, c2b, linW, linb):
    src, dst = edge_index[0], edge_index[1]
    # GNN stack (n_gnn_layers = 2; dropout is a no-op in eval mode)
    h = jax.nn.relu(gcn_conv(x, src, dst, W1, b1, N))
    h1 = gcn_conv(h, src, dst, W2, b2, N)
    # learned 1D ranking of nodes
    g = h1 @ pW + pb  # [N, 1]
    order = jnp.argsort(g[:, 0])
    inv = jnp.argsort(order)
    g_sorted = g[order]  # [N, 1]
    sorted_x = g_sorted * h1[order]  # [N, C]
    sorted_x = sorted_x.T[None]  # [1, C, N]
    sorted_x = jax.nn.relu(conv1d(sorted_x, c1W, c1b))
    sorted_x = conv1d(sorted_x, c2W, c2b)
    sorted_x = sorted_x[0].T  # [N, C]
    h2 = sorted_x[inv]
    out = jnp.concatenate([h1, h2], axis=1) @ linW + linb
    return out

if __name__ == "__main__":
    import jax
    _d = setup_inputs()
    print(jax.jit(kernel)(*tuple(_d.values())))

</pallas_src>

<mosaic_0001>
#map = affine_map<(d0, d1) -> (0, 0)>
#map1 = affine_map<(d0, d1) -> (0, 0, 0)>
module attributes {stable_mosaic.version = 14 : i64} {
  func.func @_edge_body(%arg0: i32, %arg1: i32, %arg2: memref<10000x64xf32, #tpu.memory_space<hbm>>, %arg3: memref<32x125x80xi32, #tpu.memory_space<hbm>>, %arg4: memref<32x125x80xi32, #tpu.memory_space<hbm>>, %arg5: memref<2x10240x64xf32, #tpu.memory_space<hbm>>, %arg6: memref<125x80xi32, #tpu.memory_space<vmem>>, %arg7: memref<125x80xi32, #tpu.memory_space<vmem>>, %arg8: memref<80x64xf32, #tpu.memory_space<vmem>>, %arg9: memref<80x64xf32, #tpu.memory_space<vmem>>, %arg10: memref<16x64xf32, #tpu.memory_space<vmem>>, %arg11: memref<10240x64xf32, #tpu.memory_space<vmem_shared>>, %arg12: memref<!tpu.dma_semaphore, #tpu.memory_space<semaphore_mem>>, %arg13: memref<!tpu.dma_semaphore, #tpu.memory_space<semaphore_mem>>) attributes {dimension_semantics = [#tpu.dimension_semantics<core_parallel>, #tpu.dimension_semantics<subcore_parallel>], iteration_bounds = array<i64: 2, 16>, scalar_prefetch = 0 : i64, scratch_operands = 8 : i64, tpu.core_type = #tpu.core_type<sc_vector_subcore>, window_params = [{transform_indices = #map}, {transform_indices = #map1}, {transform_indices = #map1}, {transform_indices = #map1}]} {
    %mul3A = arith.constant 16 : i32
    %mul3A_0 = arith.muli %arg0, %mul3A : i32
    %add3A = arith.addi %mul3A_0, %arg1 : i32
    %broadcast_in_dim3A = arith.constant 0.000000e+00 : f32
    %broadcast_in_dim3A_1 = vector.broadcast %broadcast_in_dim3A : f32 to vector<16xf32>
    %swap3A = arith.constant 0 : i32
    %swap3A_2 = arith.index_cast %swap3A : i32 to index
    %swap3A_3 = arith.constant 0 : index
    %swap3A_4 = tpu.vector_load %arg10[%swap3A_2, %swap3A_3] {strides = array<i32>} : memref<16x64xf32, #tpu.memory_space<vmem>>, vector<1x16xf32>,
    %swap3A_5 = vector.shape_cast %swap3A_4 : vector<1x16xf32> to vector<16xf32>
    %swap3A_6 = vector.shape_cast %broadcast_in_dim3A_1 : vector<16xf32> to vector<1x16xf32>
    tpu.vector_store %arg10[%swap3A_2, %swap3A_3], %swap3A_6 {strides = array<i32>} : memref<16x64xf32, #tpu.memory_space<vmem>>, vector<1x16xf32>,
    %broadcast_in_dim3A_7 = arith.constant 0.000000e+00 : f32
    %broadcast_in_dim3A_8 = vector.broadcast %broadcast_in_dim3A_7 : f32 to vector<16xf32>
    %swap3A_9 = arith.constant 0 : i32
    %swap3A_10 = arith.index_cast %swap3A_9 : i32 to index
    %swap3A_11 = arith.constant 16 : index
    %swap3A_12 = tpu.vector_load %arg10[%swap3A_10, %swap3A_11] {strides = array<i32>} : memref<16x64xf32, #tpu.memory_space<vmem>>, vector<1x16xf32>,
    %swap3A_13 = vector.shape_cast %swap3A_12 : vector<1x16xf32> to vector<16xf32>
    %swap3A_14 = vector.shape_cast %broadcast_in_dim3A_8 : vector<16xf32> to vector<1x16xf32>
    tpu.vector_store %arg10[%swap3A_10, %swap3A_11], %swap3A_14 {strides = array<i32>} : memref<16x64xf32, #tpu.memory_space<vmem>>, vector<1x16xf32>,
    %broadcast_in_dim3A_15 = arith.constant 0.000000e+00 : f32
    %broadcast_in_dim3A_16 = vector.broadcast %broadcast_in_dim3A_15 : f32 to vector<16xf32>
    %swap3A_17 = arith.constant 0 : i32
    %swap3A_18 = arith.index_cast %swap3A_17 : i32 to index
    %swap3A_19 = arith.constant 32 : index
    %swap3A_20 = tpu.vector_load %arg10[%swap3A_18, %swap3A_19] {strides = array<i32>} : memref<16x64xf32, #tpu.memory_space<vmem>>, vector<1x16xf32>,
    %swap3A_21 = vector.shape_cast %swap3A_20 : vector<1x16xf32> to vector<16xf32>
    %swap3A_22 = vector.shape_cast %broadcast_in_dim3A_16 : vector<16xf32> to vector<1x16xf32>
    tpu.vector_store %arg10[%swap3A_18, %swap3A_19], %swap3A_22 {strides = array<i32>} : memref<16x64xf32, #tpu.memory_space<vmem>>, vector<1x16xf32>,
    %broadcast_in_dim3A_23 = arith.constant 0.000000e+00 : f32
    %broadcast_in_dim3A_24 = vector.broadcast %broadcast_in_dim3A_23 : f32 to vector<16xf32>
    %swap3A_25 = arith.constant 0 : i32
    %swap3A_26 = arith.index_cast %swap3A_25 : i32 to index
    %swap3A_27 = arith.constant 48 : index
    %swap3A_28 = tpu.vector_load %arg10[%swap3A_26, %swap3A_27] {strides = array<i32>} : memref<16x64xf32, #tpu.memory_space<vmem>>, vector<1x16xf32>,
    %swap3A_29 = vector.shape_cast %swap3A_28 : vector<1x16xf32> to vector<16xf32>
    %swap3A_30 = vector.shape_cast %broadcast_in_dim3A_24 : vector<16xf32> to vector<1x16xf32>
    tpu.vector_store %arg10[%swap3A_26, %swap3A_27], %swap3A_30 {strides = array<i32>} : memref<16x64xf32, #tpu.memory_space<vmem>>, vector<1x16xf32>,
    %broadcast_in_dim3A_31 = arith.constant 0.000000e+00 : f32
    %broadcast_in_dim3A_32 = vector.broadcast %broadcast_in_dim3A_31 : f32 to vector<16xf32>
    %swap3A_33 = arith.constant 1 : i32
    %swap3A_34 = arith.index_cast %swap3A_33 : i32 to index
    %swap3A_35 = arith.constant 0 : index
    %swap3A_36 = tpu.vector_load %arg10[%swap3A_34, %swap3A_35] {strides = array<i32>} : memref<16x64xf32, #tpu.memory_space<vmem>>, vector<1x16xf32>,
    %swap3A_37 = vector.shape_cast %swap3A_36 : vector<1x16xf32> to vector<16xf32>
    %swap3A_38 = vector.shape_cast %broadcast_in_dim3A_32 : vector<16xf32> to vector<1x16xf32>
    tpu.vector_store %arg10[%swap3A_34, %swap3A_35], %swap3A_38 {strides = array<i32>} : memref<16x64xf32, #tpu.memory_space<vmem>>, vector<1x16xf32>,
    %broadcast_in_dim3A_39 = arith.constant 0.000000e+00 : f32
    %broadcast_in_dim3A_40 = vector.broadcast %broadcast_in_dim3A_39 : f32 to vector<16xf32>
    %swap3A_41 = arith.constant 1 : i32
    %swap3A_42 = arith.index_cast %swap3A_41 : i32 to index
    %swap3A_43 = arith.constant 16 : index
    %swap3A_44 = tpu.vector_load %arg10[%swap3A_42, %swap3A_43] {strides = array<i32>} : memref<16x64xf32, #tpu.memory_space<vmem>>, vector<1x16xf32>,
    %swap3A_45 = vector.shape_cast %swap3A_44 : vector<1x16xf32> to vector<16xf32>
    %swap3A_46 = vector.shape_cast %broadcast_in_dim3A_40 : vector<16xf32> to vector<1x16xf32>
    tpu.vector_store %arg10[%swap3A_42, %swap3A_43], %swap3A_46 {strides = array<i32>} : memref<16x64xf32, #tpu.memory_space<vmem>>, vector<1x16xf32>,
    %broadcast_in_dim3A_47 = arith.constant 0.000000e+00 : f32
    %broadcast_in_dim3A_48 = vector.broadcast %broadcast_in_dim3A_47 : f32 to vector<16xf32>
    %swap3A_49 = arith.constant 1 : i32
    %swap3A_50 = arith.index_cast %swap3A_49 : i32 to index
    %swap3A_51 = arith.constant 32 : index
    %swap3A_52 = tpu.vector_load %arg10[%swap3A_50, %swap3A_51] {strides = array<i32>} : memref<16x64xf32, #tpu.memory_space<vmem>>, vector<1x16xf32>,
    %swap3A_53 = vector.shape_cast %swap3A_52 : vector<1x16xf32> to vector<16xf32>
    %swap3A_54 = vector.shape_cast %broadcast_in_dim3A_48 : vector<16xf32> to vector<1x16xf32>
    tpu.vector_store %arg10[%swap3A_50, %swap3A_51], %swap3A_54 {strides = array<i32>} : memref<16x64xf32, #tpu.memory_space<vmem>>, vector<1x16xf32>,
    %broadcast_in_dim3A_55 = arith.constant 0.000000e+00 : f32
    %broadcast_in_dim3A_56 = vector.broadcast %broadcast_in_dim3A_55 : f32 to vector<16xf32>
    %swap3A_57 = arith.constant 1 : i32
    %swap3A_58 = arith.index_cast %swap3A_57 : i32 to index
    %swap3A_59 = arith.constant 48 : index
    %swap3A_60 = tpu.vector_load %arg10[%swap3A_58, %swap3A_59] {strides = array<i32>} : memref<16x64xf32, #tpu.memory_space<vmem>>, vector<1x16xf32>,
    %swap3A_61 = vector.shape_cast %swap3A_60 : vector<1x16xf32> to vector<16xf32>
    %swap3A_62 = vector.shape_cast %broadcast_in_dim3A_56 : vector<16xf32> to vector<1x16xf32>
    tpu.vector_store %arg10[%swap3A_58, %swap3A_59], %swap3A_62 {strides = array<i32>} : memref<16x64xf32, #tpu.memory_space<vmem>>, vector<1x16xf32>,
    %broadcast_in_dim3A_63 = arith.constant 0.000000e+00 : f32
    %broadcast_in_dim3A_64 = vector.broadcast %broadcast_in_dim3A_63 : f32 to vector<16xf32>
    %swap3A_65 = arith.constant 2 : i32
    %swap3A_66 = arith.index_cast %swap3A_65 : i32 to index
    %swap3A_67 = arith.constant 0 : index
    %swap3A_68 = tpu.vector_load %arg10[%swap3A_66, %swap3A_67] {strides = array<i32>} : memref<16x64xf32, #tpu.memory_space<vmem>>, vector<1x16xf32>,
    %swap3A_69 = vector.shape_cast %swap3A_68 : vector<1x16xf32> to vector<16xf32>
    %swap3A_70 = vector.shape_cast %broadcast_in_dim3A_64 : vector<16xf32> to vector<1x16xf32>
    tpu.vector_store %arg10[%swap3A_66, %swap3A_67], %swap3A_70 {strides = array<i32>} : memref<16x64xf32, #tpu.memory_space<vmem>>, vector<1x16xf32>,
    %broadcast_in_dim3A_71 = arith.constant 0.000000e+00 : f32
    %broadcast_in_dim3A_72 = vector.broadcast %broadcast_in_dim3A_71 : f32 to vector<16xf32>
    %swap3A_73 = arith.constant 2 : i32
    %swap3A_74 = arith.index_cast %swap3A_73 : i32 to index
    %swap3A_75 = arith.constant 16 : index
    %swap3A_76 = tpu.vector_load %arg10[%swap3A_74, %swap3A_75] {strides = array<i32>} : memref<16x64xf32, #tpu.memory_space<vmem>>, vector<1x16xf32>,
    %swap3A_77 = vector.shape_cast %swap3A_76 : vector<1x16xf32> to vector<16xf32>
    %swap3A_78 = vector.shape_cast %broadcast_in_dim3A_72 : vector<16xf32> to vector<1x16xf32>
    tpu.vector_store %arg10[%swap3A_74, %swap3A_75], %swap3A_78 {strides = array<i32>} : memref<16x64xf32, #tpu.memory_space<vmem>>, vector<1x16xf32>,
    %broadcast_in_dim3A_79 = arith.constant 0.000000e+00 : f32
    %broadcast_in_dim3A_80 = vector.broadcast %broadcast_in_dim3A_79 : f32 to vector<16xf32>
    %swap3A_81 = arith.constant 2 : i32
    %swap3A_82 = arith.index_cast %swap3A_81 : i32 to index
    %swap3A_83 = arith.constant 32 : index
    %swap3A_84 = tpu.vector_load %arg10[%swap3A_82, %swap3A_83] {strides = array<i32>} : memref<16x64xf32, #tpu.memory_space<vmem>>, vector<1x16xf32>,
    %swap3A_85 = vector.shape_cast %swap3A_84 : vector<1x16xf32> to vector<16xf32>
    %swap3A_86 = vector.shape_cast %broadcast_in_dim3A_80 : vector<16xf32> to vector<1x16xf32>
    tpu.vector_store %arg10[%swap3A_82, %swap3A_83], %swap3A_86 {strides = array<i32>} : memref<16x64xf32, #tpu.memory_space<vmem>>, vector<1x16xf32>,
    %broadcast_in_dim3A_87 = arith.constant 0.000000e+00 : f32
    %broadcast_in_dim3A_88 = vector.broadcast %broadcast_in_dim3A_87 : f32 to vector<16xf32>
    %swap3A_89 = arith.constant 2 : i32
    %swap3A_90 = arith.index_cast %swap3A_89 : i32 to index
    %swap3A_91 = arith.constant 48 : index
    %swap3A_92 = tpu.vector_load %arg10[%swap3A_90, %swap3A_91] {strides = array<i32>} : memref<16x64xf32, #tpu.memory_space<vmem>>, vector<1x16xf32>,
    %swap3A_93 = vector.shape_cast %swap3A_92 : vector<1x16xf32> to vector<16xf32>
    %swap3A_94 = vector.shape_cast %broadcast_in_dim3A_88 : vector<16xf32> to vector<1x16xf32>
    tpu.vector_store %arg10[%swap3A_90, %swap3A_91], %swap3A_94 {strides = array<i32>} : memref<16x64xf32, #tpu.memory_space<vmem>>, vector<1x16xf32>,
    %broadcast_in_dim3A_95 = arith.constant 0.000000e+00 : f32
    %broadcast_in_dim3A_96 = vector.broadcast %broadcast_in_dim3A_95 : f32 to vector<16xf32>
    %swap3A_97 = arith.constant 3 : i32
    %swap3A_98 = arith.index_cast %swap3A_97 : i32 to index
    %swap3A_99 = arith.constant 0 : index
    %swap3A_100 = tpu.vector_load %arg10[%swap3A_98, %swap3A_99] {strides = array<i32>} : memref<16x64xf32, #tpu.memory_space<vmem>>, vector<1x16xf32>,
    %swap3A_101 = vector.shape_cast %swap3A_100 : vector<1x16xf32> to vector<16xf32>
    %swap3A_102 = vector.shape_cast %broadcast_in_dim3A_96 : vector<16xf32> to vector<1x16xf32>
    tpu.vector_store %arg10[%swap3A_98, %swap3A_99], %swap3A_102 {strides = array<i32>} : memref<16x64xf32, #tpu.memory_space<vmem>>, vector<1x16xf32>,
    %broadcast_in_dim3A_103 = arith.constant 0.000000e+00 : f32
    %broadcast_in_dim3A_104 = vector.broadcast %broadcast_in_dim3A_103 : f32 to vector<16xf32>
    %swap3A_105 = arith.constant 3 : i32
    %swap3A_106 = arith.index_cast %swap3A_105 : i32 to index
    %swap3A_107 = arith.constant 16 : index
    %swap3A_108 = tpu.vector_load %arg10[%swap3A_106, %swap3A_107] {strides = array<i32>} : memref<16x64xf32, #tpu.memory_space<vmem>>, vector<1x16xf32>,
    %swap3A_109 = vector.shape_cast %swap3A_108 : vector<1x16xf32> to vector<16xf32>
    %swap3A_110 = vector.shape_cast %broadcast_in_dim3A_104 : vector<16xf32> to vector<1x16xf32>
    tpu.vector_store %arg10[%swap3A_106, %swap3A_107], %swap3A_110 {strides = array<i32>} : memref<16x64xf32, #tpu.memory_space<vmem>>, vector<1x16xf32>,
    %broadcast_in_dim3A_111 = arith.constant 0.000000e+00 : f32
    %broadcast_in_dim3A_112 = vector.broadcast %broadcast_in_dim3A_111 : f32 to vector<16xf32>
    %swap3A_113 = arith.constant 3 : i32
    %swap3A_114 = arith.index_cast %swap3A_113 : i32 to index
    %swap3A_115 = arith.constant 32 : index
    %swap3A_116 = tpu.vector_load %arg10[%swap3A_114, %swap3A_115] {strides = array<i32>} : memref<16x64xf32, #tpu.memory_space<vmem>>, vector<1x16xf32>,
    %swap3A_117 = vector.shape_cast %swap3A_116 : vector<1x16xf32> to vector<16xf32>
    %swap3A_118 = vector.shape_cast %broadcast_in_dim3A_112 : vector<16xf32> to vector<1x16xf32>
    tpu.vector_store %arg10[%swap3A_114, %swap3A_115], %swap3A_118 {strides = array<i32>} : memref<16x64xf32, #tpu.memory_space<vmem>>, vector<1x16xf32>,
    %broadcast_in_dim3A_119 = arith.constant 0.000000e+00 : f32
    %broadcast_in_dim3A_120 = vector.broadcast %broadcast_in_dim3A_119 : f32 to vector<16xf32>
    %swap3A_121 = arith.constant 3 : i32
    %swap3A_122 = arith.index_cast %swap3A_121 : i32 to index
    %swap3A_123 = arith.constant 48 : index
    %swap3A_124 = tpu.vector_load %arg10[%swap3A_122, %swap3A_123] {strides = array<i32>} : memref<16x64xf32, #tpu.memory_space<vmem>>, vector<1x16xf32>,
    %swap3A_125 = vector.shape_cast %swap3A_124 : vector<1x16xf32> to vector<16xf32>
    %swap3A_126 = vector.shape_cast %broadcast_in_dim3A_120 : vector<16xf32> to vector<1x16xf32>
    tpu.vector_store %arg10[%swap3A_122, %swap3A_123], %swap3A_126 {strides = array<i32>} : memref<16x64xf32, #tpu.memory_space<vmem>>, vector<1x16xf32>,
    %broadcast_in_dim3A_127 = arith.constant 0.000000e+00 : f32
    %broadcast_in_dim3A_128 = vector.broadcast %broadcast_in_dim3A_127 : f32 to vector<16xf32>
    %swap3A_129 = arith.constant 4 : i32
    %swap3A_130 = arith.index_cast %swap3A_129 : i32 to index
    %swap3A_131 = arith.constant 0 : index
    %swap3A_132 = tpu.vector_load %arg10[%swap3A_130, %swap3A_131] {strides = array<i32>} : memref<16x64xf32, #tpu.memory_space<vmem>>, vector<1x16xf32>,
    %swap3A_133 = vector.shape_cast %swap3A_132 : vector<1x16xf32> to vector<16xf32>
    %swap3A_134 = vector.shape_cast %broadcast_in_dim3A_128 : vector<16xf32> to vector<1x16xf32>
    tpu.vector_store %arg10[%swap3A_130, %swap3A_131], %swap3A_134 {strides = array<i32>} : memref<16x64xf32, #tpu.memory_space<vmem>>, vector<1x16xf32>,
    %broadcast_in_dim3A_135 = arith.constant 0.000000e+00 : f32
    %broadcast_in_dim3A_136 = vector.broadcast %broadcast_in_dim3A_135 : f32 to vector<16xf32>
    %swap3A_137 = arith.constant 4 : i32
    %swap3A_138 = arith.index_cast %swap3A_137 : i32 to index
    %swap3A_139 = arith.constant 16 : index
    %swap3A_140 = tpu.vector_load %arg10[%swap3A_138, %swap3A_139] {strides = array<i32>} : memref<16x64xf32, #tpu.memory_space<vmem>>, vector<1x16xf32>,
    %swap3A_141 = vector.shape_cast %swap3A_140 : vector<1x16xf32> to vector<16xf32>
    %swap3A_142 = vector.shape_cast %broadcast_in_dim3A_136 : vector<16xf32> to vector<1x16xf32>
    tpu.vector_store %arg10[%swap3A_138, %swap3A_139], %swap3A_142 {strides = array<i32>} : memref<16x64xf32, #tpu.memory_space<vmem>>, vector<1x16xf32>,
    %broadcast_in_dim3A_143 = arith.constant 0.000000e+00 : f32
    %broadcast_in_dim3A_144 = vector.broadcast %broadcast_in_dim3A_143 : f32 to vector<16xf32>
    %swap3A_145 = arith.constant 4 : i32
    %swap3A_146 = arith.index_cast %swap3A_145 : i32 to index
    %swap3A_147 = arith.constant 32 : index
    %swap3A_148 = tpu.vector_load %arg10[%swap3A_146, %swap3A_147] {strides = array<i32>} : memref<16x64xf32, #tpu.memory_space<vmem>>, vector<1x16xf32>,
    %swap3A_149 = vector.shape_cast %swap3A_148 : vector<1x16xf32> to vector<16xf32>
    %swap3A_150 = vector.shape_cast %broadcast_in_dim3A_144 : vector<16xf32> to vector<1x16xf32>
    tpu.vector_store %arg10[%swap3A_146, %swap3A_147], %swap3A_150 {strides = array<i32>} : memref<16x64xf32, #tpu.memory_space<vmem>>, vector<1x16xf32>,
    %broadcast_in_dim3A_151 = arith.constant 0.000000e+00 : f32
    %broadcast_in_dim3A_152 = vector.broadcast %broadcast_in_dim3A_151 : f32 to vector<16xf32>
    %swap3A_153 = arith.constant 4 : i32
    %swap3A_154 = arith.index_cast %swap3A_153 : i32 to index
    %swap3A_155 = arith.constant 48 : index
    %swap3A_156 = tpu.vector_load %arg10[%swap3A_154, %swap3A_155] {strides = array<i32>} : memref<16x64xf32, #tpu.memory_space<vmem>>, vector<1x16xf32>,
    %swap3A_157 = vector.shape_cast %swap3A_156 : vector<1x16xf32> to vector<16xf32>
    %swap3A_158 = vector.shape_cast %broadcast_in_dim3A_152 : vector<16xf32> to vector<1x16xf32>
    tpu.vector_store %arg10[%swap3A_154, %swap3A_155], %swap3A_158 {strides = array<i32>} : memref<16x64xf32, #tpu.memory_space<vmem>>, vector<1x16xf32>,
    %broadcast_in_dim3A_159 = arith.constant 0.000000e+00 : f32
    %broadcast_in_dim3A_160 = vector.broadcast %broadcast_in_dim3A_159 : f32 to vector<16xf32>
    %swap3A_161 = arith.constant 5 : i32
    %swap3A_162 = arith.index_cast %swap3A_161 : i32 to index
    %swap3A_163 = arith.constant 0 : index
    %swap3A_164 = tpu.vector_load %arg10[%swap3A_162, %swap3A_163] {strides = array<i32>} : memref<16x64xf32, #tpu.memory_space<vmem>>, vector<1x16xf32>,
    %swap3A_165 = vector.shape_cast %swap3A_164 : vector<1x16xf32> to vector<16xf32>
    %swap3A_166 = vector.shape_cast %broadcast_in_dim3A_160 : vector<16xf32> to vector<1x16xf32>
    tpu.vector_store %arg10[%swap3A_162, %swap3A_163], %swap3A_166 {strides = array<i32>} : memref<16x64xf32, #tpu.memory_space<vmem>>, vector<1x16xf32>,
    %broadcast_in_dim3A_167 = arith.constant 0.000000e+00 : f32
    %broadcast_in_dim3A_168 = vector.broadcast %broadcast_in_dim3A_167 : f32 to vector<16xf32>
    %swap3A_169 = arith.constant 5 : i32
    %swap3A_170 = arith.index_cast %swap3A_169 : i32 to index
    %swap3A_171 = arith.constant 16 : index
    %swap3A_172 = tpu.vector_load %arg10[%swap3A_170, %swap3A_171] {strides = array<i32>} : memref<16x64xf32, #tpu.memory_space<vmem>>, vector<1x16xf32>,
    %swap3A_173 = vector.shape_cast %swap3A_172 : vector<1x16xf32> to vector<16xf32>
    %swap3A_174 = vector.shape_cast %broadcast_in_dim3A_168 : vector<16xf32> to vector<1x16xf32>
    tpu.vector_store %arg10[%swap3A_170, %swap3A_171], %swap3A_174 {strides = array<i32>} : memref<16x64xf32, #tpu.memory_space<vmem>>, vector<1x16xf32>,
    %broadcast_in_dim3A_175 = arith.constant 0.000000e+00 : f32
    %broadcast_in_dim3A_176 = vector.broadcast %broadcast_in_dim3A_175 : f32 to vector<16xf32>
    %swap3A_177 = arith.constant 5 : i32
    %swap3A_178 = arith.index_cast %swap3A_177 : i32 to index
    %swap3A_179 = arith.constant 32 : index
    %swap3A_180 = tpu.vector_load %arg10[%swap3A_178, %swap3A_179] {strides = array<i32>} : memref<16x64xf32, #tpu.memory_space<vmem>>, vector<1x16xf32>,
    %swap3A_181 = vector.shape_cast %swap3A_180 : vector<1x16xf32> to vector<16xf32>
    %swap3A_182 = vector.shape_cast %broadcast_in_dim3A_176 : vector<16xf32> to vector<1x16xf32>
    tpu.vector_store %arg10[%swap3A_178, %swap3A_179], %swap3A_182 {strides = array<i32>} : memref<16x64xf32, #tpu.memory_space<vmem>>, vector<1x16xf32>,
    %broadcast_in_dim3A_183 = arith.constant 0.000000e+00 : f32
    %broadcast_in_dim3A_184 = vector.broadcast %broadcast_in_dim3A_183 : f32 to vector<16xf32>
    %swap3A_185 = arith.constant 5 : i32
    %swap3A_186 = arith.index_cast %swap3A_185 : i32 to index
    %swap3A_187 = arith.constant 48 : index
    %swap3A_188 = tpu.vector_load %arg10[%swap3A_186, %swap3A_187] {strides = array<i32>} : memref<16x64xf32, #tpu.memory_space<vmem>>, vector<1x16xf32>,
    %swap3A_189 = vector.shape_cast %swap3A_188 : vector<1x16xf32> to vector<16xf32>
    %swap3A_190 = vector.shape_cast %broadcast_in_dim3A_184 : vector<16xf32> to vector<1x16xf32>
    tpu.vector_store %arg10[%swap3A_186, %swap3A_187], %swap3A_190 {strides = array<i32>} : memref<16x64xf32, #tpu.memory_space<vmem>>, vector<1x16xf32>,
    %broadcast_in_dim3A_191 = arith.constant 0.000000e+00 : f32
    %broadcast_in_dim3A_192 = vector.broadcast %broadcast_in_dim3A_191 : f32 to vector<16xf32>
    %swap3A_193 = arith.constant 6 : i32
    %swap3A_194 = arith.index_cast %swap3A_193 : i32 to index
    %swap3A_195 = arith.constant 0 : index
    %swap3A_196 = tpu.vector_load %arg10[%swap3A_194, %swap3A_195] {strides = array<i32>} : memref<16x64xf32, #tpu.memory_space<vmem>>, vector<1x16xf32>,
    %swap3A_197 = vector.shape_cast %swap3A_196 : vector<1x16xf32> to vector<16xf32>
    %swap3A_198 = vector.shape_cast %broadcast_in_dim3A_192 : vector<16xf32> to vector<1x16xf32>
    tpu.vector_store %arg10[%swap3A_194, %swap3A_195], %swap3A_198 {strides = array<i32>} : memref<16x64xf32, #tpu.memory_space<vmem>>, vector<1x16xf32>,
    %broadcast_in_dim3A_199 = arith.constant 0.000000e+00 : f32
    %broadcast_in_dim3A_200 = vector.broadcast %broadcast_in_dim3A_199 : f32 to vector<16xf32>
    %swap3A_201 = arith.constant 6 : i32
    %swap3A_202 = arith.index_cast %swap3A_201 : i32 to index
    %swap3A_203 = arith.constant 16 : index
    %swap3A_204 = tpu.vector_load %arg10[%swap3A_202, %swap3A_203] {strides = array<i32>} : memref<16x64xf32, #tpu.memory_space<vmem>>, vector<1x16xf32>,
    %swap3A_205 = vector.shape_cast %swap3A_204 : vector<1x16xf32> to vector<16xf32>
    %swap3A_206 = vector.shape_cast %broadcast_in_dim3A_200 : vector<16xf32> to vector<1x16xf32>
    tpu.vector_store %arg10[%swap3A_202, %swap3A_203], %swap3A_206 {strides = array<i32>} : memref<16x64xf32, #tpu.memory_space<vmem>>, vector<1x16xf32>,
    %broadcast_in_dim3A_207 = arith.constant 0.000000e+00 : f32
    %broadcast_in_dim3A_208 = vector.broadcast %broadcast_in_dim3A_207 : f32 to vector<16xf32>
    %swap3A_209 = arith.constant 6 : i32
    %swap3A_210 = arith.index_cast %swap3A_209 : i32 to index
    %swap3A_211 = arith.constant 32 : index
    %swap3A_212 = tpu.vector_load %arg10[%swap3A_210, %swap3A_211] {strides = array<i32>} : memref<16x64xf32, #tpu.memory_space<vmem>>, vector<1x16xf32>,
    %swap3A_213 = vector.shape_cast %swap3A_212 : vector<1x16xf32> to vector<16xf32>
    %swap3A_214 = vector.shape_cast %broadcast_in_dim3A_208 : vector<16xf32> to vector<1x16xf32>
    tpu.vector_store %arg10[%swap3A_210, %swap3A_211], %swap3A_214 {strides = array<i32>} : memref<16x64xf32, #tpu.memory_space<vmem>>, vector<1x16xf32>,
    %broadcast_in_dim3A_215 = arith.constant 0.000000e+00 : f32
    %broadcast_in_dim3A_216 = vector.broadcast %broadcast_in_dim3A_215 : f32 to vector<16xf32>
    %swap3A_217 = arith.constant 6 : i32
    %swap3A_218 = arith.index_cast %swap3A_217 : i32 to index
    %swap3A_219 = arith.constant 48 : index
    %swap3A_220 = tpu.vector_load %arg10[%swap3A_218, %swap3A_219] {strides = array<i32>} : memref<16x64xf32, #tpu.memory_space<vmem>>, vector<1x16xf32>,
    %swap3A_221 = vector.shape_cast %swap3A_220 : vector<1x16xf32> to vector<16xf32>
    %swap3A_222 = vector.shape_cast %broadcast_in_dim3A_216 : vector<16xf32> to vector<1x16xf32>
    tpu.vector_store %arg10[%swap3A_218, %swap3A_219], %swap3A_222 {strides = array<i32>} : memref<16x64xf32, #tpu.memory_space<vmem>>, vector<1x16xf32>,
    %broadcast_in_dim3A_223 = arith.constant 0.000000e+00 : f32
    %broadcast_in_dim3A_224 = vector.broadcast %broadcast_in_dim3A_223 : f32 to vector<16xf32>
    %swap3A_225 = arith.constant 7 : i32
    %swap3A_226 = arith.index_cast %swap3A_225 : i32 to index
    %swap3A_227 = arith.constant 0 : index
    %swap3A_228 = tpu.vector_load %arg10[%swap3A_226, %swap3A_227] {strides = array<i32>} : memref<16x64xf32, #tpu.memory_space<vmem>>, vector<1x16xf32>,
    %swap3A_229 = vector.shape_cast %swap3A_228 : vector<1x16xf32> to vector<16xf32>
    %swap3A_230 = vector.shape_cast %broadcast_in_dim3A_224 : vector<16xf32> to vector<1x16xf32>
    tpu.vector_store %arg10[%swap3A_226, %swap3A_227], %swap3A_230 {strides = array<i32>} : memref<16x64xf32, #tpu.memory_space<vmem>>, vector<1x16xf32>,
    %broadcast_in_dim3A_231 = arith.constant 0.000000e+00 : f32
    %broadcast_in_dim3A_232 = vector.broadcast %broadcast_in_dim3A_231 : f32 to vector<16xf32>
    %swap3A_233 = arith.constant 7 : i32
    %swap3A_234 = arith.index_cast %swap3A_233 : i32 to index
    %swap3A_235 = arith.constant 16 : index
    %swap3A_236 = tpu.vector_load %arg10[%swap3A_234, %swap3A_235] {strides = array<i32>} : memref<16x64xf32, #tpu.memory_space<vmem>>, vector<1x16xf32>,
    %swap3A_237 = vector.shape_cast %swap3A_236 : vector<1x16xf32> to vector<16xf32>
    %swap3A_238 = vector.shape_cast %broadcast_in_dim3A_232 : vector<16xf32> to vector<1x16xf32>
    tpu.vector_store %arg10[%swap3A_234, %swap3A_235], %swap3A_238 {strides = array<i32>} : memref<16x64xf32, #tpu.memory_space<vmem>>, vector<1x16xf32>,
    %broadcast_in_dim3A_239 = arith.constant 0.000000e+00 : f32
    %broadcast_in_dim3A_240 = vector.broadcast %broadcast_in_dim3A_239 : f32 to vector<16xf32>
    %swap3A_241 = arith.constant 7 : i32
    %swap3A_242 = arith.index_cast %swap3A_241 : i32 to index
    %swap3A_243 = arith.constant 32 : index
    %swap3A_244 = tpu.vector_load %arg10[%swap3A_242, %swap3A_243] {strides = array<i32>} : memref<16x64xf32, #tpu.memory_space<vmem>>, vector<1x16xf32>,
    %swap3A_245 = vector.shape_cast %swap3A_244 : vector<1x16xf32> to vector<16xf32>
    %swap3A_246 = vector.shape_cast %broadcast_in_dim3A_240 : vector<16xf32> to vector<1x16xf32>
    tpu.vector_store %arg10[%swap3A_242, %swap3A_243], %swap3A_246 {strides = array<i32>} : memref<16x64xf32, #tpu.memory_space<vmem>>, vector<1x16xf32>,
    %broadcast_in_dim3A_247 = arith.constant 0.000000e+00 : f32
    %broadcast_in_dim3A_248 = vector.broadcast %broadcast_in_dim3A_247 : f32 to vector<16xf32>
    %swap3A_249 = arith.constant 7 : i32
    %swap3A_250 = arith.index_cast %swap3A_249 : i32 to index
    %swap3A_251 = arith.constant 48 : index
    %swap3A_252 = tpu.vector_load %arg10[%swap3A_250, %swap3A_251] {strides = array<i32>} : memref<16x64xf32, #tpu.memory_space<vmem>>, vector<1x16xf32>,
    %swap3A_253 = vector.shape_cast %swap3A_252 : vector<1x16xf32> to vector<16xf32>
    %swap3A_254 = vector.shape_cast %broadcast_in_dim3A_248 : vector<16xf32> to vector<1x16xf32>
    tpu.vector_store %arg10[%swap3A_250, %swap3A_251], %swap3A_254 {strides = array<i32>} : memref<16x64xf32, #tpu.memory_space<vmem>>, vector<1x16xf32>,
    %broadcast_in_dim3A_255 = arith.constant 0.000000e+00 : f32
    %broadcast_in_dim3A_256 = vector.broadcast %broadcast_in_dim3A_255 : f32 to vector<16xf32>
    %swap3A_257 = arith.constant 8 : i32
    %swap3A_258 = arith.index_cast %swap3A_257 : i32 to index
    %swap3A_259 = arith.constant 0 : index
    %swap3A_260 = tpu.vector_load %arg10[%swap3A_258, %swap3A_259] {strides = array<i32>} : memref<16x64xf32, #tpu.memory_space<vmem>>, vector<1x16xf32>,
    %swap3A_261 = vector.shape_cast %swap3A_260 : vector<1x16xf32> to vector<16xf32>
    %swap3A_262 = vector.shape_cast %broadcast_in_dim3A_256 : vector<16xf32> to vector<1x16xf32>
    tpu.vector_store %arg10[%swap3A_258, %swap3A_259], %swap3A_262 {strides = array<i32>} : memref<16x64xf32, #tpu.memory_space<vmem>>, vector<1x16xf32>,
    %broadcast_in_dim3A_263 = arith.constant 0.000000e+00 : f32
    %broadcast_in_dim3A_264 = vector.broadcast %broadcast_in_dim3A_263 : f32 to vector<16xf32>
    %swap3A_265 = arith.constant 8 : i32
    %swap3A_266 = arith.index_cast %swap3A_265 : i32 to index
    %swap3A_267 = arith.constant 16 : index
    %swap3A_268 = tpu.vector_load %arg10[%swap3A_266, %swap3A_267] {strides = array<i32>} : memref<16x64xf32, #tpu.memory_space<vmem>>, vector<1x16xf32>,
    %swap3A_269 = vector.shape_cast %swap3A_268 : vector<1x16xf32> to vector<16xf32>
    %swap3A_270 = vector.shape_cast %broadcast_in_dim3A_264 : vector<16xf32> to vector<1x16xf32>
    tpu.vector_store %arg10[%swap3A_266, %swap3A_267], %swap3A_270 {strides = array<i32>} : memref<16x64xf32, #tpu.memory_space<vmem>>, vector<1x16xf32>,
    %broadcast_in_dim3A_271 = arith.constant 0.000000e+00 : f32
    %broadcast_in_dim3A_272 = vector.broadcast %broadcast_in_dim3A_271 : f32 to vector<16xf32>
    %swap3A_273 = arith.constant 8 : i32
    %swap3A_274 = arith.index_cast %swap3A_273 : i32 to index
    %swap3A_275 = arith.constant 32 : index
    %swap3A_276 = tpu.vector_load %arg10[%swap3A_274, %swap3A_275] {strides = array<i32>} : memref<16x64xf32, #tpu.memory_space<vmem>>, vector<1x16xf32>,
    %swap3A_277 = vector.shape_cast %swap3A_276 : vector<1x16xf32> to vector<16xf32>
    %swap3A_278 = vector.shape_cast %broadcast_in_dim3A_272 : vector<16xf32> to vector<1x16xf32>
    tpu.vector_store %arg10[%swap3A_274, %swap3A_275], %swap3A_278 {strides = array<i32>} : memref<16x64xf32, #tpu.memory_space<vmem>>, vector<1x16xf32>,
    %broadcast_in_dim3A_279 = arith.constant 0.000000e+00 : f32
    %broadcast_in_dim3A_280 = vector.broadcast %broadcast_in_dim3A_279 : f32 to vector<16xf32>
    %swap3A_281 = arith.constant 8 : i32
    %swap3A_282 = arith.index_cast %swap3A_281 : i32 to index
    %swap3A_283 = arith.constant 48 : index
    %swap3A_284 = tpu.vector_load %arg10[%swap3A_282, %swap3A_283] {strides = array<i32>} : memref<16x64xf32, #tpu.memory_space<vmem>>, vector<1x16xf32>,
    %swap3A_285 = vector.shape_cast %swap3A_284 : vector<1x16xf32> to vector<16xf32>
    %swap3A_286 = vector.shape_cast %broadcast_in_dim3A_280 : vector<16xf32> to vector<1x16xf32>
    tpu.vector_store %arg10[%swap3A_282, %swap3A_283], %swap3A_286 {strides = array<i32>} : memref<16x64xf32, #tpu.memory_space<vmem>>, vector<1x16xf32>,
    %broadcast_in_dim3A_287 = arith.constant 0.000000e+00 : f32
    %broadcast_in_dim3A_288 = vector.broadcast %broadcast_in_dim3A_287 : f32 to vector<16xf32>
    %swap3A_289 = arith.constant 9 : i32
    %swap3A_290 = arith.index_cast %swap3A_289 : i32 to index
    %swap3A_291 = arith.constant 0 : index
    %swap3A_292 = tpu.vector_load %arg10[%swap3A_290, %swap3A_291] {strides = array<i32>} : memref<16x64xf32, #tpu.memory_space<vmem>>, vector<1x16xf32>,
    %swap3A_293 = vector.shape_cast %swap3A_292 : vector<1x16xf32> to vector<16xf32>
    %swap3A_294 = vector.shape_cast %broadcast_in_dim3A_288 : vector<16xf32> to vector<1x16xf32>
    tpu.vector_store %arg10[%swap3A_290, %swap3A_291], %swap3A_294 {strides = array<i32>} : memref<16x64xf32, #tpu.memory_space<vmem>>, vector<1x16xf32>,
    %broadcast_in_dim3A_295 = arith.constant 0.000000e+00 : f32
    %broadcast_in_dim3A_296 = vector.broadcast %broadcast_in_dim3A_295 : f32 to vector<16xf32>
    %swap3A_297 = arith.constant 9 : i32
    %swap3A_298 = arith.index_cast %swap3A_297 : i32 to index
    %swap3A_299 = arith.constant 16 : index
    %swap3A_300 = tpu.vector_load %arg10[%swap3A_298, %swap3A_299] {strides = array<i32>} : memref<16x64xf32, #tpu.memory_space<vmem>>, vector<1x16xf32>,
    %swap3A_301 = vector.shape_cast %swap3A_300 : vector<1x16xf32> to vector<16xf32>
    %swap3A_302 = vector.shape_cast %broadcast_in_dim3A_296 : vector<16xf32> to vector<1x16xf32>
    tpu.vector_store %arg10[%swap3A_298, %swap3A_299], %swap3A_302 {strides = array<i32>} : memref<16x64xf32, #tpu.memory_space<vmem>>, vector<1x16xf32>,
    %broadcast_in_dim3A_303 = arith.constant 0.000000e+00 : f32
    %broadcast_in_dim3A_304 = vector.broadcast %broadcast_in_dim3A_303 : f32 to vector<16xf32>
    %swap3A_305 = arith.constant 9 : i32
    %swap3A_306 = arith.index_cast %swap3A_305 : i32 to index
    %swap3A_307 = arith.constant 32 : index
    %swap3A_308 = tpu.vector_load %arg10[%swap3A_306, %swap3A_307] {strides = array<i32>} : memref<16x64xf32, #tpu.memory_space<vmem>>, vector<1x16xf32>,
    %swap3A_309 = vector.shape_cast %swap3A_308 : vector<1x16xf32> to vector<16xf32>
    %swap3A_310 = vector.shape_cast %broadcast_in_dim3A_304 : vector<16xf32> to vector<1x16xf32>
    tpu.vector_store %arg10[%swap3A_306, %swap3A_307], %swap3A_310 {strides = array<i32>} : memref<16x64xf32, #tpu.memory_space<vmem>>, vector<1x16xf32>,
    %broadcast_in_dim3A_311 = arith.constant 0.000000e+00 : f32
    %broadcast_in_dim3A_312 = vector.broadcast %broadcast_in_dim3A_311 : f32 to vector<16xf32>
    %swap3A_313 = arith.constant 9 : i32
    %swap3A_314 = arith.index_cast %swap3A_313 : i32 to index
    %swap3A_315 = arith.constant 48 : index
    %swap3A_316 = tpu.vector_load %arg10[%swap3A_314, %swap3A_315] {strides = array<i32>} : memref<16x64xf32, #tpu.memory_space<vmem>>, vector<1x16xf32>,
    %swap3A_317 = vector.shape_cast %swap3A_316 : vector<1x16xf32> to vector<16xf32>
    %swap3A_318 = vector.shape_cast %broadcast_in_dim3A_312 : vector<16xf32> to vector<1x16xf32>
    tpu.vector_store %arg10[%swap3A_314, %swap3A_315], %swap3A_318 {strides = array<i32>} : memref<16x64xf32, #tpu.memory_space<vmem>>, vector<1x16xf32>,
    %broadcast_in_dim3A_319 = arith.constant 0.000000e+00 : f32
    %broadcast_in_dim3A_320 = vector.broadcast %broadcast_in_dim3A_319 : f32 to vector<16xf32>
    %swap3A_321 = arith.constant 10 : i32
    %swap3A_322 = arith.index_cast %swap3A_321 : i32 to index
    %swap3A_323 = arith.constant 0 : index
    %swap3A_324 = tpu.vector_load %arg10[%swap3A_322, %swap3A_323] {strides = array<i32>} : memref<16x64xf32, #tpu.memory_space<vmem>>, vector<1x16xf32>,
    %swap3A_325 = vector.shape_cast %swap3A_324 : vector<1x16xf32> to vector<16xf32>
    %swap3A_326 = vector.shape_cast %broadcast_in_dim3A_320 : vector<16xf32> to vector<1x16xf32>
    tpu.vector_store %arg10[%swap3A_322, %swap3A_323], %swap3A_326 {strides = array<i32>} : memref<16x64xf32, #tpu.memory_space<vmem>>, vector<1x16xf32>,
    %broadcast_in_dim3A_327 = arith.constant 0.000000e+00 : f32
    %broadcast_in_dim3A_328 = vector.broadcast %broadcast_in_dim3A_327 : f32 to vector<16xf32>
    %swap3A_329 = arith.constant 10 : i32
    %swap3A_330 = arith.index_cast %swap3A_329 : i32 to index
    %swap3A_331 = arith.constant 16 : index
    %swap3A_332 = tpu.vector_load %arg10[%swap3A_330, %swap3A_331] {strides = array<i32>} : memref<16x64xf32, #tpu.memory_space<vmem>>, vector<1x16xf32>,
    %swap3A_333 = vector.shape_cast %swap3A_332 : vector<1x16xf32> to vector<16xf32>
    %swap3A_334 = vector.shape_cast %broadcast_in_dim3A_328 : vector<16xf32> to vector<1x16xf32>
    tpu.vector_store %arg10[%swap3A_330, %swap3A_331], %swap3A_334 {strides = array<i32>} : memref<16x64xf32, #tpu.memory_space<vmem>>, vector<1x16xf32>,
    %broadcast_in_dim3A_335 = arith.constant 0.000000e+00 : f32
    %broadcast_in_dim3A_336 = vector.broadcast %broadcast_in_dim3A_335 : f32 to vector<16xf32>
    %swap3A_337 = arith.constant 10 : i32
    %swap3A_338 = arith.index_cast %swap3A_337 : i32 to index
    %swap3A_339 = arith.constant 32 : index
    %swap3A_340 = tpu.vector_load %arg10[%swap3A_338, %swap3A_339] {strides = array<i32>} : memref<16x64xf32, #tpu.memory_space<vmem>>, vector<1x16xf32>,
    %swap3A_341 = vector.shape_cast %swap3A_340 : vector<1x16xf32> to vector<16xf32>
    %swap3A_342 = vector.shape_cast %broadcast_in_dim3A_336 : vector<16xf32> to vector<1x16xf32>
    tpu.vector_store %arg10[%swap3A_338, %swap3A_339], %swap3A_342 {strides = array<i32>} : memref<16x64xf32, #tpu.memory_space<vmem>>, vector<1x16xf32>,
    %broadcast_in_dim3A_343 = arith.constant 0.000000e+00 : f32
    %broadcast_in_dim3A_344 = vector.broadcast %broadcast_in_dim3A_343 : f32 to vector<16xf32>
    %swap3A_345 = arith.constant 10 : i32
    %swap3A_346 = arith.index_cast %swap3A_345 : i32 to index
    %swap3A_347 = arith.constant 48 : index
    %swap3A_348 = tpu.vector_load %arg10[%swap3A_346, %swap3A_347] {strides = array<i32>} : memref<16x64xf32, #tpu.memory_space<vmem>>, vector<1x16xf32>,
    %swap3A_349 = vector.shape_cast %swap3A_348 : vector<1x16xf32> to vector<16xf32>
    %swap3A_350 = vector.shape_cast %broadcast_in_dim3A_344 : vector<16xf32> to vector<1x16xf32>
    tpu.vector_store %arg10[%swap3A_346, %swap3A_347], %swap3A_350 {strides = array<i32>} : memref<16x64xf32, #tpu.memory_space<vmem>>, vector<1x16xf32>,
    %broadcast_in_dim3A_351 = arith.constant 0.000000e+00 : f32
    %broadcast_in_dim3A_352 = vector.broadcast %broadcast_in_dim3A_351 : f32 to vector<16xf32>
    %swap3A_353 = arith.constant 11 : i32
    %swap3A_354 = arith.index_cast %swap3A_353 : i32 to index
    %swap3A_355 = arith.constant 0 : index
    %swap3A_356 = tpu.vector_load %arg10[%swap3A_354, %swap3A_355] {strides = array<i32>} : memref<16x64xf32, #tpu.memory_space<vmem>>, vector<1x16xf32>,
    %swap3A_357 = vector.shape_cast %swap3A_356 : vector<1x16xf32> to vector<16xf32>
    %swap3A_358 = vector.shape_cast %broadcast_in_dim3A_352 : vector<16xf32> to vector<1x16xf32>
    tpu.vector_store %arg10[%swap3A_354, %swap3A_355], %swap3A_358 {strides = array<i32>} : memref<16x64xf32, #tpu.memory_space<vmem>>, vector<1x16xf32>,
    %broadcast_in_dim3A_359 = arith.constant 0.000000e+00 : f32
    %broadcast_in_dim3A_360 = vector.broadcast %broadcast_in_dim3A_359 : f32 to vector<16xf32>
    %swap3A_361 = arith.constant 11 : i32
    %swap3A_362 = arith.index_cast %swap3A_361 : i32 to index
    %swap3A_363 = arith.constant 16 : index
    %swap3A_364 = tpu.vector_load %arg10[%swap3A_362, %swap3A_363] {strides = array<i32>} : memref<16x64xf32, #tpu.memory_space<vmem>>, vector<1x16xf32>,
    %swap3A_365 = vector.shape_cast %swap3A_364 : vector<1x16xf32> to vector<16xf32>
    %swap3A_366 = vector.shape_cast %broadcast_in_dim3A_360 : vector<16xf32> to vector<1x16xf32>
    tpu.vector_store %arg10[%swap3A_362, %swap3A_363], %swap3A_366 {strides = array<i32>} : memref<16x64xf32, #tpu.memory_space<vmem>>, vector<1x16xf32>,
    %broadcast_in_dim3A_367 = arith.constant 0.000000e+00 : f32
    %broadcast_in_dim3A_368 = vector.broadcast %broadcast_in_dim3A_367 : f32 to vector<16xf32>
    %swap3A_369 = arith.constant 11 : i32
    %swap3A_370 = arith.index_cast %swap3A_369 : i32 to index
    %swap3A_371 = arith.constant 32 : index
    %swap3A_372 = tpu.vector_load %arg10[%swap3A_370, %swap3A_371] {strides = array<i32>} : memref<16x64xf32, #tpu.memory_space<vmem>>, vector<1x16xf32>,
    %swap3A_373 = vector.shape_cast %swap3A_372 : vector<1x16xf32> to vector<16xf32>
    %swap3A_374 = vector.shape_cast %broadcast_in_dim3A_368 : vector<16xf32> to vector<1x16xf32>
    tpu.vector_store %arg10[%swap3A_370, %swap3A_371], %swap3A_374 {strides = array<i32>} : memref<16x64xf32, #tpu.memory_space<vmem>>, vector<1x16xf32>,
    %broadcast_in_dim3A_375 = arith.constant 0.000000e+00 : f32
    %broadcast_in_dim3A_376 = vector.broadcast %broadcast_in_dim3A_375 : f32 to vector<16xf32>
    %swap3A_377 = arith.constant 11 : i32
    %swap3A_378 = arith.index_cast %swap3A_377 : i32 to index
    %swap3A_379 = arith.constant 48 : index
    %swap3A_380 = tpu.vector_load %arg10[%swap3A_378, %swap3A_379] {strides = array<i32>} : memref<16x64xf32, #tpu.memory_space<vmem>>, vector<1x16xf32>,
    %swap3A_381 = vector.shape_cast %swap3A_380 : vector<1x16xf32> to vector<16xf32>
    %swap3A_382 = vector.shape_cast %broadcast_in_dim3A_376 : vector<16xf32> to vector<1x16xf32>
    tpu.vector_store %arg10[%swap3A_378, %swap3A_379], %swap3A_382 {strides = array<i32>} : memref<16x64xf32, #tpu.memory_space<vmem>>, vector<1x16xf32>,
    %broadcast_in_dim3A_383 = arith.constant 0.000000e+00 : f32
    %broadcast_in_dim3A_384 = vector.broadcast %broadcast_in_dim3A_383 : f32 to vector<16xf32>
    %swap3A_385 = arith.constant 12 : i32
    %swap3A_386 = arith.index_cast %swap3A_385 : i32 to index
    %swap3A_387 = arith.constant 0 : index
    %swap3A_388 = tpu.vector_load %arg10[%swap3A_386, %swap3A_387] {strides = array<i32>} : memref<16x64xf32, #tpu.memory_space<vmem>>, vector<1x16xf32>,
    %swap3A_389 = vector.shape_cast %swap3A_388 : vector<1x16xf32> to vector<16xf32>
    %swap3A_390 = vector.shape_cast %broadcast_in_dim3A_384 : vector<16xf32> to vector<1x16xf32>
    tpu.vector_store %arg10[%swap3A_386, %swap3A_387], %swap3A_390 {strides = array<i32>} : memref<16x64xf32, #tpu.memory_space<vmem>>, vector<1x16xf32>,
    %broadcast_in_dim3A_391 = arith.constant 0.000000e+00 : f32
    %broadcast_in_dim3A_392 = vector.broadcast %broadcast_in_dim3A_391 : f32 to vector<16xf32>
    %swap3A_393 = arith.constant 12 : i32
    %swap3A_394 = arith.index_cast %swap3A_393 : i32 to index
    %swap3A_395 = arith.constant 16 : index
    %swap3A_396 = tpu.vector_load %arg10[%swap3A_394, %swap3A_395] {strides = array<i32>} : memref<16x64xf32, #tpu.memory_space<vmem>>, vector<1x16xf32>,
    %swap3A_397 = vector.shape_cast %swap3A_396 : vector<1x16xf32> to vector<16xf32>
    %swap3A_398 = vector.shape_cast %broadcast_in_dim3A_392 : vector<16xf32> to vector<1x16xf32>
    tpu.vector_store %arg10[%swap3A_394, %swap3A_395], %swap3A_398 {strides = array<i32>} : memref<16x64xf32, #tpu.memory_space<vmem>>, vector<1x16xf32>,
    %broadcast_in_dim3A_399 = arith.constant 0.000000e+00 : f32
    %broadcast_in_dim3A_400 = vector.broadcast %broadcast_in_dim3A_399 : f32 to vector<16xf32>
    %swap3A_401 = arith.constant 12 : i32
    %swap3A_402 = arith.index_cast %swap3A_401 : i32 to index
    %swap3A_403 = arith.constant 32 : index
    %swap3A_404 = tpu.vector_load %arg10[%swap3A_402, %swap3A_403] {strides = array<i32>} : memref<16x64xf32, #tpu.memory_space<vmem>>, vector<1x16xf32>,
    %swap3A_405 = vector.shape_cast %swap3A_404 : vector<1x16xf32> to vector<16xf32>
    %swap3A_406 = vector.shape_cast %broadcast_in_dim3A_400 : vector<16xf32> to vector<1x16xf32>
    tpu.vector_store %arg10[%swap3A_402, %swap3A_403], %swap3A_406 {strides = array<i32>} : memref<16x64xf32, #tpu.memory_space<vmem>>, vector<1x16xf32>,
    %broadcast_in_dim3A_407 = arith.constant 0.000000e+00 : f32
    %broadcast_in_dim3A_408 = vector.broadcast %broadcast_in_dim3A_407 : f32 to vector<16xf32>
    %swap3A_409 = arith.constant 12 : i32
    %swap3A_410 = arith.index_cast %swap3A_409 : i32 to index
    %swap3A_411 = arith.constant 48 : index
    %swap3A_412 = tpu.vector_load %arg10[%swap3A_410, %swap3A_411] {strides = array<i32>} : memref<16x64xf32, #tpu.memory_space<vmem>>, vector<1x16xf32>,
    %swap3A_413 = vector.shape_cast %swap3A_412 : vector<1x16xf32> to vector<16xf32>
    %swap3A_414 = vector.shape_cast %broadcast_in_dim3A_408 : vector<16xf32> to vector<1x16xf32>
    tpu.vector_store %arg10[%swap3A_410, %swap3A_411], %swap3A_414 {strides = array<i32>} : memref<16x64xf32, #tpu.memory_space<vmem>>, vector<1x16xf32>,
    %broadcast_in_dim3A_415 = arith.constant 0.000000e+00 : f32
    %broadcast_in_dim3A_416 = vector.broadcast %broadcast_in_dim3A_415 : f32 to vector<16xf32>
    %swap3A_417 = arith.constant 13 : i32
    %swap3A_418 = arith.index_cast %swap3A_417 : i32 to index
    %swap3A_419 = arith.constant 0 : index
    %swap3A_420 = tpu.vector_load %arg10[%swap3A_418, %swap3A_419] {strides = array<i32>} : memref<16x64xf32, #tpu.memory_space<vmem>>, vector<1x16xf32>,
    %swap3A_421 = vector.shape_cast %swap3A_420 : vector<1x16xf32> to vector<16xf32>
    %swap3A_422 = vector.shape_cast %broadcast_in_dim3A_416 : vector<16xf32> to vector<1x16xf32>
    tpu.vector_store %arg10[%swap3A_418, %swap3A_419], %swap3A_422 {strides = array<i32>} : memref<16x64xf32, #tpu.memory_space<vmem>>, vector<1x16xf32>,
    %broadcast_in_dim3A_423 = arith.constant 0.000000e+00 : f32
    %broadcast_in_dim3A_424 = vector.broadcast %broadcast_in_dim3A_423 : f32 to vector<16xf32>
    %swap3A_425 = arith.constant 13 : i32
    %swap3A_426 = arith.index_cast %swap3A_425 : i32 to index
    %swap3A_427 = arith.constant 16 : index
    %swap3A_428 = tpu.vector_load %arg10[%swap3A_426, %swap3A_427] {strides = array<i32>} : memref<16x64xf32, #tpu.memory_space<vmem>>, vector<1x16xf32>,
    %swap3A_429 = vector.shape_cast %swap3A_428 : vector<1x16xf32> to vector<16xf32>
    %swap3A_430 = vector.shape_cast %broadcast_in_dim3A_424 : vector<16xf32> to vector<1x16xf32>
    tpu.vector_store %arg10[%swap3A_426, %swap3A_427], %swap3A_430 {strides = array<i32>} : memref<16x64xf32, #tpu.memory_space<vmem>>, vector<1x16xf32>,
    %broadcast_in_dim3A_431 = arith.constant 0.000000e+00 : f32
    %broadcast_in_dim3A_432 = vector.broadcast %broadcast_in_dim3A_431 : f32 to vector<16xf32>
    %swap3A_433 = arith.constant 13 : i32
    %swap3A_434 = arith.index_cast %swap3A_433 : i32 to index
    %swap3A_435 = arith.constant 32 : index
    %swap3A_436 = tpu.vector_load %arg10[%swap3A_434, %swap3A_435] {strides = array<i32>} : memref<16x64xf32, #tpu.memory_space<vmem>>, vector<1x16xf32>,
    %swap3A_437 = vector.shape_cast %swap3A_436 : vector<1x16xf32> to vector<16xf32>
    %swap3A_438 = vector.shape_cast %broadcast_in_dim3A_432 : vector<16xf32> to vector<1x16xf32>
    tpu.vector_store %arg10[%swap3A_434, %swap3A_435], %swap3A_438 {strides = array<i32>} : memref<16x64xf32, #tpu.memory_space<vmem>>, vector<1x16xf32>,
    %broadcast_in_dim3A_439 = arith.constant 0.000000e+00 : f32
    %broadcast_in_dim3A_440 = vector.broadcast %broadcast_in_dim3A_439 : f32 to vector<16xf32>
    %swap3A_441 = arith.constant 13 : i32
    %swap3A_442 = arith.index_cast %swap3A_441 : i32 to index
    %swap3A_443 = arith.constant 48 : index
    %swap3A_444 = tpu.vector_load %arg10[%swap3A_442, %swap3A_443] {strides = array<i32>} : memref<16x64xf32, #tpu.memory_space<vmem>>, vector<1x16xf32>,
    %swap3A_445 = vector.shape_cast %swap3A_444 : vector<1x16xf32> to vector<16xf32>
    %swap3A_446 = vector.shape_cast %broadcast_in_dim3A_440 : vector<16xf32> to vector<1x16xf32>
    tpu.vector_store %arg10[%swap3A_442, %swap3A_443], %swap3A_446 {strides = array<i32>} : memref<16x64xf32, #tpu.memory_space<vmem>>, vector<1x16xf32>,
    %broadcast_in_dim3A_447 = arith.constant 0.000000e+00 : f32
    %broadcast_in_dim3A_448 = vector.broadcast %broadcast_in_dim3A_447 : f32 to vector<16xf32>
    %swap3A_449 = arith.constant 14 : i32
    %swap3A_450 = arith.index_cast %swap3A_449 : i32 to index
    %swap3A_451 = arith.constant 0 : index
    %swap3A_452 = tpu.vector_load %arg10[%swap3A_450, %swap3A_451] {strides = array<i32>} : memref<16x64xf32, #tpu.memory_space<vmem>>, vector<1x16xf32>,
    %swap3A_453 = vector.shape_cast %swap3A_452 : vector<1x16xf32> to vector<16xf32>
    %swap3A_454 = vector.shape_cast %broadcast_in_dim3A_448 : vector<16xf32> to vector<1x16xf32>
    tpu.vector_store %arg10[%swap3A_450, %swap3A_451], %swap3A_454 {strides = array<i32>} : memref<16x64xf32, #tpu.memory_space<vmem>>, vector<1x16xf32>,
    %broadcast_in_dim3A_455 = arith.constant 0.000000e+00 : f32
    %broadcast_in_dim3A_456 = vector.broadcast %broadcast_in_dim3A_455 : f32 to vector<16xf32>
    %swap3A_457 = arith.constant 14 : i32
    %swap3A_458 = arith.index_cast %swap3A_457 : i32 to index
    %swap3A_459 = arith.constant 16 : index
    %swap3A_460 = tpu.vector_load %arg10[%swap3A_458, %swap3A_459] {strides = array<i32>} : memref<16x64xf32, #tpu.memory_space<vmem>>, vector<1x16xf32>,
    %swap3A_461 = vector.shape_cast %swap3A_460 : vector<1x16xf32> to vector<16xf32>
    %swap3A_462 = vector.shape_cast %broadcast_in_dim3A_456 : vector<16xf32> to vector<1x16xf32>
    tpu.vector_store %arg10[%swap3A_458, %swap3A_459], %swap3A_462 {strides = array<i32>} : memref<16x64xf32, #tpu.memory_space<vmem>>, vector<1x16xf32>,
    %broadcast_in_dim3A_463 = arith.constant 0.000000e+00 : f32
    %broadcast_in_dim3A_464 = vector.broadcast %broadcast_in_dim3A_463 : f32 to vector<16xf32>
    %swap3A_465 = arith.constant 14 : i32
    %swap3A_466 = arith.index_cast %swap3A_465 : i32 to index
    %swap3A_467 = arith.constant 32 : index
    %swap3A_468 = tpu.vector_load %arg10[%swap3A_466, %swap3A_467] {strides = array<i32>} : memref<16x64xf32, #tpu.memory_space<vmem>>, vector<1x16xf32>,
    %swap3A_469 = vector.shape_cast %swap3A_468 : vector<1x16xf32> to vector<16xf32>
    %swap3A_470 = vector.shape_cast %broadcast_in_dim3A_464 : vector<16xf32> to vector<1x16xf32>
    tpu.vector_store %arg10[%swap3A_466, %swap3A_467], %swap3A_470 {strides = array<i32>} : memref<16x64xf32, #tpu.memory_space<vmem>>, vector<1x16xf32>,
    %broadcast_in_dim3A_471 = arith.constant 0.000000e+00 : f32
    %broadcast_in_dim3A_472 = vector.broadcast %broadcast_in_dim3A_471 : f32 to vector<16xf32>
    %swap3A_473 = arith.constant 14 : i32
    %swap3A_474 = arith.index_cast %swap3A_473 : i32 to index
    %swap3A_475 = arith.constant 48 : index
    %swap3A_476 = tpu.vector_load %arg10[%swap3A_474, %swap3A_475] {strides = array<i32>} : memref<16x64xf32, #tpu.memory_space<vmem>>, vector<1x16xf32>,
    %swap3A_477 = vector.shape_cast %swap3A_476 : vector<1x16xf32> to vector<16xf32>
    %swap3A_478 = vector.shape_cast %broadcast_in_dim3A_472 : vector<16xf32> to vector<1x16xf32>
    tpu.vector_store %arg10[%swap3A_474, %swap3A_475], %swap3A_478 {strides = array<i32>} : memref<16x64xf32, #tpu.memory_space<vmem>>, vector<1x16xf32>,
    %broadcast_in_dim3A_479 = arith.constant 0.000000e+00 : f32
    %broadcast_in_dim3A_480 = vector.broadcast %broadcast_in_dim3A_479 : f32 to vector<16xf32>
    %swap3A_481 = arith.constant 15 : i32
    %swap3A_482 = arith.index_cast %swap3A_481 : i32 to index
    %swap3A_483 = arith.constant 0 : index
    %swap3A_484 = tpu.vector_load %arg10[%swap3A_482, %swap3A_483] {strides = array<i32>} : memref<16x64xf32, #tpu.memory_space<vmem>>, vector<1x16xf32>,
    %swap3A_485 = vector.shape_cast %swap3A_484 : vector<1x16xf32> to vector<16xf32>
    %swap3A_486 = vector.shape_cast %broadcast_in_dim3A_480 : vector<16xf32> to vector<1x16xf32>
    tpu.vector_store %arg10[%swap3A_482, %swap3A_483], %swap3A_486 {strides = array<i32>} : memref<16x64xf32, #tpu.memory_space<vmem>>, vector<1x16xf32>,
    %broadcast_in_dim3A_487 = arith.constant 0.000000e+00 : f32
    %broadcast_in_dim3A_488 = vector.broadcast %broadcast_in_dim3A_487 : f32 to vector<16xf32>
    %swap3A_489 = arith.constant 15 : i32
    %swap3A_490 = arith.index_cast %swap3A_489 : i32 to index
    %swap3A_491 = arith.constant 16 : index
    %swap3A_492 = tpu.vector_load %arg10[%swap3A_490, %swap3A_491] {strides = array<i32>} : memref<16x64xf32, #tpu.memory_space<vmem>>, vector<1x16xf32>,
    %swap3A_493 = vector.shape_cast %swap3A_492 : vector<1x16xf32> to vector<16xf32>
    %swap3A_494 = vector.shape_cast %broadcast_in_dim3A_488 : vector<16xf32> to vector<1x16xf32>
    tpu.vector_store %arg10[%swap3A_490, %swap3A_491], %swap3A_494 {strides = array<i32>} : memref<16x64xf32, #tpu.memory_space<vmem>>, vector<1x16xf32>,
    %broadcast_in_dim3A_495 = arith.constant 0.000000e+00 : f32
    %broadcast_in_dim3A_496 = vector.broadcast %broadcast_in_dim3A_495 : f32 to vector<16xf32>
    %swap3A_497 = arith.constant 15 : i32
    %swap3A_498 = arith.index_cast %swap3A_497 : i32 to index
    %swap3A_499 = arith.constant 32 : index
    %swap3A_500 = tpu.vector_load %arg10[%swap3A_498, %swap3A_499] {strides = array<i32>} : memref<16x64xf32, #tpu.memory_space<vmem>>, vector<1x16xf32>,
    %swap3A_501 = vector.shape_cast %swap3A_500 : vector<1x16xf32> to vector<16xf32>
    %swap3A_502 = vector.shape_cast %broadcast_in_dim3A_496 : vector<16xf32> to vector<1x16xf32>
    tpu.vector_store %arg10[%swap3A_498, %swap3A_499], %swap3A_502 {strides = array<i32>} : memref<16x64xf32, #tpu.memory_space<vmem>>, vector<1x16xf32>,
    %broadcast_in_dim3A_503 = arith.constant 0.000000e+00 : f32
    %broadcast_in_dim3A_504 = vector.broadcast %broadcast_in_dim3A_503 : f32 to vector<16xf32>
    %swap3A_505 = arith.constant 15 : i32
    %swap3A_506 = arith.index_cast %swap3A_505 : i32 to index
    %swap3A_507 = arith.constant 48 : index
    %swap3A_508 = tpu.vector_load %arg10[%swap3A_506, %swap3A_507] {strides = array<i32>} : memref<16x64xf32, #tpu.memory_space<vmem>>, vector<1x16xf32>,
    %swap3A_509 = vector.shape_cast %swap3A_508 : vector<1x16xf32> to vector<16xf32>
    %swap3A_510 = vector.shape_cast %broadcast_in_dim3A_504 : vector<16xf32> to vector<1x16xf32>
    tpu.vector_store %arg10[%swap3A_506, %swap3A_507], %swap3A_510 {strides = array<i32>} : memref<16x64xf32, #tpu.memory_space<vmem>>, vector<1x16xf32>,
    %mul3A_511 = arith.constant 640 : i32
    %mul3A_512 = arith.muli %arg1, %mul3A_511 : i32
    %multiple_of3A = tpu.assume_multiple %mul3A_512, 8 : i32
    %scan3A = arith.constant 0 : i32
    %scan3A_513 = arith.constant 40 : i32
    %scan3A_514 = arith.addi %scan3A, %scan3A_513 : i32
    %scan3A_515 = arith.constant 1 : i32
    scf.for %scan3A_574 = %scan3A to %scan3A_514 step %scan3A_515  : i32 {
      %mul3A_575 = arith.constant 1 : i32
      %mul3A_576 = arith.muli %scan3A_574, %mul3A_575 : i32
      %add3A_577 = arith.constant 0 : i32
      %add3A_578 = arith.addi %add3A_577, %mul3A_576 : i32
      %mul3A_579 = arith.constant 16 : i32
      %mul3A_580 = arith.muli %add3A_578, %mul3A_579 : i32
      %add3A_581 = arith.addi %multiple_of3A, %mul3A_580 : i32
      "tpu.region"() ({
        %run_scoped3A_582 = tpu.sem_alloc : memref<!tpu.dma_semaphore, #tpu.memory_space<semaphore_mem>>
        %dma_start3A_583 = arith.constant 0 : i32
        %dma_start3A_584 = tpu.memref_slice %arg11[%add3A_581, %dma_start3A_583] : memref<10240x64xf32, #tpu.memory_space<vmem_shared>> -> memref<16x64xf32, #tpu.memory_space<vmem_shared>>
        %dma_start3A_585 = arith.constant 0 : i32
        %dma_start3A_586 = tpu.memref_slice %arg11[%add3A_581, %dma_start3A_585] : memref<10240x64xf32, #tpu.memory_space<vmem_shared>> -> memref<16x64xf32, #tpu.memory_space<vmem_shared>>
        tpu.enqueue_dma source(%arg10 : memref<16x64xf32, #tpu.memory_space<vmem>>) target(%dma_start3A_586 : memref<16x64xf32, #tpu.memory_space<vmem_shared>>) target_semaphore(%run_scoped3A_582 : memref<!tpu.dma_semaphore, #tpu.memory_space<semaphore_mem>>)
        %dma_wait3A_587 = arith.constant 0 : i32
        %dma_wait3A_588 = tpu.memref_slice %arg11[%add3A_581, %dma_wait3A_587] : memref<10240x64xf32, #tpu.memory_space<vmem_shared>> -> memref<16x64xf32, #tpu.memory_space<vmem_shared>>
        %dma_wait3A_589 = arith.constant 0 : i32
        %dma_wait3A_590 = tpu.memref_slice %arg11[%add3A_581, %dma_wait3A_589] : memref<10240x64xf32, #tpu.memory_space<vmem_shared>> -> memref<16x64xf32, #tpu.memory_space<vmem_shared>>
        tpu.wait_dma2 semaphore(%run_scoped3A_582 : memref<!tpu.dma_semaphore, #tpu.memory_space<semaphore_mem>>) src(%arg10 : memref<16x64xf32, #tpu.memory_space<vmem>>) dst(%dma_wait3A_590 : memref<16x64xf32, #tpu.memory_space<vmem_shared>>)
        tpu.yield
      }) : () -> ()
    }
    %scan3A_516 = arith.constant 40 : i32
    "tpu.region"() ({
      %run_scoped3A_574 = tpu.sem_alloc : memref<!tpu.dma_semaphore, #tpu.memory_space<semaphore_mem>>
      %dma_start3A_575 = arith.constant 0 : i32
      %dma_start3A_576 = arith.constant 0 : i32
      %dma_start3A_577 = tpu.memref_slice %arg3[%add3A, %dma_start3A_575, %dma_start3A_576] : memref<32x125x80xi32, #tpu.memory_space<hbm>> -> memref<1x125x80xi32, #tpu.memory_space<hbm>>
      %dma_start3A_578 = tpu.memref_squeeze %dma_start3A_577 : memref<1x125x80xi32, #tpu.memory_space<hbm>> -> memref<125x80xi32, #tpu.memory_space<hbm>>
      %dma_start3A_579 = arith.constant 0 : i32
      %dma_start3A_580 = arith.constant 0 : i32
      %dma_start3A_581 = tpu.memref_slice %arg3[%add3A, %dma_start3A_579, %dma_start3A_580] : memref<32x125x80xi32, #tpu.memory_space<hbm>> -> memref<1x125x80xi32, #tpu.memory_space<hbm>>
      %dma_start3A_582 = tpu.memref_squeeze %dma_start3A_581 : memref<1x125x80xi32, #tpu.memory_space<hbm>> -> memref<125x80xi32, #tpu.memory_space<hbm>>
      tpu.enqueue_dma source(%dma_start3A_582 : memref<125x80xi32, #tpu.memory_space<hbm>>) target(%arg6 : memref<125x80xi32, #tpu.memory_space<vmem>>) target_semaphore(%run_scoped3A_574 : memref<!tpu.dma_semaphore, #tpu.memory_space<semaphore_mem>>)
      %dma_wait3A_583 = arith.constant 0 : i32
      %dma_wait3A_584 = arith.constant 0 : i32
      %dma_wait3A_585 = tpu.memref_slice %arg3[%add3A, %dma_wait3A_583, %dma_wait3A_584] : memref<32x125x80xi32, #tpu.memory_space<hbm>> -> memref<1x125x80xi32, #tpu.memory_space<hbm>>
      %dma_wait3A_586 = tpu.memref_squeeze %dma_wait3A_585 : memref<1x125x80xi32, #tpu.memory_space<hbm>> -> memref<125x80xi32, #tpu.memory_space<hbm>>
      %dma_wait3A_587 = arith.constant 0 : i32
      %dma_wait3A_588 = arith.constant 0 : i32
      %dma_wait3A_589 = tpu.memref_slice %arg3[%add3A, %dma_wait3A_587, %dma_wait3A_588] : memref<32x125x80xi32, #tpu.memory_space<hbm>> -> memref<1x125x80xi32, #tpu.memory_space<hbm>>
      %dma_wait3A_590 = tpu.memref_squeeze %dma_wait3A_589 : memref<1x125x80xi32, #tpu.memory_space<hbm>> -> memref<125x80xi32, #tpu.memory_space<hbm>>
      tpu.wait_dma2 semaphore(%run_scoped3A_574 : memref<!tpu.dma_semaphore, #tpu.memory_space<semaphore_mem>>) src(%dma_wait3A_590 : memref<125x80xi32, #tpu.memory_space<hbm>>) dst(%arg6 : memref<125x80xi32, #tpu.memory_space<vmem>>)
      tpu.yield
    }) : () -> ()
    "tpu.region"() ({
      %run_scoped3A_574 = tpu.sem_alloc : memref<!tpu.dma_semaphore, #tpu.memory_space<semaphore_mem>>
      %dma_start3A_575 = arith.constant 0 : i32
      %dma_start3A_576 = arith.constant 0 : i32
      %dma_start3A_577 = tpu.memref_slice %arg4[%add3A, %dma_start3A_575, %dma_start3A_576] : memref<32x125x80xi32, #tpu.memory_space<hbm>> -> memref<1x125x80xi32, #tpu.memory_space<hbm>>
      %dma_start3A_578 = tpu.memref_squeeze %dma_start3A_577 : memref<1x125x80xi32, #tpu.memory_space<hbm>> -> memref<125x80xi32, #tpu.memory_space<hbm>>
      %dma_start3A_579 = arith.constant 0 : i32
      %dma_start3A_580 = arith.constant 0 : i32
      %dma_start3A_581 = tpu.memref_slice %arg4[%add3A, %dma_start3A_579, %dma_start3A_580] : memref<32x125x80xi32, #tpu.memory_space<hbm>> -> memref<1x125x80xi32, #tpu.memory_space<hbm>>
      %dma_start3A_582 = tpu.memref_squeeze %dma_start3A_581 : memref<1x125x80xi32, #tpu.memory_space<hbm>> -> memref<125x80xi32, #tpu.memory_space<hbm>>
      tpu.enqueue_dma source(%dma_start3A_582 : memref<125x80xi32, #tpu.memory_space<hbm>>) target(%arg7 : memref<125x80xi32, #tpu.memory_space<vmem>>) target_semaphore(%run_scoped3A_574 : memref<!tpu.dma_semaphore, #tpu.memory_space<semaphore_mem>>)
      %dma_wait3A_583 = arith.constant 0 : i32
      %dma_wait3A_584 = arith.constant 0 : i32
      %dma_wait3A_585 = tpu.memref_slice %arg4[%add3A, %dma_wait3A_583, %dma_wait3A_584] : memref<32x125x80xi32, #tpu.memory_space<hbm>> -> memref<1x125x80xi32, #tpu.memory_space<hbm>>
      %dma_wait3A_586 = tpu.memref_squeeze %dma_wait3A_585 : memref<1x125x80xi32, #tpu.memory_space<hbm>> -> memref<125x80xi32, #tpu.memory_space<hbm>>
      %dma_wait3A_587 = arith.constant 0 : i32
      %dma_wait3A_588 = arith.constant 0 : i32
      %dma_wait3A_589 = tpu.memref_slice %arg4[%add3A, %dma_wait3A_587, %dma_wait3A_588] : memref<32x125x80xi32, #tpu.memory_space<hbm>> -> memref<1x125x80xi32, #tpu.memory_space<hbm>>
      %dma_wait3A_590 = tpu.memref_squeeze %dma_wait3A_589 : memref<1x125x80xi32, #tpu.memory_space<hbm>> -> memref<125x80xi32, #tpu.memory_space<hbm>>
      tpu.wait_dma2 semaphore(%run_scoped3A_574 : memref<!tpu.dma_semaphore, #tpu.memory_space<semaphore_mem>>) src(%dma_wait3A_590 : memref<125x80xi32, #tpu.memory_space<hbm>>) dst(%arg7 : memref<125x80xi32, #tpu.memory_space<vmem>>)
      tpu.yield
    }) : () -> ()
    %barrier3A = arith.constant 0 : index
    tpu.barrier barrier_id(%barrier3A)
    %dma_start3A = arith.constant 0 : i32
    %dma_start3A_517 = arith.constant 0 : i32
    %dma_start3A_518 = tpu.memref_slice %arg6[%dma_start3A, %dma_start3A_517] : memref<125x80xi32, #tpu.memory_space<vmem>> -> memref<1x80xi32, #tpu.memory_space<vmem>>
    %dma_start3A_519 = tpu.memref_squeeze %dma_start3A_518 : memref<1x80xi32, #tpu.memory_space<vmem>> -> memref<80xi32, #tpu.memory_space<vmem>>
    %dma_start3A_520 = arith.constant 0 : i32
    %dma_start3A_521 = arith.constant 0 : i32
    %dma_start3A_522 = tpu.memref_slice %arg2[%dma_start3A_520, %dma_start3A_521] : memref<10000x64xf32, #tpu.memory_space<hbm>> -> memref<10000x64xf32, #tpu.memory_space<hbm>>
    tpu.enqueue_indirect_dma source(%dma_start3A_522 : memref<10000x64xf32, #tpu.memory_space<hbm>>) target(%arg8 : memref<80x64xf32, #tpu.memory_space<vmem>>) offsets(%dma_start3A_519 : memref<80xi32, #tpu.memory_space<vmem>>) semaphore(%arg12 : memref<!tpu.dma_semaphore, #tpu.memory_space<semaphore_mem>>)
    %dma_start3A_523 = arith.constant 1 : i32
    %dma_start3A_524 = arith.constant 0 : i32
    %dma_start3A_525 = tpu.memref_slice %arg6[%dma_start3A_523, %dma_start3A_524] : memref<125x80xi32, #tpu.memory_space<vmem>> -> memref<1x80xi32, #tpu.memory_space<vmem>>
    %dma_start3A_526 = tpu.memref_squeeze %dma_start3A_525 : memref<1x80xi32, #tpu.memory_space<vmem>> -> memref<80xi32, #tpu.memory_space<vmem>>
    %dma_start3A_527 = arith.constant 0 : i32
    %dma_start3A_528 = arith.constant 0 : i32
    %dma_start3A_529 = tpu.memref_slice %arg2[%dma_start3A_527, %dma_start3A_528] : memref<10000x64xf32, #tpu.memory_space<hbm>> -> memref<10000x64xf32, #tpu.memory_space<hbm>>
    tpu.enqueue_indirect_dma source(%dma_start3A_529 : memref<10000x64xf32, #tpu.memory_space<hbm>>) target(%arg9 : memref<80x64xf32, #tpu.memory_space<vmem>>) offsets(%dma_start3A_526 : memref<80xi32, #tpu.memory_space<vmem>>) semaphore(%arg13 : memref<!tpu.dma_semaphore, #tpu.memory_space<semaphore_mem>>)
    %scan3A_530 = arith.constant 0 : i32
    %scan3A_531 = arith.constant 62 : i32
    %scan3A_532 = arith.addi %scan3A_530, %scan3A_531 : i32
    %scan3A_533 = arith.constant 1 : i32
    scf.for %scan3A_574 = %scan3A_530 to %scan3A_532 step %scan3A_533  : i32 {
      %mul3A_575 = arith.constant 1 : i32
      %mul3A_576 = arith.muli %scan3A_574, %mul3A_575 : i32
      %add3A_577 = arith.constant 0 : i32
      %add3A_578 = arith.addi %add3A_577, %mul3A_576 : i32
      %mul3A_579 = arith.constant 2 : i32
      %mul3A_580 = arith.muli %add3A_578, %mul3A_579 : i32
      %add3A_581 = arith.constant 0 : i32
      %add3A_582 = arith.addi %mul3A_580, %add3A_581 : i32
      %dma_wait3A_583 = arith.constant 0 : i32
      %dma_wait3A_584 = tpu.memref_slice %arg6[%add3A_582, %dma_wait3A_583] : memref<125x80xi32, #tpu.memory_space<vmem>> -> memref<1x80xi32, #tpu.memory_space<vmem>>
      %dma_wait3A_585 = tpu.memref_squeeze %dma_wait3A_584 : memref<1x80xi32, #tpu.memory_space<vmem>> -> memref<80xi32, #tpu.memory_space<vmem>>
      %dma_wait3A_586 = arith.constant 0 : i32
      %dma_wait3A_587 = arith.constant 0 : i32
      %dma_wait3A_588 = tpu.memref_slice %arg2[%dma_wait3A_586, %dma_wait3A_587] : memref<10000x64xf32, #tpu.memory_space<hbm>> -> memref<10000x64xf32, #tpu.memory_space<hbm>>
      tpu.wait_indirect_dma semaphore(%arg12 : memref<!tpu.dma_semaphore, #tpu.memory_space<semaphore_mem>>) src(%dma_wait3A_588 : memref<10000x64xf32, #tpu.memory_space<hbm>>) dst(%arg8 : memref<80x64xf32, #tpu.memory_space<vmem>>)
      "tpu.region"() ({
        %run_scoped3A_611 = tpu.sem_alloc : memref<!tpu.dma_semaphore, #tpu.memory_space<semaphore_mem>>
        %dma_start3A_612 = arith.constant 0 : i32
        %dma_start3A_613 = tpu.memref_slice %arg7[%add3A_582, %dma_start3A_612] : memref<125x80xi32, #tpu.memory_space<vmem>> -> memref<1x80xi32, #tpu.memory_space<vmem>>
        %dma_start3A_614 = tpu.memref_squeeze %dma_start3A_613 : memref<1x80xi32, #tpu.memory_space<vmem>> -> memref<80xi32, #tpu.memory_space<vmem>>
        %dma_start3A_615 = arith.constant 0 : i32
        %dma_start3A_616 = arith.constant 0 : i32
        %dma_start3A_617 = tpu.memref_slice %arg11[%dma_start3A_615, %dma_start3A_616] : memref<10240x64xf32, #tpu.memory_space<vmem_shared>> -> memref<10240x64xf32, #tpu.memory_space<vmem_shared>>
        tpu.enqueue_indirect_dma source(%arg8 : memref<80x64xf32, #tpu.memory_space<vmem>>) target(%dma_start3A_617 : memref<10240x64xf32, #tpu.memory_space<vmem_shared>>) offsets(%dma_start3A_614 : memref<80xi32, #tpu.memory_space<vmem>>) semaphore(%run_scoped3A_611 : memref<!tpu.dma_semaphore, #tpu.memory_space<semaphore_mem>>) {add = true}
        %dma_wait3A_618 = arith.constant 0 : i32
        %dma_wait3A_619 = tpu.memref_slice %arg7[%add3A_582, %dma_wait3A_618] : memref<125x80xi32, #tpu.memory_space<vmem>> -> memref<1x80xi32, #tpu.memory_space<vmem>>
        %dma_wait3A_620 = tpu.memref_squeeze %dma_wait3A_619 : memref<1x80xi32, #tpu.memory_space<vmem>> -> memref<80xi32, #tpu.memory_space<vmem>>
        %dma_wait3A_621 = arith.constant 0 : i32
        %dma_wait3A_622 = arith.constant 0 : i32
        %dma_wait3A_623 = tpu.memref_slice %arg11[%dma_wait3A_621, %dma_wait3A_622] : memref<10240x64xf32, #tpu.memory_space<vmem_shared>> -> memref<10240x64xf32, #tpu.memory_space<vmem_shared>>
        tpu.wait_indirect_dma semaphore(%run_scoped3A_611 : memref<!tpu.dma_semaphore, #tpu.memory_space<semaphore_mem>>) src(%arg8 : memref<80x64xf32, #tpu.memory_space<vmem>>) dst(%dma_wait3A_623 : memref<10240x64xf32, #tpu.memory_space<vmem_shared>>)
        tpu.yield
      }) : () -> ()
      %add3A_589 = arith.constant 2 : i32
      %add3A_590 = arith.addi %add3A_582, %add3A_589 : i32
      %dma_start3A_591 = arith.constant 0 : i32
      %dma_start3A_592 = tpu.memref_slice %arg6[%add3A_590, %dma_start3A_591] : memref<125x80xi32, #tpu.memory_space<vmem>> -> memref<1x80xi32, #tpu.memory_space<vmem>>
      %dma_start3A_593 = tpu.memref_squeeze %dma_start3A_592 : memref<1x80xi32, #tpu.memory_space<vmem>> -> memref<80xi32, #tpu.memory_space<vmem>>
      %dma_start3A_594 = arith.constant 0 : i32
      %dma_start3A_595 = arith.constant 0 : i32
      %dma_start3A_596 = tpu.memref_slice %arg2[%dma_start3A_594, %dma_start3A_595] : memref<10000x64xf32, #tpu.memory_space<hbm>> -> memref<10000x64xf32, #tpu.memory_space<hbm>>
      tpu.enqueue_indirect_dma source(%dma_start3A_596 : memref<10000x64xf32, #tpu.memory_space<hbm>>) target(%arg8 : memref<80x64xf32, #tpu.memory_space<vmem>>) offsets(%dma_start3A_593 : memref<80xi32, #tpu.memory_space<vmem>>) semaphore(%arg12 : memref<!tpu.dma_semaphore, #tpu.memory_space<semaphore_mem>>)
      %mul3A_597 = arith.constant 2 : i32
      %mul3A_598 = arith.muli %add3A_578, %mul3A_597 : i32
      %add3A_599 = arith.constant 1 : i32
      %add3A_600 = arith.addi %mul3A_598, %add3A_599 : i32
      %dma_wait3A_601 = arith.constant 0 : i32
      %dma_wait3A_602 = tpu.memref_slice %arg6[%add3A_600, %dma_wait3A_601] : memref<125x80xi32, #tpu.memory_space<vmem>> -> memref<1x80xi32, #tpu.memory_space<vmem>>
      %dma_wait3A_603 = tpu.memref_squeeze %dma_wait3A_602 : memref<1x80xi32, #tpu.memory_space<vmem>> -> memref<80xi32, #tpu.memory_space<vmem>>
      %dma_wait3A_604 = arith.constant 0 : i32
      %dma_wait3A_605 = arith.constant 0 : i32
      %dma_wait3A_606 = tpu.memref_slice %arg2[%dma_wait3A_604, %dma_wait3A_605] : memref<10000x64xf32, #tpu.memory_space<hbm>> -> memref<10000x64xf32, #tpu.memory_space<hbm>>
      tpu.wait_indirect_dma semaphore(%arg13 : memref<!tpu.dma_semaphore, #tpu.memory_space<semaphore_mem>>) src(%dma_wait3A_606 : memref<10000x64xf32, #tpu.memory_space<hbm>>) dst(%arg9 : memref<80x64xf32, #tpu.memory_space<vmem>>)
      "tpu.region"() ({
        %run_scoped3A_611 = tpu.sem_alloc : memref<!tpu.dma_semaphore, #tpu.memory_space<semaphore_mem>>
        %dma_start3A_612 = arith.constant 0 : i32
        %dma_start3A_613 = tpu.memref_slice %arg7[%add3A_600, %dma_start3A_612] : memref<125x80xi32, #tpu.memory_space<vmem>> -> memref<1x80xi32, #tpu.memory_space<vmem>>
        %dma_start3A_614 = tpu.memref_squeeze %dma_start3A_613 : memref<1x80xi32, #tpu.memory_space<vmem>> -> memref<80xi32, #tpu.memory_space<vmem>>
        %dma_start3A_615 = arith.constant 0 : i32
        %dma_start3A_616 = arith.constant 0 : i32
        %dma_start3A_617 = tpu.memref_slice %arg11[%dma_start3A_615, %dma_start3A_616] : memref<10240x64xf32, #tpu.memory_space<vmem_shared>> -> memref<10240x64xf32, #tpu.memory_space<vmem_shared>>
        tpu.enqueue_indirect_dma source(%arg9 : memref<80x64xf32, #tpu.memory_space<vmem>>) target(%dma_start3A_617 : memref<10240x64xf32, #tpu.memory_space<vmem_shared>>) offsets(%dma_start3A_614 : memref<80xi32, #tpu.memory_space<vmem>>) semaphore(%run_scoped3A_611 : memref<!tpu.dma_semaphore, #tpu.memory_space<semaphore_mem>>) {add = true}
        %dma_wait3A_618 = arith.constant 0 : i32
        %dma_wait3A_619 = tpu.memref_slice %arg7[%add3A_600, %dma_wait3A_618] : memref<125x80xi32, #tpu.memory_space<vmem>> -> memref<1x80xi32, #tpu.memory_space<vmem>>
        %dma_wait3A_620 = tpu.memref_squeeze %dma_wait3A_619 : memref<1x80xi32, #tpu.memory_space<vmem>> -> memref<80xi32, #tpu.memory_space<vmem>>
        %dma_wait3A_621 = arith.constant 0 : i32
        %dma_wait3A_622 = arith.constant 0 : i32
        %dma_wait3A_623 = tpu.memref_slice %arg11[%dma_wait3A_621, %dma_wait3A_622] : memref<10240x64xf32, #tpu.memory_space<vmem_shared>> -> memref<10240x64xf32, #tpu.memory_space<vmem_shared>>
        tpu.wait_indirect_dma semaphore(%run_scoped3A_611 : memref<!tpu.dma_semaphore, #tpu.memory_space<semaphore_mem>>) src(%arg9 : memref<80x64xf32, #tpu.memory_space<vmem>>) dst(%dma_wait3A_623 : memref<10240x64xf32, #tpu.memory_space<vmem_shared>>)
        tpu.yield
      }) : () -> ()
      %add3A_607 = arith.constant 2 : i32
      %add3A_608 = arith.addi %add3A_600, %add3A_607 : i32
      %lt3A = arith.constant 125 : i32
      %lt3A_609 = arith.cmpi slt, %add3A_608, %lt3A : i32
      %convert_element_type3A = arith.extui %lt3A_609 : i1 to i32
      %cond3A = arith.constant 0 : i32
      %cond3A_610 = arith.cmpi ne, %convert_element_type3A, %cond3A : i32
      scf.if %cond3A_610 {
        %add3A_611 = arith.constant 2 : i32
        %add3A_612 = arith.addi %add3A_600, %add3A_611 : i32
        %dma_start3A_613 = arith.constant 0 : i32
        %dma_start3A_614 = tpu.memref_slice %arg6[%add3A_612, %dma_start3A_613] : memref<125x80xi32, #tpu.memory_space<vmem>> -> memref<1x80xi32, #tpu.memory_space<vmem>>
        %dma_start3A_615 = tpu.memref_squeeze %dma_start3A_614 : memref<1x80xi32, #tpu.memory_space<vmem>> -> memref<80xi32, #tpu.memory_space<vmem>>
        %dma_start3A_616 = arith.constant 0 : i32
        %dma_start3A_617 = arith.constant 0 : i32
        %dma_start3A_618 = tpu.memref_slice %arg2[%dma_start3A_616, %dma_start3A_617] : memref<10000x64xf32, #tpu.memory_space<hbm>> -> memref<10000x64xf32, #tpu.memory_space<hbm>>
        tpu.enqueue_indirect_dma source(%dma_start3A_618 : memref<10000x64xf32, #tpu.memory_space<hbm>>) target(%arg9 : memref<80x64xf32, #tpu.memory_space<vmem>>) offsets(%dma_start3A_615 : memref<80xi32, #tpu.memory_space<vmem>>) semaphore(%arg13 : memref<!tpu.dma_semaphore, #tpu.memory_space<semaphore_mem>>)
      } else {
      }
    }
    %scan3A_534 = arith.constant 62 : i32
    %dma_wait3A = arith.constant 124 : i32
    %dma_wait3A_535 = arith.constant 0 : i32
    %dma_wait3A_536 = tpu.memref_slice %arg6[%dma_wait3A, %dma_wait3A_535] : memref<125x80xi32, #tpu.memory_space<vmem>> -> memref<1x80xi32, #tpu.memory_space<vmem>>
    %dma_wait3A_537 = tpu.memref_squeeze %dma_wait3A_536 : memref<1x80xi32, #tpu.memory_space<vmem>> -> memref<80xi32, #tpu.memory_space<vmem>>
    %dma_wait3A_538 = arith.constant 0 : i32
    %dma_wait3A_539 = arith.constant 0 : i32
    %dma_wait3A_540 = tpu.memref_slice %arg2[%dma_wait3A_538, %dma_wait3A_539] : memref<10000x64xf32, #tpu.memory_space<hbm>> -> memref<10000x64xf32, #tpu.memory_space<hbm>>
    tpu.wait_indirect_dma semaphore(%arg12 : memref<!tpu.dma_semaphore, #tpu.memory_space<semaphore_mem>>) src(%dma_wait3A_540 : memref<10000x64xf32, #tpu.memory_space<hbm>>) dst(%arg8 : memref<80x64xf32, #tpu.memory_space<vmem>>)
    %run_scoped3A = arith.constant 124 : i32
    "tpu.region"() ({
      %run_scoped3A_574 = tpu.sem_alloc : memref<!tpu.dma_semaphore, #tpu.memory_space<semaphore_mem>>
      %dma_start3A_575 = arith.constant 0 : i32
      %dma_start3A_576 = tpu.memref_slice %arg7[%run_scoped3A, %dma_start3A_575] : memref<125x80xi32, #tpu.memory_space<vmem>> -> memref<1x80xi32, #tpu.memory_space<vmem>>
      %dma_start3A_577 = tpu.memref_squeeze %dma_start3A_576 : memref<1x80xi32, #tpu.memory_space<vmem>> -> memref<80xi32, #tpu.memory_space<vmem>>
      %dma_start3A_578 = arith.constant 0 : i32
      %dma_start3A_579 = arith.constant 0 : i32
      %dma_start3A_580 = tpu.memref_slice %arg11[%dma_start3A_578, %dma_start3A_579] : memref<10240x64xf32, #tpu.memory_space<vmem_shared>> -> memref<10240x64xf32, #tpu.memory_space<vmem_shared>>
      tpu.enqueue_indirect_dma source(%arg8 : memref<80x64xf32, #tpu.memory_space<vmem>>) target(%dma_start3A_580 : memref<10240x64xf32, #tpu.memory_space<vmem_shared>>) offsets(%dma_start3A_577 : memref<80xi32, #tpu.memory_space<vmem>>) semaphore(%run_scoped3A_574 : memref<!tpu.dma_semaphore, #tpu.memory_space<semaphore_mem>>) {add = true}
      %dma_wait3A_581 = arith.constant 0 : i32
      %dma_wait3A_582 = tpu.memref_slice %arg7[%run_scoped3A, %dma_wait3A_581] : memref<125x80xi32, #tpu.memory_space<vmem>> -> memref<1x80xi32, #tpu.memory_space<vmem>>
      %dma_wait3A_583 = tpu.memref_squeeze %dma_wait3A_582 : memref<1x80xi32, #tpu.memory_space<vmem>> -> memref<80xi32, #tpu.memory_space<vmem>>
      %dma_wait3A_584 = arith.constant 0 : i32
      %dma_wait3A_585 = arith.constant 0 : i32
      %dma_wait3A_586 = tpu.memref_slice %arg11[%dma_wait3A_584, %dma_wait3A_585] : memref<10240x64xf32, #tpu.memory_space<vmem_shared>> -> memref<10240x64xf32, #tpu.memory_space<vmem_shared>>
      tpu.wait_indirect_dma semaphore(%run_scoped3A_574 : memref<!tpu.dma_semaphore, #tpu.memory_space<semaphore_mem>>) src(%arg8 : memref<80x64xf32, #tpu.memory_space<vmem>>) dst(%dma_wait3A_586 : memref<10240x64xf32, #tpu.memory_space<vmem_shared>>)
      tpu.yield
    }) : () -> ()
    %barrier3A_541 = arith.constant 0 : index
    tpu.barrier barrier_id(%barrier3A_541)
    %add3A_542 = arith.constant 0 : i32
    %add3A_543 = arith.addi %multiple_of3A, %add3A_542 : i32
    "tpu.region"() ({
      %run_scoped3A_574 = tpu.sem_alloc : memref<!tpu.dma_semaphore, #tpu.memory_space<semaphore_mem>>
      %dma_start3A_575 = arith.constant 0 : i32
      %dma_start3A_576 = tpu.memref_slice %arg11[%add3A_543, %dma_start3A_575] : memref<10240x64xf32, #tpu.memory_space<vmem_shared>> -> memref<80x64xf32, #tpu.memory_space<vmem_shared>>
      %dma_start3A_577 = arith.constant 0 : i32
      %dma_start3A_578 = tpu.memref_slice %arg11[%add3A_543, %dma_start3A_577] : memref<10240x64xf32, #tpu.memory_space<vmem_shared>> -> memref<80x64xf32, #tpu.memory_space<vmem_shared>>
      tpu.enqueue_dma source(%dma_start3A_578 : memref<80x64xf32, #tpu.memory_space<vmem_shared>>) target(%arg8 : memref<80x64xf32, #tpu.memory_space<vmem>>) target_semaphore(%run_scoped3A_574 : memref<!tpu.dma_semaphore, #tpu.memory_space<semaphore_mem>>)
      %dma_wait3A_579 = arith.constant 0 : i32
      %dma_wait3A_580 = tpu.memref_slice %arg11[%add3A_543, %dma_wait3A_579] : memref<10240x64xf32, #tpu.memory_space<vmem_shared>> -> memref<80x64xf32, #tpu.memory_space<vmem_shared>>
      %dma_wait3A_581 = arith.constant 0 : i32
      %dma_wait3A_582 = tpu.memref_slice %arg11[%add3A_543, %dma_wait3A_581] : memref<10240x64xf32, #tpu.memory_space<vmem_shared>> -> memref<80x64xf32, #tpu.memory_space<vmem_shared>>
      tpu.wait_dma2 semaphore(%run_scoped3A_574 : memref<!tpu.dma_semaphore, #tpu.memory_space<semaphore_mem>>) src(%dma_wait3A_582 : memref<80x64xf32, #tpu.memory_space<vmem_shared>>) dst(%arg8 : memref<80x64xf32, #tpu.memory_space<vmem>>)
      tpu.yield
    }) : () -> ()
    %add3A_544 = arith.constant 0 : i32
    %add3A_545 = arith.addi %multiple_of3A, %add3A_544 : i32
    "tpu.region"() ({
      %run_scoped3A_574 = tpu.sem_alloc : memref<!tpu.dma_semaphore, #tpu.memory_space<semaphore_mem>>
      %dma_start3A_575 = arith.constant 0 : i32
      %dma_start3A_576 = tpu.memref_slice %arg5[%arg0, %add3A_545, %dma_start3A_575] : memref<2x10240x64xf32, #tpu.memory_space<hbm>> -> memref<1x80x64xf32, #tpu.memory_space<hbm>>
      %dma_start3A_577 = tpu.memref_squeeze %dma_start3A_576 : memref<1x80x64xf32, #tpu.memory_space<hbm>> -> memref<80x64xf32, #tpu.memory_space<hbm>>
      %dma_start3A_578 = arith.constant 0 : i32
      %dma_start3A_579 = tpu.memref_slice %arg5[%arg0, %add3A_545, %dma_start3A_578] : memref<2x10240x64xf32, #tpu.memory_space<hbm>> -> memref<1x80x64xf32, #tpu.memory_space<hbm>>
      %dma_start3A_580 = tpu.memref_squeeze %dma_start3A_579 : memref<1x80x64xf32, #tpu.memory_space<hbm>> -> memref<80x64xf32, #tpu.memory_space<hbm>>
      tpu.enqueue_dma source(%arg8 : memref<80x64xf32, #tpu.memory_space<vmem>>) target(%dma_start3A_580 : memref<80x64xf32, #tpu.memory_space<hbm>>) target_semaphore(%run_scoped3A_574 : memref<!tpu.dma_semaphore, #tpu.memory_space<semaphore_mem>>)
      %dma_wait3A_581 = arith.constant 0 : i32
      %dma_wait3A_582 = tpu.memref_slice %arg5[%arg0, %add3A_545, %dma_wait3A_581] : memref<2x10240x64xf32, #tpu.memory_space<hbm>> -> memref<1x80x64xf32, #tpu.memory_space<hbm>>
      %dma_wait3A_583 = tpu.memref_squeeze %dma_wait3A_582 : memref<1x80x64xf32, #tpu.memory_space<hbm>> -> memref<80x64xf32, #tpu.memory_space<hbm>>
      %dma_wait3A_584 = arith.constant 0 : i32
      %dma_wait3A_585 = tpu.memref_slice %arg5[%arg0, %add3A_545, %dma_wait3A_584] : memref<2x10240x64xf32, #tpu.memory_space<hbm>> -> memref<1x80x64xf32, #tpu.memory_space<hbm>>
      %dma_wait3A_586 = tpu.memref_squeeze %dma_wait3A_585 : memref<1x80x64xf32, #tpu.memory_space<hbm>> -> memref<80x64xf32, #tpu.memory_space<hbm>>
      tpu.wait_dma2 semaphore(%run_scoped3A_574 : memref<!tpu.dma_semaphore, #tpu.memory_space<semaphore_mem>>) src(%arg8 : memref<80x64xf32, #tpu.memory_space<vmem>>) dst(%dma_wait3A_586 : memref<80x64xf32, #tpu.memory_space<hbm>>)
      tpu.yield
    }) : () -> ()
    %add3A_546 = arith.constant 80 : i32
    %add3A_547 = arith.addi %multiple_of3A, %add3A_546 : i32
    "tpu.region"() ({
      %run_scoped3A_574 = tpu.sem_alloc : memref<!tpu.dma_semaphore, #tpu.memory_space<semaphore_mem>>
      %dma_start3A_575 = arith.constant 0 : i32
      %dma_start3A_576 = tpu.memref_slice %arg11[%add3A_547, %dma_start3A_575] : memref<10240x64xf32, #tpu.memory_space<vmem_shared>> -> memref<80x64xf32, #tpu.memory_space<vmem_shared>>
      %dma_start3A_577 = arith.constant 0 : i32
      %dma_start3A_578 = tpu.memref_slice %arg11[%add3A_547, %dma_start3A_577] : memref<10240x64xf32, #tpu.memory_space<vmem_shared>> -> memref<80x64xf32, #tpu.memory_space<vmem_shared>>
      tpu.enqueue_dma source(%dma_start3A_578 : memref<80x64xf32, #tpu.memory_space<vmem_shared>>) target(%arg8 : memref<80x64xf32, #tpu.memory_space<vmem>>) target_semaphore(%run_scoped3A_574 : memref<!tpu.dma_semaphore, #tpu.memory_space<semaphore_mem>>)
      %dma_wait3A_579 = arith.constant 0 : i32
      %dma_wait3A_580 = tpu.memref_slice %arg11[%add3A_547, %dma_wait3A_579] : memref<10240x64xf32, #tpu.memory_space<vmem_shared>> -> memref<80x64xf32, #tpu.memory_space<vmem_shared>>
      %dma_wait3A_581 = arith.constant 0 : i32
      %dma_wait3A_582 = tpu.memref_slice %arg11[%add3A_547, %dma_wait3A_581] : memref<10240x64xf32, #tpu.memory_space<vmem_shared>> -> memref<80x64xf32, #tpu.memory_space<vmem_shared>>
      tpu.wait_dma2 semaphore(%run_scoped3A_574 : memref<!tpu.dma_semaphore, #tpu.memory_space<semaphore_mem>>) src(%dma_wait3A_582 : memref<80x64xf32, #tpu.memory_space<vmem_shared>>) dst(%arg8 : memref<80x64xf32, #tpu.memory_space<vmem>>)
      tpu.yield
    }) : () -> ()
    %add3A_548 = arith.constant 80 : i32
    %add3A_549 = arith.addi %multiple_of3A, %add3A_548 : i32
    "tpu.region"() ({
      %run_scoped3A_574 = tpu.sem_alloc : memref<!tpu.dma_semaphore, #tpu.memory_space<semaphore_mem>>
      %dma_start3A_575 = arith.constant 0 : i32
      %dma_start3A_576 = tpu.memref_slice %arg5[%arg0, %add3A_549, %dma_start3A_575] : memref<2x10240x64xf32, #tpu.memory_space<hbm>> -> memref<1x80x64xf32, #tpu.memory_space<hbm>>
      %dma_start3A_577 = tpu.memref_squeeze %dma_start3A_576 : memref<1x80x64xf32, #tpu.memory_space<hbm>> -> memref<80x64xf32, #tpu.memory_space<hbm>>
      %dma_start3A_578 = arith.constant 0 : i32
      %dma_start3A_579 = tpu.memref_slice %arg5[%arg0, %add3A_549, %dma_start3A_578] : memref<2x10240x64xf32, #tpu.memory_space<hbm>> -> memref<1x80x64xf32, #tpu.memory_space<hbm>>
      %dma_start3A_580 = tpu.memref_squeeze %dma_start3A_579 : memref<1x80x64xf32, #tpu.memory_space<hbm>> -> memref<80x64xf32, #tpu.memory_space<hbm>>
      tpu.enqueue_dma source(%arg8 : memref<80x64xf32, #tpu.memory_space<vmem>>) target(%dma_start3A_580 : memref<80x64xf32, #tpu.memory_space<hbm>>) target_semaphore(%run_scoped3A_574 : memref<!tpu.dma_semaphore, #tpu.memory_space<semaphore_mem>>)
      %dma_wait3A_581 = arith.constant 0 : i32
      %dma_wait3A_582 = tpu.memref_slice %arg5[%arg0, %add3A_549, %dma_wait3A_581] : memref<2x10240x64xf32, #tpu.memory_space<hbm>> -> memref<1x80x64xf32, #tpu.memory_space<hbm>>
      %dma_wait3A_583 = tpu.memref_squeeze %dma_wait3A_582 : memref<1x80x64xf32, #tpu.memory_space<hbm>> -> memref<80x64xf32, #tpu.memory_space<hbm>>
      %dma_wait3A_584 = arith.constant 0 : i32
      %dma_wait3A_585 = tpu.memref_slice %arg5[%arg0, %add3A_549, %dma_wait3A_584] : memref<2x10240x64xf32, #tpu.memory_space<hbm>> -> memref<1x80x64xf32, #tpu.memory_space<hbm>>
      %dma_wait3A_586 = tpu.memref_squeeze %dma_wait3A_585 : memref<1x80x64xf32, #tpu.memory_space<hbm>> -> memref<80x64xf32, #tpu.memory_space<hbm>>
      tpu.wait_dma2 semaphore(%run_scoped3A_574 : memref<!tpu.dma_semaphore, #tpu.memory_space<semaphore_mem>>) src(%arg8 : memref<80x64xf32, #tpu.memory_space<vmem>>) dst(%dma_wait3A_586 : memref<80x64xf32, #tpu.memory_space<hbm>>)
      tpu.yield
    }) : () -> ()
    %add3A_550 = arith.constant 160 : i32
    %add3A_551 = arith.addi %multiple_of3A, %add3A_550 : i32
    "tpu.region"() ({
      %run_scoped3A_574 = tpu.sem_alloc : memref<!tpu.dma_semaphore, #tpu.memory_space<semaphore_mem>>
      %dma_start3A_575 = arith.constant 0 : i32
      %dma_start3A_576 = tpu.memref_slice %arg11[%add3A_551, %dma_start3A_575] : memref<10240x64xf32, #tpu.memory_space<vmem_shared>> -> memref<80x64xf32, #tpu.memory_space<vmem_shared>>
      %dma_start3A_577 = arith.constant 0 : i32
      %dma_start3A_578 = tpu.memref_slice %arg11[%add3A_551, %dma_start3A_577] : memref<10240x64xf32, #tpu.memory_space<vmem_shared>> -> memref<80x64xf32, #tpu.memory_space<vmem_shared>>
      tpu.enqueue_dma source(%dma_start3A_578 : memref<80x64xf32, #tpu.memory_space<vmem_shared>>) target(%arg8 : memref<80x64xf32, #tpu.memory_space<vmem>>) target_semaphore(%run_scoped3A_574 : memref<!tpu.dma_semaphore, #tpu.memory_space<semaphore_mem>>)
      %dma_wait3A_579 = arith.constant 0 : i32
      %dma_wait3A_580 = tpu.memref_slice %arg11[%add3A_551, %dma_wait3A_579] : memref<10240x64xf32, #tpu.memory_space<vmem_shared>> -> memref<80x64xf32, #tpu.memory_space<vmem_shared>>
      %dma_wait3A_581 = arith.constant 0 : i32
      %dma_wait3A_582 = tpu.memref_slice %arg11[%add3A_551, %dma_wait3A_581] : memref<10240x64xf32, #tpu.memory_space<vmem_shared>> -> memref<80x64xf32, #tpu.memory_space<vmem_shared>>
      tpu.wait_dma2 semaphore(%run_scoped3A_574 : memref<!tpu.dma_semaphore, #tpu.memory_space<semaphore_mem>>) src(%dma_wait3A_582 : memref<80x64xf32, #tpu.memory_space<vmem_shared>>) dst(%arg8 : memref<80x64xf32, #tpu.memory_space<vmem>>)
      tpu.yield
    }) : () -> ()
    %add3A_552 = arith.constant 160 : i32
    %add3A_553 = arith.addi %multiple_of3A, %add3A_552 : i32
    "tpu.region"() ({
      %run_scoped3A_574 = tpu.sem_alloc : memref<!tpu.dma_semaphore, #tpu.memory_space<semaphore_mem>>
      %dma_start3A_575 = arith.constant 0 : i32
      %dma_start3A_576 = tpu.memref_slice %arg5[%arg0, %add3A_553, %dma_start3A_575] : memref<2x10240x64xf32, #tpu.memory_space<hbm>> -> memref<1x80x64xf32, #tpu.memory_space<hbm>>
      %dma_start3A_577 = tpu.memref_squeeze %dma_start3A_576 : memref<1x80x64xf32, #tpu.memory_space<hbm>> -> memref<80x64xf32, #tpu.memory_space<hbm>>
      %dma_start3A_578 = arith.constant 0 : i32
      %dma_start3A_579 = tpu.memref_slice %arg5[%arg0, %add3A_553, %dma_start3A_578] : memref<2x10240x64xf32, #tpu.memory_space<hbm>> -> memref<1x80x64xf32, #tpu.memory_space<hbm>>
      %dma_start3A_580 = tpu.memref_squeeze %dma_start3A_579 : memref<1x80x64xf32, #tpu.memory_space<hbm>> -> memref<80x64xf32, #tpu.memory_space<hbm>>
      tpu.enqueue_dma source(%arg8 : memref<80x64xf32, #tpu.memory_space<vmem>>) target(%dma_start3A_580 : memref<80x64xf32, #tpu.memory_space<hbm>>) target_semaphore(%run_scoped3A_574 : memref<!tpu.dma_semaphore, #tpu.memory_space<semaphore_mem>>)
      %dma_wait3A_581 = arith.constant 0 : i32
      %dma_wait3A_582 = tpu.memref_slice %arg5[%arg0, %add3A_553, %dma_wait3A_581] : memref<2x10240x64xf32, #tpu.memory_space<hbm>> -> memref<1x80x64xf32, #tpu.memory_space<hbm>>
      %dma_wait3A_583 = tpu.memref_squeeze %dma_wait3A_582 : memref<1x80x64xf32, #tpu.memory_space<hbm>> -> memref<80x64xf32, #tpu.memory_space<hbm>>
      %dma_wait3A_584 = arith.constant 0 : i32
      %dma_wait3A_585 = tpu.memref_slice %arg5[%arg0, %add3A_553, %dma_wait3A_584] : memref<2x10240x64xf32, #tpu.memory_space<hbm>> -> memref<1x80x64xf32, #tpu.memory_space<hbm>>
      %dma_wait3A_586 = tpu.memref_squeeze %dma_wait3A_585 : memref<1x80x64xf32, #tpu.memory_space<hbm>> -> memref<80x64xf32, #tpu.memory_space<hbm>>
      tpu.wait_dma2 semaphore(%run_scoped3A_574 : memref<!tpu.dma_semaphore, #tpu.memory_space<semaphore_mem>>) src(%arg8 : memref<80x64xf32, #tpu.memory_space<vmem>>) dst(%dma_wait3A_586 : memref<80x64xf32, #tpu.memory_space<hbm>>)
      tpu.yield
    }) : () -> ()
    %add3A_554 = arith.constant 240 : i32
    %add3A_555 = arith.addi %multiple_of3A, %add3A_554 : i32
    "tpu.region"() ({
      %run_scoped3A_574 = tpu.sem_alloc : memref<!tpu.dma_semaphore, #tpu.memory_space<semaphore_mem>>
      %dma_start3A_575 = arith.constant 0 : i32
      %dma_start3A_576 = tpu.memref_slice %arg11[%add3A_555, %dma_start3A_575] : memref<10240x64xf32, #tpu.memory_space<vmem_shared>> -> memref<80x64xf32, #tpu.memory_space<vmem_shared>>
      %dma_start3A_577 = arith.constant 0 : i32
      %dma_start3A_578 = tpu.memref_slice %arg11[%add3A_555, %dma_start3A_577] : memref<10240x64xf32, #tpu.memory_space<vmem_shared>> -> memref<80x64xf32, #tpu.memory_space<vmem_shared>>
      tpu.enqueue_dma source(%dma_start3A_578 : memref<80x64xf32, #tpu.memory_space<vmem_shared>>) target(%arg8 : memref<80x64xf32, #tpu.memory_space<vmem>>) target_semaphore(%run_scoped3A_574 : memref<!tpu.dma_semaphore, #tpu.memory_space<semaphore_mem>>)
      %dma_wait3A_579 = arith.constant 0 : i32
      %dma_wait3A_580 = tpu.memref_slice %arg11[%add3A_555, %dma_wait3A_579] : memref<10240x64xf32, #tpu.memory_space<vmem_shared>> -> memref<80x64xf32, #tpu.memory_space<vmem_shared>>
      %dma_wait3A_581 = arith.constant 0 : i32
      %dma_wait3A_582 = tpu.memref_slice %arg11[%add3A_555, %dma_wait3A_581] : memref<10240x64xf32, #tpu.memory_space<vmem_shared>> -> memref<80x64xf32, #tpu.memory_space<vmem_shared>>
      tpu.wait_dma2 semaphore(%run_scoped3A_574 : memref<!tpu.dma_semaphore, #tpu.memory_space<semaphore_mem>>) src(%dma_wait3A_582 : memref<80x64xf32, #tpu.memory_space<vmem_shared>>) dst(%arg8 : memref<80x64xf32, #tpu.memory_space<vmem>>)
      tpu.yield
    }) : () -> ()
    %add3A_556 = arith.constant 240 : i32
    %add3A_557 = arith.addi %multiple_of3A, %add3A_556 : i32
    "tpu.region"() ({
      %run_scoped3A_574 = tpu.sem_alloc : memref<!tpu.dma_semaphore, #tpu.memory_space<semaphore_mem>>
      %dma_start3A_575 = arith.constant 0 : i32
      %dma_start3A_576 = tpu.memref_slice %arg5[%arg0, %add3A_557, %dma_start3A_575] : memref<2x10240x64xf32, #tpu.memory_space<hbm>> -> memref<1x80x64xf32, #tpu.memory_space<hbm>>
      %dma_start3A_577 = tpu.memref_squeeze %dma_start3A_576 : memref<1x80x64xf32, #tpu.memory_space<hbm>> -> memref<80x64xf32, #tpu.memory_space<hbm>>
      %dma_start3A_578 = arith.constant 0 : i32
      %dma_start3A_579 = tpu.memref_slice %arg5[%arg0, %add3A_557, %dma_start3A_578] : memref<2x10240x64xf32, #tpu.memory_space<hbm>> -> memref<1x80x64xf32, #tpu.memory_space<hbm>>
      %dma_start3A_580 = tpu.memref_squeeze %dma_start3A_579 : memref<1x80x64xf32, #tpu.memory_space<hbm>> -> memref<80x64xf32, #tpu.memory_space<hbm>>
      tpu.enqueue_dma source(%arg8 : memref<80x64xf32, #tpu.memory_space<vmem>>) target(%dma_start3A_580 : memref<80x64xf32, #tpu.memory_space<hbm>>) target_semaphore(%run_scoped3A_574 : memref<!tpu.dma_semaphore, #tpu.memory_space<semaphore_mem>>)
      %dma_wait3A_581 = arith.constant 0 : i32
      %dma_wait3A_582 = tpu.memref_slice %arg5[%arg0, %add3A_557, %dma_wait3A_581] : memref<2x10240x64xf32, #tpu.memory_space<hbm>> -> memref<1x80x64xf32, #tpu.memory_space<hbm>>
      %dma_wait3A_583 = tpu.memref_squeeze %dma_wait3A_582 : memref<1x80x64xf32, #tpu.memory_space<hbm>> -> memref<80x64xf32, #tpu.memory_space<hbm>>
      %dma_wait3A_584 = arith.constant 0 : i32
      %dma_wait3A_585 = tpu.memref_slice %arg5[%arg0, %add3A_557, %dma_wait3A_584] : memref<2x10240x64xf32, #tpu.memory_space<hbm>> -> memref<1x80x64xf32, #tpu.memory_space<hbm>>
      %dma_wait3A_586 = tpu.memref_squeeze %dma_wait3A_585 : memref<1x80x64xf32, #tpu.memory_space<hbm>> -> memref<80x64xf32, #tpu.memory_space<hbm>>
      tpu.wait_dma2 semaphore(%run_scoped3A_574 : memref<!tpu.dma_semaphore, #tpu.memory_space<semaphore_mem>>) src(%arg8 : memref<80x64xf32, #tpu.memory_space<vmem>>) dst(%dma_wait3A_586 : memref<80x64xf32, #tpu.memory_space<hbm>>)
      tpu.yield
    }) : () -> ()
    %add3A_558 = arith.constant 320 : i32
    %add3A_559 = arith.addi %multiple_of3A, %add3A_558 : i32
    "tpu.region"() ({
      %run_scoped3A_574 = tpu.sem_alloc : memref<!tpu.dma_semaphore, #tpu.memory_space<semaphore_mem>>
      %dma_start3A_575 = arith.constant 0 : i32
      %dma_start3A_576 = tpu.memref_slice %arg11[%add3A_559, %dma_start3A_575] : memref<10240x64xf32, #tpu.memory_space<vmem_shared>> -> memref<80x64xf32, #tpu.memory_space<vmem_shared>>
      %dma_start3A_577 = arith.constant 0 : i32
      %dma_start3A_578 = tpu.memref_slice %arg11[%add3A_559, %dma_start3A_577] : memref<10240x64xf32, #tpu.memory_space<vmem_shared>> -> memref<80x64xf32, #tpu.memory_space<vmem_shared>>
      tpu.enqueue_dma source(%dma_start3A_578 : memref<80x64xf32, #tpu.memory_space<vmem_shared>>) target(%arg8 : memref<80x64xf32, #tpu.memory_space<vmem>>) target_semaphore(%run_scoped3A_574 : memref<!tpu.dma_semaphore, #tpu.memory_space<semaphore_mem>>)
      %dma_wait3A_579 = arith.constant 0 : i32
      %dma_wait3A_580 = tpu.memref_slice %arg11[%add3A_559, %dma_wait3A_579] : memref<10240x64xf32, #tpu.memory_space<vmem_shared>> -> memref<80x64xf32, #tpu.memory_space<vmem_shared>>
      %dma_wait3A_581 = arith.constant 0 : i32
      %dma_wait3A_582 = tpu.memref_slice %arg11[%add3A_559, %dma_wait3A_581] : memref<10240x64xf32, #tpu.memory_space<vmem_shared>> -> memref<80x64xf32, #tpu.memory_space<vmem_shared>>
      tpu.wait_dma2 semaphore(%run_scoped3A_574 : memref<!tpu.dma_semaphore, #tpu.memory_space<semaphore_mem>>) src(%dma_wait3A_582 : memref<80x64xf32, #tpu.memory_space<vmem_shared>>) dst(%arg8 : memref<80x64xf32, #tpu.memory_space<vmem>>)
      tpu.yield
    }) : () -> ()
    %add3A_560 = arith.constant 320 : i32
    %add3A_561 = arith.addi %multiple_of3A, %add3A_560 : i32
    "tpu.region"() ({
      %run_scoped3A_574 = tpu.sem_alloc : memref<!tpu.dma_semaphore, #tpu.memory_space<semaphore_mem>>
      %dma_start3A_575 = arith.constant 0 : i32
      %dma_start3A_576 = tpu.memref_slice %arg5[%arg0, %add3A_561, %dma_start3A_575] : memref<2x10240x64xf32, #tpu.memory_space<hbm>> -> memref<1x80x64xf32, #tpu.memory_space<hbm>>
      %dma_start3A_577 = tpu.memref_squeeze %dma_start3A_576 : memref<1x80x64xf32, #tpu.memory_space<hbm>> -> memref<80x64xf32, #tpu.memory_space<hbm>>
      %dma_start3A_578 = arith.constant 0 : i32
      %dma_start3A_579 = tpu.memref_slice %arg5[%arg0, %add3A_561, %dma_start3A_578] : memref<2x10240x64xf32, #tpu.memory_space<hbm>> -> memref<1x80x64xf32, #tpu.memory_space<hbm>>
      %dma_start3A_580 = tpu.memref_squeeze %dma_start3A_579 : memref<1x80x64xf32, #tpu.memory_space<hbm>> -> memref<80x64xf32, #tpu.memory_space<hbm>>
      tpu.enqueue_dma source(%arg8 : memref<80x64xf32, #tpu.memory_space<vmem>>) target(%dma_start3A_580 : memref<80x64xf32, #tpu.memory_space<hbm>>) target_semaphore(%run_scoped3A_574 : memref<!tpu.dma_semaphore, #tpu.memory_space<semaphore_mem>>)
      %dma_wait3A_581 = arith.constant 0 : i32
      %dma_wait3A_582 = tpu.memref_slice %arg5[%arg0, %add3A_561, %dma_wait3A_581] : memref<2x10240x64xf32, #tpu.memory_space<hbm>> -> memref<1x80x64xf32, #tpu.memory_space<hbm>>
      %dma_wait3A_583 = tpu.memref_squeeze %dma_wait3A_582 : memref<1x80x64xf32, #tpu.memory_space<hbm>> -> memref<80x64xf32, #tpu.memory_space<hbm>>
      %dma_wait3A_584 = arith.constant 0 : i32
      %dma_wait3A_585 = tpu.memref_slice %arg5[%arg0, %add3A_561, %dma_wait3A_584] : memref<2x10240x64xf32, #tpu.memory_space<hbm>> -> memref<1x80x64xf32, #tpu.memory_space<hbm>>
      %dma_wait3A_586 = tpu.memref_squeeze %dma_wait3A_585 : memref<1x80x64xf32, #tpu.memory_space<hbm>> -> memref<80x64xf32, #tpu.memory_space<hbm>>
      tpu.wait_dma2 semaphore(%run_scoped3A_574 : memref<!tpu.dma_semaphore, #tpu.memory_space<semaphore_mem>>) src(%arg8 : memref<80x64xf32, #tpu.memory_space<vmem>>) dst(%dma_wait3A_586 : memref<80x64xf32, #tpu.memory_space<hbm>>)
      tpu.yield
    }) : () -> ()
    %add3A_562 = arith.constant 400 : i32
    %add3A_563 = arith.addi %multiple_of3A, %add3A_562 : i32
    "tpu.region"() ({
      %run_scoped3A_574 = tpu.sem_alloc : memref<!tpu.dma_semaphore, #tpu.memory_space<semaphore_mem>>
      %dma_start3A_575 = arith.constant 0 : i32
      %dma_start3A_576 = tpu.memref_slice %arg11[%add3A_563, %dma_start3A_575] : memref<10240x64xf32, #tpu.memory_space<vmem_shared>> -> memref<80x64xf32, #tpu.memory_space<vmem_shared>>
      %dma_start3A_577 = arith.constant 0 : i32
      %dma_start3A_578 = tpu.memref_slice %arg11[%add3A_563, %dma_start3A_577] : memref<10240x64xf32, #tpu.memory_space<vmem_shared>> -> memref<80x64xf32, #tpu.memory_space<vmem_shared>>
      tpu.enqueue_dma source(%dma_start3A_578 : memref<80x64xf32, #tpu.memory_space<vmem_shared>>) target(%arg8 : memref<80x64xf32, #tpu.memory_space<vmem>>) target_semaphore(%run_scoped3A_574 : memref<!tpu.dma_semaphore, #tpu.memory_space<semaphore_mem>>)
      %dma_wait3A_579 = arith.constant 0 : i32
      %dma_wait3A_580 = tpu.memref_slice %arg11[%add3A_563, %dma_wait3A_579] : memref<10240x64xf32, #tpu.memory_space<vmem_shared>> -> memref<80x64xf32, #tpu.memory_space<vmem_shared>>
      %dma_wait3A_581 = arith.constant 0 : i32
      %dma_wait3A_582 = tpu.memref_slice %arg11[%add3A_563, %dma_wait3A_581] : memref<10240x64xf32, #tpu.memory_space<vmem_shared>> -> memref<80x64xf32, #tpu.memory_space<vmem_shared>>
      tpu.wait_dma2 semaphore(%run_scoped3A_574 : memref<!tpu.dma_semaphore, #tpu.memory_space<semaphore_mem>>) src(%dma_wait3A_582 : memref<80x64xf32, #tpu.memory_space<vmem_shared>>) dst(%arg8 : memref<80x64xf32, #tpu.memory_space<vmem>>)
      tpu.yield
    }) : () -> ()
    %add3A_564 = arith.constant 400 : i32
    %add3A_565 = arith.addi %multiple_of3A, %add3A_564 : i32
    "tpu.region"() ({
      %run_scoped3A_574 = tpu.sem_alloc : memref<!tpu.dma_semaphore, #tpu.memory_space<semaphore_mem>>
      %dma_start3A_575 = arith.constant 0 : i32
      %dma_start3A_576 = tpu.memref_slice %arg5[%arg0, %add3A_565, %dma_start3A_575] : memref<2x10240x64xf32, #tpu.memory_space<hbm>> -> memref<1x80x64xf32, #tpu.memory_space<hbm>>
      %dma_start3A_577 = tpu.memref_squeeze %dma_start3A_576 : memref<1x80x64xf32, #tpu.memory_space<hbm>> -> memref<80x64xf32, #tpu.memory_space<hbm>>
      %dma_start3A_578 = arith.constant 0 : i32
      %dma_start3A_579 = tpu.memref_slice %arg5[%arg0, %add3A_565, %dma_start3A_578] : memref<2x10240x64xf32, #tpu.memory_space<hbm>> -> memref<1x80x64xf32, #tpu.memory_space<hbm>>
      %dma_start3A_580 = tpu.memref_squeeze %dma_start3A_579 : memref<1x80x64xf32, #tpu.memory_space<hbm>> -> memref<80x64xf32, #tpu.memory_space<hbm>>
      tpu.enqueue_dma source(%arg8 : memref<80x64xf32, #tpu.memory_space<vmem>>) target(%dma_start3A_580 : memref<80x64xf32, #tpu.memory_space<hbm>>) target_semaphore(%run_scoped3A_574 : memref<!tpu.dma_semaphore, #tpu.memory_space<semaphore_mem>>)
      %dma_wait3A_581 = arith.constant 0 : i32
      %dma_wait3A_582 = tpu.memref_slice %arg5[%arg0, %add3A_565, %dma_wait3A_581] : memref<2x10240x64xf32, #tpu.memory_space<hbm>> -> memref<1x80x64xf32, #tpu.memory_space<hbm>>
      %dma_wait3A_583 = tpu.memref_squeeze %dma_wait3A_582 : memref<1x80x64xf32, #tpu.memory_space<hbm>> -> memref<80x64xf32, #tpu.memory_space<hbm>>
      %dma_wait3A_584 = arith.constant 0 : i32
      %dma_wait3A_585 = tpu.memref_slice %arg5[%arg0, %add3A_565, %dma_wait3A_584] : memref<2x10240x64xf32, #tpu.memory_space<hbm>> -> memref<1x80x64xf32, #tpu.memory_space<hbm>>
      %dma_wait3A_586 = tpu.memref_squeeze %dma_wait3A_585 : memref<1x80x64xf32, #tpu.memory_space<hbm>> -> memref<80x64xf32, #tpu.memory_space<hbm>>
      tpu.wait_dma2 semaphore(%run_scoped3A_574 : memref<!tpu.dma_semaphore, #tpu.memory_space<semaphore_mem>>) src(%arg8 : memref<80x64xf32, #tpu.memory_space<vmem>>) dst(%dma_wait3A_586 : memref<80x64xf32, #tpu.memory_space<hbm>>)
      tpu.yield
    }) : () -> ()
    %add3A_566 = arith.constant 480 : i32
    %add3A_567 = arith.addi %multiple_of3A, %add3A_566 : i32
    "tpu.region"() ({
      %run_scoped3A_574 = tpu.sem_alloc : memref<!tpu.dma_semaphore, #tpu.memory_space<semaphore_mem>>
      %dma_start3A_575 = arith.constant 0 : i32
      %dma_start3A_576 = tpu.memref_slice %arg11[%add3A_567, %dma_start3A_575] : memref<10240x64xf32, #tpu.memory_space<vmem_shared>> -> memref<80x64xf32, #tpu.memory_space<vmem_shared>>
      %dma_start3A_577 = arith.constant 0 : i32
      %dma_start3A_578 = tpu.memref_slice %arg11[%add3A_567, %dma_start3A_577] : memref<10240x64xf32, #tpu.memory_space<vmem_shared>> -> memref<80x64xf32, #tpu.memory_space<vmem_shared>>
      tpu.enqueue_dma source(%dma_start3A_578 : memref<80x64xf32, #tpu.memory_space<vmem_shared>>) target(%arg8 : memref<80x64xf32, #tpu.memory_space<vmem>>) target_semaphore(%run_scoped3A_574 : memref<!tpu.dma_semaphore, #tpu.memory_space<semaphore_mem>>)
      %dma_wait3A_579 = arith.constant 0 : i32
      %dma_wait3A_580 = tpu.memref_slice %arg11[%add3A_567, %dma_wait3A_579] : memref<10240x64xf32, #tpu.memory_space<vmem_shared>> -> memref<80x64xf32, #tpu.memory_space<vmem_shared>>
      %dma_wait3A_581 = arith.constant 0 : i32
      %dma_wait3A_582 = tpu.memref_slice %arg11[%add3A_567, %dma_wait3A_581] : memref<10240x64xf32, #tpu.memory_space<vmem_shared>> -> memref<80x64xf32, #tpu.memory_space<vmem_shared>>
      tpu.wait_dma2 semaphore(%run_scoped3A_574 : memref<!tpu.dma_semaphore, #tpu.memory_space<semaphore_mem>>) src(%dma_wait3A_582 : memref<80x64xf32, #tpu.memory_space<vmem_shared>>) dst(%arg8 : memref<80x64xf32, #tpu.memory_space<vmem>>)
      tpu.yield
    }) : () -> ()
    %add3A_568 = arith.constant 480 : i32
    %add3A_569 = arith.addi %multiple_of3A, %add3A_568 : i32
    "tpu.region"() ({
      %run_scoped3A_574 = tpu.sem_alloc : memref<!tpu.dma_semaphore, #tpu.memory_space<semaphore_mem>>
      %dma_start3A_575 = arith.constant 0 : i32
      %dma_start3A_576 = tpu.memref_slice %arg5[%arg0, %add3A_569, %dma_start3A_575] : memref<2x10240x64xf32, #tpu.memory_space<hbm>> -> memref<1x80x64xf32, #tpu.memory_space<hbm>>
      %dma_start3A_577 = tpu.memref_squeeze %dma_start3A_576 : memref<1x80x64xf32, #tpu.memory_space<hbm>> -> memref<80x64xf32, #tpu.memory_space<hbm>>
      %dma_start3A_578 = arith.constant 0 : i32
      %dma_start3A_579 = tpu.memref_slice %arg5[%arg0, %add3A_569, %dma_start3A_578] : memref<2x10240x64xf32, #tpu.memory_space<hbm>> -> memref<1x80x64xf32, #tpu.memory_space<hbm>>
      %dma_start3A_580 = tpu.memref_squeeze %dma_start3A_579 : memref<1x80x64xf32, #tpu.memory_space<hbm>> -> memref<80x64xf32, #tpu.memory_space<hbm>>
      tpu.enqueue_dma source(%arg8 : memref<80x64xf32, #tpu.memory_space<vmem>>) target(%dma_start3A_580 : memref<80x64xf32, #tpu.memory_space<hbm>>) target_semaphore(%run_scoped3A_574 : memref<!tpu.dma_semaphore, #tpu.memory_space<semaphore_mem>>)
      %dma_wait3A_581 = arith.constant 0 : i32
      %dma_wait3A_582 = tpu.memref_slice %arg5[%arg0, %add3A_569, %dma_wait3A_581] : memref<2x10240x64xf32, #tpu.memory_space<hbm>> -> memref<1x80x64xf32, #tpu.memory_space<hbm>>
      %dma_wait3A_583 = tpu.memref_squeeze %dma_wait3A_582 : memref<1x80x64xf32, #tpu.memory_space<hbm>> -> memref<80x64xf32, #tpu.memory_space<hbm>>
      %dma_wait3A_584 = arith.constant 0 : i32
      %dma_wait3A_585 = tpu.memref_slice %arg5[%arg0, %add3A_569, %dma_wait3A_584] : memref<2x10240x64xf32, #tpu.memory_space<hbm>> -> memref<1x80x64xf32, #tpu.memory_space<hbm>>
      %dma_wait3A_586 = tpu.memref_squeeze %dma_wait3A_585 : memref<1x80x64xf32, #tpu.memory_space<hbm>> -> memref<80x64xf32, #tpu.memory_space<hbm>>
      tpu.wait_dma2 semaphore(%run_scoped3A_574 : memref<!tpu.dma_semaphore, #tpu.memory_space<semaphore_mem>>) src(%arg8 : memref<80x64xf32, #tpu.memory_space<vmem>>) dst(%dma_wait3A_586 : memref<80x64xf32, #tpu.memory_space<hbm>>)
      tpu.yield
    }) : () -> ()
    %add3A_570 = arith.constant 560 : i32
    %add3A_571 = arith.addi %multiple_of3A, %add3A_570 : i32
    "tpu.region"() ({
      %run_scoped3A_574 = tpu.sem_alloc : memref<!tpu.dma_semaphore, #tpu.memory_space<semaphore_mem>>
      %dma_start3A_575 = arith.constant 0 : i32
      %dma_start3A_576 = tpu.memref_slice %arg11[%add3A_571, %dma_start3A_575] : memref<10240x64xf32, #tpu.memory_space<vmem_shared>> -> memref<80x64xf32, #tpu.memory_space<vmem_shared>>
      %dma_start3A_577 = arith.constant 0 : i32
      %dma_start3A_578 = tpu.memref_slice %arg11[%add3A_571, %dma_start3A_577] : memref<10240x64xf32, #tpu.memory_space<vmem_shared>> -> memref<80x64xf32, #tpu.memory_space<vmem_shared>>
      tpu.enqueue_dma source(%dma_start3A_578 : memref<80x64xf32, #tpu.memory_space<vmem_shared>>) target(%arg8 : memref<80x64xf32, #tpu.memory_space<vmem>>) target_semaphore(%run_scoped3A_574 : memref<!tpu.dma_semaphore, #tpu.memory_space<semaphore_mem>>)
      %dma_wait3A_579 = arith.constant 0 : i32
      %dma_wait3A_580 = tpu.memref_slice %arg11[%add3A_571, %dma_wait3A_579] : memref<10240x64xf32, #tpu.memory_space<vmem_shared>> -> memref<80x64xf32, #tpu.memory_space<vmem_shared>>
      %dma_wait3A_581 = arith.constant 0 : i32
      %dma_wait3A_582 = tpu.memref_slice %arg11[%add3A_571, %dma_wait3A_581] : memref<10240x64xf32, #tpu.memory_space<vmem_shared>> -> memref<80x64xf32, #tpu.memory_space<vmem_shared>>
      tpu.wait_dma2 semaphore(%run_scoped3A_574 : memref<!tpu.dma_semaphore, #tpu.memory_space<semaphore_mem>>) src(%dma_wait3A_582 : memref<80x64xf32, #tpu.memory_space<vmem_shared>>) dst(%arg8 : memref<80x64xf32, #tpu.memory_space<vmem>>)
      tpu.yield
    }) : () -> ()
    %add3A_572 = arith.constant 560 : i32
    %add3A_573 = arith.addi %multiple_of3A, %add3A_572 : i32
    "tpu.region"() ({
      %run_scoped3A_574 = tpu.sem_alloc : memref<!tpu.dma_semaphore, #tpu.memory_space<semaphore_mem>>
      %dma_start3A_575 = arith.constant 0 : i32
      %dma_start3A_576 = tpu.memref_slice %arg5[%arg0, %add3A_573, %dma_start3A_575] : memref<2x10240x64xf32, #tpu.memory_space<hbm>> -> memref<1x80x64xf32, #tpu.memory_space<hbm>>
      %dma_start3A_577 = tpu.memref_squeeze %dma_start3A_576 : memref<1x80x64xf32, #tpu.memory_space<hbm>> -> memref<80x64xf32, #tpu.memory_space<hbm>>
      %dma_start3A_578 = arith.constant 0 : i32
      %dma_start3A_579 = tpu.memref_slice %arg5[%arg0, %add3A_573, %dma_start3A_578] : memref<2x10240x64xf32, #tpu.memory_space<hbm>> -> memref<1x80x64xf32, #tpu.memory_space<hbm>>
      %dma_start3A_580 = tpu.memref_squeeze %dma_start3A_579 : memref<1x80x64xf32, #tpu.memory_space<hbm>> -> memref<80x64xf32, #tpu.memory_space<hbm>>
      tpu.enqueue_dma source(%arg8 : memref<80x64xf32, #tpu.memory_space<vmem>>) target(%dma_start3A_580 : memref<80x64xf32, #tpu.memory_space<hbm>>) target_semaphore(%run_scoped3A_574 : memref<!tpu.dma_semaphore, #tpu.memory_space<semaphore_mem>>)
      %dma_wait3A_581 = arith.constant 0 : i32
      %dma_wait3A_582 = tpu.memref_slice %arg5[%arg0, %add3A_573, %dma_wait3A_581] : memref<2x10240x64xf32, #tpu.memory_space<hbm>> -> memref<1x80x64xf32, #tpu.memory_space<hbm>>
      %dma_wait3A_583 = tpu.memref_squeeze %dma_wait3A_582 : memref<1x80x64xf32, #tpu.memory_space<hbm>> -> memref<80x64xf32, #tpu.memory_space<hbm>>
      %dma_wait3A_584 = arith.constant 0 : i32
      %dma_wait3A_585 = tpu.memref_slice %arg5[%arg0, %add3A_573, %dma_wait3A_584] : memref<2x10240x64xf32, #tpu.memory_space<hbm>> -> memref<1x80x64xf32, #tpu.memory_space<hbm>>
      %dma_wait3A_586 = tpu.memref_squeeze %dma_wait3A_585 : memref<1x80x64xf32, #tpu.memory_space<hbm>> -> memref<80x64xf32, #tpu.memory_space<hbm>>
      tpu.wait_dma2 semaphore(%run_scoped3A_574 : memref<!tpu.dma_semaphore, #tpu.memory_space<semaphore_mem>>) src(%arg8 : memref<80x64xf32, #tpu.memory_space<vmem>>) dst(%dma_wait3A_586 : memref<80x64xf32, #tpu.memory_space<hbm>>)
      tpu.yield
    }) : () -> ()
    return
  }
}

#map = affine_map<(d0, d1) -> (0, 0, 0)>
#map1 = affine_map<(d0, d1) -> (0)>
module attributes {stable_mosaic.version = 14 : i64} {
  func.func @_deg_body(%arg0: i32, %arg1: i32, %arg2: memref<32x125x80xi32, #tpu.memory_space<hbm>>, %arg3: memref<20480xf32, #tpu.memory_space<hbm>>, %arg4: memref<125x80xi32, #tpu.memory_space<vmem>>, %arg5: memref<80xf32, #tpu.memory_space<vmem>>, %arg6: memref<80xf32, #tpu.memory_space<vmem>>, %arg7: memref<10240xf32, #tpu.memory_space<vmem_shared>>) attributes {dimension_semantics = [#tpu.dimension_semantics<core_parallel>, #tpu.dimension_semantics<subcore_parallel>], iteration_bounds = array<i64: 2, 16>, scalar_prefetch = 0 : i64, scratch_operands = 4 : i64, tpu.core_type = #tpu.core_type<sc_vector_subcore>, window_params = [{transform_indices = #map}, {transform_indices = #map1}]} {
    %mul3A = arith.constant 16 : i32
    %mul3A_0 = arith.muli %arg0, %mul3A : i32
    %add3A = arith.addi %mul3A_0, %arg1 : i32
    %broadcast_in_dim3A = arith.constant 1.000000e+00 : f32
    %broadcast_in_dim3A_1 = vector.broadcast %broadcast_in_dim3A : f32 to vector<16xf32>
    %swap3A = arith.constant 0 : index
    %swap3A_2 = tpu.vector_load %arg5[%swap3A] {strides = array<i32>} : memref<80xf32, #tpu.memory_space<vmem>>, vector<16xf32>,
    %swap3A_3 = vector.shape_cast %swap3A_2 : vector<16xf32> to vector<16xf32>
    %swap3A_4 = vector.shape_cast %broadcast_in_dim3A_1 : vector<16xf32> to vector<16xf32>
    tpu.vector_store %arg5[%swap3A], %swap3A_4 {strides = array<i32>} : memref<80xf32, #tpu.memory_space<vmem>>, vector<16xf32>,
    %broadcast_in_dim3A_5 = arith.constant 0.000000e+00 : f32
    %broadcast_in_dim3A_6 = vector.broadcast %broadcast_in_dim3A_5 : f32 to vector<16xf32>
    %swap3A_7 = arith.constant 0 : index
    %swap3A_8 = tpu.vector_load %arg6[%swap3A_7] {strides = array<i32>} : memref<80xf32, #tpu.memory_space<vmem>>, vector<16xf32>,
    %swap3A_9 = vector.shape_cast %swap3A_8 : vector<16xf32> to vector<16xf32>
    %swap3A_10 = vector.shape_cast %broadcast_in_dim3A_6 : vector<16xf32> to vector<16xf32>
    tpu.vector_store %arg6[%swap3A_7], %swap3A_10 {strides = array<i32>} : memref<80xf32, #tpu.memory_space<vmem>>, vector<16xf32>,
    %broadcast_in_dim3A_11 = arith.constant 1.000000e+00 : f32
    %broadcast_in_dim3A_12 = vector.broadcast %broadcast_in_dim3A_11 : f32 to vector<16xf32>
    %swap3A_13 = arith.constant 16 : index
    %swap3A_14 = tpu.vector_load %arg5[%swap3A_13] {strides = array<i32>} : memref<80xf32, #tpu.memory_space<vmem>>, vector<16xf32>,
    %swap3A_15 = vector.shape_cast %swap3A_14 : vector<16xf32> to vector<16xf32>
    %swap3A_16 = vector.shape_cast %broadcast_in_dim3A_12 : vector<16xf32> to vector<16xf32>
    tpu.vector_store %arg5[%swap3A_13], %swap3A_16 {strides = array<i32>} : memref<80xf32, #tpu.memory_space<vmem>>, vector<16xf32>,
    %broadcast_in_dim3A_17 = arith.constant 0.000000e+00 : f32
    %broadcast_in_dim3A_18 = vector.broadcast %broadcast_in_dim3A_17 : f32 to vector<16xf32>
    %swap3A_19 = arith.constant 16 : index
    %swap3A_20 = tpu.vector_load %arg6[%swap3A_19] {strides = array<i32>} : memref<80xf32, #tpu.memory_space<vmem>>, vector<16xf32>,
    %swap3A_21 = vector.shape_cast %swap3A_20 : vector<16xf32> to vector<16xf32>
    %swap3A_22 = vector.shape_cast %broadcast_in_dim3A_18 : vector<16xf32> to vector<16xf32>
    tpu.vector_store %arg6[%swap3A_19], %swap3A_22 {strides = array<i32>} : memref<80xf32, #tpu.memory_space<vmem>>, vector<16xf32>,
    %broadcast_in_dim3A_23 = arith.constant 1.000000e+00 : f32
    %broadcast_in_dim3A_24 = vector.broadcast %broadcast_in_dim3A_23 : f32 to vector<16xf32>
    %swap3A_25 = arith.constant 32 : index
    %swap3A_26 = tpu.vector_load %arg5[%swap3A_25] {strides = array<i32>} : memref<80xf32, #tpu.memory_space<vmem>>, vector<16xf32>,
    %swap3A_27 = vector.shape_cast %swap3A_26 : vector<16xf32> to vector<16xf32>
    %swap3A_28 = vector.shape_cast %broadcast_in_dim3A_24 : vector<16xf32> to vector<16xf32>
    tpu.vector_store %arg5[%swap3A_25], %swap3A_28 {strides = array<i32>} : memref<80xf32, #tpu.memory_space<vmem>>, vector<16xf32>,
    %broadcast_in_dim3A_29 = arith.constant 0.000000e+00 : f32
    %broadcast_in_dim3A_30 = vector.broadcast %broadcast_in_dim3A_29 : f32 to vector<16xf32>
    %swap3A_31 = arith.constant 32 : index
    %swap3A_32 = tpu.vector_load %arg6[%swap3A_31] {strides = array<i32>} : memref<80xf32, #tpu.memory_space<vmem>>, vector<16xf32>,
    %swap3A_33 = vector.shape_cast %swap3A_32 : vector<16xf32> to vector<16xf32>
    %swap3A_34 = vector.shape_cast %broadcast_in_dim3A_30 : vector<16xf32> to vector<16xf32>
    tpu.vector_store %arg6[%swap3A_31], %swap3A_34 {strides = array<i32>} : memref<80xf32, #tpu.memory_space<vmem>>, vector<16xf32>,
    %broadcast_in_dim3A_35 = arith.constant 1.000000e+00 : f32
    %broadcast_in_dim3A_36 = vector.broadcast %broadcast_in_dim3A_35 : f32 to vector<16xf32>
    %swap3A_37 = arith.constant 48 : index
    %swap3A_38 = tpu.vector_load %arg5[%swap3A_37] {strides = array<i32>} : memref<80xf32, #tpu.memory_space<vmem>>, vector<16xf32>,
    %swap3A_39 = vector.shape_cast %swap3A_38 : vector<16xf32> to vector<16xf32>
    %swap3A_40 = vector.shape_cast %broadcast_in_dim3A_36 : vector<16xf32> to vector<16xf32>
    tpu.vector_store %arg5[%swap3A_37], %swap3A_40 {strides = array<i32>} : memref<80xf32, #tpu.memory_space<vmem>>, vector<16xf32>,
    %broadcast_in_dim3A_41 = arith.constant 0.000000e+00 : f32
    %broadcast_in_dim3A_42 = vector.broadcast %broadcast_in_dim3A_41 : f32 to vector<16xf32>
    %swap3A_43 = arith.constant 48 : index
    %swap3A_44 = tpu.vector_load %arg6[%swap3A_43] {strides = array<i32>} : memref<80xf32, #tpu.memory_space<vmem>>, vector<16xf32>,
    %swap3A_45 = vector.shape_cast %swap3A_44 : vector<16xf32> to vector<16xf32>
    %swap3A_46 = vector.shape_cast %broadcast_in_dim3A_42 : vector<16xf32> to vector<16xf32>
    tpu.vector_store %arg6[%swap3A_43], %swap3A_46 {strides = array<i32>} : memref<80xf32, #tpu.memory_space<vmem>>, vector<16xf32>,
    %broadcast_in_dim3A_47 = arith.constant 1.000000e+00 : f32
    %broadcast_in_dim3A_48 = vector.broadcast %broadcast_in_dim3A_47 : f32 to vector<16xf32>
    %swap3A_49 = arith.constant 64 : index
    %swap3A_50 = tpu.vector_load %arg5[%swap3A_49] {strides = array<i32>} : memref<80xf32, #tpu.memory_space<vmem>>, vector<16xf32>,
    %swap3A_51 = vector.shape_cast %swap3A_50 : vector<16xf32> to vector<16xf32>
    %swap3A_52 = vector.shape_cast %broadcast_in_dim3A_48 : vector<16xf32> to vector<16xf32>
    tpu.vector_store %arg5[%swap3A_49], %swap3A_52 {strides = array<i32>} : memref<80xf32, #tpu.memory_space<vmem>>, vector<16xf32>,
    %broadcast_in_dim3A_53 = arith.constant 0.000000e+00 : f32
    %broadcast_in_dim3A_54 = vector.broadcast %broadcast_in_dim3A_53 : f32 to vector<16xf32>
    %swap3A_55 = arith.constant 64 : index
    %swap3A_56 = tpu.vector_load %arg6[%swap3A_55] {strides = array<i32>} : memref<80xf32, #tpu.memory_space<vmem>>, vector<16xf32>,
    %swap3A_57 = vector.shape_cast %swap3A_56 : vector<16xf32> to vector<16xf32>
    %swap3A_58 = vector.shape_cast %broadcast_in_dim3A_54 : vector<16xf32> to vector<16xf32>
    tpu.vector_store %arg6[%swap3A_55], %swap3A_58 {strides = array<i32>} : memref<80xf32, #tpu.memory_space<vmem>>, vector<16xf32>,
    %mul3A_59 = arith.constant 640 : i32
    %mul3A_60 = arith.muli %arg1, %mul3A_59 : i32
    %multiple_of3A = tpu.assume_multiple %mul3A_60, 8 : i32
    %add3A_61 = arith.constant 0 : i32
    %add3A_62 = arith.addi %multiple_of3A, %add3A_61 : i32
    "tpu.region"() ({
      %run_scoped3A = tpu.sem_alloc : memref<!tpu.dma_semaphore, #tpu.memory_space<semaphore_mem>>
      %dma_start3A = tpu.memref_slice %arg7[%add3A_62] : memref<10240xf32, #tpu.memory_space<vmem_shared>> -> memref<80xf32, #tpu.memory_space<vmem_shared>>
      %dma_start3A_138 = tpu.memref_slice %arg7[%add3A_62] : memref<10240xf32, #tpu.memory_space<vmem_shared>> -> memref<80xf32, #tpu.memory_space<vmem_shared>>
      tpu.enqueue_dma source(%arg6 : memref<80xf32, #tpu.memory_space<vmem>>) target(%dma_start3A_138 : memref<80xf32, #tpu.memory_space<vmem_shared>>) target_semaphore(%run_scoped3A : memref<!tpu.dma_semaphore, #tpu.memory_space<semaphore_mem>>)
      %dma_wait3A = tpu.memref_slice %arg7[%add3A_62] : memref<10240xf32, #tpu.memory_space<vmem_shared>> -> memref<80xf32, #tpu.memory_space<vmem_shared>>
      %dma_wait3A_139 = tpu.memref_slice %arg7[%add3A_62] : memref<10240xf32, #tpu.memory_space<vmem_shared>> -> memref<80xf32, #tpu.memory_space<vmem_shared>>
      tpu.wait_dma2 semaphore(%run_scoped3A : memref<!tpu.dma_semaphore, #tpu.memory_space<semaphore_mem>>) src(%arg6 : memref<80xf32, #tpu.memory_space<vmem>>) dst(%dma_wait3A_139 : memref<80xf32, #tpu.memory_space<vmem_shared>>)
      tpu.yield
    }) : () -> ()
    %add3A_63 = arith.constant 80 : i32
    %add3A_64 = arith.addi %multiple_of3A, %add3A_63 : i32
    "tpu.region"() ({
      %run_scoped3A = tpu.sem_alloc : memref<!tpu.dma_semaphore, #tpu.memory_space<semaphore_mem>>
      %dma_start3A = tpu.memref_slice %arg7[%add3A_64] : memref<10240xf32, #tpu.memory_space<vmem_shared>> -> memref<80xf32, #tpu.memory_space<vmem_shared>>
      %dma_start3A_138 = tpu.memref_slice %arg7[%add3A_64] : memref<10240xf32, #tpu.memory_space<vmem_shared>> -> memref<80xf32, #tpu.memory_space<vmem_shared>>
      tpu.enqueue_dma source(%arg6 : memref<80xf32, #tpu.memory_space<vmem>>) target(%dma_start3A_138 : memref<80xf32, #tpu.memory_space<vmem_shared>>) target_semaphore(%run_scoped3A : memref<!tpu.dma_semaphore, #tpu.memory_space<semaphore_mem>>)
      %dma_wait3A = tpu.memref_slice %arg7[%add3A_64] : memref<10240xf32, #tpu.memory_space<vmem_shared>> -> memref<80xf32, #tpu.memory_space<vmem_shared>>
      %dma_wait3A_139 = tpu.memref_slice %arg7[%add3A_64] : memref<10240xf32, #tpu.memory_space<vmem_shared>> -> memref<80xf32, #tpu.memory_space<vmem_shared>>
      tpu.wait_dma2 semaphore(%run_scoped3A : memref<!tpu.dma_semaphore, #tpu.memory_space<semaphore_mem>>) src(%arg6 : memref<80xf32, #tpu.memory_space<vmem>>) dst(%dma_wait3A_139 : memref<80xf32, #tpu.memory_space<vmem_shared>>)
      tpu.yield
    }) : () -> ()
    %add3A_65 = arith.constant 160 : i32
    %add3A_66 = arith.addi %multiple_of3A, %add3A_65 : i32
    "tpu.region"() ({
      %run_scoped3A = tpu.sem_alloc : memref<!tpu.dma_semaphore, #tpu.memory_space<semaphore_mem>>
      %dma_start3A = tpu.memref_slice %arg7[%add3A_66] : memref<10240xf32, #tpu.memory_space<vmem_shared>> -> memref<80xf32, #tpu.memory_space<vmem_shared>>
      %dma_start3A_138 = tpu.memref_slice %arg7[%add3A_66] : memref<10240xf32, #tpu.memory_space<vmem_shared>> -> memref<80xf32, #tpu.memory_space<vmem_shared>>
      tpu.enqueue_dma source(%arg6 : memref<80xf32, #tpu.memory_space<vmem>>) target(%dma_start3A_138 : memref<80xf32, #tpu.memory_space<vmem_shared>>) target_semaphore(%run_scoped3A : memref<!tpu.dma_semaphore, #tpu.memory_space<semaphore_mem>>)
      %dma_wait3A = tpu.memref_slice %arg7[%add3A_66] : memref<10240xf32, #tpu.memory_space<vmem_shared>> -> memref<80xf32, #tpu.memory_space<vmem_shared>>
      %dma_wait3A_139 = tpu.memref_slice %arg7[%add3A_66] : memref<10240xf32, #tpu.memory_space<vmem_shared>> -> memref<80xf32, #tpu.memory_space<vmem_shared>>
      tpu.wait_dma2 semaphore(%run_scoped3A : memref<!tpu.dma_semaphore, #tpu.memory_space<semaphore_mem>>) src(%arg6 : memref<80xf32, #tpu.memory_space<vmem>>) dst(%dma_wait3A_139 : memref<80xf32, #tpu.memory_space<vmem_shared>>)
      tpu.yield
    }) : () -> ()
    %add3A_67 = arith.constant 240 : i32
    %add3A_68 = arith.addi %multiple_of3A, %add3A_67 : i32
    "tpu.region"() ({
      %run_scoped3A = tpu.sem_alloc : memref<!tpu.dma_semaphore, #tpu.memory_space<semaphore_mem>>
      %dma_start3A = tpu.memref_slice %arg7[%add3A_68] : memref<10240xf32, #tpu.memory_space<vmem_shared>> -> memref<80xf32, #tpu.memory_space<vmem_shared>>
      %dma_start3A_138 = tpu.memref_slice %arg7[%add3A_68] : memref<10240xf32, #tpu.memory_space<vmem_shared>> -> memref<80xf32, #tpu.memory_space<vmem_shared>>
      tpu.enqueue_dma source(%arg6 : memref<80xf32, #tpu.memory_space<vmem>>) target(%dma_start3A_138 : memref<80xf32, #tpu.memory_space<vmem_shared>>) target_semaphore(%run_scoped3A : memref<!tpu.dma_semaphore, #tpu.memory_space<semaphore_mem>>)
      %dma_wait3A = tpu.memref_slice %arg7[%add3A_68] : memref<10240xf32, #tpu.memory_space<vmem_shared>> -> memref<80xf32, #tpu.memory_space<vmem_shared>>
      %dma_wait3A_139 = tpu.memref_slice %arg7[%add3A_68] : memref<10240xf32, #tpu.memory_space<vmem_shared>> -> memref<80xf32, #tpu.memory_space<vmem_shared>>
      tpu.wait_dma2 semaphore(%run_scoped3A : memref<!tpu.dma_semaphore, #tpu.memory_space<semaphore_mem>>) src(%arg6 : memref<80xf32, #tpu.memory_space<vmem>>) dst(%dma_wait3A_139 : memref<80xf32, #tpu.memory_space<vmem_shared>>)
      tpu.yield
    }) : () -> ()
    %add3A_69 = arith.constant 320 : i32
    %add3A_70 = arith.addi %multiple_of3A, %add3A_69 : i32
    "tpu.region"() ({
      %run_scoped3A = tpu.sem_alloc : memref<!tpu.dma_semaphore, #tpu.memory_space<semaphore_mem>>
      %dma_start3A = tpu.memref_slice %arg7[%add3A_70] : memref<10240xf32, #tpu.memory_space<vmem_shared>> -> memref<80xf32, #tpu.memory_space<vmem_shared>>
      %dma_start3A_138 = tpu.memref_slice %arg7[%add3A_70] : memref<10240xf32, #tpu.memory_space<vmem_shared>> -> memref<80xf32, #tpu.memory_space<vmem_shared>>
      tpu.enqueue_dma source(%arg6 : memref<80xf32, #tpu.memory_space<vmem>>) target(%dma_start3A_138 : memref<80xf32, #tpu.memory_space<vmem_shared>>) target_semaphore(%run_scoped3A : memref<!tpu.dma_semaphore, #tpu.memory_space<semaphore_mem>>)
      %dma_wait3A = tpu.memref_slice %arg7[%add3A_70] : memref<10240xf32, #tpu.memory_space<vmem_shared>> -> memref<80xf32, #tpu.memory_space<vmem_shared>>
      %dma_wait3A_139 = tpu.memref_slice %arg7[%add3A_70] : memref<10240xf32, #tpu.memory_space<vmem_shared>> -> memref<80xf32, #tpu.memory_space<vmem_shared>>
      tpu.wait_dma2 semaphore(%run_scoped3A : memref<!tpu.dma_semaphore, #tpu.memory_space<semaphore_mem>>) src(%arg6 : memref<80xf32, #tpu.memory_space<vmem>>) dst(%dma_wait3A_139 : memref<80xf32, #tpu.memory_space<vmem_shared>>)
      tpu.yield
    }) : () -> ()
    %add3A_71 = arith.constant 400 : i32
    %add3A_72 = arith.addi %multiple_of3A, %add3A_71 : i32
    "tpu.region"() ({
      %run_scoped3A = tpu.sem_alloc : memref<!tpu.dma_semaphore, #tpu.memory_space<semaphore_mem>>
      %dma_start3A = tpu.memref_slice %arg7[%add3A_72] : memref<10240xf32, #tpu.memory_space<vmem_shared>> -> memref<80xf32, #tpu.memory_space<vmem_shared>>
      %dma_start3A_138 = tpu.memref_slice %arg7[%add3A_72] : memref<10240xf32, #tpu.memory_space<vmem_shared>> -> memref<80xf32, #tpu.memory_space<vmem_shared>>
      tpu.enqueue_dma source(%arg6 : memref<80xf32, #tpu.memory_space<vmem>>) target(%dma_start3A_138 : memref<80xf32, #tpu.memory_space<vmem_shared>>) target_semaphore(%run_scoped3A : memref<!tpu.dma_semaphore, #tpu.memory_space<semaphore_mem>>)
      %dma_wait3A = tpu.memref_slice %arg7[%add3A_72] : memref<10240xf32, #tpu.memory_space<vmem_shared>> -> memref<80xf32, #tpu.memory_space<vmem_shared>>
      %dma_wait3A_139 = tpu.memref_slice %arg7[%add3A_72] : memref<10240xf32, #tpu.memory_space<vmem_shared>> -> memref<80xf32, #tpu.memory_space<vmem_shared>>
      tpu.wait_dma2 semaphore(%run_scoped3A : memref<!tpu.dma_semaphore, #tpu.memory_space<semaphore_mem>>) src(%arg6 : memref<80xf32, #tpu.memory_space<vmem>>) dst(%dma_wait3A_139 : memref<80xf32, #tpu.memory_space<vmem_shared>>)
      tpu.yield
    }) : () -> ()
    %add3A_73 = arith.constant 480 : i32
    %add3A_74 = arith.addi %multiple_of3A, %add3A_73 : i32
    "tpu.region"() ({
      %run_scoped3A = tpu.sem_alloc : memref<!tpu.dma_semaphore, #tpu.memory_space<semaphore_mem>>
      %dma_start3A = tpu.memref_slice %arg7[%add3A_74] : memref<10240xf32, #tpu.memory_space<vmem_shared>> -> memref<80xf32, #tpu.memory_space<vmem_shared>>
      %dma_start3A_138 = tpu.memref_slice %arg7[%add3A_74] : memref<10240xf32, #tpu.memory_space<vmem_shared>> -> memref<80xf32, #tpu.memory_space<vmem_shared>>
      tpu.enqueue_dma source(%arg6 : memref<80xf32, #tpu.memory_space<vmem>>) target(%dma_start3A_138 : memref<80xf32, #tpu.memory_space<vmem_shared>>) target_semaphore(%run_scoped3A : memref<!tpu.dma_semaphore, #tpu.memory_space<semaphore_mem>>)
      %dma_wait3A = tpu.memref_slice %arg7[%add3A_74] : memref<10240xf32, #tpu.memory_space<vmem_shared>> -> memref<80xf32, #tpu.memory_space<vmem_shared>>
      %dma_wait3A_139 = tpu.memref_slice %arg7[%add3A_74] : memref<10240xf32, #tpu.memory_space<vmem_shared>> -> memref<80xf32, #tpu.memory_space<vmem_shared>>
      tpu.wait_dma2 semaphore(%run_scoped3A : memref<!tpu.dma_semaphore, #tpu.memory_space<semaphore_mem>>) src(%arg6 : memref<80xf32, #tpu.memory_space<vmem>>) dst(%dma_wait3A_139 : memref<80xf32, #tpu.memory_space<vmem_shared>>)
      tpu.yield
    }) : () -> ()
    %add3A_75 = arith.constant 560 : i32
    %add3A_76 = arith.addi %multiple_of3A, %add3A_75 : i32
    "tpu.region"() ({
      %run_scoped3A = tpu.sem_alloc : memref<!tpu.dma_semaphore, #tpu.memory_space<semaphore_mem>>
      %dma_start3A = tpu.memref_slice %arg7[%add3A_76] : memref<10240xf32, #tpu.memory_space<vmem_shared>> -> memref<80xf32, #tpu.memory_space<vmem_shared>>
      %dma_start3A_138 = tpu.memref_slice %arg7[%add3A_76] : memref<10240xf32, #tpu.memory_space<vmem_shared>> -> memref<80xf32, #tpu.memory_space<vmem_shared>>
      tpu.enqueue_dma source(%arg6 : memref<80xf32, #tpu.memory_space<vmem>>) target(%dma_start3A_138 : memref<80xf32, #tpu.memory_space<vmem_shared>>) target_semaphore(%run_scoped3A : memref<!tpu.dma_semaphore, #tpu.memory_space<semaphore_mem>>)
      %dma_wait3A = tpu.memref_slice %arg7[%add3A_76] : memref<10240xf32, #tpu.memory_space<vmem_shared>> -> memref<80xf32, #tpu.memory_space<vmem_shared>>
      %dma_wait3A_139 = tpu.memref_slice %arg7[%add3A_76] : memref<10240xf32, #tpu.memory_space<vmem_shared>> -> memref<80xf32, #tpu.memory_space<vmem_shared>>
      tpu.wait_dma2 semaphore(%run_scoped3A : memref<!tpu.dma_semaphore, #tpu.memory_space<semaphore_mem>>) src(%arg6 : memref<80xf32, #tpu.memory_space<vmem>>) dst(%dma_wait3A_139 : memref<80xf32, #tpu.memory_space<vmem_shared>>)
      tpu.yield
    }) : () -> ()
    "tpu.region"() ({
      %run_scoped3A = tpu.sem_alloc : memref<!tpu.dma_semaphore, #tpu.memory_space<semaphore_mem>>
      %dma_start3A = arith.constant 0 : i32
      %dma_start3A_138 = arith.constant 0 : i32
      %dma_start3A_139 = tpu.memref_slice %arg2[%add3A, %dma_start3A, %dma_start3A_138] : memref<32x125x80xi32, #tpu.memory_space<hbm>> -> memref<1x125x80xi32, #tpu.memory_space<hbm>>
      %dma_start3A_140 = tpu.memref_squeeze %dma_start3A_139 : memref<1x125x80xi32, #tpu.memory_space<hbm>> -> memref<125x80xi32, #tpu.memory_space<hbm>>
      %dma_start3A_141 = arith.constant 0 : i32
      %dma_start3A_142 = arith.constant 0 : i32
      %dma_start3A_143 = tpu.memref_slice %arg2[%add3A, %dma_start3A_141, %dma_start3A_142] : memref<32x125x80xi32, #tpu.memory_space<hbm>> -> memref<1x125x80xi32, #tpu.memory_space<hbm>>
      %dma_start3A_144 = tpu.memref_squeeze %dma_start3A_143 : memref<1x125x80xi32, #tpu.memory_space<hbm>> -> memref<125x80xi32, #tpu.memory_space<hbm>>
      tpu.enqueue_dma source(%dma_start3A_144 : memref<125x80xi32, #tpu.memory_space<hbm>>) target(%arg4 : memref<125x80xi32, #tpu.memory_space<vmem>>) target_semaphore(%run_scoped3A : memref<!tpu.dma_semaphore, #tpu.memory_space<semaphore_mem>>)
      %dma_wait3A = arith.constant 0 : i32
      %dma_wait3A_145 = arith.constant 0 : i32
      %dma_wait3A_146 = tpu.memref_slice %arg2[%add3A, %dma_wait3A, %dma_wait3A_145] : memref<32x125x80xi32, #tpu.memory_space<hbm>> -> memref<1x125x80xi32, #tpu.memory_space<hbm>>
      %dma_wait3A_147 = tpu.memref_squeeze %dma_wait3A_146 : memref<1x125x80xi32, #tpu.memory_space<hbm>> -> memref<125x80xi32, #tpu.memory_space<hbm>>
      %dma_wait3A_148 = arith.constant 0 : i32
      %dma_wait3A_149 = arith.constant 0 : i32
      %dma_wait3A_150 = tpu.memref_slice %arg2[%add3A, %dma_wait3A_148, %dma_wait3A_149] : memref<32x125x80xi32, #tpu.memory_space<hbm>> -> memref<1x125x80xi32, #tpu.memory_space<hbm>>
      %dma_wait3A_151 = tpu.memref_squeeze %dma_wait3A_150 : memref<1x125x80xi32, #tpu.memory_space<hbm>> -> memref<125x80xi32, #tpu.memory_space<hbm>>
      tpu.wait_dma2 semaphore(%run_scoped3A : memref<!tpu.dma_semaphore, #tpu.memory_space<semaphore_mem>>) src(%dma_wait3A_151 : memref<125x80xi32, #tpu.memory_space<hbm>>) dst(%arg4 : memref<125x80xi32, #tpu.memory_space<vmem>>)
      tpu.yield
    }) : () -> ()
    %barrier3A = arith.constant 0 : index
    tpu.barrier barrier_id(%barrier3A)
    %scan3A = arith.constant 0 : i32
    %scan3A_77 = arith.constant 125 : i32
    %scan3A_78 = arith.addi %scan3A, %scan3A_77 : i32
    %scan3A_79 = arith.constant 1 : i32
    scf.for %scan3A_138 = %scan3A to %scan3A_78 step %scan3A_79  : i32 {
      %mul3A_139 = arith.constant 1 : i32
      %mul3A_140 = arith.muli %scan3A_138, %mul3A_139 : i32
      %add3A_141 = arith.constant 0 : i32
      %add3A_142 = arith.addi %add3A_141, %mul3A_140 : i32
      "tpu.region"() ({
        %run_scoped3A = tpu.sem_alloc : memref<!tpu.dma_semaphore, #tpu.memory_space<semaphore_mem>>
        %dma_start3A = arith.constant 0 : i32
        %dma_start3A_143 = tpu.memref_slice %arg4[%add3A_142, %dma_start3A] : memref<125x80xi32, #tpu.memory_space<vmem>> -> memref<1x80xi32, #tpu.memory_space<vmem>>
        %dma_start3A_144 = tpu.memref_squeeze %dma_start3A_143 : memref<1x80xi32, #tpu.memory_space<vmem>> -> memref<80xi32, #tpu.memory_space<vmem>>
        %dma_start3A_145 = arith.constant 0 : i32
        %dma_start3A_146 = tpu.memref_slice %arg7[%dma_start3A_145] : memref<10240xf32, #tpu.memory_space<vmem_shared>> -> memref<10240xf32, #tpu.memory_space<vmem_shared>>
        tpu.enqueue_indirect_dma source(%arg5 : memref<80xf32, #tpu.memory_space<vmem>>) target(%dma_start3A_146 : memref<10240xf32, #tpu.memory_space<vmem_shared>>) offsets(%dma_start3A_144 : memref<80xi32, #tpu.memory_space<vmem>>) semaphore(%run_scoped3A : memref<!tpu.dma_semaphore, #tpu.memory_space<semaphore_mem>>) {add = true}
        %dma_wait3A = arith.constant 0 : i32
        %dma_wait3A_147 = tpu.memref_slice %arg4[%add3A_142, %dma_wait3A] : memref<125x80xi32, #tpu.memory_space<vmem>> -> memref<1x80xi32, #tpu.memory_space<vmem>>
        %dma_wait3A_148 = tpu.memref_squeeze %dma_wait3A_147 : memref<1x80xi32, #tpu.memory_space<vmem>> -> memref<80xi32, #tpu.memory_space<vmem>>
        %dma_wait3A_149 = arith.constant 0 : i32
        %dma_wait3A_150 = tpu.memref_slice %arg7[%dma_wait3A_149] : memref<10240xf32, #tpu.memory_space<vmem_shared>> -> memref<10240xf32, #tpu.memory_space<vmem_shared>>
        tpu.wait_indirect_dma semaphore(%run_scoped3A : memref<!tpu.dma_semaphore, #tpu.memory_space<semaphore_mem>>) src(%arg5 : memref<80xf32, #tpu.memory_space<vmem>>) dst(%dma_wait3A_150 : memref<10240xf32, #tpu.memory_space<vmem_shared>>)
        tpu.yield
      }) : () -> ()
    }
    %scan3A_80 = arith.constant 125 : i32
    %barrier3A_81 = arith.constant 0 : index
    tpu.barrier barrier_id(%barrier3A_81)
    %add3A_82 = arith.constant 0 : i32
    %add3A_83 = arith.addi %multiple_of3A, %add3A_82 : i32
    "tpu.region"() ({
      %run_scoped3A = tpu.sem_alloc : memref<!tpu.dma_semaphore, #tpu.memory_space<semaphore_mem>>
      %dma_start3A = tpu.memref_slice %arg7[%add3A_83] : memref<10240xf32, #tpu.memory_space<vmem_shared>> -> memref<80xf32, #tpu.memory_space<vmem_shared>>
      %dma_start3A_138 = tpu.memref_slice %arg7[%add3A_83] : memref<10240xf32, #tpu.memory_space<vmem_shared>> -> memref<80xf32, #tpu.memory_space<vmem_shared>>
      tpu.enqueue_dma source(%dma_start3A_138 : memref<80xf32, #tpu.memory_space<vmem_shared>>) target(%arg6 : memref<80xf32, #tpu.memory_space<vmem>>) target_semaphore(%run_scoped3A : memref<!tpu.dma_semaphore, #tpu.memory_space<semaphore_mem>>)
      %dma_wait3A = tpu.memref_slice %arg7[%add3A_83] : memref<10240xf32, #tpu.memory_space<vmem_shared>> -> memref<80xf32, #tpu.memory_space<vmem_shared>>
      %dma_wait3A_139 = tpu.memref_slice %arg7[%add3A_83] : memref<10240xf32, #tpu.memory_space<vmem_shared>> -> memref<80xf32, #tpu.memory_space<vmem_shared>>
      tpu.wait_dma2 semaphore(%run_scoped3A : memref<!tpu.dma_semaphore, #tpu.memory_space<semaphore_mem>>) src(%dma_wait3A_139 : memref<80xf32, #tpu.memory_space<vmem_shared>>) dst(%arg6 : memref<80xf32, #tpu.memory_space<vmem>>)
      tpu.yield
    }) : () -> ()
    %mul3A_84 = arith.constant 10240 : i32
    %mul3A_85 = arith.muli %arg0, %mul3A_84 : i32
    %add3A_86 = arith.addi %mul3A_85, %multiple_of3A : i32
    %add3A_87 = arith.constant 0 : i32
    %add3A_88 = arith.addi %add3A_86, %add3A_87 : i32
    "tpu.region"() ({
      %run_scoped3A = tpu.sem_alloc : memref<!tpu.dma_semaphore, #tpu.memory_space<semaphore_mem>>
      %dma_start3A = tpu.memref_slice %arg3[%add3A_88] : memref<20480xf32, #tpu.memory_space<hbm>> -> memref<80xf32, #tpu.memory_space<hbm>>
      %dma_start3A_138 = tpu.memref_slice %arg3[%add3A_88] : memref<20480xf32, #tpu.memory_space<hbm>> -> memref<80xf32, #tpu.memory_space<hbm>>
      tpu.enqueue_dma source(%arg6 : memref<80xf32, #tpu.memory_space<vmem>>) target(%dma_start3A_138 : memref<80xf32, #tpu.memory_space<hbm>>) target_semaphore(%run_scoped3A : memref<!tpu.dma_semaphore, #tpu.memory_space<semaphore_mem>>)
      %dma_wait3A = tpu.memref_slice %arg3[%add3A_88] : memref<20480xf32, #tpu.memory_space<hbm>> -> memref<80xf32, #tpu.memory_space<hbm>>
      %dma_wait3A_139 = tpu.memref_slice %arg3[%add3A_88] : memref<20480xf32, #tpu.memory_space<hbm>> -> memref<80xf32, #tpu.memory_space<hbm>>
      tpu.wait_dma2 semaphore(%run_scoped3A : memref<!tpu.dma_semaphore, #tpu.memory_space<semaphore_mem>>) src(%arg6 : memref<80xf32, #tpu.memory_space<vmem>>) dst(%dma_wait3A_139 : memref<80xf32, #tpu.memory_space<hbm>>)
      tpu.yield
    }) : () -> ()
    %add3A_89 = arith.constant 80 : i32
    %add3A_90 = arith.addi %multiple_of3A, %add3A_89 : i32
    "tpu.region"() ({
      %run_scoped3A = tpu.sem_alloc : memref<!tpu.dma_semaphore, #tpu.memory_space<semaphore_mem>>
      %dma_start3A = tpu.memref_slice %arg7[%add3A_90] : memref<10240xf32, #tpu.memory_space<vmem_shared>> -> memref<80xf32, #tpu.memory_space<vmem_shared>>
      %dma_start3A_138 = tpu.memref_slice %arg7[%add3A_90] : memref<10240xf32, #tpu.memory_space<vmem_shared>> -> memref<80xf32, #tpu.memory_space<vmem_shared>>
      tpu.enqueue_dma source(%dma_start3A_138 : memref<80xf32, #tpu.memory_space<vmem_shared>>) target(%arg6 : memref<80xf32, #tpu.memory_space<vmem>>) target_semaphore(%run_scoped3A : memref<!tpu.dma_semaphore, #tpu.memory_space<semaphore_mem>>)
      %dma_wait3A = tpu.memref_slice %arg7[%add3A_90] : memref<10240xf32, #tpu.memory_space<vmem_shared>> -> memref<80xf32, #tpu.memory_space<vmem_shared>>
      %dma_wait3A_139 = tpu.memref_slice %arg7[%add3A_90] : memref<10240xf32, #tpu.memory_space<vmem_shared>> -> memref<80xf32, #tpu.memory_space<vmem_shared>>
      tpu.wait_dma2 semaphore(%run_scoped3A : memref<!tpu.dma_semaphore, #tpu.memory_space<semaphore_mem>>) src(%dma_wait3A_139 : memref<80xf32, #tpu.memory_space<vmem_shared>>) dst(%arg6 : memref<80xf32, #tpu.memory_space<vmem>>)
      tpu.yield
    }) : () -> ()
    %mul3A_91 = arith.constant 10240 : i32
    %mul3A_92 = arith.muli %arg0, %mul3A_91 : i32
    %add3A_93 = arith.addi %mul3A_92, %multiple_of3A : i32
    %add3A_94 = arith.constant 80 : i32
    %add3A_95 = arith.addi %add3A_93, %add3A_94 : i32
    "tpu.region"() ({
      %run_scoped3A = tpu.sem_alloc : memref<!tpu.dma_semaphore, #tpu.memory_space<semaphore_mem>>
      %dma_start3A = tpu.memref_slice %arg3[%add3A_95] : memref<20480xf32, #tpu.memory_space<hbm>> -> memref<80xf32, #tpu.memory_space<hbm>>
      %dma_start3A_138 = tpu.memref_slice %arg3[%add3A_95] : memref<20480xf32, #tpu.memory_space<hbm>> -> memref<80xf32, #tpu.memory_space<hbm>>
      tpu.enqueue_dma source(%arg6 : memref<80xf32, #tpu.memory_space<vmem>>) target(%dma_start3A_138 : memref<80xf32, #tpu.memory_space<hbm>>) target_semaphore(%run_scoped3A : memref<!tpu.dma_semaphore, #tpu.memory_space<semaphore_mem>>)
      %dma_wait3A = tpu.memref_slice %arg3[%add3A_95] : memref<20480xf32, #tpu.memory_space<hbm>> -> memref<80xf32, #tpu.memory_space<hbm>>
      %dma_wait3A_139 = tpu.memref_slice %arg3[%add3A_95] : memref<20480xf32, #tpu.memory_space<hbm>> -> memref<80xf32, #tpu.memory_space<hbm>>
      tpu.wait_dma2 semaphore(%run_scoped3A : memref<!tpu.dma_semaphore, #tpu.memory_space<semaphore_mem>>) src(%arg6 : memref<80xf32, #tpu.memory_space<vmem>>) dst(%dma_wait3A_139 : memref<80xf32, #tpu.memory_space<hbm>>)
      tpu.yield
    }) : () -> ()
    %add3A_96 = arith.constant 160 : i32
    %add3A_97 = arith.addi %multiple_of3A, %add3A_96 : i32
    "tpu.region"() ({
      %run_scoped3A = tpu.sem_alloc : memref<!tpu.dma_semaphore, #tpu.memory_space<semaphore_mem>>
      %dma_start3A = tpu.memref_slice %arg7[%add3A_97] : memref<10240xf32, #tpu.memory_space<vmem_shared>> -> memref<80xf32, #tpu.memory_space<vmem_shared>>
      %dma_start3A_138 = tpu.memref_slice %arg7[%add3A_97] : memref<10240xf32, #tpu.memory_space<vmem_shared>> -> memref<80xf32, #tpu.memory_space<vmem_shared>>
      tpu.enqueue_dma source(%dma_start3A_138 : memref<80xf32, #tpu.memory_space<vmem_shared>>) target(%arg6 : memref<80xf32, #tpu.memory_space<vmem>>) target_semaphore(%run_scoped3A : memref<!tpu.dma_semaphore, #tpu.memory_space<semaphore_mem>>)
      %dma_wait3A = tpu.memref_slice %arg7[%add3A_97] : memref<10240xf32, #tpu.memory_space<vmem_shared>> -> memref<80xf32, #tpu.memory_space<vmem_shared>>
      %dma_wait3A_139 = tpu.memref_slice %arg7[%add3A_97] : memref<10240xf32, #tpu.memory_space<vmem_shared>> -> memref<80xf32, #tpu.memory_space<vmem_shared>>
      tpu.wait_dma2 semaphore(%run_scoped3A : memref<!tpu.dma_semaphore, #tpu.memory_space<semaphore_mem>>) src(%dma_wait3A_139 : memref<80xf32, #tpu.memory_space<vmem_shared>>) dst(%arg6 : memref<80xf32, #tpu.memory_space<vmem>>)
      tpu.yield
    }) : () -> ()
    %mul3A_98 = arith.constant 10240 : i32
    %mul3A_99 = arith.muli %arg0, %mul3A_98 : i32
    %add3A_100 = arith.addi %mul3A_99, %multiple_of3A : i32
    %add3A_101 = arith.constant 160 : i32
    %add3A_102 = arith.addi %add3A_100, %add3A_101 : i32
    "tpu.region"() ({
      %run_scoped3A = tpu.sem_alloc : memref<!tpu.dma_semaphore, #tpu.memory_space<semaphore_mem>>
      %dma_start3A = tpu.memref_slice %arg3[%add3A_102] : memref<20480xf32, #tpu.memory_space<hbm>> -> memref<80xf32, #tpu.memory_space<hbm>>
      %dma_start3A_138 = tpu.memref_slice %arg3[%add3A_102] : memref<20480xf32, #tpu.memory_space<hbm>> -> memref<80xf32, #tpu.memory_space<hbm>>
      tpu.enqueue_dma source(%arg6 : memref<80xf32, #tpu.memory_space<vmem>>) target(%dma_start3A_138 : memref<80xf32, #tpu.memory_space<hbm>>) target_semaphore(%run_scoped3A : memref<!tpu.dma_semaphore, #tpu.memory_space<semaphore_mem>>)
      %dma_wait3A = tpu.memref_slice %arg3[%add3A_102] : memref<20480xf32, #tpu.memory_space<hbm>> -> memref<80xf32, #tpu.memory_space<hbm>>
      %dma_wait3A_139 = tpu.memref_slice %arg3[%add3A_102] : memref<20480xf32, #tpu.memory_space<hbm>> -> memref<80xf32, #tpu.memory_space<hbm>>
      tpu.wait_dma2 semaphore(%run_scoped3A : memref<!tpu.dma_semaphore, #tpu.memory_space<semaphore_mem>>) src(%arg6 : memref<80xf32, #tpu.memory_space<vmem>>) dst(%dma_wait3A_139 : memref<80xf32, #tpu.memory_space<hbm>>)
      tpu.yield
    }) : () -> ()
    %add3A_103 = arith.constant 240 : i32
    %add3A_104 = arith.addi %multiple_of3A, %add3A_103 : i32
    "tpu.region"() ({
      %run_scoped3A = tpu.sem_alloc : memref<!tpu.dma_semaphore, #tpu.memory_space<semaphore_mem>>
      %dma_start3A = tpu.memref_slice %arg7[%add3A_104] : memref<10240xf32, #tpu.memory_space<vmem_shared>> -> memref<80xf32, #tpu.memory_space<vmem_shared>>
      %dma_start3A_138 = tpu.memref_slice %arg7[%add3A_104] : memref<10240xf32, #tpu.memory_space<vmem_shared>> -> memref<80xf32, #tpu.memory_space<vmem_shared>>
      tpu.enqueue_dma source(%dma_start3A_138 : memref<80xf32, #tpu.memory_space<vmem_shared>>) target(%arg6 : memref<80xf32, #tpu.memory_space<vmem>>) target_semaphore(%run_scoped3A : memref<!tpu.dma_semaphore, #tpu.memory_space<semaphore_mem>>)
      %dma_wait3A = tpu.memref_slice %arg7[%add3A_104] : memref<10240xf32, #tpu.memory_space<vmem_shared>> -> memref<80xf32, #tpu.memory_space<vmem_shared>>
      %dma_wait3A_139 = tpu.memref_slice %arg7[%add3A_104] : memref<10240xf32, #tpu.memory_space<vmem_shared>> -> memref<80xf32, #tpu.memory_space<vmem_shared>>
      tpu.wait_dma2 semaphore(%run_scoped3A : memref<!tpu.dma_semaphore, #tpu.memory_space<semaphore_mem>>) src(%dma_wait3A_139 : memref<80xf32, #tpu.memory_space<vmem_shared>>) dst(%arg6 : memref<80xf32, #tpu.memory_space<vmem>>)
      tpu.yield
    }) : () -> ()
    %mul3A_105 = arith.constant 10240 : i32
    %mul3A_106 = arith.muli %arg0, %mul3A_105 : i32
    %add3A_107 = arith.addi %mul3A_106, %multiple_of3A : i32
    %add3A_108 = arith.constant 240 : i32
    %add3A_109 = arith.addi %add3A_107, %add3A_108 : i32
    "tpu.region"() ({
      %run_scoped3A = tpu.sem_alloc : memref<!tpu.dma_semaphore, #tpu.memory_space<semaphore_mem>>
      %dma_start3A = tpu.memref_slice %arg3[%add3A_109] : memref<20480xf32, #tpu.memory_space<hbm>> -> memref<80xf32, #tpu.memory_space<hbm>>
      %dma_start3A_138 = tpu.memref_slice %arg3[%add3A_109] : memref<20480xf32, #tpu.memory_space<hbm>> -> memref<80xf32, #tpu.memory_space<hbm>>
      tpu.enqueue_dma source(%arg6 : memref<80xf32, #tpu.memory_space<vmem>>) target(%dma_start3A_138 : memref<80xf32, #tpu.memory_space<hbm>>) target_semaphore(%run_scoped3A : memref<!tpu.dma_semaphore, #tpu.memory_space<semaphore_mem>>)
      %dma_wait3A = tpu.memref_slice %arg3[%add3A_109] : memref<20480xf32, #tpu.memory_space<hbm>> -> memref<80xf32, #tpu.memory_space<hbm>>
      %dma_wait3A_139 = tpu.memref_slice %arg3[%add3A_109] : memref<20480xf32, #tpu.memory_space<hbm>> -> memref<80xf32, #tpu.memory_space<hbm>>
      tpu.wait_dma2 semaphore(%run_scoped3A : memref<!tpu.dma_semaphore, #tpu.memory_space<semaphore_mem>>) src(%arg6 : memref<80xf32, #tpu.memory_space<vmem>>) dst(%dma_wait3A_139 : memref<80xf32, #tpu.memory_space<hbm>>)
      tpu.yield
    }) : () -> ()
    %add3A_110 = arith.constant 320 : i32
    %add3A_111 = arith.addi %multiple_of3A, %add3A_110 : i32
    "tpu.region"() ({
      %run_scoped3A = tpu.sem_alloc : memref<!tpu.dma_semaphore, #tpu.memory_space<semaphore_mem>>
      %dma_start3A = tpu.memref_slice %arg7[%add3A_111] : memref<10240xf32, #tpu.memory_space<vmem_shared>> -> memref<80xf32, #tpu.memory_space<vmem_shared>>
      %dma_start3A_138 = tpu.memref_slice %arg7[%add3A_111] : memref<10240xf32, #tpu.memory_space<vmem_shared>> -> memref<80xf32, #tpu.memory_space<vmem_shared>>
      tpu.enqueue_dma source(%dma_start3A_138 : memref<80xf32, #tpu.memory_space<vmem_shared>>) target(%arg6 : memref<80xf32, #tpu.memory_space<vmem>>) target_semaphore(%run_scoped3A : memref<!tpu.dma_semaphore, #tpu.memory_space<semaphore_mem>>)
      %dma_wait3A = tpu.memref_slice %arg7[%add3A_111] : memref<10240xf32, #tpu.memory_space<vmem_shared>> -> memref<80xf32, #tpu.memory_space<vmem_shared>>
      %dma_wait3A_139 = tpu.memref_slice %arg7[%add3A_111] : memref<10240xf32, #tpu.memory_space<vmem_shared>> -> memref<80xf32, #tpu.memory_space<vmem_shared>>
      tpu.wait_dma2 semaphore(%run_scoped3A : memref<!tpu.dma_semaphore, #tpu.memory_space<semaphore_mem>>) src(%dma_wait3A_139 : memref<80xf32, #tpu.memory_space<vmem_shared>>) dst(%arg6 : memref<80xf32, #tpu.memory_space<vmem>>)
      tpu.yield
    }) : () -> ()
    %mul3A_112 = arith.constant 10240 : i32
    %mul3A_113 = arith.muli %arg0, %mul3A_112 : i32
    %add3A_114 = arith.addi %mul3A_113, %multiple_of3A : i32
    %add3A_115 = arith.constant 320 : i32
    %add3A_116 = arith.addi %add3A_114, %add3A_115 : i32
    "tpu.region"() ({
      %run_scoped3A = tpu.sem_alloc : memref<!tpu.dma_semaphore, #tpu.memory_space<semaphore_mem>>
      %dma_start3A = tpu.memref_slice %arg3[%add3A_116] : memref<20480xf32, #tpu.memory_space<hbm>> -> memref<80xf32, #tpu.memory_space<hbm>>
      %dma_start3A_138 = tpu.memref_slice %arg3[%add3A_116] : memref<20480xf32, #tpu.memory_space<hbm>> -> memref<80xf32, #tpu.memory_space<hbm>>
      tpu.enqueue_dma source(%arg6 : memref<80xf32, #tpu.memory_space<vmem>>) target(%dma_start3A_138 : memref<80xf32, #tpu.memory_space<hbm>>) target_semaphore(%run_scoped3A : memref<!tpu.dma_semaphore, #tpu.memory_space<semaphore_mem>>)
      %dma_wait3A = tpu.memref_slice %arg3[%add3A_116] : memref<20480xf32, #tpu.memory_space<hbm>> -> memref<80xf32, #tpu.memory_space<hbm>>
      %dma_wait3A_139 = tpu.memref_slice %arg3[%add3A_116] : memref<20480xf32, #tpu.memory_space<hbm>> -> memref<80xf32, #tpu.memory_space<hbm>>
      tpu.wait_dma2 semaphore(%run_scoped3A : memref<!tpu.dma_semaphore, #tpu.memory_space<semaphore_mem>>) src(%arg6 : memref<80xf32, #tpu.memory_space<vmem>>) dst(%dma_wait3A_139 : memref<80xf32, #tpu.memory_space<hbm>>)
      tpu.yield
    }) : () -> ()
    %add3A_117 = arith.constant 400 : i32
    %add3A_118 = arith.addi %multiple_of3A, %add3A_117 : i32
    "tpu.region"() ({
      %run_scoped3A = tpu.sem_alloc : memref<!tpu.dma_semaphore, #tpu.memory_space<semaphore_mem>>
      %dma_start3A = tpu.memref_slice %arg7[%add3A_118] : memref<10240xf32, #tpu.memory_space<vmem_shared>> -> memref<80xf32, #tpu.memory_space<vmem_shared>>
      %dma_start3A_138 = tpu.memref_slice %arg7[%add3A_118] : memref<10240xf32, #tpu.memory_space<vmem_shared>> -> memref<80xf32, #tpu.memory_space<vmem_shared>>
      tpu.enqueue_dma source(%dma_start3A_138 : memref<80xf32, #tpu.memory_space<vmem_shared>>) target(%arg6 : memref<80xf32, #tpu.memory_space<vmem>>) target_semaphore(%run_scoped3A : memref<!tpu.dma_semaphore, #tpu.memory_space<semaphore_mem>>)
      %dma_wait3A = tpu.memref_slice %arg7[%add3A_118] : memref<10240xf32, #tpu.memory_space<vmem_shared>> -> memref<80xf32, #tpu.memory_space<vmem_shared>>
      %dma_wait3A_139 = tpu.memref_slice %arg7[%add3A_118] : memref<10240xf32, #tpu.memory_space<vmem_shared>> -> memref<80xf32, #tpu.memory_space<vmem_shared>>
      tpu.wait_dma2 semaphore(%run_scoped3A : memref<!tpu.dma_semaphore, #tpu.memory_space<semaphore_mem>>) src(%dma_wait3A_139 : memref<80xf32, #tpu.memory_space<vmem_shared>>) dst(%arg6 : memref<80xf32, #tpu.memory_space<vmem>>)
      tpu.yield
    }) : () -> ()
    %mul3A_119 = arith.constant 10240 : i32
    %mul3A_120 = arith.muli %arg0, %mul3A_119 : i32
    %add3A_121 = arith.addi %mul3A_120, %multiple_of3A : i32
    %add3A_122 = arith.constant 400 : i32
    %add3A_123 = arith.addi %add3A_121, %add3A_122 : i32
    "tpu.region"() ({
      %run_scoped3A = tpu.sem_alloc : memref<!tpu.dma_semaphore, #tpu.memory_space<semaphore_mem>>
      %dma_start3A = tpu.memref_slice %arg3[%add3A_123] : memref<20480xf32, #tpu.memory_space<hbm>> -> memref<80xf32, #tpu.memory_space<hbm>>
      %dma_start3A_138 = tpu.memref_slice %arg3[%add3A_123] : memref<20480xf32, #tpu.memory_space<hbm>> -> memref<80xf32, #tpu.memory_space<hbm>>
      tpu.enqueue_dma source(%arg6 : memref<80xf32, #tpu.memory_space<vmem>>) target(%dma_start3A_138 : memref<80xf32, #tpu.memory_space<hbm>>) target_semaphore(%run_scoped3A : memref<!tpu.dma_semaphore, #tpu.memory_space<semaphore_mem>>)
      %dma_wait3A = tpu.memref_slice %arg3[%add3A_123] : memref<20480xf32, #tpu.memory_space<hbm>> -> memref<80xf32, #tpu.memory_space<hbm>>
      %dma_wait3A_139 = tpu.memref_slice %arg3[%add3A_123] : memref<20480xf32, #tpu.memory_space<hbm>> -> memref<80xf32, #tpu.memory_space<hbm>>
      tpu.wait_dma2 semaphore(%run_scoped3A : memref<!tpu.dma_semaphore, #tpu.memory_space<semaphore_mem>>) src(%arg6 : memref<80xf32, #tpu.memory_space<vmem>>) dst(%dma_wait3A_139 : memref<80xf32, #tpu.memory_space<hbm>>)
      tpu.yield
    }) : () -> ()
    %add3A_124 = arith.constant 480 : i32
    %add3A_125 = arith.addi %multiple_of3A, %add3A_124 : i32
    "tpu.region"() ({
      %run_scoped3A = tpu.sem_alloc : memref<!tpu.dma_semaphore, #tpu.memory_space<semaphore_mem>>
      %dma_start3A = tpu.memref_slice %arg7[%add3A_125] : memref<10240xf32, #tpu.memory_space<vmem_shared>> -> memref<80xf32, #tpu.memory_space<vmem_shared>>
      %dma_start3A_138 = tpu.memref_slice %arg7[%add3A_125] : memref<10240xf32, #tpu.memory_space<vmem_shared>> -> memref<80xf32, #tpu.memory_space<vmem_shared>>
      tpu.enqueue_dma source(%dma_start3A_138 : memref<80xf32, #tpu.memory_space<vmem_shared>>) target(%arg6 : memref<80xf32, #tpu.memory_space<vmem>>) target_semaphore(%run_scoped3A : memref<!tpu.dma_semaphore, #tpu.memory_space<semaphore_mem>>)
      %dma_wait3A = tpu.memref_slice %arg7[%add3A_125] : memref<10240xf32, #tpu.memory_space<vmem_shared>> -> memref<80xf32, #tpu.memory_space<vmem_shared>>
      %dma_wait3A_139 = tpu.memref_slice %arg7[%add3A_125] : memref<10240xf32, #tpu.memory_space<vmem_shared>> -> memref<80xf32, #tpu.memory_space<vmem_shared>>
      tpu.wait_dma2 semaphore(%run_scoped3A : memref<!tpu.dma_semaphore, #tpu.memory_space<semaphore_mem>>) src(%dma_wait3A_139 : memref<80xf32, #tpu.memory_space<vmem_shared>>) dst(%arg6 : memref<80xf32, #tpu.memory_space<vmem>>)
      tpu.yield
    }) : () -> ()
    %mul3A_126 = arith.constant 10240 : i32
    %mul3A_127 = arith.muli %arg0, %mul3A_126 : i32
    %add3A_128 = arith.addi %mul3A_127, %multiple_of3A : i32
    %add3A_129 = arith.constant 480 : i32
    %add3A_130 = arith.addi %add3A_128, %add3A_129 : i32
    "tpu.region"() ({
      %run_scoped3A = tpu.sem_alloc : memref<!tpu.dma_semaphore, #tpu.memory_space<semaphore_mem>>
      %dma_start3A = tpu.memref_slice %arg3[%add3A_130] : memref<20480xf32, #tpu.memory_space<hbm>> -> memref<80xf32, #tpu.memory_space<hbm>>
      %dma_start3A_138 = tpu.memref_slice %arg3[%add3A_130] : memref<20480xf32, #tpu.memory_space<hbm>> -> memref<80xf32, #tpu.memory_space<hbm>>
      tpu.enqueue_dma source(%arg6 : memref<80xf32, #tpu.memory_space<vmem>>) target(%dma_start3A_138 : memref<80xf32, #tpu.memory_space<hbm>>) target_semaphore(%run_scoped3A : memref<!tpu.dma_semaphore, #tpu.memory_space<semaphore_mem>>)
      %dma_wait3A = tpu.memref_slice %arg3[%add3A_130] : memref<20480xf32, #tpu.memory_space<hbm>> -> memref<80xf32, #tpu.memory_space<hbm>>
      %dma_wait3A_139 = tpu.memref_slice %arg3[%add3A_130] : memref<20480xf32, #tpu.memory_space<hbm>> -> memref<80xf32, #tpu.memory_space<hbm>>
      tpu.wait_dma2 semaphore(%run_scoped3A : memref<!tpu.dma_semaphore, #tpu.memory_space<semaphore_mem>>) src(%arg6 : memref<80xf32, #tpu.memory_space<vmem>>) dst(%dma_wait3A_139 : memref<80xf32, #tpu.memory_space<hbm>>)
      tpu.yield
    }) : () -> ()
    %add3A_131 = arith.constant 560 : i32
    %add3A_132 = arith.addi %multiple_of3A, %add3A_131 : i32
    "tpu.region"() ({
      %run_scoped3A = tpu.sem_alloc : memref<!tpu.dma_semaphore, #tpu.memory_space<semaphore_mem>>
      %dma_start3A = tpu.memref_slice %arg7[%add3A_132] : memref<10240xf32, #tpu.memory_space<vmem_shared>> -> memref<80xf32, #tpu.memory_space<vmem_shared>>
      %dma_start3A_138 = tpu.memref_slice %arg7[%add3A_132] : memref<10240xf32, #tpu.memory_space<vmem_shared>> -> memref<80xf32, #tpu.memory_space<vmem_shared>>
      tpu.enqueue_dma source(%dma_start3A_138 : memref<80xf32, #tpu.memory_space<vmem_shared>>) target(%arg6 : memref<80xf32, #tpu.memory_space<vmem>>) target_semaphore(%run_scoped3A : memref<!tpu.dma_semaphore, #tpu.memory_space<semaphore_mem>>)
      %dma_wait3A = tpu.memref_slice %arg7[%add3A_132] : memref<10240xf32, #tpu.memory_space<vmem_shared>> -> memref<80xf32, #tpu.memory_space<vmem_shared>>
      %dma_wait3A_139 = tpu.memref_slice %arg7[%add3A_132] : memref<10240xf32, #tpu.memory_space<vmem_shared>> -> memref<80xf32, #tpu.memory_space<vmem_shared>>
      tpu.wait_dma2 semaphore(%run_scoped3A : memref<!tpu.dma_semaphore, #tpu.memory_space<semaphore_mem>>) src(%dma_wait3A_139 : memref<80xf32, #tpu.memory_space<vmem_shared>>) dst(%arg6 : memref<80xf32, #tpu.memory_space<vmem>>)
      tpu.yield
    }) : () -> ()
    %mul3A_133 = arith.constant 10240 : i32
    %mul3A_134 = arith.muli %arg0, %mul3A_133 : i32
    %add3A_135 = arith.addi %mul3A_134, %multiple_of3A : i32
    %add3A_136 = arith.constant 560 : i32
    %add3A_137 = arith.addi %add3A_135, %add3A_136 : i32
    "tpu.region"() ({
      %run_scoped3A = tpu.sem_alloc : memref<!tpu.dma_semaphore, #tpu.memory_space<semaphore_mem>>
      %dma_start3A = tpu.memref_slice %arg3[%add3A_137] : memref<20480xf32, #tpu.memory_space<hbm>> -> memref<80xf32, #tpu.memory_space<hbm>>
      %dma_start3A_138 = tpu.memref_slice %arg3[%add3A_137] : memref<20480xf32, #tpu.memory_space<hbm>> -> memref<80xf32, #tpu.memory_space<hbm>>
      tpu.enqueue_dma source(%arg6 : memref<80xf32, #tpu.memory_space<vmem>>) target(%dma_start3A_138 : memref<80xf32, #tpu.memory_space<hbm>>) target_semaphore(%run_scoped3A : memref<!tpu.dma_semaphore, #tpu.memory_space<semaphore_mem>>)
      %dma_wait3A = tpu.memref_slice %arg3[%add3A_137] : memref<20480xf32, #tpu.memory_space<hbm>> -> memref<80xf32, #tpu.memory_space<hbm>>
      %dma_wait3A_139 = tpu.memref_slice %arg3[%add3A_137] : memref<20480xf32, #tpu.memory_space<hbm>> -> memref<80xf32, #tpu.memory_space<hbm>>
      tpu.wait_dma2 semaphore(%run_scoped3A : memref<!tpu.dma_semaphore, #tpu.memory_space<semaphore_mem>>) src(%arg6 : memref<80xf32, #tpu.memory_space<vmem>>) dst(%dma_wait3A_139 : memref<80xf32, #tpu.memory_space<hbm>>)
      tpu.yield
    }) : () -> ()
    return
  }
}

#map = affine_map<(d0, d1) -> (0, 0)>
#map1 = affine_map<(d0, d1) -> (0)>
module attributes {stable_mosaic.version = 14 : i64} {
  func.func @_gather_body(%arg0: i32, %arg1: i32, %arg2: memref<10000x64xf32, #tpu.memory_space<hbm>>, %arg3: memref<10000xi32, #tpu.memory_space<hbm>>, %arg4: memref<10000x64xf32, #tpu.memory_space<hbm>>, %arg5: memref<104xi32, #tpu.memory_space<vmem>>, %arg6: memref<104x64xf32, #tpu.memory_space<vmem>>, %arg7: memref<16xi32, #tpu.memory_space<vmem>>, %arg8: memref<16x64xf32, #tpu.memory_space<vmem>>, %arg9: memref<!tpu.dma_semaphore, #tpu.memory_space<semaphore_mem>>) attributes {dimension_semantics = [#tpu.dimension_semantics<core_parallel>, #tpu.dimension_semantics<subcore_parallel>], iteration_bounds = array<i64: 2, 16>, scalar_prefetch = 0 : i64, scratch_operands = 5 : i64, tpu.core_type = #tpu.core_type<sc_vector_subcore>, window_params = [{transform_indices = #map}, {transform_indices = #map1}, {transform_indices = #map}]} {
    %mul3A = arith.constant 16 : i32
    %mul3A_0 = arith.muli %arg0, %mul3A : i32
    %add3A = arith.addi %mul3A_0, %arg1 : i32
    %mul3A_1 = arith.constant 312 : i32
    %mul3A_2 = arith.muli %add3A, %mul3A_1 : i32
    %add3A_3 = arith.constant 0 : i32
    %add3A_4 = arith.addi %mul3A_2, %add3A_3 : i32
    %multiple_of3A = tpu.assume_multiple %add3A_4, 8 : i32
    "tpu.region"() ({
      %run_scoped3A = tpu.sem_alloc : memref<!tpu.dma_semaphore, #tpu.memory_space<semaphore_mem>>
      %dma_start3A_29 = tpu.memref_slice %arg3[%multiple_of3A] : memref<10000xi32, #tpu.memory_space<hbm>> -> memref<104xi32, #tpu.memory_space<hbm>>
      %dma_start3A_30 = tpu.memref_slice %arg3[%multiple_of3A] : memref<10000xi32, #tpu.memory_space<hbm>> -> memref<104xi32, #tpu.memory_space<hbm>>
      tpu.enqueue_dma source(%dma_start3A_30 : memref<104xi32, #tpu.memory_space<hbm>>) target(%arg5 : memref<104xi32, #tpu.memory_space<vmem>>) target_semaphore(%run_scoped3A : memref<!tpu.dma_semaphore, #tpu.memory_space<semaphore_mem>>)
      %dma_wait3A_31 = tpu.memref_slice %arg3[%multiple_of3A] : memref<10000xi32, #tpu.memory_space<hbm>> -> memref<104xi32, #tpu.memory_space<hbm>>
      %dma_wait3A_32 = tpu.memref_slice %arg3[%multiple_of3A] : memref<10000xi32, #tpu.memory_space<hbm>> -> memref<104xi32, #tpu.memory_space<hbm>>
      tpu.wait_dma2 semaphore(%run_scoped3A : memref<!tpu.dma_semaphore, #tpu.memory_space<semaphore_mem>>) src(%dma_wait3A_32 : memref<104xi32, #tpu.memory_space<hbm>>) dst(%arg5 : memref<104xi32, #tpu.memory_space<vmem>>)
      tpu.yield
    }) : () -> ()
    %dma_start3A = arith.constant 0 : i32
    %dma_start3A_5 = arith.constant 0 : i32
    %dma_start3A_6 = tpu.memref_slice %arg2[%dma_start3A, %dma_start3A_5] : memref<10000x64xf32, #tpu.memory_space<hbm>> -> memref<10000x64xf32, #tpu.memory_space<hbm>>
    tpu.enqueue_indirect_dma source(%dma_start3A_6 : memref<10000x64xf32, #tpu.memory_space<hbm>>) target(%arg6 : memref<104x64xf32, #tpu.memory_space<vmem>>) offsets(%arg5 : memref<104xi32, #tpu.memory_space<vmem>>) semaphore(%arg9 : memref<!tpu.dma_semaphore, #tpu.memory_space<semaphore_mem>>)
    %dma_wait3A = arith.constant 0 : i32
    %dma_wait3A_7 = arith.constant 0 : i32
    %dma_wait3A_8 = tpu.memref_slice %arg2[%dma_wait3A, %dma_wait3A_7] : memref<10000x64xf32, #tpu.memory_space<hbm>> -> memref<10000x64xf32, #tpu.memory_space<hbm>>
    tpu.wait_indirect_dma semaphore(%arg9 : memref<!tpu.dma_semaphore, #tpu.memory_space<semaphore_mem>>) src(%dma_wait3A_8 : memref<10000x64xf32, #tpu.memory_space<hbm>>) dst(%arg6 : memref<104x64xf32, #tpu.memory_space<vmem>>)
    "tpu.region"() ({
      %run_scoped3A = tpu.sem_alloc : memref<!tpu.dma_semaphore, #tpu.memory_space<semaphore_mem>>
      %dma_start3A_29 = arith.constant 0 : i32
      %dma_start3A_30 = tpu.memref_slice %arg4[%multiple_of3A, %dma_start3A_29] : memref<10000x64xf32, #tpu.memory_space<hbm>> -> memref<104x64xf32, #tpu.memory_space<hbm>>
      %dma_start3A_31 = arith.constant 0 : i32
      %dma_start3A_32 = tpu.memref_slice %arg4[%multiple_of3A, %dma_start3A_31] : memref<10000x64xf32, #tpu.memory_space<hbm>> -> memref<104x64xf32, #tpu.memory_space<hbm>>
      tpu.enqueue_dma source(%arg6 : memref<104x64xf32, #tpu.memory_space<vmem>>) target(%dma_start3A_32 : memref<104x64xf32, #tpu.memory_space<hbm>>) target_semaphore(%run_scoped3A : memref<!tpu.dma_semaphore, #tpu.memory_space<semaphore_mem>>)
      %dma_wait3A_33 = arith.constant 0 : i32
      %dma_wait3A_34 = tpu.memref_slice %arg4[%multiple_of3A, %dma_wait3A_33] : memref<10000x64xf32, #tpu.memory_space<hbm>> -> memref<104x64xf32, #tpu.memory_space<hbm>>
      %dma_wait3A_35 = arith.constant 0 : i32
      %dma_wait3A_36 = tpu.memref_slice %arg4[%multiple_of3A, %dma_wait3A_35] : memref<10000x64xf32, #tpu.memory_space<hbm>> -> memref<104x64xf32, #tpu.memory_space<hbm>>
      tpu.wait_dma2 semaphore(%run_scoped3A : memref<!tpu.dma_semaphore, #tpu.memory_space<semaphore_mem>>) src(%arg6 : memref<104x64xf32, #tpu.memory_space<vmem>>) dst(%dma_wait3A_36 : memref<104x64xf32, #tpu.memory_space<hbm>>)
      tpu.yield
    }) : () -> ()
    %add3A_9 = arith.constant 104 : i32
    %add3A_10 = arith.addi %mul3A_2, %add3A_9 : i32
    %multiple_of3A_11 = tpu.assume_multiple %add3A_10, 8 : i32
    "tpu.region"() ({
      %run_scoped3A = tpu.sem_alloc : memref<!tpu.dma_semaphore, #tpu.memory_space<semaphore_mem>>
      %dma_start3A_29 = tpu.memref_slice %arg3[%multiple_of3A_11] : memref<10000xi32, #tpu.memory_space<hbm>> -> memref<104xi32, #tpu.memory_space<hbm>>
      %dma_start3A_30 = tpu.memref_slice %arg3[%multiple_of3A_11] : memref<10000xi32, #tpu.memory_space<hbm>> -> memref<104xi32, #tpu.memory_space<hbm>>
      tpu.enqueue_dma source(%dma_start3A_30 : memref<104xi32, #tpu.memory_space<hbm>>) target(%arg5 : memref<104xi32, #tpu.memory_space<vmem>>) target_semaphore(%run_scoped3A : memref<!tpu.dma_semaphore, #tpu.memory_space<semaphore_mem>>)
      %dma_wait3A_31 = tpu.memref_slice %arg3[%multiple_of3A_11] : memref<10000xi32, #tpu.memory_space<hbm>> -> memref<104xi32, #tpu.memory_space<hbm>>
      %dma_wait3A_32 = tpu.memref_slice %arg3[%multiple_of3A_11] : memref<10000xi32, #tpu.memory_space<hbm>> -> memref<104xi32, #tpu.memory_space<hbm>>
      tpu.wait_dma2 semaphore(%run_scoped3A : memref<!tpu.dma_semaphore, #tpu.memory_space<semaphore_mem>>) src(%dma_wait3A_32 : memref<104xi32, #tpu.memory_space<hbm>>) dst(%arg5 : memref<104xi32, #tpu.memory_space<vmem>>)
      tpu.yield
    }) : () -> ()
    %dma_start3A_12 = arith.constant 0 : i32
    %dma_start3A_13 = arith.constant 0 : i32
    %dma_start3A_14 = tpu.memref_slice %arg2[%dma_start3A_12, %dma_start3A_13] : memref<10000x64xf32, #tpu.memory_space<hbm>> -> memref<10000x64xf32, #tpu.memory_space<hbm>>
    tpu.enqueue_indirect_dma source(%dma_start3A_14 : memref<10000x64xf32, #tpu.memory_space<hbm>>) target(%arg6 : memref<104x64xf32, #tpu.memory_space<vmem>>) offsets(%arg5 : memref<104xi32, #tpu.memory_space<vmem>>) semaphore(%arg9 : memref<!tpu.dma_semaphore, #tpu.memory_space<semaphore_mem>>)
    %dma_wait3A_15 = arith.constant 0 : i32
    %dma_wait3A_16 = arith.constant 0 : i32
    %dma_wait3A_17 = tpu.memref_slice %arg2[%dma_wait3A_15, %dma_wait3A_16] : memref<10000x64xf32, #tpu.memory_space<hbm>> -> memref<10000x64xf32, #tpu.memory_space<hbm>>
    tpu.wait_indirect_dma semaphore(%arg9 : memref<!tpu.dma_semaphore, #tpu.memory_space<semaphore_mem>>) src(%dma_wait3A_17 : memref<10000x64xf32, #tpu.memory_space<hbm>>) dst(%arg6 : memref<104x64xf32, #tpu.memory_space<vmem>>)
    "tpu.region"() ({
      %run_scoped3A = tpu.sem_alloc : memref<!tpu.dma_semaphore, #tpu.memory_space<semaphore_mem>>
      %dma_start3A_29 = arith.constant 0 : i32
      %dma_start3A_30 = tpu.memref_slice %arg4[%multiple_of3A_11, %dma_start3A_29] : memref<10000x64xf32, #tpu.memory_space<hbm>> -> memref<104x64xf32, #tpu.memory_space<hbm>>
      %dma_start3A_31 = arith.constant 0 : i32
      %dma_start3A_32 = tpu.memref_slice %arg4[%multiple_of3A_11, %dma_start3A_31] : memref<10000x64xf32, #tpu.memory_space<hbm>> -> memref<104x64xf32, #tpu.memory_space<hbm>>
      tpu.enqueue_dma source(%arg6 : memref<104x64xf32, #tpu.memory_space<vmem>>) target(%dma_start3A_32 : memref<104x64xf32, #tpu.memory_space<hbm>>) target_semaphore(%run_scoped3A : memref<!tpu.dma_semaphore, #tpu.memory_space<semaphore_mem>>)
      %dma_wait3A_33 = arith.constant 0 : i32
      %dma_wait3A_34 = tpu.memref_slice %arg4[%multiple_of3A_11, %dma_wait3A_33] : memref<10000x64xf32, #tpu.memory_space<hbm>> -> memref<104x64xf32, #tpu.memory_space<hbm>>
      %dma_wait3A_35 = arith.constant 0 : i32
      %dma_wait3A_36 = tpu.memref_slice %arg4[%multiple_of3A_11, %dma_wait3A_35] : memref<10000x64xf32, #tpu.memory_space<hbm>> -> memref<104x64xf32, #tpu.memory_space<hbm>>
      tpu.wait_dma2 semaphore(%run_scoped3A : memref<!tpu.dma_semaphore, #tpu.memory_space<semaphore_mem>>) src(%arg6 : memref<104x64xf32, #tpu.memory_space<vmem>>) dst(%dma_wait3A_36 : memref<104x64xf32, #tpu.memory_space<hbm>>)
      tpu.yield
    }) : () -> ()
    %add3A_18 = arith.constant 208 : i32
    %add3A_19 = arith.addi %mul3A_2, %add3A_18 : i32
    %multiple_of3A_20 = tpu.assume_multiple %add3A_19, 8 : i32
    "tpu.region"() ({
      %run_scoped3A = tpu.sem_alloc : memref<!tpu.dma_semaphore, #tpu.memory_space<semaphore_mem>>
      %dma_start3A_29 = tpu.memref_slice %arg3[%multiple_of3A_20] : memref<10000xi32, #tpu.memory_space<hbm>> -> memref<104xi32, #tpu.memory_space<hbm>>
      %dma_start3A_30 = tpu.memref_slice %arg3[%multiple_of3A_20] : memref<10000xi32, #tpu.memory_space<hbm>> -> memref<104xi32, #tpu.memory_space<hbm>>
      tpu.enqueue_dma source(%dma_start3A_30 : memref<104xi32, #tpu.memory_space<hbm>>) target(%arg5 : memref<104xi32, #tpu.memory_space<vmem>>) target_semaphore(%run_scoped3A : memref<!tpu.dma_semaphore, #tpu.memory_space<semaphore_mem>>)
      %dma_wait3A_31 = tpu.memref_slice %arg3[%multiple_of3A_20] : memref<10000xi32, #tpu.memory_space<hbm>> -> memref<104xi32, #tpu.memory_space<hbm>>
      %dma_wait3A_32 = tpu.memref_slice %arg3[%multiple_of3A_20] : memref<10000xi32, #tpu.memory_space<hbm>> -> memref<104xi32, #tpu.memory_space<hbm>>
      tpu.wait_dma2 semaphore(%run_scoped3A : memref<!tpu.dma_semaphore, #tpu.memory_space<semaphore_mem>>) src(%dma_wait3A_32 : memref<104xi32, #tpu.memory_space<hbm>>) dst(%arg5 : memref<104xi32, #tpu.memory_space<vmem>>)
      tpu.yield
    }) : () -> ()
    %dma_start3A_21 = arith.constant 0 : i32
    %dma_start3A_22 = arith.constant 0 : i32
    %dma_start3A_23 = tpu.memref_slice %arg2[%dma_start3A_21, %dma_start3A_22] : memref<10000x64xf32, #tpu.memory_space<hbm>> -> memref<10000x64xf32, #tpu.memory_space<hbm>>
    tpu.enqueue_indirect_dma source(%dma_start3A_23 : memref<10000x64xf32, #tpu.memory_space<hbm>>) target(%arg6 : memref<104x64xf32, #tpu.memory_space<vmem>>) offsets(%arg5 : memref<104xi32, #tpu.memory_space<vmem>>) semaphore(%arg9 : memref<!tpu.dma_semaphore, #tpu.memory_space<semaphore_mem>>)
    %dma_wait3A_24 = arith.constant 0 : i32
    %dma_wait3A_25 = arith.constant 0 : i32
    %dma_wait3A_26 = tpu.memref_slice %arg2[%dma_wait3A_24, %dma_wait3A_25] : memref<10000x64xf32, #tpu.memory_space<hbm>> -> memref<10000x64xf32, #tpu.memory_space<hbm>>
    tpu.wait_indirect_dma semaphore(%arg9 : memref<!tpu.dma_semaphore, #tpu.memory_space<semaphore_mem>>) src(%dma_wait3A_26 : memref<10000x64xf32, #tpu.memory_space<hbm>>) dst(%arg6 : memref<104x64xf32, #tpu.memory_space<vmem>>)
    "tpu.region"() ({
      %run_scoped3A = tpu.sem_alloc : memref<!tpu.dma_semaphore, #tpu.memory_space<semaphore_mem>>
      %dma_start3A_29 = arith.constant 0 : i32
      %dma_start3A_30 = tpu.memref_slice %arg4[%multiple_of3A_20, %dma_start3A_29] : memref<10000x64xf32, #tpu.memory_space<hbm>> -> memref<104x64xf32, #tpu.memory_space<hbm>>
      %dma_start3A_31 = arith.constant 0 : i32
      %dma_start3A_32 = tpu.memref_slice %arg4[%multiple_of3A_20, %dma_start3A_31] : memref<10000x64xf32, #tpu.memory_space<hbm>> -> memref<104x64xf32, #tpu.memory_space<hbm>>
      tpu.enqueue_dma source(%arg6 : memref<104x64xf32, #tpu.memory_space<vmem>>) target(%dma_start3A_32 : memref<104x64xf32, #tpu.memory_space<hbm>>) target_semaphore(%run_scoped3A : memref<!tpu.dma_semaphore, #tpu.memory_space<semaphore_mem>>)
      %dma_wait3A_33 = arith.constant 0 : i32
      %dma_wait3A_34 = tpu.memref_slice %arg4[%multiple_of3A_20, %dma_wait3A_33] : memref<10000x64xf32, #tpu.memory_space<hbm>> -> memref<104x64xf32, #tpu.memory_space<hbm>>
      %dma_wait3A_35 = arith.constant 0 : i32
      %dma_wait3A_36 = tpu.memref_slice %arg4[%multiple_of3A_20, %dma_wait3A_35] : memref<10000x64xf32, #tpu.memory_space<hbm>> -> memref<104x64xf32, #tpu.memory_space<hbm>>
      tpu.wait_dma2 semaphore(%run_scoped3A : memref<!tpu.dma_semaphore, #tpu.memory_space<semaphore_mem>>) src(%arg6 : memref<104x64xf32, #tpu.memory_space<vmem>>) dst(%dma_wait3A_36 : memref<104x64xf32, #tpu.memory_space<hbm>>)
      tpu.yield
    }) : () -> ()
    %eq3A = arith.constant 31 : i32
    %eq3A_27 = arith.cmpi eq, %add3A, %eq3A : i32
    %convert_element_type3A = arith.extui %eq3A_27 : i1 to i32
    %cond3A = arith.constant 0 : i32
    %cond3A_28 = arith.cmpi ne, %convert_element_type3A, %cond3A : i32
    scf.if %cond3A_28 {
      "tpu.region"() ({
        %run_scoped3A = tpu.sem_alloc : memref<!tpu.dma_semaphore, #tpu.memory_space<semaphore_mem>>
        %dma_start3A_35 = arith.constant 9984 : i32
        %dma_start3A_36 = tpu.memref_slice %arg3[%dma_start3A_35] : memref<10000xi32, #tpu.memory_space<hbm>> -> memref<16xi32, #tpu.memory_space<hbm>>
        %dma_start3A_37 = arith.constant 9984 : i32
        %dma_start3A_38 = tpu.memref_slice %arg3[%dma_start3A_37] : memref<10000xi32, #tpu.memory_space<hbm>> -> memref<16xi32, #tpu.memory_space<hbm>>
        tpu.enqueue_dma source(%dma_start3A_38 : memref<16xi32, #tpu.memory_space<hbm>>) target(%arg7 : memref<16xi32, #tpu.memory_space<vmem>>) target_semaphore(%run_scoped3A : memref<!tpu.dma_semaphore, #tpu.memory_space<semaphore_mem>>)
        %dma_wait3A_39 = arith.constant 9984 : i32
        %dma_wait3A_40 = tpu.memref_slice %arg3[%dma_wait3A_39] : memref<10000xi32, #tpu.memory_space<hbm>> -> memref<16xi32, #tpu.memory_space<hbm>>
        %dma_wait3A_41 = arith.constant 9984 : i32
        %dma_wait3A_42 = tpu.memref_slice %arg3[%dma_wait3A_41] : memref<10000xi32, #tpu.memory_space<hbm>> -> memref<16xi32, #tpu.memory_space<hbm>>
        tpu.wait_dma2 semaphore(%run_scoped3A : memref<!tpu.dma_semaphore, #tpu.memory_space<semaphore_mem>>) src(%dma_wait3A_42 : memref<16xi32, #tpu.memory_space<hbm>>) dst(%arg7 : memref<16xi32, #tpu.memory_space<vmem>>)
        tpu.yield
      }) : () -> ()
      %dma_start3A_29 = arith.constant 0 : i32
      %dma_start3A_30 = arith.constant 0 : i32
      %dma_start3A_31 = tpu.memref_slice %arg2[%dma_start3A_29, %dma_start3A_30] : memref<10000x64xf32, #tpu.memory_space<hbm>> -> memref<10000x64xf32, #tpu.memory_space<hbm>>
      tpu.enqueue_indirect_dma source(%dma_start3A_31 : memref<10000x64xf32, #tpu.memory_space<hbm>>) target(%arg8 : memref<16x64xf32, #tpu.memory_space<vmem>>) offsets(%arg7 : memref<16xi32, #tpu.memory_space<vmem>>) semaphore(%arg9 : memref<!tpu.dma_semaphore, #tpu.memory_space<semaphore_mem>>)
      %dma_wait3A_32 = arith.constant 0 : i32
      %dma_wait3A_33 = arith.constant 0 : i32
      %dma_wait3A_34 = tpu.memref_slice %arg2[%dma_wait3A_32, %dma_wait3A_33] : memref<10000x64xf32, #tpu.memory_space<hbm>> -> memref<10000x64xf32, #tpu.memory_space<hbm>>
      tpu.wait_indirect_dma semaphore(%arg9 : memref<!tpu.dma_semaphore, #tpu.memory_space<semaphore_mem>>) src(%dma_wait3A_34 : memref<10000x64xf32, #tpu.memory_space<hbm>>) dst(%arg8 : memref<16x64xf32, #tpu.memory_space<vmem>>)
      "tpu.region"() ({
        %run_scoped3A = tpu.sem_alloc : memref<!tpu.dma_semaphore, #tpu.memory_space<semaphore_mem>>
        %dma_start3A_35 = arith.constant 9984 : i32
        %dma_start3A_36 = arith.constant 0 : i32
        %dma_start3A_37 = tpu.memref_slice %arg4[%dma_start3A_35, %dma_start3A_36] : memref<10000x64xf32, #tpu.memory_space<hbm>> -> memref<16x64xf32, #tpu.memory_space<hbm>>
        %dma_start3A_38 = arith.constant 9984 : i32
        %dma_start3A_39 = arith.constant 0 : i32
        %dma_start3A_40 = tpu.memref_slice %arg4[%dma_start3A_38, %dma_start3A_39] : memref<10000x64xf32, #tpu.memory_space<hbm>> -> memref<16x64xf32, #tpu.memory_space<hbm>>
        tpu.enqueue_dma source(%arg8 : memref<16x64xf32, #tpu.memory_space<vmem>>) target(%dma_start3A_40 : memref<16x64xf32, #tpu.memory_space<hbm>>) target_semaphore(%run_scoped3A : memref<!tpu.dma_semaphore, #tpu.memory_space<semaphore_mem>>)
        %dma_wait3A_41 = arith.constant 9984 : i32
        %dma_wait3A_42 = arith.constant 0 : i32
        %dma_wait3A_43 = tpu.memref_slice %arg4[%dma_wait3A_41, %dma_wait3A_42] : memref<10000x64xf32, #tpu.memory_space<hbm>> -> memref<16x64xf32, #tpu.memory_space<hbm>>
        %dma_wait3A_44 = arith.constant 9984 : i32
        %dma_wait3A_45 = arith.constant 0 : i32
        %dma_wait3A_46 = tpu.memref_slice %arg4[%dma_wait3A_44, %dma_wait3A_45] : memref<10000x64xf32, #tpu.memory_space<hbm>> -> memref<16x64xf32, #tpu.memory_space<hbm>>
        tpu.wait_dma2 semaphore(%run_scoped3A : memref<!tpu.dma_semaphore, #tpu.memory_space<semaphore_mem>>) src(%arg8 : memref<16x64xf32, #tpu.memory_space<vmem>>) dst(%dma_wait3A_46 : memref<16x64xf32, #tpu.memory_space<hbm>>)
        tpu.yield
      }) : () -> ()
    } else {
    }
    return
  }
}

#map = affine_map<(d0, d1) -> (0, 0)>
#map1 = affine_map<(d0, d1) -> (0, 0, 0)>
module attributes {stable_mosaic.version = 14 : i64} {
  func.func @_edge_body(%arg0: i32, %arg1: i32, %arg2: memref<10000x128xf32, #tpu.memory_space<hbm>>, %arg3: memref<32x125x80xi32, #tpu.memory_space<hbm>>, %arg4: memref<32x125x80xi32, #tpu.memory_space<hbm>>, %arg5: memref<2x10240x128xf32, #tpu.memory_space<hbm>>, %arg6: memref<125x80xi32, #tpu.memory_space<vmem>>, %arg7: memref<125x80xi32, #tpu.memory_space<vmem>>, %arg8: memref<80x128xf32, #tpu.memory_space<vmem>>, %arg9: memref<80x128xf32, #tpu.memory_space<vmem>>, %arg10: memref<16x128xf32, #tpu.memory_space<vmem>>, %arg11: memref<10240x128xf32, #tpu.memory_space<vmem_shared>>, %arg12: memref<!tpu.dma_semaphore, #tpu.memory_space<semaphore_mem>>, %arg13: memref<!tpu.dma_semaphore, #tpu.memory_space<semaphore_mem>>) attributes {dimension_semantics = [#tpu.dimension_semantics<core_parallel>, #tpu.dimension_semantics<subcore_parallel>], iteration_bounds = array<i64: 2, 16>, scalar_prefetch = 0 : i64, scratch_operands = 8 : i64, tpu.core_type = #tpu.core_type<sc_vector_subcore>, window_params = [{transform_indices = #map}, {transform_indices = #map1}, {transform_indices = #map1}, {transform_indices = #map1}]} {
    %mul3A = arith.constant 16 : i32
    %mul3A_0 = arith.muli %arg0, %mul3A : i32
    %add3A = arith.addi %mul3A_0, %arg1 : i32
    %broadcast_in_dim3A = arith.constant 0.000000e+00 : f32
    %broadcast_in_dim3A_1 = vector.broadcast %broadcast_in_dim3A : f32 to vector<16xf32>
    %swap3A = arith.constant 0 : i32
    %swap3A_2 = arith.index_cast %swap3A : i32 to index
    %swap3A_3 = arith.constant 0 : index
    %swap3A_4 = tpu.vector_load %arg10[%swap3A_2, %swap3A_3] {strides = array<i32>} : memref<16x128xf32, #tpu.memory_space<vmem>>, vector<1x16xf32>,
    %swap3A_5 = vector.shape_cast %swap3A_4 : vector<1x16xf32> to vector<16xf32>
    %swap3A_6 = vector.shape_cast %broadcast_in_dim3A_1 : vector<16xf32> to vector<1x16xf32>
    tpu.vector_store %arg10[%swap3A_2, %swap3A_3], %swap3A_6 {strides = array<i32>} : memref<16x128xf32, #tpu.memory_space<vmem>>, vector<1x16xf32>,
    %broadcast_in_dim3A_7 = arith.constant 0.000000e+00 : f32
    %broadcast_in_dim3A_8 = vector.broadcast %broadcast_in_dim3A_7 : f32 to vector<16xf32>
    %swap3A_9 = arith.constant 0 : i32
    %swap3A_10 = arith.index_cast %swap3A_9 : i32 to index
    %swap3A_11 = arith.constant 16 : index
    %swap3A_12 = tpu.vector_load %arg10[%swap3A_10, %swap3A_11] {strides = array<i32>} : memref<16x128xf32, #tpu.memory_space<vmem>>, vector<1x16xf32>,
    %swap3A_13 = vector.shape_cast %swap3A_12 : vector<1x16xf32> to vector<16xf32>
    %swap3A_14 = vector.shape_cast %broadcast_in_dim3A_8 : vector<16xf32> to vector<1x16xf32>
    tpu.vector_store %arg10[%swap3A_10, %swap3A_11], %swap3A_14 {strides = array<i32>} : memref<16x128xf32, #tpu.memory_space<vmem>>, vector<1x16xf32>,
    %broadcast_in_dim3A_15 = arith.constant 0.000000e+00 : f32
    %broadcast_in_dim3A_16 = vector.broadcast %broadcast_in_dim3A_15 : f32 to vector<16xf32>
    %swap3A_17 = arith.constant 0 : i32
    %swap3A_18 = arith.index_cast %swap3A_17 : i32 to index
    %swap3A_19 = arith.constant 32 : index
    %swap3A_20 = tpu.vector_load %arg10[%swap3A_18, %swap3A_19] {strides = array<i32>} : memref<16x128xf32, #tpu.memory_space<vmem>>, vector<1x16xf32>,
    %swap3A_21 = vector.shape_cast %swap3A_20 : vector<1x16xf32> to vector<16xf32>
    %swap3A_22 = vector.shape_cast %broadcast_in_dim3A_16 : vector<16xf32> to vector<1x16xf32>
    tpu.vector_store %arg10[%swap3A_18, %swap3A_19], %swap3A_22 {strides = array<i32>} : memref<16x128xf32, #tpu.memory_space<vmem>>, vector<1x16xf32>,
    %broadcast_in_dim3A_23 = arith.constant 0.000000e+00 : f32
    %broadcast_in_dim3A_24 = vector.broadcast %broadcast_in_dim3A_23 : f32 to vector<16xf32>
    %swap3A_25 = arith.constant 0 : i32
    %swap3A_26 = arith.index_cast %swap3A_25 : i32 to index
    %swap3A_27 = arith.constant 48 : index
    %swap3A_28 = tpu.vector_load %arg10[%swap3A_26, %swap3A_27] {strides = array<i32>} : memref<16x128xf32, #tpu.memory_space<vmem>>, vector<1x16xf32>,
    %swap3A_29 = vector.shape_cast %swap3A_28 : vector<1x16xf32> to vector<16xf32>
    %swap3A_30 = vector.shape_cast %broadcast_in_dim3A_24 : vector<16xf32> to vector<1x16xf32>
    tpu.vector_store %arg10[%swap3A_26, %swap3A_27], %swap3A_30 {strides = array<i32>} : memref<16x128xf32, #tpu.memory_space<vmem>>, vector<1x16xf32>,
    %broadcast_in_dim3A_31 = arith.constant 0.000000e+00 : f32
    %broadcast_in_dim3A_32 = vector.broadcast %broadcast_in_dim3A_31 : f32 to vector<16xf32>
    %swap3A_33 = arith.constant 0 : i32
    %swap3A_34 = arith.index_cast %swap3A_33 : i32 to index
    %swap3A_35 = arith.constant 64 : index
    %swap3A_36 = tpu.vector_load %arg10[%swap3A_34, %swap3A_35] {strides = array<i32>} : memref<16x128xf32, #tpu.memory_space<vmem>>, vector<1x16xf32>,
    %swap3A_37 = vector.shape_cast %swap3A_36 : vector<1x16xf32> to vector<16xf32>
    %swap3A_38 = vector.shape_cast %broadcast_in_dim3A_32 : vector<16xf32> to vector<1x16xf32>
    tpu.vector_store %arg10[%swap3A_34, %swap3A_35], %swap3A_38 {strides = array<i32>} : memref<16x128xf32, #tpu.memory_space<vmem>>, vector<1x16xf32>,
    %broadcast_in_dim3A_39 = arith.constant 0.000000e+00 : f32
    %broadcast_in_dim3A_40 = vector.broadcast %broadcast_in_dim3A_39 : f32 to vector<16xf32>
    %swap3A_41 = arith.constant 0 : i32
    %swap3A_42 = arith.index_cast %swap3A_41 : i32 to index
    %swap3A_43 = arith.constant 80 : index
    %swap3A_44 = tpu.vector_load %arg10[%swap3A_42, %swap3A_43] {strides = array<i32>} : memref<16x128xf32, #tpu.memory_space<vmem>>, vector<1x16xf32>,
    %swap3A_45 = vector.shape_cast %swap3A_44 : vector<1x16xf32> to vector<16xf32>
    %swap3A_46 = vector.shape_cast %broadcast_in_dim3A_40 : vector<16xf32> to vector<1x16xf32>
    tpu.vector_store %arg10[%swap3A_42, %swap3A_43], %swap3A_46 {strides = array<i32>} : memref<16x128xf32, #tpu.memory_space<vmem>>, vector<1x16xf32>,
    %broadcast_in_dim3A_47 = arith.constant 0.000000e+00 : f32
    %broadcast_in_dim3A_48 = vector.broadcast %broadcast_in_dim3A_47 : f32 to vector<16xf32>
    %swap3A_49 = arith.constant 0 : i32
    %swap3A_50 = arith.index_cast %swap3A_49 : i32 to index
    %swap3A_51 = arith.constant 96 : index
    %swap3A_52 = tpu.vector_load %arg10[%swap3A_50, %swap3A_51] {strides = array<i32>} : memref<16x128xf32, #tpu.memory_space<vmem>>, vector<1x16xf32>,
    %swap3A_53 = vector.shape_cast %swap3A_52 : vector<1x16xf32> to vector<16xf32>
    %swap3A_54 = vector.shape_cast %broadcast_in_dim3A_48 : vector<16xf32> to vector<1x16xf32>
    tpu.vector_store %arg10[%swap3A_50, %swap3A_51], %swap3A_54 {strides = array<i32>} : memref<16x128xf32, #tpu.memory_space<vmem>>, vector<1x16xf32>,
    %broadcast_in_dim3A_55 = arith.constant 0.000000e+00 : f32
    %broadcast_in_dim3A_56 = vector.broadcast %broadcast_in_dim3A_55 : f32 to vector<16xf32>
    %swap3A_57 = arith.constant 0 : i32
    %swap3A_58 = arith.index_cast %swap3A_57 : i32 to index
    %swap3A_59 = arith.constant 112 : index
    %swap3A_60 = tpu.vector_load %arg10[%swap3A_58, %swap3A_59] {strides = array<i32>} : memref<16x128xf32, #tpu.memory_space<vmem>>, vector<1x16xf32>,
    %swap3A_61 = vector.shape_cast %swap3A_60 : vector<1x16xf32> to vector<16xf32>
    %swap3A_62 = vector.shape_cast %broadcast_in_dim3A_56 : vector<16xf32> to vector<1x16xf32>
    tpu.vector_store %arg10[%swap3A_58, %swap3A_59], %swap3A_62 {strides = array<i32>} : memref<16x128xf32, #tpu.memory_space<vmem>>, vector<1x16xf32>,
    %broadcast_in_dim3A_63 = arith.constant 0.000000e+00 : f32
    %broadcast_in_dim3A_64 = vector.broadcast %broadcast_in_dim3A_63 : f32 to vector<16xf32>
    %swap3A_65 = arith.constant 1 : i32
    %swap3A_66 = arith.index_cast %swap3A_65 : i32 to index
    %swap3A_67 = arith.constant 0 : index
    %swap3A_68 = tpu.vector_load %arg10[%swap3A_66, %swap3A_67] {strides = array<i32>} : memref<16x128xf32, #tpu.memory_space<vmem>>, vector<1x16xf32>,
    %swap3A_69 = vector.shape_cast %swap3A_68 : vector<1x16xf32> to vector<16xf32>
    %swap3A_70 = vector.shape_cast %broadcast_in_dim3A_64 : vector<16xf32> to vector<1x16xf32>
    tpu.vector_store %arg10[%swap3A_66, %swap3A_67], %swap3A_70 {strides = array<i32>} : memref<16x128xf32, #tpu.memory_space<vmem>>, vector<1x16xf32>,
    %broadcast_in_dim3A_71 = arith.constant 0.000000e+00 : f32
    %broadcast_in_dim3A_72 = vector.broadcast %broadcast_in_dim3A_71 : f32 to vector<16xf32>
    %swap3A_73 = arith.constant 1 : i32
    %swap3A_74 = arith.index_cast %swap3A_73 : i32 to index
    %swap3A_75 = arith.constant 16 : index
    %swap3A_76 = tpu.vector_load %arg10[%swap3A_74, %swap3A_75] {strides = array<i32>} : memref<16x128xf32, #tpu.memory_space<vmem>>, vector<1x16xf32>,
    %swap3A_77 = vector.shape_cast %swap3A_76 : vector<1x16xf32> to vector<16xf32>
    %swap3A_78 = vector.shape_cast %broadcast_in_dim3A_72 : vector<16xf32> to vector<1x16xf32>
    tpu.vector_store %arg10[%swap3A_74, %swap3A_75], %swap3A_78 {strides = array<i32>} : memref<16x128xf32, #tpu.memory_space<vmem>>, vector<1x16xf32>,
    %broadcast_in_dim3A_79 = arith.constant 0.000000e+00 : f32
    %broadcast_in_dim3A_80 = vector.broadcast %broadcast_in_dim3A_79 : f32 to vector<16xf32>
    %swap3A_81 = arith.constant 1 : i32
    %swap3A_82 = arith.index_cast %swap3A_81 : i32 to index
    %swap3A_83 = arith.constant 32 : index
    %swap3A_84 = tpu.vector_load %arg10[%swap3A_82, %swap3A_83] {strides = array<i32>} : memref<16x128xf32, #tpu.memory_space<vmem>>, vector<1x16xf32>,
    %swap3A_85 = vector.shape_cast %swap3A_84 : vector<1x16xf32> to vector<16xf32>
    %swap3A_86 = vector.shape_cast %broadcast_in_dim3A_80 : vector<16xf32> to vector<1x16xf32>
    tpu.vector_store %arg10[%swap3A_82, %swap3A_83], %swap3A_86 {strides = array<i32>} : memref<16x128xf32, #tpu.memory_space<vmem>>, vector<1x16xf32>,
    %broadcast_in_dim3A_87 = arith.constant 0.000000e+00 : f32
    %broadcast_in_dim3A_88 = vector.broadcast %broadcast_in_dim3A_87 : f32 to vector<16xf32>
    %swap3A_89 = arith.constant 1 : i32
    %swap3A_90 = arith.index_cast %swap3A_89 : i32 to index
    %swap3A_91 = arith.constant 48 : index
    %swap3A_92 = tpu.vector_load %arg10[%swap3A_90, %swap3A_91] {strides = array<i32>} : memref<16x128xf32, #tpu.memory_space<vmem>>, vector<1x16xf32>,
    %swap3A_93 = vector.shape_cast %swap3A_92 : vector<1x16xf32> to vector<16xf32>
    %swap3A_94 = vector.shape_cast %broadcast_in_dim3A_88 : vector<16xf32> to vector<1x16xf32>
    tpu.vector_store %arg10[%swap3A_90, %swap3A_91], %swap3A_94 {strides = array<i32>} : memref<16x128xf32, #tpu.memory_space<vmem>>, vector<1x16xf32>,
    %broadcast_in_dim3A_95 = arith.constant 0.000000e+00 : f32
    %broadcast_in_dim3A_96 = vector.broadcast %broadcast_in_dim3A_95 : f32 to vector<16xf32>
    %swap3A_97 = arith.constant 1 : i32
    %swap3A_98 = arith.index_cast %swap3A_97 : i32 to index
    %swap3A_99 = arith.constant 64 : index
    %swap3A_100 = tpu.vector_load %arg10[%swap3A_98, %swap3A_99] {strides = array<i32>} : memref<16x128xf32, #tpu.memory_space<vmem>>, vector<1x16xf32>,
    %swap3A_101 = vector.shape_cast %swap3A_100 : vector<1x16xf32> to vector<16xf32>
    %swap3A_102 = vector.shape_cast %broadcast_in_dim3A_96 : vector<16xf32> to vector<1x16xf32>
    tpu.vector_store %arg10[%swap3A_98, %swap3A_99], %swap3A_102 {strides = array<i32>} : memref<16x128xf32, #tpu.memory_space<vmem>>, vector<1x16xf32>,
    %broadcast_in_dim3A_103 = arith.constant 0.000000e+00 : f32
    %broadcast_in_dim3A_104 = vector.broadcast %broadcast_in_dim3A_103 : f32 to vector<16xf32>
    %swap3A_105 = arith.constant 1 : i32
    %swap3A_106 = arith.index_cast %swap3A_105 : i32 to index
    %swap3A_107 = arith.constant 80 : index
    %swap3A_108 = tpu.vector_load %arg10[%swap3A_106, %swap3A_107] {strides = array<i32>} : memref<16x128xf32, #tpu.memory_space<vmem>>, vector<1x16xf32>,
    %swap3A_109 = vector.shape_cast %swap3A_108 : vector<1x16xf32> to vector<16xf32>
    %swap3A_110 = vector.shape_cast %broadcast_in_dim3A_104 : vector<16xf32> to vector<1x16xf32>
    tpu.vector_store %arg10[%swap3A_106, %swap3A_107], %swap3A_110 {strides = array<i32>} : memref<16x128xf32, #tpu.memory_space<vmem>>, vector<1x16xf32>,
    %broadcast_in_dim3A_111 = arith.constant 0.000000e+00 : f32
    %broadcast_in_dim3A_112 = vector.broadcast %broadcast_in_dim3A_111 : f32 to vector<16xf32>
    %swap3A_113 = arith.constant 1 : i32
    %swap3A_114 = arith.index_cast %swap3A_113 : i32 to index
    %swap3A_115 = arith.constant 96 : index
    %swap3A_116 = tpu.vector_load %arg10[%swap3A_114, %swap3A_115] {strides = array<i32>} : memref<16x128xf32, #tpu.memory_space<vmem>>, vector<1x16xf32>,
    %swap3A_117 = vector.shape_cast %swap3A_116 : vector<1x16xf32> to vector<16xf32>
    %swap3A_118 = vector.shape_cast %broadcast_in_dim3A_112 : vector<16xf32> to vector<1x16xf32>
    tpu.vector_store %arg10[%swap3A_114, %swap3A_115], %swap3A_118 {strides = array<i32>} : memref<16x128xf32, #tpu.memory_space<vmem>>, vector<1x16xf32>,
    %broadcast_in_dim3A_119 = arith.constant 0.000000e+00 : f32
    %broadcast_in_dim3A_120 = vector.broadcast %broadcast_in_dim3A_119 : f32 to vector<16xf32>
    %swap3A_121 = arith.constant 1 : i32
    %swap3A_122 = arith.index_cast %swap3A_121 : i32 to index
    %swap3A_123 = arith.constant 112 : index
    %swap3A_124 = tpu.vector_load %arg10[%swap3A_122, %swap3A_123] {strides = array<i32>} : memref<16x128xf32, #tpu.memory_space<vmem>>, vector<1x16xf32>,
    %swap3A_125 = vector.shape_cast %swap3A_124 : vector<1x16xf32> to vector<16xf32>
    %swap3A_126 = vector.shape_cast %broadcast_in_dim3A_120 : vector<16xf32> to vector<1x16xf32>
    tpu.vector_store %arg10[%swap3A_122, %swap3A_123], %swap3A_126 {strides = array<i32>} : memref<16x128xf32, #tpu.memory_space<vmem>>, vector<1x16xf32>,
    %broadcast_in_dim3A_127 = arith.constant 0.000000e+00 : f32
    %broadcast_in_dim3A_128 = vector.broadcast %broadcast_in_dim3A_127 : f32 to vector<16xf32>
    %swap3A_129 = arith.constant 2 : i32
    %swap3A_130 = arith.index_cast %swap3A_129 : i32 to index
    %swap3A_131 = arith.constant 0 : index
    %swap3A_132 = tpu.vector_load %arg10[%swap3A_130, %swap3A_131] {strides = array<i32>} : memref<16x128xf32, #tpu.memory_space<vmem>>, vector<1x16xf32>,
    %swap3A_133 = vector.shape_cast %swap3A_132 : vector<1x16xf32> to vector<16xf32>
    %swap3A_134 = vector.shape_cast %broadcast_in_dim3A_128 : vector<16xf32> to vector<1x16xf32>
    tpu.vector_store %arg10[%swap3A_130, %swap3A_131], %swap3A_134 {strides = array<i32>} : memref<16x128xf32, #tpu.memory_space<vmem>>, vector<1x16xf32>,
    %broadcast_in_dim3A_135 = arith.constant 0.000000e+00 : f32
    %broadcast_in_dim3A_136 = vector.broadcast %broadcast_in_dim3A_135 : f32 to vector<16xf32>
    %swap3A_137 = arith.constant 2 : i32
    %swap3A_138 = arith.index_cast %swap3A_137 : i32 to index
    %swap3A_139 = arith.constant 16 : index
    %swap3A_140 = tpu.vector_load %arg10[%swap3A_138, %swap3A_139] {strides = array<i32>} : memref<16x128xf32, #tpu.memory_space<vmem>>, vector<1x16xf32>,
    %swap3A_141 = vector.shape_cast %swap3A_140 : vector<1x16xf32> to vector<16xf32>
    %swap3A_142 = vector.shape_cast %broadcast_in_dim3A_136 : vector<16xf32> to vector<1x16xf32>
    tpu.vector_store %arg10[%swap3A_138, %swap3A_139], %swap3A_142 {strides = array<i32>} : memref<16x128xf32, #tpu.memory_space<vmem>>, vector<1x16xf32>,
    %broadcast_in_dim3A_143 = arith.constant 0.000000e+00 : f32
    %broadcast_in_dim3A_144 = vector.broadcast %broadcast_in_dim3A_143 : f32 to vector<16xf32>
    %swap3A_145 = arith.constant 2 : i32
    %swap3A_146 = arith.index_cast %swap3A_145 : i32 to index
    %swap3A_147 = arith.constant 32 : index
    %swap3A_148 = tpu.vector_load %arg10[%swap3A_146, %swap3A_147] {strides = array<i32>} : memref<16x128xf32, #tpu.memory_space<vmem>>, vector<1x16xf32>,
    %swap3A_149 = vector.shape_cast %swap3A_148 : vector<1x16xf32> to vector<16xf32>
    %swap3A_150 = vector.shape_cast %broadcast_in_dim3A_144 : vector<16xf32> to vector<1x16xf32>
    tpu.vector_store %arg10[%swap3A_146, %swap3A_147], %swap3A_150 {strides = array<i32>} : memref<16x128xf32, #tpu.memory_space<vmem>>, vector<1x16xf32>,
    %broadcast_in_dim3A_151 = arith.constant 0.000000e+00 : f32
    %broadcast_in_dim3A_152 = vector.broadcast %broadcast_in_dim3A_151 : f32 to vector<16xf32>
    %swap3A_153 = arith.constant 2 : i32
    %swap3A_154 = arith.index_cast %swap3A_153 : i32 to index
    %swap3A_155 = arith.constant 48 : index
    %swap3A_156 = tpu.vector_load %arg10[%swap3A_154, %swap3A_155] {strides = array<i32>} : memref<16x128xf32, #tpu.memory_space<vmem>>, vector<1x16xf32>,
    %swap3A_157 = vector.shape_cast %swap3A_156 : vector<1x16xf32> to vector<16xf32>
    %swap3A_158 = vector.shape_cast %broadcast_in_dim3A_152 : vector<16xf32> to vector<1x16xf32>
    tpu.vector_store %arg10[%swap3A_154, %swap3A_155], %swap3A_158 {strides = array<i32>} : memref<16x128xf32, #tpu.memory_space<vmem>>, vector<1x16xf32>,
    %broadcast_in_dim3A_159 = arith.constant 0.000000e+00 : f32
    %broadcast_in_dim3A_160 = vector.broadcast %broadcast_in_dim3A_159 : f32 to vector<16xf32>
    %swap3A_161 = arith.constant 2 : i32
    %swap3A_162 = arith.index_cast %swap3A_161 : i32 to index
    %swap3A_163 = arith.constant 64 : index
    %swap3A_164 = tpu.vector_load %arg10[%swap3A_162, %swap3A_163] {strides = array<i32>} : memref<16x128xf32, #tpu.memory_space<vmem>>, vector<1x16xf32>,
    %swap3A_165 = vector.shape_cast %swap3A_164 : vector<1x16xf32> to vector<16xf32>
    %swap3A_166 = vector.shape_cast %broadcast_in_dim3A_160 : vector<16xf32> to vector<1x16xf32>
    tpu.vector_store %arg10[%swap3A_162, %swap3A_163], %swap3A_166 {strides = array<i32>} : memref<16x128xf32, #tpu.memory_space<vmem>>, vector<1x16xf32>,
    %broadcast_in_dim3A_167 = arith.constant 0.000000e+00 : f32
    %broadcast_in_dim3A_168 = vector.broadcast %broadcast_in_dim3A_167 : f32 to vector<16xf32>
    %swap3A_169 = arith.constant 2 : i32
    %swap3A_170 = arith.index_cast %swap3A_169 : i32 to index
    %swap3A_171 = arith.constant 80 : index
    %swap3A_172 = tpu.vector_load %arg10[%swap3A_170, %swap3A_171] {strides = array<i32>} : memref<16x128xf32, #tpu.memory_space<vmem>>, vector<1x16xf32>,
    %swap3A_173 = vector.shape_cast %swap3A_172 : vector<1x16xf32> to vector<16xf32>
    %swap3A_174 = vector.shape_cast %broadcast_in_dim3A_168 : vector<16xf32> to vector<1x16xf32>
    tpu.vector_store %arg10[%swap3A_170, %swap3A_171], %swap3A_174 {strides = array<i32>} : memref<16x128xf32, #tpu.memory_space<vmem>>, vector<1x16xf32>,
    %broadcast_in_dim3A_175 = arith.constant 0.000000e+00 : f32
    %broadcast_in_dim3A_176 = vector.broadcast %broadcast_in_dim3A_175 : f32 to vector<16xf32>
    %swap3A_177 = arith.constant 2 : i32
    %swap3A_178 = arith.index_cast %swap3A_177 : i32 to index
    %swap3A_179 = arith.constant 96 : index
    %swap3A_180 = tpu.vector_load %arg10[%swap3A_178, %swap3A_179] {strides = array<i32>} : memref<16x128xf32, #tpu.memory_space<vmem>>, vector<1x16xf32>,
    %swap3A_181 = vector.shape_cast %swap3A_180 : vector<1x16xf32> to vector<16xf32>
    %swap3A_182 = vector.shape_cast %broadcast_in_dim3A_176 : vector<16xf32> to vector<1x16xf32>
    tpu.vector_store %arg10[%swap3A_178, %swap3A_179], %swap3A_182 {strides = array<i32>} : memref<16x128xf32, #tpu.memory_space<vmem>>, vector<1x16xf32>,
    %broadcast_in_dim3A_183 = arith.constant 0.000000e+00 : f32
    %broadcast_in_dim3A_184 = vector.broadcast %broadcast_in_dim3A_183 : f32 to vector<16xf32>
    %swap3A_185 = arith.constant 2 : i32
    %swap3A_186 = arith.index_cast %swap3A_185 : i32 to index
    %swap3A_187 = arith.constant 112 : index
    %swap3A_188 = tpu.vector_load %arg10[%swap3A_186, %swap3A_187] {strides = array<i32>} : memref<16x128xf32, #tpu.memory_space<vmem>>, vector<1x16xf32>,
    %swap3A_189 = vector.shape_cast %swap3A_188 : vector<1x16xf32> to vector<16xf32>
    %swap3A_190 = vector.shape_cast %broadcast_in_dim3A_184 : vector<16xf32> to vector<1x16xf32>
    tpu.vector_store %arg10[%swap3A_186, %swap3A_187], %swap3A_190 {strides = array<i32>} : memref<16x128xf32, #tpu.memory_space<vmem>>, vector<1x16xf32>,
    %broadcast_in_dim3A_191 = arith.constant 0.000000e+00 : f32
    %broadcast_in_dim3A_192 = vector.broadcast %broadcast_in_dim3A_191 : f32 to vector<16xf32>
    %swap3A_193 = arith.constant 3 : i32
    %swap3A_194 = arith.index_cast %swap3A_193 : i32 to index
    %swap3A_195 = arith.constant 0 : index
    %swap3A_196 = tpu.vector_load %arg10[%swap3A_194, %swap3A_195] {strides = array<i32>} : memref<16x128xf32, #tpu.memory_space<vmem>>, vector<1x16xf32>,
    %swap3A_197 = vector.shape_cast %swap3A_196 : vector<1x16xf32> to vector<16xf32>
    %swap3A_198 = vector.shape_cast %broadcast_in_dim3A_192 : vector<16xf32> to vector<1x16xf32>
    tpu.vector_store %arg10[%swap3A_194, %swap3A_195], %swap3A_198 {strides = array<i32>} : memref<16x128xf32, #tpu.memory_space<vmem>>, vector<1x16xf32>,
    %broadcast_in_dim3A_199 = arith.constant 0.000000e+00 : f32
    %broadcast_in_dim3A_200 = vector.broadcast %broadcast_in_dim3A_199 : f32 to vector<16xf32>
    %swap3A_201 = arith.constant 3 : i32
    %swap3A_202 = arith.index_cast %swap3A_201 : i32 to index
    %swap3A_203 = arith.constant 16 : index
    %swap3A_204 = tpu.vector_load %arg10[%swap3A_202, %swap3A_203] {strides = array<i32>} : memref<16x128xf32, #tpu.memory_space<vmem>>, vector<1x16xf32>,
    %swap3A_205 = vector.shape_cast %swap3A_204 : vector<1x16xf32> to vector<16xf32>
    %swap3A_206 = vector.shape_cast %broadcast_in_dim3A_200 : vector<16xf32> to vector<1x16xf32>
    tpu.vector_store %arg10[%swap3A_202, %swap3A_203], %swap3A_206 {strides = array<i32>} : memref<16x128xf32, #tpu.memory_space<vmem>>, vector<1x16xf32>,
    %broadcast_in_dim3A_207 = arith.constant 0.000000e+00 : f32
    %broadcast_in_dim3A_208 = vector.broadcast %broadcast_in_dim3A_207 : f32 to vector<16xf32>
    %swap3A_209 = arith.constant 3 : i32
    %swap3A_210 = arith.index_cast %swap3A_209 : i32 to index
    %swap3A_211 = arith.constant 32 : index
    %swap3A_212 = tpu.vector_load %arg10[%swap3A_210, %swap3A_211] {strides = array<i32>} : memref<16x128xf32, #tpu.memory_space<vmem>>, vector<1x16xf32>,
    %swap3A_213 = vector.shape_cast %swap3A_212 : vector<1x16xf32> to vector<16xf32>
    %swap3A_214 = vector.shape_cast %broadcast_in_dim3A_208 : vector<16xf32> to vector<1x16xf32>
    tpu.vector_store %arg10[%swap3A_210, %swap3A_211], %swap3A_214 {strides = array<i32>} : memref<16x128xf32, #tpu.memory_space<vmem>>, vector<1x16xf32>,
    %broadcast_in_dim3A_215 = arith.constant 0.000000e+00 : f32
    %broadcast_in_dim3A_216 = vector.broadcast %broadcast_in_dim3A_215 : f32 to vector<16xf32>
    %swap3A_217 = arith.constant 3 : i32
    %swap3A_218 = arith.index_cast %swap3A_217 : i32 to index
    %swap3A_219 = arith.constant 48 : index
    %swap3A_220 = tpu.vector_load %arg10[%swap3A_218, %swap3A_219] {strides = array<i32>} : memref<16x128xf32, #tpu.memory_space<vmem>>, vector<1x16xf32>,
    %swap3A_221 = vector.shape_cast %swap3A_220 : vector<1x16xf32> to vector<16xf32>
    %swap3A_222 = vector.shape_cast %broadcast_in_dim3A_216 : vector<16xf32> to vector<1x16xf32>
    tpu.vector_store %arg10[%swap3A_218, %swap3A_219], %swap3A_222 {strides = array<i32>} : memref<16x128xf32, #tpu.memory_space<vmem>>, vector<1x16xf32>,
    %broadcast_in_dim3A_223 = arith.constant 0.000000e+00 : f32
    %broadcast_in_dim3A_224 = vector.broadcast %broadcast_in_dim3A_223 : f32 to vector<16xf32>
    %swap3A_225 = arith.constant 3 : i32
    %swap3A_226 = arith.index_cast %swap3A_225 : i32 to index
    %swap3A_227 = arith.constant 64 : index
    %swap3A_228 = tpu.vector_load %arg10[%swap3A_226, %swap3A_227] {strides = array<i32>} : memref<16x128xf32, #tpu.memory_space<vmem>>, vector<1x16xf32>,
    %swap3A_229 = vector.shape_cast %swap3A_228 : vector<1x16xf32> to vector<16xf32>
    %swap3A_230 = vector.shape_cast %broadcast_in_dim3A_224 : vector<16xf32> to vector<1x16xf32>
    tpu.vector_store %arg10[%swap3A_226, %swap3A_227], %swap3A_230 {strides = array<i32>} : memref<16x128xf32, #tpu.memory_space<vmem>>, vector<1x16xf32>,
    %broadcast_in_dim3A_231 = arith.constant 0.000000e+00 : f32
    %broadcast_in_dim3A_232 = vector.broadcast %broadcast_in_dim3A_231 : f32 to vector<16xf32>
    %swap3A_233 = arith.constant 3 : i32
    %swap3A_234 = arith.index_cast %swap3A_233 : i32 to index
    %swap3A_235 = arith.constant 80 : index
    %swap3A_236 = tpu.vector_load %arg10[%swap3A_234, %swap3A_235] {strides = array<i32>} : memref<16x128xf32, #tpu.memory_space<vmem>>, vector<1x16xf32>,
    %swap3A_237 = vector.shape_cast %swap3A_236 : vector<1x16xf32> to vector<16xf32>
    %swap3A_238 = vector.shape_cast %broadcast_in_dim3A_232 : vector<16xf32> to vector<1x16xf32>
    tpu.vector_store %arg10[%swap3A_234, %swap3A_235], %swap3A_238 {strides = array<i32>} : memref<16x128xf32, #tpu.memory_space<vmem>>, vector<1x16xf32>,
    %broadcast_in_dim3A_239 = arith.constant 0.000000e+00 : f32
    %broadcast_in_dim3A_240 = vector.broadcast %broadcast_in_dim3A_239 : f32 to vector<16xf32>
    %swap3A_241 = arith.constant 3 : i32
    %swap3A_242 = arith.index_cast %swap3A_241 : i32 to index
    %swap3A_243 = arith.constant 96 : index
    %swap3A_244 = tpu.vector_load %arg10[%swap3A_242, %swap3A_243] {strides = array<i32>} : memref<16x128xf32, #tpu.memory_space<vmem>>, vector<1x16xf32>,
    %swap3A_245 = vector.shape_cast %swap3A_244 : vector<1x16xf32> to vector<16xf32>
    %swap3A_246 = vector.shape_cast %broadcast_in_dim3A_240 : vector<16xf32> to vector<1x16xf32>
    tpu.vector_store %arg10[%swap3A_242, %swap3A_243], %swap3A_246 {strides = array<i32>} : memref<16x128xf32, #tpu.memory_space<vmem>>, vector<1x16xf32>,
    %broadcast_in_dim3A_247 = arith.constant 0.000000e+00 : f32
    %broadcast_in_dim3A_248 = vector.broadcast %broadcast_in_dim3A_247 : f32 to vector<16xf32>
    %swap3A_249 = arith.constant 3 : i32
    %swap3A_250 = arith.index_cast %swap3A_249 : i32 to index
    %swap3A_251 = arith.constant 112 : index
    %swap3A_252 = tpu.vector_load %arg10[%swap3A_250, %swap3A_251] {strides = array<i32>} : memref<16x128xf32, #tpu.memory_space<vmem>>, vector<1x16xf32>,
    %swap3A_253 = vector.shape_cast %swap3A_252 : vector<1x16xf32> to vector<16xf32>
    %swap3A_254 = vector.shape_cast %broadcast_in_dim3A_248 : vector<16xf32> to vector<1x16xf32>
    tpu.vector_store %arg10[%swap3A_250, %swap3A_251], %swap3A_254 {strides = array<i32>} : memref<16x128xf32, #tpu.memory_space<vmem>>, vector<1x16xf32>,
    %broadcast_in_dim3A_255 = arith.constant 0.000000e+00 : f32
    %broadcast_in_dim3A_256 = vector.broadcast %broadcast_in_dim3A_255 : f32 to vector<16xf32>
    %swap3A_257 = arith.constant 4 : i32
    %swap3A_258 = arith.index_cast %swap3A_257 : i32 to index
    %swap3A_259 = arith.constant 0 : index
    %swap3A_260 = tpu.vector_load %arg10[%swap3A_258, %swap3A_259] {strides = array<i32>} : memref<16x128xf32, #tpu.memory_space<vmem>>, vector<1x16xf32>,
    %swap3A_261 = vector.shape_cast %swap3A_260 : vector<1x16xf32> to vector<16xf32>
    %swap3A_262 = vector.shape_cast %broadcast_in_dim3A_256 : vector<16xf32> to vector<1x16xf32>
    tpu.vector_store %arg10[%swap3A_258, %swap3A_259], %swap3A_262 {strides = array<i32>} : memref<16x128xf32, #tpu.memory_space<vmem>>, vector<1x16xf32>,
    %broadcast_in_dim3A_263 = arith.constant 0.000000e+00 : f32
    %broadcast_in_dim3A_264 = vector.broadcast %broadcast_in_dim3A_263 : f32 to vector<16xf32>
    %swap3A_265 = arith.constant 4 : i32
    %swap3A_266 = arith.index_cast %swap3A_265 : i32 to index
    %swap3A_267 = arith.constant 16 : index
    %swap3A_268 = tpu.vector_load %arg10[%swap3A_266, %swap3A_267] {strides = array<i32>} : memref<16x128xf32, #tpu.memory_space<vmem>>, vector<1x16xf32>,
    %swap3A_269 = vector.shape_cast %swap3A_268 : vector<1x16xf32> to vector<16xf32>
    %swap3A_270 = vector.shape_cast %broadcast_in_dim3A_264 : vector<16xf32> to vector<1x16xf32>
    tpu.vector_store %arg10[%swap3A_266, %swap3A_267], %swap3A_270 {strides = array<i32>} : memref<16x128xf32, #tpu.memory_space<vmem>>, vector<1x16xf32>,
    %broadcast_in_dim3A_271 = arith.constant 0.000000e+00 : f32
    %broadcast_in_dim3A_272 = vector.broadcast %broadcast_in_dim3A_271 : f32 to vector<16xf32>
    %swap3A_273 = arith.constant 4 : i32
    %swap3A_274 = arith.index_cast %swap3A_273 : i32 to index
    %swap3A_275 = arith.constant 32 : index
    %swap3A_276 = tpu.vector_load %arg10[%swap3A_274, %swap3A_275] {strides = array<i32>} : memref<16x128xf32, #tpu.memory_space<vmem>>, vector<1x16xf32>,
    %swap3A_277 = vector.shape_cast %swap3A_276 : vector<1x16xf32> to vector<16xf32>
    %swap3A_278 = vector.shape_cast %broadcast_in_dim3A_272 : vector<16xf32> to vector<1x16xf32>
    tpu.vector_store %arg10[%swap3A_274, %swap3A_275], %swap3A_278 {strides = array<i32>} : memref<16x128xf32, #tpu.memory_space<vmem>>, vector<1x16xf32>,
    %broadcast_in_dim3A_279 = arith.constant 0.000000e+00 : f32
    %broadcast_in_dim3A_280 = vector.broadcast %broadcast_in_dim3A_279 : f32 to vector<16xf32>
    %swap3A_281 = arith.constant 4 : i32
    %swap3A_282 = arith.index_cast %swap3A_281 : i32 to index
    %swap3A_283 = arith.constant 48 : index
    %swap3A_284 = tpu.vector_load %arg10[%swap3A_282, %swap3A_283] {strides = array<i32>} : memref<16x128xf32, #tpu.memory_space<vmem>>, vector<1x16xf32>,
    %swap3A_285 = vector.shape_cast %swap3A_284 : vector<1x16xf32> to vector<16xf32>
    %swap3A_286 = vector.shape_cast %broadcast_in_dim3A_280 : vector<16xf32> to vector<1x16xf32>
    tpu.vector_store %arg10[%swap3A_282, %swap3A_283], %swap3A_286 {strides = array<i32>} : memref<16x128xf32, #tpu.memory_space<vmem>>, vector<1x16xf32>,
    %broadcast_in_dim3A_287 = arith.constant 0.000000e+00 : f32
    %broadcast_in_dim3A_288 = vector.broadcast %broadcast_in_dim3A_287 : f32 to vector<16xf32>
    %swap3A_289 = arith.constant 4 : i32
    %swap3A_290 = arith.index_cast %swap3A_289 : i32 to index
    %swap3A_291 = arith.constant 64 : index
    %swap3A_292 = tpu.vector_load %arg10[%swap3A_290, %swap3A_291] {strides = array<i32>} : memref<16x128xf32, #tpu.memory_space<vmem>>, vector<1x16xf32>,
    %swap3A_293 = vector.shape_cast %swap3A_292 : vector<1x16xf32> to vector<16xf32>
    %swap3A_294 = vector.shape_cast %broadcast_in_dim3A_288 : vector<16xf32> to vector<1x16xf32>
    tpu.vector_store %arg10[%swap3A_290, %swap3A_291], %swap3A_294 {strides = array<i32>} : memref<16x128xf32, #tpu.memory_space<vmem>>, vector<1x16xf32>,
    %broadcast_in_dim3A_295 = arith.constant 0.000000e+00 : f32
    %broadcast_in_dim3A_296 = vector.broadcast %broadcast_in_dim3A_295 : f32 to vector<16xf32>
    %swap3A_297 = arith.constant 4 : i32
    %swap3A_298 = arith.index_cast %swap3A_297 : i32 to index
    %swap3A_299 = arith.constant 80 : index
    %swap3A_300 = tpu.vector_load %arg10[%swap3A_298, %swap3A_299] {strides = array<i32>} : memref<16x128xf32, #tpu.memory_space<vmem>>, vector<1x16xf32>,
    %swap3A_301 = vector.shape_cast %swap3A_300 : vector<1x16xf32> to vector<16xf32>
    %swap3A_302 = vector.shape_cast %broadcast_in_dim3A_296 : vector<16xf32> to vector<1x16xf32>
    tpu.vector_store %arg10[%swap3A_298, %swap3A_299], %swap3A_302 {strides = array<i32>} : memref<16x128xf32, #tpu.memory_space<vmem>>, vector<1x16xf32>,
    %broadcast_in_dim3A_303 = arith.constant 0.000000e+00 : f32
    %broadcast_in_dim3A_304 = vector.broadcast %broadcast_in_dim3A_303 : f32 to vector<16xf32>
    %swap3A_305 = arith.constant 4 : i32
    %swap3A_306 = arith.index_cast %swap3A_305 : i32 to index
    %swap3A_307 = arith.constant 96 : index
    %swap3A_308 = tpu.vector_load %arg10[%swap3A_306, %swap3A_307] {strides = array<i32>} : memref<16x128xf32, #tpu.memory_space<vmem>>, vector<1x16xf32>,
    %swap3A_309 = vector.shape_cast %swap3A_308 : vector<1x16xf32> to vector<16xf32>
    %swap3A_310 = vector.shape_cast %broadcast_in_dim3A_304 : vector<16xf32> to vector<1x16xf32>
    tpu.vector_store %arg10[%swap3A_306, %swap3A_307], %swap3A_310 {strides = array<i32>} : memref<16x128xf32, #tpu.memory_space<vmem>>, vector<1x16xf32>,
    %broadcast_in_dim3A_311 = arith.constant 0.000000e+00 : f32
    %broadcast_in_dim3A_312 = vector.broadcast %broadcast_in_dim3A_311 : f32 to vector<16xf32>
    %swap3A_313 = arith.constant 4 : i32
    %swap3A_314 = arith.index_cast %swap3A_313 : i32 to index
    %swap3A_315 = arith.constant 112 : index
    %swap3A_316 = tpu.vector_load %arg10[%swap3A_314, %swap3A_315] {strides = array<i32>} : memref<16x128xf32, #tpu.memory_space<vmem>>, vector<1x16xf32>,
    %swap3A_317 = vector.shape_cast %swap3A_316 : vector<1x16xf32> to vector<16xf32>
    %swap3A_318 = vector.shape_cast %broadcast_in_dim3A_312 : vector<16xf32> to vector<1x16xf32>
    tpu.vector_store %arg10[%swap3A_314, %swap3A_315], %swap3A_318 {strides = array<i32>} : memref<16x128xf32, #tpu.memory_space<vmem>>, vector<1x16xf32>,
    %broadcast_in_dim3A_319 = arith.constant 0.000000e+00 : f32
    %broadcast_in_dim3A_320 = vector.broadcast %broadcast_in_dim3A_319 : f32 to vector<16xf32>
    %swap3A_321 = arith.constant 5 : i32
    %swap3A_322 = arith.index_cast %swap3A_321 : i32 to index
    %swap3A_323 = arith.constant 0 : index
    %swap3A_324 = tpu.vector_load %arg10[%swap3A_322, %swap3A_323] {strides = array<i32>} : memref<16x128xf32, #tpu.memory_space<vmem>>, vector<1x16xf32>,
    %swap3A_325 = vector.shape_cast %swap3A_324 : vector<1x16xf32> to vector<16xf32>
    %swap3A_326 = vector.shape_cast %broadcast_in_dim3A_320 : vector<16xf32> to vector<1x16xf32>
    tpu.vector_store %arg10[%swap3A_322, %swap3A_323], %swap3A_326 {strides = array<i32>} : memref<16x128xf32, #tpu.memory_space<vmem>>, vector<1x16xf32>,
    %broadcast_in_dim3A_327 = arith.constant 0.000000e+00 : f32
    %broadcast_in_dim3A_328 = vector.broadcast %broadcast_in_dim3A_327 : f32 to vector<16xf32>
    %swap3A_329 = arith.constant 5 : i32
    %swap3A_330 = arith.index_cast %swap3A_329 : i32 to index
    %swap3A_331 = arith.constant 16 : index
    %swap3A_332 = tpu.vector_load %arg10[%swap3A_330, %swap3A_331] {strides = array<i32>} : memref<16x128xf32, #tpu.memory_space<vmem>>, vector<1x16xf32>,
    %swap3A_333 = vector.shape_cast %swap3A_332 : vector<1x16xf32> to vector<16xf32>
    %swap3A_334 = vector.shape_cast %broadcast_in_dim3A_328 : vector<16xf32> to vector<1x16xf32>
    tpu.vector_store %arg10[%swap3A_330, %swap3A_331], %swap3A_334 {strides = array<i32>} : memref<16x128xf32, #tpu.memory_space<vmem>>, vector<1x16xf32>,
    %broadcast_in_dim3A_335 = arith.constant 0.000000e+00 : f32
    %broadcast_in_dim3A_336 = vector.broadcast %broadcast_in_dim3A_335 : f32 to vector<16xf32>
    %swap3A_337 = arith.constant 5 : i32
    %swap3A_338 = arith.index_cast %swap3A_337 : i32 to index
    %swap3A_339 = arith.constant 32 : index
    %swap3A_340 = tpu.vector_load %arg10[%swap3A_338, %swap3A_339] {strides = array<i32>} : memref<16x128xf32, #tpu.memory_space<vmem>>, vector<1x16xf32>,
    %swap3A_341 = vector.shape_cast %swap3A_340 : vector<1x16xf32> to vector<16xf32>
    %swap3A_342 = vector.shape_cast %broadcast_in_dim3A_336 : vector<16xf32> to vector<1x16xf32>
    tpu.vector_store %arg10[%swap3A_338, %swap3A_339], %swap3A_342 {strides = array<i32>} : memref<16x128xf32, #tpu.memory_space<vmem>>, vector<1x16xf32>,
    %broadcast_in_dim3A_343 = arith.constant 0.000000e+00 : f32
    %broadcast_in_dim3A_344 = vector.broadcast %broadcast_in_dim3A_343 : f32 to vector<16xf32>
    %swap3A_345 = arith.constant 5 : i32
    %swap3A_346 = arith.index_cast %swap3A_345 : i32 to index
    %swap3A_347 = arith.constant 48 : index
    %swap3A_348 = tpu.vector_load %arg10[%swap3A_346, %swap3A_347] {strides = array<i32>} : memref<16x128xf32, #tpu.memory_space<vmem>>, vector<1x16xf32>,
    %swap3A_349 = vector.shape_cast %swap3A_348 : vector<1x16xf32> to vector<16xf32>
    %swap3A_350 = vector.shape_cast %broadcast_in_dim3A_344 : vector<16xf32> to vector<1x16xf32>
    tpu.vector_store %arg10[%swap3A_346, %swap3A_347], %swap3A_350 {strides = array<i32>} : memref<16x128xf32, #tpu.memory_space<vmem>>, vector<1x16xf32>,
    %broadcast_in_dim3A_351 = arith.constant 0.000000e+00 : f32
    %broadcast_in_dim3A_352 = vector.broadcast %broadcast_in_dim3A_351 : f32 to vector<16xf32>
    %swap3A_353 = arith.constant 5 : i32
    %swap3A_354 = arith.index_cast %swap3A_353 : i32 to index
    %swap3A_355 = arith.constant 64 : index
    %swap3A_356 = tpu.vector_load %arg10[%swap3A_354, %swap3A_355] {strides = array<i32>} : memref<16x128xf32, #tpu.memory_space<vmem>>, vector<1x16xf32>,
    %swap3A_357 = vector.shape_cast %swap3A_356 : vector<1x16xf32> to vector<16xf32>
    %swap3A_358 = vector.shape_cast %broadcast_in_dim3A_352 : vector<16xf32> to vector<1x16xf32>
    tpu.vector_store %arg10[%swap3A_354, %swap3A_355], %swap3A_358 {strides = array<i32>} : memref<16x128xf32, #tpu.memory_space<vmem>>, vector<1x16xf32>,
    %broadcast_in_dim3A_359 = arith.constant 0.000000e+00 : f32
    %broadcast_in_dim3A_360 = vector.broadcast %broadcast_in_dim3A_359 : f32 to vector<16xf32>
    %swap3A_361 = arith.constant 5 : i32
    %swap3A_362 = arith.index_cast %swap3A_361 : i32 to index
    %swap3A_363 = arith.constant 80 : index
    %swap3A_364 = tpu.vector_load %arg10[%swap3A_362, %swap3A_363] {strides = array<i32>} : memref<16x128xf32, #tpu.memory_space<vmem>>, vector<1x16xf32>,
    %swap3A_365 = vector.shape_cast %swap3A_364 : vector<1x16xf32> to vector<16xf32>
    %swap3A_366 = vector.shape_cast %broadcast_in_dim3A_360 : vector<16xf32> to vector<1x16xf32>
    tpu.vector_store %arg10[%swap3A_362, %swap3A_363], %swap3A_366 {strides = array<i32>} : memref<16x128xf32, #tpu.memory_space<vmem>>, vector<1x16xf32>,
    %broadcast_in_dim3A_367 = arith.constant 0.000000e+00 : f32
    %broadcast_in_dim3A_368 = vector.broadcast %broadcast_in_dim3A_367 : f32 to vector<16xf32>
    %swap3A_369 = arith.constant 5 : i32
    %swap3A_370 = arith.index_cast %swap3A_369 : i32 to index
    %swap3A_371 = arith.constant 96 : index
    %swap3A_372 = tpu.vector_load %arg10[%swap3A_370, %swap3A_371] {strides = array<i32>} : memref<16x128xf32, #tpu.memory_space<vmem>>, vector<1x16xf32>,
    %swap3A_373 = vector.shape_cast %swap3A_372 : vector<1x16xf32> to vector<16xf32>
    %swap3A_374 = vector.shape_cast %broadcast_in_dim3A_368 : vector<16xf32> to vector<1x16xf32>
    tpu.vector_store %arg10[%swap3A_370, %swap3A_371], %swap3A_374 {strides = array<i32>} : memref<16x128xf32, #tpu.memory_space<vmem>>, vector<1x16xf32>,
    %broadcast_in_dim3A_375 = arith.constant 0.000000e+00 : f32
    %broadcast_in_dim3A_376 = vector.broadcast %broadcast_in_dim3A_375 : f32 to vector<16xf32>
    %swap3A_377 = arith.constant 5 : i32
    %swap3A_378 = arith.index_cast %swap3A_377 : i32 to index
    %swap3A_379 = arith.constant 112 : index
    %swap3A_380 = tpu.vector_load %arg10[%swap3A_378, %swap3A_379] {strides = array<i32>} : memref<16x128xf32, #tpu.memory_space<vmem>>, vector<1x16xf32>,
    %swap3A_381 = vector.shape_cast %swap3A_380 : vector<1x16xf32> to vector<16xf32>
    %swap3A_382 = vector.shape_cast %broadcast_in_dim3A_376 : vector<16xf32> to vector<1x16xf32>
    tpu.vector_store %arg10[%swap3A_378, %swap3A_379], %swap3A_382 {strides = array<i32>} : memref<16x128xf32, #tpu.memory_space<vmem>>, vector<1x16xf32>,
    %broadcast_in_dim3A_383 = arith.constant 0.000000e+00 : f32
    %broadcast_in_dim3A_384 = vector.broadcast %broadcast_in_dim3A_383 : f32 to vector<16xf32>
    %swap3A_385 = arith.constant 6 : i32
    %swap3A_386 = arith.index_cast %swap3A_385 : i32 to index
    %swap3A_387 = arith.constant 0 : index
    %swap3A_388 = tpu.vector_load %arg10[%swap3A_386, %swap3A_387] {strides = array<i32>} : memref<16x128xf32, #tpu.memory_space<vmem>>, vector<1x16xf32>,
    %swap3A_389 = vector.shape_cast %swap3A_388 : vector<1x16xf32> to vector<16xf32>
    %swap3A_390 = vector.shape_cast %broadcast_in_dim3A_384 : vector<16xf32> to vector<1x16xf32>
    tpu.vector_store %arg10[%swap3A_386, %swap3A_387], %swap3A_390 {strides = array<i32>} : memref<16x128xf32, #tpu.memory_space<vmem>>, vector<1x16xf32>,
    %broadcast_in_dim3A_391 = arith.constant 0.000000e+00 : f32
    %broadcast_in_dim3A_392 = vector.broadcast %broadcast_in_dim3A_391 : f32 to vector<16xf32>
    %swap3A_393 = arith.constant 6 : i32
    %swap3A_394 = arith.index_cast %swap3A_393 : i32 to index
    %swap3A_395 = arith.constant 16 : index
    %swap3A_396 = tpu.vector_load %arg10[%swap3A_394, %swap3A_395] {strides = array<i32>} : memref<16x128xf32, #tpu.memory_space<vmem>>, vector<1x16xf32>,
    %swap3A_397 = vector.shape_cast %swap3A_396 : vector<1x16xf32> to vector<16xf32>
    %swap3A_398 = vector.shape_cast %broadcast_in_dim3A_392 : vector<16xf32> to vector<1x16xf32>
    tpu.vector_store %arg10[%swap3A_394, %swap3A_395], %swap3A_398 {strides = array<i32>} : memref<16x128xf32, #tpu.memory_space<vmem>>, vector<1x16xf32>,
    %broadcast_in_dim3A_399 = arith.constant 0.000000e+00 : f32
    %broadcast_in_dim3A_400 = vector.broadcast %broadcast_in_dim3A_399 : f32 to vector<16xf32>
    %swap3A_401 = arith.constant 6 : i32
    %swap3A_402 = arith.index_cast %swap3A_401 : i32 to index
    %swap3A_403 = arith.constant 32 : index
    %swap3A_404 = tpu.vector_load %arg10[%swap3A_402, %swap3A_403] {strides = array<i32>} : memref<16x128xf32, #tpu.memory_space<vmem>>, vector<1x16xf32>,
    %swap3A_405 = vector.shape_cast %swap3A_404 : vector<1x16xf32> to vector<16xf32>
    %swap3A_406 = vector.shape_cast %broadcast_in_dim3A_400 : vector<16xf32> to vector<1x16xf32>
    tpu.vector_store %arg10[%swap3A_402, %swap3A_403], %swap3A_406 {strides = array<i32>} : memref<16x128xf32, #tpu.memory_space<vmem>>, vector<1x16xf32>,
    %broadcast_in_dim3A_407 = arith.constant 0.000000e+00 : f32
    %broadcast_in_dim3A_408 = vector.broadcast %broadcast_in_dim3A_407 : f32 to vector<16xf32>
    %swap3A_409 = arith.constant 6 : i32
    %swap3A_410 = arith.index_cast %swap3A_409 : i32 to index
    %swap3A_411 = arith.constant 48 : index
    %swap3A_412 = tpu.vector_load %arg10[%swap3A_410, %swap3A_411] {strides = array<i32>} : memref<16x128xf32, #tpu.memory_space<vmem>>, vector<1x16xf32>,
    %swap3A_413 = vector.shape_cast %swap3A_412 : vector<1x16xf32> to vector<16xf32>
    %swap3A_414 = vector.shape_cast %broadcast_in_dim3A_408 : vector<16xf32> to vector<1x16xf32>
    tpu.vector_store %arg10[%swap3A_410, %swap3A_411], %swap3A_414 {strides = array<i32>} : memref<16x128xf32, #tpu.memory_space<vmem>>, vector<1x16xf32>,
    %broadcast_in_dim3A_415 = arith.constant 0.000000e+00 : f32
    %broadcast_in_dim3A_416 = vector.broadcast %broadcast_in_dim3A_415 : f32 to vector<16xf32>
    %swap3A_417 = arith.constant 6 : i32
    %swap3A_418 = arith.index_cast %swap3A_417 : i32 to index
    %swap3A_419 = arith.constant 64 : index
    %swap3A_420 = tpu.vector_load %arg10[%swap3A_418, %swap3A_419] {strides = array<i32>} : memref<16x128xf32, #tpu.memory_space<vmem>>, vector<1x16xf32>,
    %swap3A_421 = vector.shape_cast %swap3A_420 : vector<1x16xf32> to vector<16xf32>
    %swap3A_422 = vector.shape_cast %broadcast_in_dim3A_416 : vector<16xf32> to vector<1x16xf32>
    tpu.vector_store %arg10[%swap3A_418, %swap3A_419], %swap3A_422 {strides = array<i32>} : memref<16x128xf32, #tpu.memory_space<vmem>>, vector<1x16xf32>,
    %broadcast_in_dim3A_423 = arith.constant 0.000000e+00 : f32
    %broadcast_in_dim3A_424 = vector.broadcast %broadcast_in_dim3A_423 : f32 to vector<16xf32>
    %swap3A_425 = arith.constant 6 : i32
    %swap3A_426 = arith.index_cast %swap3A_425 : i32 to index
    %swap3A_427 = arith.constant 80 : index
    %swap3A_428 = tpu.vector_load %arg10[%swap3A_426, %swap3A_427] {strides = array<i32>} : memref<16x128xf32, #tpu.memory_space<vmem>>, vector<1x16xf32>,
    %swap3A_429 = vector.shape_cast %swap3A_428 : vector<1x16xf32> to vector<16xf32>
    %swap3A_430 = vector.shape_cast %broadcast_in_dim3A_424 : vector<16xf32> to vector<1x16xf32>
    tpu.vector_store %arg10[%swap3A_426, %swap3A_427], %swap3A_430 {strides = array<i32>} : memref<16x128xf32, #tpu.memory_space<vmem>>, vector<1x16xf32>,
    %broadcast_in_dim3A_431 = arith.constant 0.000000e+00 : f32
    %broadcast_in_dim3A_432 = vector.broadcast %broadcast_in_dim3A_431 : f32 to vector<16xf32>
    %swap3A_433 = arith.constant 6 : i32
    %swap3A_434 = arith.index_cast %swap3A_433 : i32 to index
    %swap3A_435 = arith.constant 96 : index
    %swap3A_436 = tpu.vector_load %arg10[%swap3A_434, %swap3A_435] {strides = array<i32>} : memref<16x128xf32, #tpu.memory_space<vmem>>, vector<1x16xf32>,
    %swap3A_437 = vector.shape_cast %swap3A_436 : vector<1x16xf32> to vector<16xf32>
    %swap3A_438 = vector.shape_cast %broadcast_in_dim3A_432 : vector<16xf32> to vector<1x16xf32>
    tpu.vector_store %arg10[%swap3A_434, %swap3A_435], %swap3A_438 {strides = array<i32>} : memref<16x128xf32, #tpu.memory_space<vmem>>, vector<1x16xf32>,
    %broadcast_in_dim3A_439 = arith.constant 0.000000e+00 : f32
    %broadcast_in_dim3A_440 = vector.broadcast %broadcast_in_dim3A_439 : f32 to vector<16xf32>
    %swap3A_441 = arith.constant 6 : i32
    %swap3A_442 = arith.index_cast %swap3A_441 : i32 to index
    %swap3A_443 = arith.constant 112 : index
    %swap3A_444 = tpu.vector_load %arg10[%swap3A_442, %swap3A_443] {strides = array<i32>} : memref<16x128xf32, #tpu.memory_space<vmem>>, vector<1x16xf32>,
    %swap3A_445 = vector.shape_cast %swap3A_444 : vector<1x16xf32> to vector<16xf32>
    %swap3A_446 = vector.shape_cast %broadcast_in_dim3A_440 : vector<16xf32> to vector<1x16xf32>
    tpu.vector_store %arg10[%swap3A_442, %swap3A_443], %swap3A_446 {strides = array<i32>} : memref<16x128xf32, #tpu.memory_space<vmem>>, vector<1x16xf32>,
    %broadcast_in_dim3A_447 = arith.constant 0.000000e+00 : f32
    %broadcast_in_dim3A_448 = vector.broadcast %broadcast_in_dim3A_447 : f32 to vector<16xf32>
    %swap3A_449 = arith.constant 7 : i32
    %swap3A_450 = arith.index_cast %swap3A_449 : i32 to index
    %swap3A_451 = arith.constant 0 : index
    %swap3A_452 = tpu.vector_load %arg10[%swap3A_450, %swap3A_451] {strides = array<i32>} : memref<16x128xf32, #tpu.memory_space<vmem>>, vector<1x16xf32>,
    %swap3A_453 = vector.shape_cast %swap3A_452 : vector<1x16xf32> to vector<16xf32>
    %swap3A_454 = vector.shape_cast %broadcast_in_dim3A_448 : vector<16xf32> to vector<1x16xf32>
    tpu.vector_store %arg10[%swap3A_450, %swap3A_451], %swap3A_454 {strides = array<i32>} : memref<16x128xf32, #tpu.memory_space<vmem>>, vector<1x16xf32>,
    %broadcast_in_dim3A_455 = arith.constant 0.000000e+00 : f32
    %broadcast_in_dim3A_456 = vector.broadcast %broadcast_in_dim3A_455 : f32 to vector<16xf32>
    %swap3A_457 = arith.constant 7 : i32
    %swap3A_458 = arith.index_cast %swap3A_457 : i32 to index
    %swap3A_459 = arith.constant 16 : index
    %swap3A_460 = tpu.vector_load %arg10[%swap3A_458, %swap3A_459] {strides = array<i32>} : memref<16x128xf32, #tpu.memory_space<vmem>>, vector<1x16xf32>,
    %swap3A_461 = vector.shape_cast %swap3A_460 : vector<1x16xf32> to vector<16xf32>
    %swap3A_462 = vector.shape_cast %broadcast_in_dim3A_456 : vector<16xf32> to vector<1x16xf32>
    tpu.vector_store %arg10[%swap3A_458, %swap3A_459], %swap3A_462 {strides = array<i32>} : memref<16x128xf32, #tpu.memory_space<vmem>>, vector<1x16xf32>,
    %broadcast_in_dim3A_463 = arith.constant 0.000000e+00 : f32
    %broadcast_in_dim3A_464 = vector.broadcast %broadcast_in_dim3A_463 : f32 to vector<16xf32>
    %swap3A_465 = arith.constant 7 : i32
    %swap3A_466 = arith.index_cast %swap3A_465 : i32 to index
    %swap3A_467 = arith.constant 32 : index
    %swap3A_468 = tpu.vector_load %arg10[%swap3A_466, %swap3A_467] {strides = array<i32>} : memref<16x128xf32, #tpu.memory_space<vmem>>, vector<1x16xf32>,
    %swap3A_469 = vector.shape_cast %swap3A_468 : vector<1x16xf32> to vector<16xf32>
    %swap3A_470 = vector.shape_cast %broadcast_in_dim3A_464 : vector<16xf32> to vector<1x16xf32>
    tpu.vector_store %arg10[%swap3A_466, %swap3A_467], %swap3A_470 {strides = array<i32>} : memref<16x128xf32, #tpu.memory_space<vmem>>, vector<1x16xf32>,
    %broadcast_in_dim3A_471 = arith.constant 0.000000e+00 : f32
    %broadcast_in_dim3A_472 = vector.broadcast %broadcast_in_dim3A_471 : f32 to vector<16xf32>
    %swap3A_473 = arith.constant 7 : i32
    %swap3A_474 = arith.index_cast %swap3A_473 : i32 to index
    %swap3A_475 = arith.constant 48 : index
    %swap3A_476 = tpu.vector_load %arg10[%swap3A_474, %swap3A_475] {strides = array<i32>} : memref<16x128xf32, #tpu.memory_space<vmem>>, vector<1x16xf32>,
    %swap3A_477 = vector.shape_cast %swap3A_476 : vector<1x16xf32> to vector<16xf32>
    %swap3A_478 = vector.shape_cast %broadcast_in_dim3A_472 : vector<16xf32> to vector<1x16xf32>
    tpu.vector_store %arg10[%swap3A_474, %swap3A_475], %swap3A_478 {strides = array<i32>} : memref<16x128xf32, #tpu.memory_space<vmem>>, vector<1x16xf32>,
    %broadcast_in_dim3A_479 = arith.constant 0.000000e+00 : f32
    %broadcast_in_dim3A_480 = vector.broadcast %broadcast_in_dim3A_479 : f32 to vector<16xf32>
    %swap3A_481 = arith.constant 7 : i32
    %swap3A_482 = arith.index_cast %swap3A_481 : i32 to index
    %swap3A_483 = arith.constant 64 : index
    %swap3A_484 = tpu.vector_load %arg10[%swap3A_482, %swap3A_483] {strides = array<i32>} : memref<16x128xf32, #tpu.memory_space<vmem>>, vector<1x16xf32>,
    %swap3A_485 = vector.shape_cast %swap3A_484 : vector<1x16xf32> to vector<16xf32>
    %swap3A_486 = vector.shape_cast %broadcast_in_dim3A_480 : vector<16xf32> to vector<1x16xf32>
    tpu.vector_store %arg10[%swap3A_482, %swap3A_483], %swap3A_486 {strides = array<i32>} : memref<16x128xf32, #tpu.memory_space<vmem>>, vector<1x16xf32>,
    %broadcast_in_dim3A_487 = arith.constant 0.000000e+00 : f32
    %broadcast_in_dim3A_488 = vector.broadcast %broadcast_in_dim3A_487 : f32 to vector<16xf32>
    %swap3A_489 = arith.constant 7 : i32
    %swap3A_490 = arith.index_cast %swap3A_489 : i32 to index
    %swap3A_491 = arith.constant 80 : index
    %swap3A_492 = tpu.vector_load %arg10[%swap3A_490, %swap3A_491] {strides = array<i32>} : memref<16x128xf32, #tpu.memory_space<vmem>>, vector<1x16xf32>,
    %swap3A_493 = vector.shape_cast %swap3A_492 : vector<1x16xf32> to vector<16xf32>
    %swap3A_494 = vector.shape_cast %broadcast_in_dim3A_488 : vector<16xf32> to vector<1x16xf32>
    tpu.vector_store %arg10[%swap3A_490, %swap3A_491], %swap3A_494 {strides = array<i32>} : memref<16x128xf32, #tpu.memory_space<vmem>>, vector<1x16xf32>,
    %broadcast_in_dim3A_495 = arith.constant 0.000000e+00 : f32
    %broadcast_in_dim3A_496 = vector.broadcast %broadcast_in_dim3A_495 : f32 to vector<16xf32>
    %swap3A_497 = arith.constant 7 : i32
    %swap3A_498 = arith.index_cast %swap3A_497 : i32 to index
    %swap3A_499 = arith.constant 96 : index
    %swap3A_500 = tpu.vector_load %arg10[%swap3A_498, %swap3A_499] {strides = array<i32>} : memref<16x128xf32, #tpu.memory_space<vmem>>, vector<1x16xf32>,
    %swap3A_501 = vector.shape_cast %swap3A_500 : vector<1x16xf32> to vector<16xf32>
    %swap3A_502 = vector.shape_cast %broadcast_in_dim3A_496 : vector<16xf32> to vector<1x16xf32>
    tpu.vector_store %arg10[%swap3A_498, %swap3A_499], %swap3A_502 {strides = array<i32>} : memref<16x128xf32, #tpu.memory_space<vmem>>, vector<1x16xf32>,
    %broadcast_in_dim3A_503 = arith.constant 0.000000e+00 : f32
    %broadcast_in_dim3A_504 = vector.broadcast %broadcast_in_dim3A_503 : f32 to vector<16xf32>
    %swap3A_505 = arith.constant 7 : i32
    %swap3A_506 = arith.index_cast %swap3A_505 : i32 to index
    %swap3A_507 = arith.constant 112 : index
    %swap3A_508 = tpu.vector_load %arg10[%swap3A_506, %swap3A_507] {strides = array<i32>} : memref<16x128xf32, #tpu.memory_space<vmem>>, vector<1x16xf32>,
    %swap3A_509 = vector.shape_cast %swap3A_508 : vector<1x16xf32> to vector<16xf32>
    %swap3A_510 = vector.shape_cast %broadcast_in_dim3A_504 : vector<16xf32> to vector<1x16xf32>
    tpu.vector_store %arg10[%swap3A_506, %swap3A_507], %swap3A_510 {strides = array<i32>} : memref<16x128xf32, #tpu.memory_space<vmem>>, vector<1x16xf32>,
    %broadcast_in_dim3A_511 = arith.constant 0.000000e+00 : f32
    %broadcast_in_dim3A_512 = vector.broadcast %broadcast_in_dim3A_511 : f32 to vector<16xf32>
    %swap3A_513 = arith.constant 8 : i32
    %swap3A_514 = arith.index_cast %swap3A_513 : i32 to index
    %swap3A_515 = arith.constant 0 : index
    %swap3A_516 = tpu.vector_load %arg10[%swap3A_514, %swap3A_515] {strides = array<i32>} : memref<16x128xf32, #tpu.memory_space<vmem>>, vector<1x16xf32>,
    %swap3A_517 = vector.shape_cast %swap3A_516 : vector<1x16xf32> to vector<16xf32>
    %swap3A_518 = vector.shape_cast %broadcast_in_dim3A_512 : vector<16xf32> to vector<1x16xf32>
    tpu.vector_store %arg10[%swap3A_514, %swap3A_515], %swap3A_518 {strides = array<i32>} : memref<16x128xf32, #tpu.memory_space<vmem>>, vector<1x16xf32>,
    %broadcast_in_dim3A_519 = arith.constant 0.000000e+00 : f32
    %broadcast_in_dim3A_520 = vector.broadcast %broadcast_in_dim3A_519 : f32 to vector<16xf32>
    %swap3A_521 = arith.constant 8 : i32
    %swap3A_522 = arith.index_cast %swap3A_521 : i32 to index
    %swap3A_523 = arith.constant 16 : index
    %swap3A_524 = tpu.vector_load %arg10[%swap3A_522, %swap3A_523] {strides = array<i32>} : memref<16x128xf32, #tpu.memory_space<vmem>>, vector<1x16xf32>,
    %swap3A_525 = vector.shape_cast %swap3A_524 : vector<1x16xf32> to vector<16xf32>
    %swap3A_526 = vector.shape_cast %broadcast_in_dim3A_520 : vector<16xf32> to vector<1x16xf32>
    tpu.vector_store %arg10[%swap3A_522, %swap3A_523], %swap3A_526 {strides = array<i32>} : memref<16x128xf32, #tpu.memory_space<vmem>>, vector<1x16xf32>,
    %broadcast_in_dim3A_527 = arith.constant 0.000000e+00 : f32
    %broadcast_in_dim3A_528 = vector.broadcast %broadcast_in_dim3A_527 : f32 to vector<16xf32>
    %swap3A_529 = arith.constant 8 : i32
    %swap3A_530 = arith.index_cast %swap3A_529 : i32 to index
    %swap3A_531 = arith.constant 32 : index
    %swap3A_532 = tpu.vector_load %arg10[%swap3A_530, %swap3A_531] {strides = array<i32>} : memref<16x128xf32, #tpu.memory_space<vmem>>, vector<1x16xf32>,
    %swap3A_533 = vector.shape_cast %swap3A_532 : vector<1x16xf32> to vector<16xf32>
    %swap3A_534 = vector.shape_cast %broadcast_in_dim3A_528 : vector<16xf32> to vector<1x16xf32>
    tpu.vector_store %arg10[%swap3A_530, %swap3A_531], %swap3A_534 {strides = array<i32>} : memref<16x128xf32, #tpu.memory_space<vmem>>, vector<1x16xf32>,
    %broadcast_in_dim3A_535 = arith.constant 0.000000e+00 : f32
    %broadcast_in_dim3A_536 = vector.broadcast %broadcast_in_dim3A_535 : f32 to vector<16xf32>
    %swap3A_537 = arith.constant 8 : i32
    %swap3A_538 = arith.index_cast %swap3A_537 : i32 to index
    %swap3A_539 = arith.constant 48 : index
    %swap3A_540 = tpu.vector_load %arg10[%swap3A_538, %swap3A_539] {strides = array<i32>} : memref<16x128xf32, #tpu.memory_space<vmem>>, vector<1x16xf32>,
    %swap3A_541 = vector.shape_cast %swap3A_540 : vector<1x16xf32> to vector<16xf32>
    %swap3A_542 = vector.shape_cast %broadcast_in_dim3A_536 : vector<16xf32> to vector<1x16xf32>
    tpu.vector_store %arg10[%swap3A_538, %swap3A_539], %swap3A_542 {strides = array<i32>} : memref<16x128xf32, #tpu.memory_space<vmem>>, vector<1x16xf32>,
    %broadcast_in_dim3A_543 = arith.constant 0.000000e+00 : f32
    %broadcast_in_dim3A_544 = vector.broadcast %broadcast_in_dim3A_543 : f32 to vector<16xf32>
    %swap3A_545 = arith.constant 8 : i32
    %swap3A_546 = arith.index_cast %swap3A_545 : i32 to index
    %swap3A_547 = arith.constant 64 : index
    %swap3A_548 = tpu.vector_load %arg10[%swap3A_546, %swap3A_547] {strides = array<i32>} : memref<16x128xf32, #tpu.memory_space<vmem>>, vector<1x16xf32>,
    %swap3A_549 = vector.shape_cast %swap3A_548 : vector<1x16xf32> to vector<16xf32>
    %swap3A_550 = vector.shape_cast %broadcast_in_dim3A_544 : vector<16xf32> to vector<1x16xf32>
    tpu.vector_store %arg10[%swap3A_546, %swap3A_547], %swap3A_550 {strides = array<i32>} : memref<16x128xf32, #tpu.memory_space<vmem>>, vector<1x16xf32>,
    %broadcast_in_dim3A_551 = arith.constant 0.000000e+00 : f32
    %broadcast_in_dim3A_552 = vector.broadcast %broadcast_in_dim3A_551 : f32 to vector<16xf32>
    %swap3A_553 = arith.constant 8 : i32
    %swap3A_554 = arith.index_cast %swap3A_553 : i32 to index
    %swap3A_555 = arith.constant 80 : index
    %swap3A_556 = tpu.vector_load %arg10[%swap3A_554, %swap3A_555] {strides = array<i32>} : memref<16x128xf32, #tpu.memory_space<vmem>>, vector<1x16xf32>,
    %swap3A_557 = vector.shape_cast %swap3A_556 : vector<1x16xf32> to vector<16xf32>
    %swap3A_558 = vector.shape_cast %broadcast_in_dim3A_552 : vector<16xf32> to vector<1x16xf32>
    tpu.vector_store %arg10[%swap3A_554, %swap3A_555], %swap3A_558 {strides = array<i32>} : memref<16x128xf32, #tpu.memory_space<vmem>>, vector<1x16xf32>,
    %broadcast_in_dim3A_559 = arith.constant 0.000000e+00 : f32
    %broadcast_in_dim3A_560 = vector.broadcast %broadcast_in_dim3A_559 : f32 to vector<16xf32>
    %swap3A_561 = arith.constant 8 : i32
    %swap3A_562 = arith.index_cast %swap3A_561 : i32 to index
    %swap3A_563 = arith.constant 96 : index
    %swap3A_564 = tpu.vector_load %arg10[%swap3A_562, %swap3A_563] {strides = array<i32>} : memref<16x128xf32, #tpu.memory_space<vmem>>, vector<1x16xf32>,
    %swap3A_565 = vector.shape_cast %swap3A_564 : vector<1x16xf32> to vector<16xf32>
    %swap3A_566 = vector.shape_cast %broadcast_in_dim3A_560 : vector<16xf32> to vector<1x16xf32>
    tpu.vector_store %arg10[%swap3A_562, %swap3A_563], %swap3A_566 {strides = array<i32>} : memref<16x128xf32, #tpu.memory_space<vmem>>, vector<1x16xf32>,
    %broadcast_in_dim3A_567 = arith.constant 0.000000e+00 : f32
    %broadcast_in_dim3A_568 = vector.broadcast %broadcast_in_dim3A_567 : f32 to vector<16xf32>
    %swap3A_569 = arith.constant 8 : i32
    %swap3A_570 = arith.index_cast %swap3A_569 : i32 to index
    %swap3A_571 = arith.constant 112 : index
    %swap3A_572 = tpu.vector_load %arg10[%swap3A_570, %swap3A_571] {strides = array<i32>} : memref<16x128xf32, #tpu.memory_space<vmem>>, vector<1x16xf32>,
    %swap3A_573 = vector.shape_cast %swap3A_572 : vector<1x16xf32> to vector<16xf32>
    %swap3A_574 = vector.shape_cast %broadcast_in_dim3A_568 : vector<16xf32> to vector<1x16xf32>
    tpu.vector_store %arg10[%swap3A_570, %swap3A_571], %swap3A_574 {strides = array<i32>} : memref<16x128xf32, #tpu.memory_space<vmem>>, vector<1x16xf32>,
    %broadcast_in_dim3A_575 = arith.constant 0.000000e+00 : f32
    %broadcast_in_dim3A_576 = vector.broadcast %broadcast_in_dim3A_575 : f32 to vector<16xf32>
    %swap3A_577 = arith.constant 9 : i32
    %swap3A_578 = arith.index_cast %swap3A_577 : i32 to index
    %swap3A_579 = arith.constant 0 : index
    %swap3A_580 = tpu.vector_load %arg10[%swap3A_578, %swap3A_579] {strides = array<i32>} : memref<16x128xf32, #tpu.memory_space<vmem>>, vector<1x16xf32>,
    %swap3A_581 = vector.shape_cast %swap3A_580 : vector<1x16xf32> to vector<16xf32>
    %swap3A_582 = vector.shape_cast %broadcast_in_dim3A_576 : vector<16xf32> to vector<1x16xf32>
    tpu.vector_store %arg10[%swap3A_578, %swap3A_579], %swap3A_582 {strides = array<i32>} : memref<16x128xf32, #tpu.memory_space<vmem>>, vector<1x16xf32>,
    %broadcast_in_dim3A_583 = arith.constant 0.000000e+00 : f32
    %broadcast_in_dim3A_584 = vector.broadcast %broadcast_in_dim3A_583 : f32 to vector<16xf32>
    %swap3A_585 = arith.constant 9 : i32
    %swap3A_586 = arith.index_cast %swap3A_585 : i32 to index
    %swap3A_587 = arith.constant 16 : index
    %swap3A_588 = tpu.vector_load %arg10[%swap3A_586, %swap3A_587] {strides = array<i32>} : memref<16x128xf32, #tpu.memory_space<vmem>>, vector<1x16xf32>,
    %swap3A_589 = vector.shape_cast %swap3A_588 : vector<1x16xf32> to vector<16xf32>
    %swap3A_590 = vector.shape_cast %broadcast_in_dim3A_584 : vector<16xf32> to vector<1x16xf32>
    tpu.vector_store %arg10[%swap3A_586, %swap3A_587], %swap3A_590 {strides = array<i32>} : memref<16x128xf32, #tpu.memory_space<vmem>>, vector<1x16xf32>,
    %broadcast_in_dim3A_591 = arith.constant 0.000000e+00 : f32
    %broadcast_in_dim3A_592 = vector.broadcast %broadcast_in_dim3A_591 : f32 to vector<16xf32>
    %swap3A_593 = arith.constant 9 : i32
    %swap3A_594 = arith.index_cast %swap3A_593 : i32 to index
    %swap3A_595 = arith.constant 32 : index
    %swap3A_596 = tpu.vector_load %arg10[%swap3A_594, %swap3A_595] {strides = array<i32>} : memref<16x128xf32, #tpu.memory_space<vmem>>, vector<1x16xf32>,
    %swap3A_597 = vector.shape_cast %swap3A_596 : vector<1x16xf32> to vector<16xf32>
    %swap3A_598 = vector.shape_cast %broadcast_in_dim3A_592 : vector<16xf32> to vector<1x16xf32>
    tpu.vector_store %arg10[%swap3A_594, %swap3A_595], %swap3A_598 {strides = array<i32>} : memref<16x128xf32, #tpu.memory_space<vmem>>, vector<1x16xf32>,
    %broadcast_in_dim3A_599 = arith.constant 0.000000e+00 : f32
    %broadcast_in_dim3A_600 = vector.broadcast %broadcast_in_dim3A_599 : f32 to vector<16xf32>
    %swap3A_601 = arith.constant 9 : i32
    %swap3A_602 = arith.index_cast %swap3A_601 : i32 to index
    %swap3A_603 = arith.constant 48 : index
    %swap3A_604 = tpu.vector_load %arg10[%swap3A_602, %swap3A_603] {strides = array<i32>} : memref<16x128xf32, #tpu.memory_space<vmem>>, vector<1x16xf32>,
    %swap3A_605 = vector.shape_cast %swap3A_604 : vector<1x16xf32> to vector<16xf32>
    %swap3A_606 = vector.shape_cast %broadcast_in_dim3A_600 : vector<16xf32> to vector<1x16xf32>
    tpu.vector_store %arg10[%swap3A_602, %swap3A_603], %swap3A_606 {strides = array<i32>} : memref<16x128xf32, #tpu.memory_space<vmem>>, vector<1x16xf32>,
    %broadcast_in_dim3A_607 = arith.constant 0.000000e+00 : f32
    %broadcast_in_dim3A_608 = vector.broadcast %broadcast_in_dim3A_607 : f32 to vector<16xf32>
    %swap3A_609 = arith.constant 9 : i32
    %swap3A_610 = arith.index_cast %swap3A_609 : i32 to index
    %swap3A_611 = arith.constant 64 : index
    %swap3A_612 = tpu.vector_load %arg10[%swap3A_610, %swap3A_611] {strides = array<i32>} : memref<16x128xf32, #tpu.memory_space<vmem>>, vector<1x16xf32>,
    %swap3A_613 = vector.shape_cast %swap3A_612 : vector<1x16xf32> to vector<16xf32>
    %swap3A_614 = vector.shape_cast %broadcast_in_dim3A_608 : vector<16xf32> to vector<1x16xf32>
    tpu.vector_store %arg10[%swap3A_610, %swap3A_611], %swap3A_614 {strides = array<i32>} : memref<16x128xf32, #tpu.memory_space<vmem>>, vector<1x16xf32>,
    %broadcast_in_dim3A_615 = arith.constant 0.000000e+00 : f32
    %broadcast_in_dim3A_616 = vector.broadcast %broadcast_in_dim3A_615 : f32 to vector<16xf32>
    %swap3A_617 = arith.constant 9 : i32
    %swap3A_618 = arith.index_cast %swap3A_617 : i32 to index
    %swap3A_619 = arith.constant 80 : index
    %swap3A_620 = tpu.vector_load %arg10[%swap3A_618, %swap3A_619] {strides = array<i32>} : memref<16x128xf32, #tpu.memory_space<vmem>>, vector<1x16xf32>,
    %swap3A_621 = vector.shape_cast %swap3A_620 : vector<1x16xf32> to vector<16xf32>
    %swap3A_622 = vector.shape_cast %broadcast_in_dim3A_616 : vector<16xf32> to vector<1x16xf32>
    tpu.vector_store %arg10[%swap3A_618, %swap3A_619], %swap3A_622 {strides = array<i32>} : memref<16x128xf32, #tpu.memory_space<vmem>>, vector<1x16xf32>,
    %broadcast_in_dim3A_623 = arith.constant 0.000000e+00 : f32
    %broadcast_in_dim3A_624 = vector.broadcast %broadcast_in_dim3A_623 : f32 to vector<16xf32>
    %swap3A_625 = arith.constant 9 : i32
    %swap3A_626 = arith.index_cast %swap3A_625 : i32 to index
    %swap3A_627 = arith.constant 96 : index
    %swap3A_628 = tpu.vector_load %arg10[%swap3A_626, %swap3A_627] {strides = array<i32>} : memref<16x128xf32, #tpu.memory_space<vmem>>, vector<1x16xf32>,
    %swap3A_629 = vector.shape_cast %swap3A_628 : vector<1x16xf32> to vector<16xf32>
    %swap3A_630 = vector.shape_cast %broadcast_in_dim3A_624 : vector<16xf32> to vector<1x16xf32>
    tpu.vector_store %arg10[%swap3A_626, %swap3A_627], %swap3A_630 {strides = array<i32>} : memref<16x128xf32, #tpu.memory_space<vmem>>, vector<1x16xf32>,
    %broadcast_in_dim3A_631 = arith.constant 0.000000e+00 : f32
    %broadcast_in_dim3A_632 = vector.broadcast %broadcast_in_dim3A_631 : f32 to vector<16xf32>
    %swap3A_633 = arith.constant 9 : i32
    %swap3A_634 = arith.index_cast %swap3A_633 : i32 to index
    %swap3A_635 = arith.constant 112 : index
    %swap3A_636 = tpu.vector_load %arg10[%swap3A_634, %swap3A_635] {strides = array<i32>} : memref<16x128xf32, #tpu.memory_space<vmem>>, vector<1x16xf32>,
    %swap3A_637 = vector.shape_cast %swap3A_636 : vector<1x16xf32> to vector<16xf32>
    %swap3A_638 = vector.shape_cast %broadcast_in_dim3A_632 : vector<16xf32> to vector<1x16xf32>
    tpu.vector_store %arg10[%swap3A_634, %swap3A_635], %swap3A_638 {strides = array<i32>} : memref<16x128xf32, #tpu.memory_space<vmem>>, vector<1x16xf32>,
    %broadcast_in_dim3A_639 = arith.constant 0.000000e+00 : f32
    %broadcast_in_dim3A_640 = vector.broadcast %broadcast_in_dim3A_639 : f32 to vector<16xf32>
    %swap3A_641 = arith.constant 10 : i32
    %swap3A_642 = arith.index_cast %swap3A_641 : i32 to index
    %swap3A_643 = arith.constant 0 : index
    %swap3A_644 = tpu.vector_load %arg10[%swap3A_642, %swap3A_643] {strides = array<i32>} : memref<16x128xf32, #tpu.memory_space<vmem>>, vector<1x16xf32>,
    %swap3A_645 = vector.shape_cast %swap3A_644 : vector<1x16xf32> to vector<16xf32>
    %swap3A_646 = vector.shape_cast %broadcast_in_dim3A_640 : vector<16xf32> to vector<1x16xf32>
    tpu.vector_store %arg10[%swap3A_642, %swap3A_643], %swap3A_646 {strides = array<i32>} : memref<16x128xf32, #tpu.memory_space<vmem>>, vector<1x16xf32>,
    %broadcast_in_dim3A_647 = arith.constant 0.000000e+00 : f32
    %broadcast_in_dim3A_648 = vector.broadcast %broadcast_in_dim3A_647 : f32 to vector<16xf32>
    %swap3A_649 = arith.constant 10 : i32
    %swap3A_650 = arith.index_cast %swap3A_649 : i32 to index
    %swap3A_651 = arith.constant 16 : index
    %swap3A_652 = tpu.vector_load %arg10[%swap3A_650, %swap3A_651] {strides = array<i32>} : memref<16x128xf32, #tpu.memory_space<vmem>>, vector<1x16xf32>,
    %swap3A_653 = vector.shape_cast %swap3A_652 : vector<1x16xf32> to vector<16xf32>
    %swap3A_654 = vector.shape_cast %broadcast_in_dim3A_648 : vector<16xf32> to vector<1x16xf32>
    tpu.vector_store %arg10[%swap3A_650, %swap3A_651], %swap3A_654 {strides = array<i32>} : memref<16x128xf32, #tpu.memory_space<vmem>>, vector<1x16xf32>,
    %broadcast_in_dim3A_655 = arith.constant 0.000000e+00 : f32
    %broadcast_in_dim3A_656 = vector.broadcast %broadcast_in_dim3A_655 : f32 to vector<16xf32>
    %swap3A_657 = arith.constant 10 : i32
    %swap3A_658 = arith.index_cast %swap3A_657 : i32 to index
    %swap3A_659 = arith.constant 32 : index
    %swap3A_660 = tpu.vector_load %arg10[%swap3A_658, %swap3A_659] {strides = array<i32>} : memref<16x128xf32, #tpu.memory_space<vmem>>, vector<1x16xf32>,
    %swap3A_661 = vector.shape_cast %swap3A_660 : vector<1x16xf32> to vector<16xf32>
    %swap3A_662 = vector.shape_cast %broadcast_in_dim3A_656 : vector<16xf32> to vector<1x16xf32>
    tpu.vector_store %arg10[%swap3A_658, %swap3A_659], %swap3A_662 {strides = array<i32>} : memref<16x128xf32, #tpu.memory_space<vmem>>, vector<1x16xf32>,
    %broadcast_in_dim3A_663 = arith.constant 0.000000e+00 : f32
    %broadcast_in_dim3A_664 = vector.broadcast %broadcast_in_dim3A_663 : f32 to vector<16xf32>
    %swap3A_665 = arith.constant 10 : i32
    %swap3A_666 = arith.index_cast %swap3A_665 : i32 to index
    %swap3A_667 = arith.constant 48 : index
    %swap3A_668 = tpu.vector_load %arg10[%swap3A_666, %swap3A_667] {strides = array<i32>} : memref<16x128xf32, #tpu.memory_space<vmem>>, vector<1x16xf32>,
    %swap3A_669 = vector.shape_cast %swap3A_668 : vector<1x16xf32> to vector<16xf32>
    %swap3A_670 = vector.shape_cast %broadcast_in_dim3A_664 : vector<16xf32> to vector<1x16xf32>
    tpu.vector_store %arg10[%swap3A_666, %swap3A_667], %swap3A_670 {strides = array<i32>} : memref<16x128xf32, #tpu.memory_space<vmem>>, vector<1x16xf32>,
    %broadcast_in_dim3A_671 = arith.constant 0.000000e+00 : f32
    %broadcast_in_dim3A_672 = vector.broadcast %broadcast_in_dim3A_671 : f32 to vector<16xf32>
    %swap3A_673 = arith.constant 10 : i32
    %swap3A_674 = arith.index_cast %swap3A_673 : i32 to index
    %swap3A_675 = arith.constant 64 : index
    %swap3A_676 = tpu.vector_load %arg10[%swap3A_674, %swap3A_675] {strides = array<i32>} : memref<16x128xf32, #tpu.memory_space<vmem>>, vector<1x16xf32>,
    %swap3A_677 = vector.shape_cast %swap3A_676 : vector<1x16xf32> to vector<16xf32>
    %swap3A_678 = vector.shape_cast %broadcast_in_dim3A_672 : vector<16xf32> to vector<1x16xf32>
    tpu.vector_store %arg10[%swap3A_674, %swap3A_675], %swap3A_678 {strides = array<i32>} : memref<16x128xf32, #tpu.memory_space<vmem>>, vector<1x16xf32>,
    %broadcast_in_dim3A_679 = arith.constant 0.000000e+00 : f32
    %broadcast_in_dim3A_680 = vector.broadcast %broadcast_in_dim3A_679 : f32 to vector<16xf32>
    %swap3A_681 = arith.constant 10 : i32
    %swap3A_682 = arith.index_cast %swap3A_681 : i32 to index
    %swap3A_683 = arith.constant 80 : index
    %swap3A_684 = tpu.vector_load %arg10[%swap3A_682, %swap3A_683] {strides = array<i32>} : memref<16x128xf32, #tpu.memory_space<vmem>>, vector<1x16xf32>,
    %swap3A_685 = vector.shape_cast %swap3A_684 : vector<1x16xf32> to vector<16xf32>
    %swap3A_686 = vector.shape_cast %broadcast_in_dim3A_680 : vector<16xf32> to vector<1x16xf32>
    tpu.vector_store %arg10[%swap3A_682, %swap3A_683], %swap3A_686 {strides = array<i32>} : memref<16x128xf32, #tpu.memory_space<vmem>>, vector<1x16xf32>,
    %broadcast_in_dim3A_687 = arith.constant 0.000000e+00 : f32
    %broadcast_in_dim3A_688 = vector.broadcast %broadcast_in_dim3A_687 : f32 to vector<16xf32>
    %swap3A_689 = arith.constant 10 : i32
    %swap3A_690 = arith.index_cast %swap3A_689 : i32 to index
    %swap3A_691 = arith.constant 96 : index
    %swap3A_692 = tpu.vector_load %arg10[%swap3A_690, %swap3A_691] {strides = array<i32>} : memref<16x128xf32, #tpu.memory_space<vmem>>, vector<1x16xf32>,
    %swap3A_693 = vector.shape_cast %swap3A_692 : vector<1x16xf32> to vector<16xf32>
    %swap3A_694 = vector.shape_cast %broadcast_in_dim3A_688 : vector<16xf32> to vector<1x16xf32>
    tpu.vector_store %arg10[%swap3A_690, %swap3A_691], %swap3A_694 {strides = array<i32>} : memref<16x128xf32, #tpu.memory_space<vmem>>, vector<1x16xf32>,
    %broadcast_in_dim3A_695 = arith.constant 0.000000e+00 : f32
    %broadcast_in_dim3A_696 = vector.broadcast %broadcast_in_dim3A_695 : f32 to vector<16xf32>
    %swap3A_697 = arith.constant 10 : i32
    %swap3A_698 = arith.index_cast %swap3A_697 : i32 to index
    %swap3A_699 = arith.constant 112 : index
    %swap3A_700 = tpu.vector_load %arg10[%swap3A_698, %swap3A_699] {strides = array<i32>} : memref<16x128xf32, #tpu.memory_space<vmem>>, vector<1x16xf32>,
    %swap3A_701 = vector.shape_cast %swap3A_700 : vector<1x16xf32> to vector<16xf32>
    %swap3A_702 = vector.shape_cast %broadcast_in_dim3A_696 : vector<16xf32> to vector<1x16xf32>
    tpu.vector_store %arg10[%swap3A_698, %swap3A_699], %swap3A_702 {strides = array<i32>} : memref<16x128xf32, #tpu.memory_space<vmem>>, vector<1x16xf32>,
    %broadcast_in_dim3A_703 = arith.constant 0.000000e+00 : f32
    %broadcast_in_dim3A_704 = vector.broadcast %broadcast_in_dim3A_703 : f32 to vector<16xf32>
    %swap3A_705 = arith.constant 11 : i32
    %swap3A_706 = arith.index_cast %swap3A_705 : i32 to index
    %swap3A_707 = arith.constant 0 : index
    %swap3A_708 = tpu.vector_load %arg10[%swap3A_706, %swap3A_707] {strides = array<i32>} : memref<16x128xf32, #tpu.memory_space<vmem>>, vector<1x16xf32>,
    %swap3A_709 = vector.shape_cast %swap3A_708 : vector<1x16xf32> to vector<16xf32>
    %swap3A_710 = vector.shape_cast %broadcast_in_dim3A_704 : vector<16xf32> to vector<1x16xf32>
    tpu.vector_store %arg10[%swap3A_706, %swap3A_707], %swap3A_710 {strides = array<i32>} : memref<16x128xf32, #tpu.memory_space<vmem>>, vector<1x16xf32>,
    %broadcast_in_dim3A_711 = arith.constant 0.000000e+00 : f32
    %broadcast_in_dim3A_712 = vector.broadcast %broadcast_in_dim3A_711 : f32 to vector<16xf32>
    %swap3A_713 = arith.constant 11 : i32
    %swap3A_714 = arith.index_cast %swap3A_713 : i32 to index
    %swap3A_715 = arith.constant 16 : index
    %swap3A_716 = tpu.vector_load %arg10[%swap3A_714, %swap3A_715] {strides = array<i32>} : memref<16x128xf32, #tpu.memory_space<vmem>>, vector<1x16xf32>,
    %swap3A_717 = vector.shape_cast %swap3A_716 : vector<1x16xf32> to vector<16xf32>
    %swap3A_718 = vector.shape_cast %broadcast_in_dim3A_712 : vector<16xf32> to vector<1x16xf32>
    tpu.vector_store %arg10[%swap3A_714, %swap3A_715], %swap3A_718 {strides = array<i32>} : memref<16x128xf32, #tpu.memory_space<vmem>>, vector<1x16xf32>,
    %broadcast_in_dim3A_719 = arith.constant 0.000000e+00 : f32
    %broadcast_in_dim3A_720 = vector.broadcast %broadcast_in_dim3A_719 : f32 to vector<16xf32>
    %swap3A_721 = arith.constant 11 : i32
    %swap3A_722 = arith.index_cast %swap3A_721 : i32 to index
    %swap3A_723 = arith.constant 32 : index
    %swap3A_724 = tpu.vector_load %arg10[%swap3A_722, %swap3A_723] {strides = array<i32>} : memref<16x128xf32, #tpu.memory_space<vmem>>, vector<1x16xf32>,
    %swap3A_725 = vector.shape_cast %swap3A_724 : vector<1x16xf32> to vector<16xf32>
    %swap3A_726 = vector.shape_cast %broadcast_in_dim3A_720 : vector<16xf32> to vector<1x16xf32>
    tpu.vector_store %arg10[%swap3A_722, %swap3A_723], %swap3A_726 {strides = array<i32>} : memref<16x128xf32, #tpu.memory_space<vmem>>, vector<1x16xf32>,
    %broadcast_in_dim3A_727 = arith.constant 0.000000e+00 : f32
    %broadcast_in_dim3A_728 = vector.broadcast %broadcast_in_dim3A_727 : f32 to vector<16xf32>
    %swap3A_729 = arith.constant 11 : i32
    %swap3A_730 = arith.index_cast %swap3A_729 : i32 to index
    %swap3A_731 = arith.constant 48 : index
    %swap3A_732 = tpu.vector_load %arg10[%swap3A_730, %swap3A_731] {strides = array<i32>} : memref<16x128xf32, #tpu.memory_space<vmem>>, vector<1x16xf32>,
    %swap3A_733 = vector.shape_cast %swap3A_732 : vector<1x16xf32> to vector<16xf32>
    %swap3A_734 = vector.shape_cast %broadcast_in_dim3A_728 : vector<16xf32> to vector<1x16xf32>
    tpu.vector_store %arg10[%swap3A_730, %swap3A_731], %swap3A_734 {strides = array<i32>} : memref<16x128xf32, #tpu.memory_space<vmem>>, vector<1x16xf32>,
    %broadcast_in_dim3A_735 = arith.constant 0.000000e+00 : f32
    %broadcast_in_dim3A_736 = vector.broadcast %broadcast_in_dim3A_735 : f32 to vector<16xf32>
    %swap3A_737 = arith.constant 11 : i32
    %swap3A_738 = arith.index_cast %swap3A_737 : i32 to index
    %swap3A_739 = arith.constant 64 : index
    %swap3A_740 = tpu.vector_load %arg10[%swap3A_738, %swap3A_739] {strides = array<i32>} : memref<16x128xf32, #tpu.memory_space<vmem>>, vector<1x16xf32>,
    %swap3A_741 = vector.shape_cast %swap3A_740 : vector<1x16xf32> to vector<16xf32>
    %swap3A_742 = vector.shape_cast %broadcast_in_dim3A_736 : vector<16xf32> to vector<1x16xf32>
    tpu.vector_store %arg10[%swap3A_738, %swap3A_739], %swap3A_742 {strides = array<i32>} : memref<16x128xf32, #tpu.memory_space<vmem>>, vector<1x16xf32>,
    %broadcast_in_dim3A_743 = arith.constant 0.000000e+00 : f32
    %broadcast_in_dim3A_744 = vector.broadcast %broadcast_in_dim3A_743 : f32 to vector<16xf32>
    %swap3A_745 = arith.constant 11 : i32
    %swap3A_746 = arith.index_cast %swap3A_745 : i32 to index
    %swap3A_747 = arith.constant 80 : index
    %swap3A_748 = tpu.vector_load %arg10[%swap3A_746, %swap3A_747] {strides = array<i32>} : memref<16x128xf32, #tpu.memory_space<vmem>>, vector<1x16xf32>,
    %swap3A_749 = vector.shape_cast %swap3A_748 : vector<1x16xf32> to vector<16xf32>
    %swap3A_750 = vector.shape_cast %broadcast_in_dim3A_744 : vector<16xf32> to vector<1x16xf32>
    tpu.vector_store %arg10[%swap3A_746, %swap3A_747], %swap3A_750 {strides = array<i32>} : memref<16x128xf32, #tpu.memory_space<vmem>>, vector<1x16xf32>,
    %broadcast_in_dim3A_751 = arith.constant 0.000000e+00 : f32
    %broadcast_in_dim3A_752 = vector.broadcast %broadcast_in_dim3A_751 : f32 to vector<16xf32>
    %swap3A_753 = arith.constant 11 : i32
    %swap3A_754 = arith.index_cast %swap3A_753 : i32 to index
    %swap3A_755 = arith.constant 96 : index
    %swap3A_756 = tpu.vector_load %arg10[%swap3A_754, %swap3A_755] {strides = array<i32>} : memref<16x128xf32, #tpu.memory_space<vmem>>, vector<1x16xf32>,
    %swap3A_757 = vector.shape_cast %swap3A_756 : vector<1x16xf32> to vector<16xf32>
    %swap3A_758 = vector.shape_cast %broadcast_in_dim3A_752 : vector<16xf32> to vector<1x16xf32>
    tpu.vector_store %arg10[%swap3A_754, %swap3A_755], %swap3A_758 {strides = array<i32>} : memref<16x128xf32, #tpu.memory_space<vmem>>, vector<1x16xf32>,
    %broadcast_in_dim3A_759 = arith.constant 0.000000e+00 : f32
    %broadcast_in_dim3A_760 = vector.broadcast %broadcast_in_dim3A_759 : f32 to vector<16xf32>
    %swap3A_761 = arith.constant 11 : i32
    %swap3A_762 = arith.index_cast %swap3A_761 : i32 to index
    %swap3A_763 = arith.constant 112 : index
    %swap3A_764 = tpu.vector_load %arg10[%swap3A_762, %swap3A_763] {strides = array<i32>} : memref<16x128xf32, #tpu.memory_space<vmem>>, vector<1x16xf32>,
    %swap3A_765 = vector.shape_cast %swap3A_764 : vector<1x16xf32> to vector<16xf32>
    %swap3A_766 = vector.shape_cast %broadcast_in_dim3A_760 : vector<16xf32> to vector<1x16xf32>
    tpu.vector_store %arg10[%swap3A_762, %swap3A_763], %swap3A_766 {strides = array<i32>} : memref<16x128xf32, #tpu.memory_space<vmem>>, vector<1x16xf32>,
    %broadcast_in_dim3A_767 = arith.constant 0.000000e+00 : f32
    %broadcast_in_dim3A_768 = vector.broadcast %broadcast_in_dim3A_767 : f32 to vector<16xf32>
    %swap3A_769 = arith.constant 12 : i32
    %swap3A_770 = arith.index_cast %swap3A_769 : i32 to index
    %swap3A_771 = arith.constant 0 : index
    %swap3A_772 = tpu.vector_load %arg10[%swap3A_770, %swap3A_771] {strides = array<i32>} : memref<16x128xf32, #tpu.memory_space<vmem>>, vector<1x16xf32>,
    %swap3A_773 = vector.shape_cast %swap3A_772 : vector<1x16xf32> to vector<16xf32>
    %swap3A_774 = vector.shape_cast %broadcast_in_dim3A_768 : vector<16xf32> to vector<1x16xf32>
    tpu.vector_store %arg10[%swap3A_770, %swap3A_771], %swap3A_774 {strides = array<i32>} : memref<16x128xf32, #tpu.memory_space<vmem>>, vector<1x16xf32>,
    %broadcast_in_dim3A_775 = arith.constant 0.000000e+00 : f32
    %broadcast_in_dim3A_776 = vector.broadcast %broadcast_in_dim3A_775 : f32 to vector<16xf32>
    %swap3A_777 = arith.constant 12 : i32
    %swap3A_778 = arith.index_cast %swap3A_777 : i32 to index
    %swap3A_779 = arith.constant 16 : index
    %swap3A_780 = tpu.vector_load %arg10[%swap3A_778, %swap3A_779] {strides = array<i32>} : memref<16x128xf32, #tpu.memory_space<vmem>>, vector<1x16xf32>,
    %swap3A_781 = vector.shape_cast %swap3A_780 : vector<1x16xf32> to vector<16xf32>
    %swap3A_782 = vector.shape_cast %broadcast_in_dim3A_776 : vector<16xf32> to vector<1x16xf32>
    tpu.vector_store %arg10[%swap3A_778, %swap3A_779], %swap3A_782 {strides = array<i32>} : memref<16x128xf32, #tpu.memory_space<vmem>>, vector<1x16xf32>,
    %broadcast_in_dim3A_783 = arith.constant 0.000000e+00 : f32
    %broadcast_in_dim3A_784 = vector.broadcast %broadcast_in_dim3A_783 : f32 to vector<16xf32>
    %swap3A_785 = arith.constant 12 : i32
    %swap3A_786 = arith.index_cast %swap3A_785 : i32 to index
    %swap3A_787 = arith.constant 32 : index
    %swap3A_788 = tpu.vector_load %arg10[%swap3A_786, %swap3A_787] {strides = array<i32>} : memref<16x128xf32, #tpu.memory_space<vmem>>, vector<1x16xf32>,
    %swap3A_789 = vector.shape_cast %swap3A_788 : vector<1x16xf32> to vector<16xf32>
    %swap3A_790 = vector.shape_cast %broadcast_in_dim3A_784 : vector<16xf32> to vector<1x16xf32>
    tpu.vector_store %arg10[%swap3A_786, %swap3A_787], %swap3A_790 {strides = array<i32>} : memref<16x128xf32, #tpu.memory_space<vmem>>, vector<1x16xf32>,
    %broadcast_in_dim3A_791 = arith.constant 0.000000e+00 : f32
    %broadcast_in_dim3A_792 = vector.broadcast %broadcast_in_dim3A_791 : f32 to vector<16xf32>
    %swap3A_793 = arith.constant 12 : i32
    %swap3A_794 = arith.index_cast %swap3A_793 : i32 to index
    %swap3A_795 = arith.constant 48 : index
    %swap3A_796 = tpu.vector_load %arg10[%swap3A_794, %swap3A_795] {strides = array<i32>} : memref<16x128xf32, #tpu.memory_space<vmem>>, vector<1x16xf32>,
    %swap3A_797 = vector.shape_cast %swap3A_796 : vector<1x16xf32> to vector<16xf32>
    %swap3A_798 = vector.shape_cast %broadcast_in_dim3A_792 : vector<16xf32> to vector<1x16xf32>
    tpu.vector_store %arg10[%swap3A_794, %swap3A_795], %swap3A_798 {strides = array<i32>} : memref<16x128xf32, #tpu.memory_space<vmem>>, vector<1x16xf32>,
    %broadcast_in_dim3A_799 = arith.constant 0.000000e+00 : f32
    %broadcast_in_dim3A_800 = vector.broadcast %broadcast_in_dim3A_799 : f32 to vector<16xf32>
    %swap3A_801 = arith.constant 12 : i32
    %swap3A_802 = arith.index_cast %swap3A_801 : i32 to index
    %swap3A_803 = arith.constant 64 : index
    %swap3A_804 = tpu.vector_load %arg10[%swap3A_802, %swap3A_803] {strides = array<i32>} : memref<16x128xf32, #tpu.memory_space<vmem>>, vector<1x16xf32>,
    %swap3A_805 = vector.shape_cast %swap3A_804 : vector<1x16xf32> to vector<16xf32>
    %swap3A_806 = vector.shape_cast %broadcast_in_dim3A_800 : vector<16xf32> to vector<1x16xf32>
    tpu.vector_store %arg10[%swap3A_802, %swap3A_803], %swap3A_806 {strides = array<i32>} : memref<16x128xf32, #tpu.memory_space<vmem>>, vector<1x16xf32>,
    %broadcast_in_dim3A_807 = arith.constant 0.000000e+00 : f32
    %broadcast_in_dim3A_808 = vector.broadcast %broadcast_in_dim3A_807 : f32 to vector<16xf32>
    %swap3A_809 = arith.constant 12 : i32
    %swap3A_810 = arith.index_cast %swap3A_809 : i32 to index
    %swap3A_811 = arith.constant 80 : index
    %swap3A_812 = tpu.vector_load %arg10[%swap3A_810, %swap3A_811] {strides = array<i32>} : memref<16x128xf32, #tpu.memory_space<vmem>>, vector<1x16xf32>,
    %swap3A_813 = vector.shape_cast %swap3A_812 : vector<1x16xf32> to vector<16xf32>
    %swap3A_814 = vector.shape_cast %broadcast_in_dim3A_808 : vector<16xf32> to vector<1x16xf32>
    tpu.vector_store %arg10[%swap3A_810, %swap3A_811], %swap3A_814 {strides = array<i32>} : memref<16x128xf32, #tpu.memory_space<vmem>>, vector<1x16xf32>,
    %broadcast_in_dim3A_815 = arith.constant 0.000000e+00 : f32
    %broadcast_in_dim3A_816 = vector.broadcast %broadcast_in_dim3A_815 : f32 to vector<16xf32>
    %swap3A_817 = arith.constant 12 : i32
    %swap3A_818 = arith.index_cast %swap3A_817 : i32 to index
    %swap3A_819 = arith.constant 96 : index
    %swap3A_820 = tpu.vector_load %arg10[%swap3A_818, %swap3A_819] {strides = array<i32>} : memref<16x128xf32, #tpu.memory_space<vmem>>, vector<1x16xf32>,
    %swap3A_821 = vector.shape_cast %swap3A_820 : vector<1x16xf32> to vector<16xf32>
    %swap3A_822 = vector.shape_cast %broadcast_in_dim3A_816 : vector<16xf32> to vector<1x16xf32>
    tpu.vector_store %arg10[%swap3A_818, %swap3A_819], %swap3A_822 {strides = array<i32>} : memref<16x128xf32, #tpu.memory_space<vmem>>, vector<1x16xf32>,
    %broadcast_in_dim3A_823 = arith.constant 0.000000e+00 : f32
    %broadcast_in_dim3A_824 = vector.broadcast %broadcast_in_dim3A_823 : f32 to vector<16xf32>
    %swap3A_825 = arith.constant 12 : i32
    %swap3A_826 = arith.index_cast %swap3A_825 : i32 to index
    %swap3A_827 = arith.constant 112 : index
    %swap3A_828 = tpu.vector_load %arg10[%swap3A_826, %swap3A_827] {strides = array<i32>} : memref<16x128xf32, #tpu.memory_space<vmem>>, vector<1x16xf32>,
    %swap3A_829 = vector.shape_cast %swap3A_828 : vector<1x16xf32> to vector<16xf32>
    %swap3A_830 = vector.shape_cast %broadcast_in_dim3A_824 : vector<16xf32> to vector<1x16xf32>
    tpu.vector_store %arg10[%swap3A_826, %swap3A_827], %swap3A_830 {strides = array<i32>} : memref<16x128xf32, #tpu.memory_space<vmem>>, vector<1x16xf32>,
    %broadcast_in_dim3A_831 = arith.constant 0.000000e+00 : f32
    %broadcast_in_dim3A_832 = vector.broadcast %broadcast_in_dim3A_831 : f32 to vector<16xf32>
    %swap3A_833 = arith.constant 13 : i32
    %swap3A_834 = arith.index_cast %swap3A_833 : i32 to index
    %swap3A_835 = arith.constant 0 : index
    %swap3A_836 = tpu.vector_load %arg10[%swap3A_834, %swap3A_835] {strides = array<i32>} : memref<16x128xf32, #tpu.memory_space<vmem>>, vector<1x16xf32>,
    %swap3A_837 = vector.shape_cast %swap3A_836 : vector<1x16xf32> to vector<16xf32>
    %swap3A_838 = vector.shape_cast %broadcast_in_dim3A_832 : vector<16xf32> to vector<1x16xf32>
    tpu.vector_store %arg10[%swap3A_834, %swap3A_835], %swap3A_838 {strides = array<i32>} : memref<16x128xf32, #tpu.memory_space<vmem>>, vector<1x16xf32>,
    %broadcast_in_dim3A_839 = arith.constant 0.000000e+00 : f32
    %broadcast_in_dim3A_840 = vector.broadcast %broadcast_in_dim3A_839 : f32 to vector<16xf32>
    %swap3A_841 = arith.constant 13 : i32
    %swap3A_842 = arith.index_cast %swap3A_841 : i32 to index
    %swap3A_843 = arith.constant 16 : index
    %swap3A_844 = tpu.vector_load %arg10[%swap3A_842, %swap3A_843] {strides = array<i32>} : memref<16x128xf32, #tpu.memory_space<vmem>>, vector<1x16xf32>,
    %swap3A_845 = vector.shape_cast %swap3A_844 : vector<1x16xf32> to vector<16xf32>
    %swap3A_846 = vector.shape_cast %broadcast_in_dim3A_840 : vector<16xf32> to vector<1x16xf32>
    tpu.vector_store %arg10[%swap3A_842, %swap3A_843], %swap3A_846 {strides = array<i32>} : memref<16x128xf32, #tpu.memory_space<vmem>>, vector<1x16xf32>,
    %broadcast_in_dim3A_847 = arith.constant 0.000000e+00 : f32
    %broadcast_in_dim3A_848 = vector.broadcast %broadcast_in_dim3A_847 : f32 to vector<16xf32>
    %swap3A_849 = arith.constant 13 : i32
    %swap3A_850 = arith.index_cast %swap3A_849 : i32 to index
    %swap3A_851 = arith.constant 32 : index
    %swap3A_852 = tpu.vector_load %arg10[%swap3A_850, %swap3A_851] {strides = array<i32>} : memref<16x128xf32, #tpu.memory_space<vmem>>, vector<1x16xf32>,
    %swap3A_853 = vector.shape_cast %swap3A_852 : vector<1x16xf32> to vector<16xf32>
    %swap3A_854 = vector.shape_cast %broadcast_in_dim3A_848 : vector<16xf32> to vector<1x16xf32>
    tpu.vector_store %arg10[%swap3A_850, %swap3A_851], %swap3A_854 {strides = array<i32>} : memref<16x128xf32, #tpu.memory_space<vmem>>, vector<1x16xf32>,
    %broadcast_in_dim3A_855 = arith.constant 0.000000e+00 : f32
    %broadcast_in_dim3A_856 = vector.broadcast %broadcast_in_dim3A_855 : f32 to vector<16xf32>
    %swap3A_857 = arith.constant 13 : i32
    %swap3A_858 = arith.index_cast %swap3A_857 : i32 to index
    %swap3A_859 = arith.constant 48 : index
    %swap3A_860 = tpu.vector_load %arg10[%swap3A_858, %swap3A_859] {strides = array<i32>} : memref<16x128xf32, #tpu.memory_space<vmem>>, vector<1x16xf32>,
    %swap3A_861 = vector.shape_cast %swap3A_860 : vector<1x16xf32> to vector<16xf32>
    %swap3A_862 = vector.shape_cast %broadcast_in_dim3A_856 : vector<16xf32> to vector<1x16xf32>
    tpu.vector_store %arg10[%swap3A_858, %swap3A_859], %swap3A_862 {strides = array<i32>} : memref<16x128xf32, #tpu.memory_space<vmem>>, vector<1x16xf32>,
    %broadcast_in_dim3A_863 = arith.constant 0.000000e+00 : f32
    %broadcast_in_dim3A_864 = vector.broadcast %broadcast_in_dim3A_863 : f32 to vector<16xf32>
    %swap3A_865 = arith.constant 13 : i32
    %swap3A_866 = arith.index_cast %swap3A_865 : i32 to index
    %swap3A_867 = arith.constant 64 : index
    %swap3A_868 = tpu.vector_load %arg10[%swap3A_866, %swap3A_867] {strides = array<i32>} : memref<16x128xf32, #tpu.memory_space<vmem>>, vector<1x16xf32>,
    %swap3A_869 = vector.shape_cast %swap3A_868 : vector<1x16xf32> to vector<16xf32>
    %swap3A_870 = vector.shape_cast %broadcast_in_dim3A_864 : vector<16xf32> to vector<1x16xf32>
    tpu.vector_store %arg10[%swap3A_866, %swap3A_867], %swap3A_870 {strides = array<i32>} : memref<16x128xf32, #tpu.memory_space<vmem>>, vector<1x16xf32>,
    %broadcast_in_dim3A_871 = arith.constant 0.000000e+00 : f32
    %broadcast_in_dim3A_872 = vector.broadcast %broadcast_in_dim3A_871 : f32 to vector<16xf32>
    %swap3A_873 = arith.constant 13 : i32
    %swap3A_874 = arith.index_cast %swap3A_873 : i32 to index
    %swap3A_875 = arith.constant 80 : index
    %swap3A_876 = tpu.vector_load %arg10[%swap3A_874, %swap3A_875] {strides = array<i32>} : memref<16x128xf32, #tpu.memory_space<vmem>>, vector<1x16xf32>,
    %swap3A_877 = vector.shape_cast %swap3A_876 : vector<1x16xf32> to vector<16xf32>
    %swap3A_878 = vector.shape_cast %broadcast_in_dim3A_872 : vector<16xf32> to vector<1x16xf32>
    tpu.vector_store %arg10[%swap3A_874, %swap3A_875], %swap3A_878 {strides = array<i32>} : memref<16x128xf32, #tpu.memory_space<vmem>>, vector<1x16xf32>,
    %broadcast_in_dim3A_879 = arith.constant 0.000000e+00 : f32
    %broadcast_in_dim3A_880 = vector.broadcast %broadcast_in_dim3A_879 : f32 to vector<16xf32>
    %swap3A_881 = arith.constant 13 : i32
    %swap3A_882 = arith.index_cast %swap3A_881 : i32 to index
    %swap3A_883 = arith.constant 96 : index
    %swap3A_884 = tpu.vector_load %arg10[%swap3A_882, %swap3A_883] {strides = array<i32>} : memref<16x128xf32, #tpu.memory_space<vmem>>, vector<1x16xf32>,
    %swap3A_885 = vector.shape_cast %swap3A_884 : vector<1x16xf32> to vector<16xf32>
    %swap3A_886 = vector.shape_cast %broadcast_in_dim3A_880 : vector<16xf32> to vector<1x16xf32>
    tpu.vector_store %arg10[%swap3A_882, %swap3A_883], %swap3A_886 {strides = array<i32>} : memref<16x128xf32, #tpu.memory_space<vmem>>, vector<1x16xf32>,
    %broadcast_in_dim3A_887 = arith.constant 0.000000e+00 : f32
    %broadcast_in_dim3A_888 = vector.broadcast %broadcast_in_dim3A_887 : f32 to vector<16xf32>
    %swap3A_889 = arith.constant 13 : i32
    %swap3A_890 = arith.index_cast %swap3A_889 : i32 to index
    %swap3A_891 = arith.constant 112 : index
    %swap3A_892 = tpu.vector_load %arg10[%swap3A_890, %swap3A_891] {strides = array<i32>} : memref<16x128xf32, #tpu.memory_space<vmem>>, vector<1x16xf32>,
    %swap3A_893 = vector.shape_cast %swap3A_892 : vector<1x16xf32> to vector<16xf32>
    %swap3A_894 = vector.shape_cast %broadcast_in_dim3A_888 : vector<16xf32> to vector<1x16xf32>
    tpu.vector_store %arg10[%swap3A_890, %swap3A_891], %swap3A_894 {strides = array<i32>} : memref<16x128xf32, #tpu.memory_space<vmem>>, vector<1x16xf32>,
    %broadcast_in_dim3A_895 = arith.constant 0.000000e+00 : f32
    %broadcast_in_dim3A_896 = vector.broadcast %broadcast_in_dim3A_895 : f32 to vector<16xf32>
    %swap3A_897 = arith.constant 14 : i32
    %swap3A_898 = arith.index_cast %swap3A_897 : i32 to index
    %swap3A_899 = arith.constant 0 : index
    %swap3A_900 = tpu.vector_load %arg10[%swap3A_898, %swap3A_899] {strides = array<i32>} : memref<16x128xf32, #tpu.memory_space<vmem>>, vector<1x16xf32>,
    %swap3A_901 = vector.shape_cast %swap3A_900 : vector<1x16xf32> to vector<16xf32>
    %swap3A_902 = vector.shape_cast %broadcast_in_dim3A_896 : vector<16xf32> to vector<1x16xf32>
    tpu.vector_store %arg10[%swap3A_898, %swap3A_899], %swap3A_902 {strides = array<i32>} : memref<16x128xf32, #tpu.memory_space<vmem>>, vector<1x16xf32>,
    %broadcast_in_dim3A_903 = arith.constant 0.000000e+00 : f32
    %broadcast_in_dim3A_904 = vector.broadcast %broadcast_in_dim3A_903 : f32 to vector<16xf32>
    %swap3A_905 = arith.constant 14 : i32
    %swap3A_906 = arith.index_cast %swap3A_905 : i32 to index
    %swap3A_907 = arith.constant 16 : index
    %swap3A_908 = tpu.vector_load %arg10[%swap3A_906, %swap3A_907] {strides = array<i32>} : memref<16x128xf32, #tpu.memory_space<vmem>>, vector<1x16xf32>,
    %swap3A_909 = vector.shape_cast %swap3A_908 : vector<1x16xf32> to vector<16xf32>
    %swap3A_910 = vector.shape_cast %broadcast_in_dim3A_904 : vector<16xf32> to vector<1x16xf32>
    tpu.vector_store %arg10[%swap3A_906, %swap3A_907], %swap3A_910 {strides = array<i32>} : memref<16x128xf32, #tpu.memory_space<vmem>>, vector<1x16xf32>,
    %broadcast_in_dim3A_911 = arith.constant 0.000000e+00 : f32
    %broadcast_in_dim3A_912 = vector.broadcast %broadcast_in_dim3A_911 : f32 to vector<16xf32>
    %swap3A_913 = arith.constant 14 : i32
    %swap3A_914 = arith.index_cast %swap3A_913 : i32 to index
    %swap3A_915 = arith.constant 32 : index
    %swap3A_916 = tpu.vector_load %arg10[%swap3A_914, %swap3A_915] {strides = array<i32>} : memref<16x128xf32, #tpu.memory_space<vmem>>, vector<1x16xf32>,
    %swap3A_917 = vector.shape_cast %swap3A_916 : vector<1x16xf32> to vector<16xf32>
    %swap3A_918 = vector.shape_cast %broadcast_in_dim3A_912 : vector<16xf32> to vector<1x16xf32>
    tpu.vector_store %arg10[%swap3A_914, %swap3A_915], %swap3A_918 {strides = array<i32>} : memref<16x128xf32, #tpu.memory_space<vmem>>, vector<1x16xf32>,
    %broadcast_in_dim3A_919 = arith.constant 0.000000e+00 : f32
    %broadcast_in_dim3A_920 = vector.broadcast %broadcast_in_dim3A_919 : f32 to vector<16xf32>
    %swap3A_921 = arith.constant 14 : i32
    %swap3A_922 = arith.index_cast %swap3A_921 : i32 to index
    %swap3A_923 = arith.constant 48 : index
    %swap3A_924 = tpu.vector_load %arg10[%swap3A_922, %swap3A_923] {strides = array<i32>} : memref<16x128xf32, #tpu.memory_space<vmem>>, vector<1x16xf32>,
    %swap3A_925 = vector.shape_cast %swap3A_924 : vector<1x16xf32> to vector<16xf32>
    %swap3A_926 = vector.shape_cast %broadcast_in_dim3A_920 : vector<16xf32> to vector<1x16xf32>
    tpu.vector_store %arg10[%swap3A_922, %swap3A_923], %swap3A_926 {strides = array<i32>} : memref<16x128xf32, #tpu.memory_space<vmem>>, vector<1x16xf32>,
    %broadcast_in_dim3A_927 = arith.constant 0.000000e+00 : f32
    %broadcast_in_dim3A_928 = vector.broadcast %broadcast_in_dim3A_927 : f32 to vector<16xf32>
    %swap3A_929 = arith.constant 14 : i32
    %swap3A_930 = arith.index_cast %swap3A_929 : i32 to index
    %swap3A_931 = arith.constant 64 : index
    %swap3A_932 = tpu.vector_load %arg10[%swap3A_930, %swap3A_931] {strides = array<i32>} : memref<16x128xf32, #tpu.memory_space<vmem>>, vector<1x16xf32>,
    %swap3A_933 = vector.shape_cast %swap3A_932 : vector<1x16xf32> to vector<16xf32>
    %swap3A_934 = vector.shape_cast %broadcast_in_dim3A_928 : vector<16xf32> to vector<1x16xf32>
    tpu.vector_store %arg10[%swap3A_930, %swap3A_931], %swap3A_934 {strides = array<i32>} : memref<16x128xf32, #tpu.memory_space<vmem>>, vector<1x16xf32>,
    %broadcast_in_dim3A_935 = arith.constant 0.000000e+00 : f32
    %broadcast_in_dim3A_936 = vector.broadcast %broadcast_in_dim3A_935 : f32 to vector<16xf32>
    %swap3A_937 = arith.constant 14 : i32
    %swap3A_938 = arith.index_cast %swap3A_937 : i32 to index
    %swap3A_939 = arith.constant 80 : index
    %swap3A_940 = tpu.vector_load %arg10[%swap3A_938, %swap3A_939] {strides = array<i32>} : memref<16x128xf32, #tpu.memory_space<vmem>>, vector<1x16xf32>,
    %swap3A_941 = vector.shape_cast %swap3A_940 : vector<1x16xf32> to vector<16xf32>
    %swap3A_942 = vector.shape_cast %broadcast_in_dim3A_936 : vector<16xf32> to vector<1x16xf32>
    tpu.vector_store %arg10[%swap3A_938, %swap3A_939], %swap3A_942 {strides = array<i32>} : memref<16x128xf32, #tpu.memory_space<vmem>>, vector<1x16xf32>,
    %broadcast_in_dim3A_943 = arith.constant 0.000000e+00 : f32
    %broadcast_in_dim3A_944 = vector.broadcast %broadcast_in_dim3A_943 : f32 to vector<16xf32>
    %swap3A_945 = arith.constant 14 : i32
    %swap3A_946 = arith.index_cast %swap3A_945 : i32 to index
    %swap3A_947 = arith.constant 96 : index
    %swap3A_948 = tpu.vector_load %arg10[%swap3A_946, %swap3A_947] {strides = array<i32>} : memref<16x128xf32, #tpu.memory_space<vmem>>, vector<1x16xf32>,
    %swap3A_949 = vector.shape_cast %swap3A_948 : vector<1x16xf32> to vector<16xf32>
    %swap3A_950 = vector.shape_cast %broadcast_in_dim3A_944 : vector<16xf32> to vector<1x16xf32>
    tpu.vector_store %arg10[%swap3A_946, %swap3A_947], %swap3A_950 {strides = array<i32>} : memref<16x128xf32, #tpu.memory_space<vmem>>, vector<1x16xf32>,
    %broadcast_in_dim3A_951 = arith.constant 0.000000e+00 : f32
    %broadcast_in_dim3A_952 = vector.broadcast %broadcast_in_dim3A_951 : f32 to vector<16xf32>
    %swap3A_953 = arith.constant 14 : i32
    %swap3A_954 = arith.index_cast %swap3A_953 : i32 to index
    %swap3A_955 = arith.constant 112 : index
    %swap3A_956 = tpu.vector_load %arg10[%swap3A_954, %swap3A_955] {strides = array<i32>} : memref<16x128xf32, #tpu.memory_space<vmem>>, vector<1x16xf32>,
    %swap3A_957 = vector.shape_cast %swap3A_956 : vector<1x16xf32> to vector<16xf32>
    %swap3A_958 = vector.shape_cast %broadcast_in_dim3A_952 : vector<16xf32> to vector<1x16xf32>
    tpu.vector_store %arg10[%swap3A_954, %swap3A_955], %swap3A_958 {strides = array<i32>} : memref<16x128xf32, #tpu.memory_space<vmem>>, vector<1x16xf32>,
    %broadcast_in_dim3A_959 = arith.constant 0.000000e+00 : f32
    %broadcast_in_dim3A_960 = vector.broadcast %broadcast_in_dim3A_959 : f32 to vector<16xf32>
    %swap3A_961 = arith.constant 15 : i32
    %swap3A_962 = arith.index_cast %swap3A_961 : i32 to index
    %swap3A_963 = arith.constant 0 : index
    %swap3A_964 = tpu.vector_load %arg10[%swap3A_962, %swap3A_963] {strides = array<i32>} : memref<16x128xf32, #tpu.memory_space<vmem>>, vector<1x16xf32>,
    %swap3A_965 = vector.shape_cast %swap3A_964 : vector<1x16xf32> to vector<16xf32>
    %swap3A_966 = vector.shape_cast %broadcast_in_dim3A_960 : vector<16xf32> to vector<1x16xf32>
    tpu.vector_store %arg10[%swap3A_962, %swap3A_963], %swap3A_966 {strides = array<i32>} : memref<16x128xf32, #tpu.memory_space<vmem>>, vector<1x16xf32>,
    %broadcast_in_dim3A_967 = arith.constant 0.000000e+00 : f32
    %broadcast_in_dim3A_968 = vector.broadcast %broadcast_in_dim3A_967 : f32 to vector<16xf32>
    %swap3A_969 = arith.constant 15 : i32
    %swap3A_970 = arith.index_cast %swap3A_969 : i32 to index
    %swap3A_971 = arith.constant 16 : index
    %swap3A_972 = tpu.vector_load %arg10[%swap3A_970, %swap3A_971] {strides = array<i32>} : memref<16x128xf32, #tpu.memory_space<vmem>>, vector<1x16xf32>,
    %swap3A_973 = vector.shape_cast %swap3A_972 : vector<1x16xf32> to vector<16xf32>
    %swap3A_974 = vector.shape_cast %broadcast_in_dim3A_968 : vector<16xf32> to vector<1x16xf32>
    tpu.vector_store %arg10[%swap3A_970, %swap3A_971], %swap3A_974 {strides = array<i32>} : memref<16x128xf32, #tpu.memory_space<vmem>>, vector<1x16xf32>,
    %broadcast_in_dim3A_975 = arith.constant 0.000000e+00 : f32
    %broadcast_in_dim3A_976 = vector.broadcast %broadcast_in_dim3A_975 : f32 to vector<16xf32>
    %swap3A_977 = arith.constant 15 : i32
    %swap3A_978 = arith.index_cast %swap3A_977 : i32 to index
    %swap3A_979 = arith.constant 32 : index
    %swap3A_980 = tpu.vector_load %arg10[%swap3A_978, %swap3A_979] {strides = array<i32>} : memref<16x128xf32, #tpu.memory_space<vmem>>, vector<1x16xf32>,
    %swap3A_981 = vector.shape_cast %swap3A_980 : vector<1x16xf32> to vector<16xf32>
    %swap3A_982 = vector.shape_cast %broadcast_in_dim3A_976 : vector<16xf32> to vector<1x16xf32>
    tpu.vector_store %arg10[%swap3A_978, %swap3A_979], %swap3A_982 {strides = array<i32>} : memref<16x128xf32, #tpu.memory_space<vmem>>, vector<1x16xf32>,
    %broadcast_in_dim3A_983 = arith.constant 0.000000e+00 : f32
    %broadcast_in_dim3A_984 = vector.broadcast %broadcast_in_dim3A_983 : f32 to vector<16xf32>
    %swap3A_985 = arith.constant 15 : i32
    %swap3A_986 = arith.index_cast %swap3A_985 : i32 to index
    %swap3A_987 = arith.constant 48 : index
    %swap3A_988 = tpu.vector_load %arg10[%swap3A_986, %swap3A_987] {strides = array<i32>} : memref<16x128xf32, #tpu.memory_space<vmem>>, vector<1x16xf32>,
    %swap3A_989 = vector.shape_cast %swap3A_988 : vector<1x16xf32> to vector<16xf32>
    %swap3A_990 = vector.shape_cast %broadcast_in_dim3A_984 : vector<16xf32> to vector<1x16xf32>
    tpu.vector_store %arg10[%swap3A_986, %swap3A_987], %swap3A_990 {strides = array<i32>} : memref<16x128xf32, #tpu.memory_space<vmem>>, vector<1x16xf32>,
    %broadcast_in_dim3A_991 = arith.constant 0.000000e+00 : f32
    %broadcast_in_dim3A_992 = vector.broadcast %broadcast_in_dim3A_991 : f32 to vector<16xf32>
    %swap3A_993 = arith.constant 15 : i32
    %swap3A_994 = arith.index_cast %swap3A_993 : i32 to index
    %swap3A_995 = arith.constant 64 : index
    %swap3A_996 = tpu.vector_load %arg10[%swap3A_994, %swap3A_995] {strides = array<i32>} : memref<16x128xf32, #tpu.memory_space<vmem>>, vector<1x16xf32>,
    %swap3A_997 = vector.shape_cast %swap3A_996 : vector<1x16xf32> to vector<16xf32>
    %swap3A_998 = vector.shape_cast %broadcast_in_dim3A_992 : vector<16xf32> to vector<1x16xf32>
    tpu.vector_store %arg10[%swap3A_994, %swap3A_995], %swap3A_998 {strides = array<i32>} : memref<16x128xf32, #tpu.memory_space<vmem>>, vector<1x16xf32>,
    %broadcast_in_dim3A_999 = arith.constant 0.000000e+00 : f32
    %broadcast_in_dim3A_1000 = vector.broadcast %broadcast_in_dim3A_999 : f32 to vector<16xf32>
    %swap3A_1001 = arith.constant 15 : i32
    %swap3A_1002 = arith.index_cast %swap3A_1001 : i32 to index
    %swap3A_1003 = arith.constant 80 : index
    %swap3A_1004 = tpu.vector_load %arg10[%swap3A_1002, %swap3A_1003] {strides = array<i32>} : memref<16x128xf32, #tpu.memory_space<vmem>>, vector<1x16xf32>,
    %swap3A_1005 = vector.shape_cast %swap3A_1004 : vector<1x16xf32> to vector<16xf32>
    %swap3A_1006 = vector.shape_cast %broadcast_in_dim3A_1000 : vector<16xf32> to vector<1x16xf32>
    tpu.vector_store %arg10[%swap3A_1002, %swap3A_1003], %swap3A_1006 {strides = array<i32>} : memref<16x128xf32, #tpu.memory_space<vmem>>, vector<1x16xf32>,
    %broadcast_in_dim3A_1007 = arith.constant 0.000000e+00 : f32
    %broadcast_in_dim3A_1008 = vector.broadcast %broadcast_in_dim3A_1007 : f32 to vector<16xf32>
    %swap3A_1009 = arith.constant 15 : i32
    %swap3A_1010 = arith.index_cast %swap3A_1009 : i32 to index
    %swap3A_1011 = arith.constant 96 : index
    %swap3A_1012 = tpu.vector_load %arg10[%swap3A_1010, %swap3A_1011] {strides = array<i32>} : memref<16x128xf32, #tpu.memory_space<vmem>>, vector<1x16xf32>,
    %swap3A_1013 = vector.shape_cast %swap3A_1012 : vector<1x16xf32> to vector<16xf32>
    %swap3A_1014 = vector.shape_cast %broadcast_in_dim3A_1008 : vector<16xf32> to vector<1x16xf32>
    tpu.vector_store %arg10[%swap3A_1010, %swap3A_1011], %swap3A_1014 {strides = array<i32>} : memref<16x128xf32, #tpu.memory_space<vmem>>, vector<1x16xf32>,
    %broadcast_in_dim3A_1015 = arith.constant 0.000000e+00 : f32
    %broadcast_in_dim3A_1016 = vector.broadcast %broadcast_in_dim3A_1015 : f32 to vector<16xf32>
    %swap3A_1017 = arith.constant 15 : i32
    %swap3A_1018 = arith.index_cast %swap3A_1017 : i32 to index
    %swap3A_1019 = arith.constant 112 : index
    %swap3A_1020 = tpu.vector_load %arg10[%swap3A_1018, %swap3A_1019] {strides = array<i32>} : memref<16x128xf32, #tpu.memory_space<vmem>>, vector<1x16xf32>,
    %swap3A_1021 = vector.shape_cast %swap3A_1020 : vector<1x16xf32> to vector<16xf32>
    %swap3A_1022 = vector.shape_cast %broadcast_in_dim3A_1016 : vector<16xf32> to vector<1x16xf32>
    tpu.vector_store %arg10[%swap3A_1018, %swap3A_1019], %swap3A_1022 {strides = array<i32>} : memref<16x128xf32, #tpu.memory_space<vmem>>, vector<1x16xf32>,
    %mul3A_1023 = arith.constant 640 : i32
    %mul3A_1024 = arith.muli %arg1, %mul3A_1023 : i32
    %multiple_of3A = tpu.assume_multiple %mul3A_1024, 8 : i32
    %scan3A = arith.constant 0 : i32
    %scan3A_1025 = arith.constant 40 : i32
    %scan3A_1026 = arith.addi %scan3A, %scan3A_1025 : i32
    %scan3A_1027 = arith.constant 1 : i32
    scf.for %scan3A_1086 = %scan3A to %scan3A_1026 step %scan3A_1027  : i32 {
      %mul3A_1087 = arith.constant 1 : i32
      %mul3A_1088 = arith.muli %scan3A_1086, %mul3A_1087 : i32
      %add3A_1089 = arith.constant 0 : i32
      %add3A_1090 = arith.addi %add3A_1089, %mul3A_1088 : i32
      %mul3A_1091 = arith.constant 16 : i32
      %mul3A_1092 = arith.muli %add3A_1090, %mul3A_1091 : i32
      %add3A_1093 = arith.addi %multiple_of3A, %mul3A_1092 : i32
      "tpu.region"() ({
        %run_scoped3A_1094 = tpu.sem_alloc : memref<!tpu.dma_semaphore, #tpu.memory_space<semaphore_mem>>
        %dma_start3A_1095 = arith.constant 0 : i32
        %dma_start3A_1096 = tpu.memref_slice %arg11[%add3A_1093, %dma_start3A_1095] : memref<10240x128xf32, #tpu.memory_space<vmem_shared>> -> memref<16x128xf32, #tpu.memory_space<vmem_shared>>
        %dma_start3A_1097 = arith.constant 0 : i32
        %dma_start3A_1098 = tpu.memref_slice %arg11[%add3A_1093, %dma_start3A_1097] : memref<10240x128xf32, #tpu.memory_space<vmem_shared>> -> memref<16x128xf32, #tpu.memory_space<vmem_shared>>
        tpu.enqueue_dma source(%arg10 : memref<16x128xf32, #tpu.memory_space<vmem>>) target(%dma_start3A_1098 : memref<16x128xf32, #tpu.memory_space<vmem_shared>>) target_semaphore(%run_scoped3A_1094 : memref<!tpu.dma_semaphore, #tpu.memory_space<semaphore_mem>>)
        %dma_wait3A_1099 = arith.constant 0 : i32
        %dma_wait3A_1100 = tpu.memref_slice %arg11[%add3A_1093, %dma_wait3A_1099] : memref<10240x128xf32, #tpu.memory_space<vmem_shared>> -> memref<16x128xf32, #tpu.memory_space<vmem_shared>>
        %dma_wait3A_1101 = arith.constant 0 : i32
        %dma_wait3A_1102 = tpu.memref_slice %arg11[%add3A_1093, %dma_wait3A_1101] : memref<10240x128xf32, #tpu.memory_space<vmem_shared>> -> memref<16x128xf32, #tpu.memory_space<vmem_shared>>
        tpu.wait_dma2 semaphore(%run_scoped3A_1094 : memref<!tpu.dma_semaphore, #tpu.memory_space<semaphore_mem>>) src(%arg10 : memref<16x128xf32, #tpu.memory_space<vmem>>) dst(%dma_wait3A_1102 : memref<16x128xf32, #tpu.memory_space<vmem_shared>>)
        tpu.yield
      }) : () -> ()
    }
    %scan3A_1028 = arith.constant 40 : i32
    "tpu.region"() ({
      %run_scoped3A_1086 = tpu.sem_alloc : memref<!tpu.dma_semaphore, #tpu.memory_space<semaphore_mem>>
      %dma_start3A_1087 = arith.constant 0 : i32
      %dma_start3A_1088 = arith.constant 0 : i32
      %dma_start3A_1089 = tpu.memref_slice %arg3[%add3A, %dma_start3A_1087, %dma_start3A_1088] : memref<32x125x80xi32, #tpu.memory_space<hbm>> -> memref<1x125x80xi32, #tpu.memory_space<hbm>>
      %dma_start3A_1090 = tpu.memref_squeeze %dma_start3A_1089 : memref<1x125x80xi32, #tpu.memory_space<hbm>> -> memref<125x80xi32, #tpu.memory_space<hbm>>
      %dma_start3A_1091 = arith.constant 0 : i32
      %dma_start3A_1092 = arith.constant 0 : i32
      %dma_start3A_1093 = tpu.memref_slice %arg3[%add3A, %dma_start3A_1091, %dma_start3A_1092] : memref<32x125x80xi32, #tpu.memory_space<hbm>> -> memref<1x125x80xi32, #tpu.memory_space<hbm>>
      %dma_start3A_1094 = tpu.memref_squeeze %dma_start3A_1093 : memref<1x125x80xi32, #tpu.memory_space<hbm>> -> memref<125x80xi32, #tpu.memory_space<hbm>>
      tpu.enqueue_dma source(%dma_start3A_1094 : memref<125x80xi32, #tpu.memory_space<hbm>>) target(%arg6 : memref<125x80xi32, #tpu.memory_space<vmem>>) target_semaphore(%run_scoped3A_1086 : memref<!tpu.dma_semaphore, #tpu.memory_space<semaphore_mem>>)
      %dma_wait3A_1095 = arith.constant 0 : i32
      %dma_wait3A_1096 = arith.constant 0 : i32
      %dma_wait3A_1097 = tpu.memref_slice %arg3[%add3A, %dma_wait3A_1095, %dma_wait3A_1096] : memref<32x125x80xi32, #tpu.memory_space<hbm>> -> memref<1x125x80xi32, #tpu.memory_space<hbm>>
      %dma_wait3A_1098 = tpu.memref_squeeze %dma_wait3A_1097 : memref<1x125x80xi32, #tpu.memory_space<hbm>> -> memref<125x80xi32, #tpu.memory_space<hbm>>
      %dma_wait3A_1099 = arith.constant 0 : i32
      %dma_wait3A_1100 = arith.constant 0 : i32
      %dma_wait3A_1101 = tpu.memref_slice %arg3[%add3A, %dma_wait3A_1099, %dma_wait3A_1100] : memref<32x125x80xi32, #tpu.memory_space<hbm>> -> memref<1x125x80xi32, #tpu.memory_space<hbm>>
      %dma_wait3A_1102 = tpu.memref_squeeze %dma_wait3A_1101 : memref<1x125x80xi32, #tpu.memory_space<hbm>> -> memref<125x80xi32, #tpu.memory_space<hbm>>
      tpu.wait_dma2 semaphore(%run_scoped3A_1086 : memref<!tpu.dma_semaphore, #tpu.memory_space<semaphore_mem>>) src(%dma_wait3A_1102 : memref<125x80xi32, #tpu.memory_space<hbm>>) dst(%arg6 : memref<125x80xi32, #tpu.memory_space<vmem>>)
      tpu.yield
    }) : () -> ()
    "tpu.region"() ({
      %run_scoped3A_1086 = tpu.sem_alloc : memref<!tpu.dma_semaphore, #tpu.memory_space<semaphore_mem>>
      %dma_start3A_1087 = arith.constant 0 : i32
      %dma_start3A_1088 = arith.constant 0 : i32
      %dma_start3A_1089 = tpu.memref_slice %arg4[%add3A, %dma_start3A_1087, %dma_start3A_1088] : memref<32x125x80xi32, #tpu.memory_space<hbm>> -> memref<1x125x80xi32, #tpu.memory_space<hbm>>
      %dma_start3A_1090 = tpu.memref_squeeze %dma_start3A_1089 : memref<1x125x80xi32, #tpu.memory_space<hbm>> -> memref<125x80xi32, #tpu.memory_space<hbm>>
      %dma_start3A_1091 = arith.constant 0 : i32
      %dma_start3A_1092 = arith.constant 0 : i32
      %dma_start3A_1093 = tpu.memref_slice %arg4[%add3A, %dma_start3A_1091, %dma_start3A_1092] : memref<32x125x80xi32, #tpu.memory_space<hbm>> -> memref<1x125x80xi32, #tpu.memory_space<hbm>>
      %dma_start3A_1094 = tpu.memref_squeeze %dma_start3A_1093 : memref<1x125x80xi32, #tpu.memory_space<hbm>> -> memref<125x80xi32, #tpu.memory_space<hbm>>
      tpu.enqueue_dma source(%dma_start3A_1094 : memref<125x80xi32, #tpu.memory_space<hbm>>) target(%arg7 : memref<125x80xi32, #tpu.memory_space<vmem>>) target_semaphore(%run_scoped3A_1086 : memref<!tpu.dma_semaphore, #tpu.memory_space<semaphore_mem>>)
      %dma_wait3A_1095 = arith.constant 0 : i32
      %dma_wait3A_1096 = arith.constant 0 : i32
      %dma_wait3A_1097 = tpu.memref_slice %arg4[%add3A, %dma_wait3A_1095, %dma_wait3A_1096] : memref<32x125x80xi32, #tpu.memory_space<hbm>> -> memref<1x125x80xi32, #tpu.memory_space<hbm>>
      %dma_wait3A_1098 = tpu.memref_squeeze %dma_wait3A_1097 : memref<1x125x80xi32, #tpu.memory_space<hbm>> -> memref<125x80xi32, #tpu.memory_space<hbm>>
      %dma_wait3A_1099 = arith.constant 0 : i32
      %dma_wait3A_1100 = arith.constant 0 : i32
      %dma_wait3A_1101 = tpu.memref_slice %arg4[%add3A, %dma_wait3A_1099, %dma_wait3A_1100] : memref<32x125x80xi32, #tpu.memory_space<hbm>> -> memref<1x125x80xi32, #tpu.memory_space<hbm>>
      %dma_wait3A_1102 = tpu.memref_squeeze %dma_wait3A_1101 : memref<1x125x80xi32, #tpu.memory_space<hbm>> -> memref<125x80xi32, #tpu.memory_space<hbm>>
      tpu.wait_dma2 semaphore(%run_scoped3A_1086 : memref<!tpu.dma_semaphore, #tpu.memory_space<semaphore_mem>>) src(%dma_wait3A_1102 : memref<125x80xi32, #tpu.memory_space<hbm>>) dst(%arg7 : memref<125x80xi32, #tpu.memory_space<vmem>>)
      tpu.yield
    }) : () -> ()
    %barrier3A = arith.constant 0 : index
    tpu.barrier barrier_id(%barrier3A)
    %dma_start3A = arith.constant 0 : i32
    %dma_start3A_1029 = arith.constant 0 : i32
    %dma_start3A_1030 = tpu.memref_slice %arg6[%dma_start3A, %dma_start3A_1029] : memref<125x80xi32, #tpu.memory_space<vmem>> -> memref<1x80xi32, #tpu.memory_space<vmem>>
    %dma_start3A_1031 = tpu.memref_squeeze %dma_start3A_1030 : memref<1x80xi32, #tpu.memory_space<vmem>> -> memref<80xi32, #tpu.memory_space<vmem>>
    %dma_start3A_1032 = arith.constant 0 : i32
    %dma_start3A_1033 = arith.constant 0 : i32
    %dma_start3A_1034 = tpu.memref_slice %arg2[%dma_start3A_1032, %dma_start3A_1033] : memref<10000x128xf32, #tpu.memory_space<hbm>> -> memref<10000x128xf32, #tpu.memory_space<hbm>>
    tpu.enqueue_indirect_dma source(%dma_start3A_1034 : memref<10000x128xf32, #tpu.memory_space<hbm>>) target(%arg8 : memref<80x128xf32, #tpu.memory_space<vmem>>) offsets(%dma_start3A_1031 : memref<80xi32, #tpu.memory_space<vmem>>) semaphore(%arg12 : memref<!tpu.dma_semaphore, #tpu.memory_space<semaphore_mem>>)
    %dma_start3A_1035 = arith.constant 1 : i32
    %dma_start3A_1036 = arith.constant 0 : i32
    %dma_start3A_1037 = tpu.memref_slice %arg6[%dma_start3A_1035, %dma_start3A_1036] : memref<125x80xi32, #tpu.memory_space<vmem>> -> memref<1x80xi32, #tpu.memory_space<vmem>>
    %dma_start3A_1038 = tpu.memref_squeeze %dma_start3A_1037 : memref<1x80xi32, #tpu.memory_space<vmem>> -> memref<80xi32, #tpu.memory_space<vmem>>
    %dma_start3A_1039 = arith.constant 0 : i32
    %dma_start3A_1040 = arith.constant 0 : i32
    %dma_start3A_1041 = tpu.memref_slice %arg2[%dma_start3A_1039, %dma_start3A_1040] : memref<10000x128xf32, #tpu.memory_space<hbm>> -> memref<10000x128xf32, #tpu.memory_space<hbm>>
    tpu.enqueue_indirect_dma source(%dma_start3A_1041 : memref<10000x128xf32, #tpu.memory_space<hbm>>) target(%arg9 : memref<80x128xf32, #tpu.memory_space<vmem>>) offsets(%dma_start3A_1038 : memref<80xi32, #tpu.memory_space<vmem>>) semaphore(%arg13 : memref<!tpu.dma_semaphore, #tpu.memory_space<semaphore_mem>>)
    %scan3A_1042 = arith.constant 0 : i32
    %scan3A_1043 = arith.constant 62 : i32
    %scan3A_1044 = arith.addi %scan3A_1042, %scan3A_1043 : i32
    %scan3A_1045 = arith.constant 1 : i32
    scf.for %scan3A_1086 = %scan3A_1042 to %scan3A_1044 step %scan3A_1045  : i32 {
      %mul3A_1087 = arith.constant 1 : i32
      %mul3A_1088 = arith.muli %scan3A_1086, %mul3A_1087 : i32
      %add3A_1089 = arith.constant 0 : i32
      %add3A_1090 = arith.addi %add3A_1089, %mul3A_1088 : i32
      %mul3A_1091 = arith.constant 2 : i32
      %mul3A_1092 = arith.muli %add3A_1090, %mul3A_1091 : i32
      %add3A_1093 = arith.constant 0 : i32
      %add3A_1094 = arith.addi %mul3A_1092, %add3A_1093 : i32
      %dma_wait3A_1095 = arith.constant 0 : i32
      %dma_wait3A_1096 = tpu.memref_slice %arg6[%add3A_1094, %dma_wait3A_1095] : memref<125x80xi32, #tpu.memory_space<vmem>> -> memref<1x80xi32, #tpu.memory_space<vmem>>
      %dma_wait3A_1097 = tpu.memref_squeeze %dma_wait3A_1096 : memref<1x80xi32, #tpu.memory_space<vmem>> -> memref<80xi32, #tpu.memory_space<vmem>>
      %dma_wait3A_1098 = arith.constant 0 : i32
      %dma_wait3A_1099 = arith.constant 0 : i32
      %dma_wait3A_1100 = tpu.memref_slice %arg2[%dma_wait3A_1098, %dma_wait3A_1099] : memref<10000x128xf32, #tpu.memory_space<hbm>> -> memref<10000x128xf32, #tpu.memory_space<hbm>>
      tpu.wait_indirect_dma semaphore(%arg12 : memref<!tpu.dma_semaphore, #tpu.memory_space<semaphore_mem>>) src(%dma_wait3A_1100 : memref<10000x128xf32, #tpu.memory_space<hbm>>) dst(%arg8 : memref<80x128xf32, #tpu.memory_space<vmem>>)
      "tpu.region"() ({
        %run_scoped3A_1123 = tpu.sem_alloc : memref<!tpu.dma_semaphore, #tpu.memory_space<semaphore_mem>>
        %dma_start3A_1124 = arith.constant 0 : i32
        %dma_start3A_1125 = tpu.memref_slice %arg7[%add3A_1094, %dma_start3A_1124] : memref<125x80xi32, #tpu.memory_space<vmem>> -> memref<1x80xi32, #tpu.memory_space<vmem>>
        %dma_start3A_1126 = tpu.memref_squeeze %dma_start3A_1125 : memref<1x80xi32, #tpu.memory_space<vmem>> -> memref<80xi32, #tpu.memory_space<vmem>>
        %dma_start3A_1127 = arith.constant 0 : i32
        %dma_start3A_1128 = arith.constant 0 : i32
        %dma_start3A_1129 = tpu.memref_slice %arg11[%dma_start3A_1127, %dma_start3A_1128] : memref<10240x128xf32, #tpu.memory_space<vmem_shared>> -> memref<10240x128xf32, #tpu.memory_space<vmem_shared>>
        tpu.enqueue_indirect_dma source(%arg8 : memref<80x128xf32, #tpu.memory_space<vmem>>) target(%dma_start3A_1129 : memref<10240x128xf32, #tpu.memory_space<vmem_shared>>) offsets(%dma_start3A_1126 : memref<80xi32, #tpu.memory_space<vmem>>) semaphore(%run_scoped3A_1123 : memref<!tpu.dma_semaphore, #tpu.memory_space<semaphore_mem>>) {add = true}
        %dma_wait3A_1130 = arith.constant 0 : i32
        %dma_wait3A_1131 = tpu.memref_slice %arg7[%add3A_1094, %dma_wait3A_1130] : memref<125x80xi32, #tpu.memory_space<vmem>> -> memref<1x80xi32, #tpu.memory_space<vmem>>
        %dma_wait3A_1132 = tpu.memref_squeeze %dma_wait3A_1131 : memref<1x80xi32, #tpu.memory_space<vmem>> -> memref<80xi32, #tpu.memory_space<vmem>>
        %dma_wait3A_1133 = arith.constant 0 : i32
        %dma_wait3A_1134 = arith.constant 0 : i32
        %dma_wait3A_1135 = tpu.memref_slice %arg11[%dma_wait3A_1133, %dma_wait3A_1134] : memref<10240x128xf32, #tpu.memory_space<vmem_shared>> -> memref<10240x128xf32, #tpu.memory_space<vmem_shared>>
        tpu.wait_indirect_dma semaphore(%run_scoped3A_1123 : memref<!tpu.dma_semaphore, #tpu.memory_space<semaphore_mem>>) src(%arg8 : memref<80x128xf32, #tpu.memory_space<vmem>>) dst(%dma_wait3A_1135 : memref<10240x128xf32, #tpu.memory_space<vmem_shared>>)
        tpu.yield
      }) : () -> ()
      %add3A_1101 = arith.constant 2 : i32
      %add3A_1102 = arith.addi %add3A_1094, %add3A_1101 : i32
      %dma_start3A_1103 = arith.constant 0 : i32
      %dma_start3A_1104 = tpu.memref_slice %arg6[%add3A_1102, %dma_start3A_1103] : memref<125x80xi32, #tpu.memory_space<vmem>> -> memref<1x80xi32, #tpu.memory_space<vmem>>
      %dma_start3A_1105 = tpu.memref_squeeze %dma_start3A_1104 : memref<1x80xi32, #tpu.memory_space<vmem>> -> memref<80xi32, #tpu.memory_space<vmem>>
      %dma_start3A_1106 = arith.constant 0 : i32
      %dma_start3A_1107 = arith.constant 0 : i32
      %dma_start3A_1108 = tpu.memref_slice %arg2[%dma_start3A_1106, %dma_start3A_1107] : memref<10000x128xf32, #tpu.memory_space<hbm>> -> memref<10000x128xf32, #tpu.memory_space<hbm>>
      tpu.enqueue_indirect_dma source(%dma_start3A_1108 : memref<10000x128xf32, #tpu.memory_space<hbm>>) target(%arg8 : memref<80x128xf32, #tpu.memory_space<vmem>>) offsets(%dma_start3A_1105 : memref<80xi32, #tpu.memory_space<vmem>>) semaphore(%arg12 : memref<!tpu.dma_semaphore, #tpu.memory_space<semaphore_mem>>)
      %mul3A_1109 = arith.constant 2 : i32
      %mul3A_1110 = arith.muli %add3A_1090, %mul3A_1109 : i32
      %add3A_1111 = arith.constant 1 : i32
      %add3A_1112 = arith.addi %mul3A_1110, %add3A_1111 : i32
      %dma_wait3A_1113 = arith.constant 0 : i32
      %dma_wait3A_1114 = tpu.memref_slice %arg6[%add3A_1112, %dma_wait3A_1113] : memref<125x80xi32, #tpu.memory_space<vmem>> -> memref<1x80xi32, #tpu.memory_space<vmem>>
      %dma_wait3A_1115 = tpu.memref_squeeze %dma_wait3A_1114 : memref<1x80xi32, #tpu.memory_space<vmem>> -> memref<80xi32, #tpu.memory_space<vmem>>
      %dma_wait3A_1116 = arith.constant 0 : i32
      %dma_wait3A_1117 = arith.constant 0 : i32
      %dma_wait3A_1118 = tpu.memref_slice %arg2[%dma_wait3A_1116, %dma_wait3A_1117] : memref<10000x128xf32, #tpu.memory_space<hbm>> -> memref<10000x128xf32, #tpu.memory_space<hbm>>
      tpu.wait_indirect_dma semaphore(%arg13 : memref<!tpu.dma_semaphore, #tpu.memory_space<semaphore_mem>>) src(%dma_wait3A_1118 : memref<10000x128xf32, #tpu.memory_space<hbm>>) dst(%arg9 : memref<80x128xf32, #tpu.memory_space<vmem>>)
      "tpu.region"() ({
        %run_scoped3A_1123 = tpu.sem_alloc : memref<!tpu.dma_semaphore, #tpu.memory_space<semaphore_mem>>
        %dma_start3A_1124 = arith.constant 0 : i32
        %dma_start3A_1125 = tpu.memref_slice %arg7[%add3A_1112, %dma_start3A_1124] : memref<125x80xi32, #tpu.memory_space<vmem>> -> memref<1x80xi32, #tpu.memory_space<vmem>>
        %dma_start3A_1126 = tpu.memref_squeeze %dma_start3A_1125 : memref<1x80xi32, #tpu.memory_space<vmem>> -> memref<80xi32, #tpu.memory_space<vmem>>
        %dma_start3A_1127 = arith.constant 0 : i32
        %dma_start3A_1128 = arith.constant 0 : i32
        %dma_start3A_1129 = tpu.memref_slice %arg11[%dma_start3A_1127, %dma_start3A_1128] : memref<10240x128xf32, #tpu.memory_space<vmem_shared>> -> memref<10240x128xf32, #tpu.memory_space<vmem_shared>>
        tpu.enqueue_indirect_dma source(%arg9 : memref<80x128xf32, #tpu.memory_space<vmem>>) target(%dma_start3A_1129 : memref<10240x128xf32, #tpu.memory_space<vmem_shared>>) offsets(%dma_start3A_1126 : memref<80xi32, #tpu.memory_space<vmem>>) semaphore(%run_scoped3A_1123 : memref<!tpu.dma_semaphore, #tpu.memory_space<semaphore_mem>>) {add = true}
        %dma_wait3A_1130 = arith.constant 0 : i32
        %dma_wait3A_1131 = tpu.memref_slice %arg7[%add3A_1112, %dma_wait3A_1130] : memref<125x80xi32, #tpu.memory_space<vmem>> -> memref<1x80xi32, #tpu.memory_space<vmem>>
        %dma_wait3A_1132 = tpu.memref_squeeze %dma_wait3A_1131 : memref<1x80xi32, #tpu.memory_space<vmem>> -> memref<80xi32, #tpu.memory_space<vmem>>
        %dma_wait3A_1133 = arith.constant 0 : i32
        %dma_wait3A_1134 = arith.constant 0 : i32
        %dma_wait3A_1135 = tpu.memref_slice %arg11[%dma_wait3A_1133, %dma_wait3A_1134] : memref<10240x128xf32, #tpu.memory_space<vmem_shared>> -> memref<10240x128xf32, #tpu.memory_space<vmem_shared>>
        tpu.wait_indirect_dma semaphore(%run_scoped3A_1123 : memref<!tpu.dma_semaphore, #tpu.memory_space<semaphore_mem>>) src(%arg9 : memref<80x128xf32, #tpu.memory_space<vmem>>) dst(%dma_wait3A_1135 : memref<10240x128xf32, #tpu.memory_space<vmem_shared>>)
        tpu.yield
      }) : () -> ()
      %add3A_1119 = arith.constant 2 : i32
      %add3A_1120 = arith.addi %add3A_1112, %add3A_1119 : i32
      %lt3A = arith.constant 125 : i32
      %lt3A_1121 = arith.cmpi slt, %add3A_1120, %lt3A : i32
      %convert_element_type3A = arith.extui %lt3A_1121 : i1 to i32
      %cond3A = arith.constant 0 : i32
      %cond3A_1122 = arith.cmpi ne, %convert_element_type3A, %cond3A : i32
      scf.if %cond3A_1122 {
        %add3A_1123 = arith.constant 2 : i32
        %add3A_1124 = arith.addi %add3A_1112, %add3A_1123 : i32
        %dma_start3A_1125 = arith.constant 0 : i32
        %dma_start3A_1126 = tpu.memref_slice %arg6[%add3A_1124, %dma_start3A_1125] : memref<125x80xi32, #tpu.memory_space<vmem>> -> memref<1x80xi32, #tpu.memory_space<vmem>>
        %dma_start3A_1127 = tpu.memref_squeeze %dma_start3A_1126 : memref<1x80xi32, #tpu.memory_space<vmem>> -> memref<80xi32, #tpu.memory_space<vmem>>
        %dma_start3A_1128 = arith.constant 0 : i32
        %dma_start3A_1129 = arith.constant 0 : i32
        %dma_start3A_1130 = tpu.memref_slice %arg2[%dma_start3A_1128, %dma_start3A_1129] : memref<10000x128xf32, #tpu.memory_space<hbm>> -> memref<10000x128xf32, #tpu.memory_space<hbm>>
        tpu.enqueue_indirect_dma source(%dma_start3A_1130 : memref<10000x128xf32, #tpu.memory_space<hbm>>) target(%arg9 : memref<80x128xf32, #tpu.memory_space<vmem>>) offsets(%dma_start3A_1127 : memref<80xi32, #tpu.memory_space<vmem>>) semaphore(%arg13 : memref<!tpu.dma_semaphore, #tpu.memory_space<semaphore_mem>>)
      } else {
      }
    }
    %scan3A_1046 = arith.constant 62 : i32
    %dma_wait3A = arith.constant 124 : i32
    %dma_wait3A_1047 = arith.constant 0 : i32
    %dma_wait3A_1048 = tpu.memref_slice %arg6[%dma_wait3A, %dma_wait3A_1047] : memref<125x80xi32, #tpu.memory_space<vmem>> -> memref<1x80xi32, #tpu.memory_space<vmem>>
    %dma_wait3A_1049 = tpu.memref_squeeze %dma_wait3A_1048 : memref<1x80xi32, #tpu.memory_space<vmem>> -> memref<80xi32, #tpu.memory_space<vmem>>
    %dma_wait3A_1050 = arith.constant 0 : i32
    %dma_wait3A_1051 = arith.constant 0 : i32
    %dma_wait3A_1052 = tpu.memref_slice %arg2[%dma_wait3A_1050, %dma_wait3A_1051] : memref<10000x128xf32, #tpu.memory_space<hbm>> -> memref<10000x128xf32, #tpu.memory_space<hbm>>
    tpu.wait_indirect_dma semaphore(%arg12 : memref<!tpu.dma_semaphore, #tpu.memory_space<semaphore_mem>>) src(%dma_wait3A_1052 : memref<10000x128xf32, #tpu.memory_space<hbm>>) dst(%arg8 : memref<80x128xf32, #tpu.memory_space<vmem>>)
    %run_scoped3A = arith.constant 124 : i32
    "tpu.region"() ({
      %run_scoped3A_1086 = tpu.sem_alloc : memref<!tpu.dma_semaphore, #tpu.memory_space<semaphore_mem>>
      %dma_start3A_1087 = arith.constant 0 : i32
      %dma_start3A_1088 = tpu.memref_slice %arg7[%run_scoped3A, %dma_start3A_1087] : memref<125x80xi32, #tpu.memory_space<vmem>> -> memref<1x80xi32, #tpu.memory_space<vmem>>
      %dma_start3A_1089 = tpu.memref_squeeze %dma_start3A_1088 : memref<1x80xi32, #tpu.memory_space<vmem>> -> memref<80xi32, #tpu.memory_space<vmem>>
      %dma_start3A_1090 = arith.constant 0 : i32
      %dma_start3A_1091 = arith.constant 0 : i32
      %dma_start3A_1092 = tpu.memref_slice %arg11[%dma_start3A_1090, %dma_start3A_1091] : memref<10240x128xf32, #tpu.memory_space<vmem_shared>> -> memref<10240x128xf32, #tpu.memory_space<vmem_shared>>
      tpu.enqueue_indirect_dma source(%arg8 : memref<80x128xf32, #tpu.memory_space<vmem>>) target(%dma_start3A_1092 : memref<10240x128xf32, #tpu.memory_space<vmem_shared>>) offsets(%dma_start3A_1089 : memref<80xi32, #tpu.memory_space<vmem>>) semaphore(%run_scoped3A_1086 : memref<!tpu.dma_semaphore, #tpu.memory_space<semaphore_mem>>) {add = true}
      %dma_wait3A_1093 = arith.constant 0 : i32
      %dma_wait3A_1094 = tpu.memref_slice %arg7[%run_scoped3A, %dma_wait3A_1093] : memref<125x80xi32, #tpu.memory_space<vmem>> -> memref<1x80xi32, #tpu.memory_space<vmem>>
      %dma_wait3A_1095 = tpu.memref_squeeze %dma_wait3A_1094 : memref<1x80xi32, #tpu.memory_space<vmem>> -> memref<80xi32, #tpu.memory_space<vmem>>
      %dma_wait3A_1096 = arith.constant 0 : i32
      %dma_wait3A_1097 = arith.constant 0 : i32
      %dma_wait3A_1098 = tpu.memref_slice %arg11[%dma_wait3A_1096, %dma_wait3A_1097] : memref<10240x128xf32, #tpu.memory_space<vmem_shared>> -> memref<10240x128xf32, #tpu.memory_space<vmem_shared>>
      tpu.wait_indirect_dma semaphore(%run_scoped3A_1086 : memref<!tpu.dma_semaphore, #tpu.memory_space<semaphore_mem>>) src(%arg8 : memref<80x128xf32, #tpu.memory_space<vmem>>) dst(%dma_wait3A_1098 : memref<10240x128xf32, #tpu.memory_space<vmem_shared>>)
      tpu.yield
    }) : () -> ()
    %barrier3A_1053 = arith.constant 0 : index
    tpu.barrier barrier_id(%barrier3A_1053)
    %add3A_1054 = arith.constant 0 : i32
    %add3A_1055 = arith.addi %multiple_of3A, %add3A_1054 : i32
    "tpu.region"() ({
      %run_scoped3A_1086 = tpu.sem_alloc : memref<!tpu.dma_semaphore, #tpu.memory_space<semaphore_mem>>
      %dma_start3A_1087 = arith.constant 0 : i32
      %dma_start3A_1088 = tpu.memref_slice %arg11[%add3A_1055, %dma_start3A_1087] : memref<10240x128xf32, #tpu.memory_space<vmem_shared>> -> memref<80x128xf32, #tpu.memory_space<vmem_shared>>
      %dma_start3A_1089 = arith.constant 0 : i32
      %dma_start3A_1090 = tpu.memref_slice %arg11[%add3A_1055, %dma_start3A_1089] : memref<10240x128xf32, #tpu.memory_space<vmem_shared>> -> memref<80x128xf32, #tpu.memory_space<vmem_shared>>
      tpu.enqueue_dma source(%dma_start3A_1090 : memref<80x128xf32, #tpu.memory_space<vmem_shared>>) target(%arg8 : memref<80x128xf32, #tpu.memory_space<vmem>>) target_semaphore(%run_scoped3A_1086 : memref<!tpu.dma_semaphore, #tpu.memory_space<semaphore_mem>>)
      %dma_wait3A_1091 = arith.constant 0 : i32
      %dma_wait3A_1092 = tpu.memref_slice %arg11[%add3A_1055, %dma_wait3A_1091] : memref<10240x128xf32, #tpu.memory_space<vmem_shared>> -> memref<80x128xf32, #tpu.memory_space<vmem_shared>>
      %dma_wait3A_1093 = arith.constant 0 : i32
      %dma_wait3A_1094 = tpu.memref_slice %arg11[%add3A_1055, %dma_wait3A_1093] : memref<10240x128xf32, #tpu.memory_space<vmem_shared>> -> memref<80x128xf32, #tpu.memory_space<vmem_shared>>
      tpu.wait_dma2 semaphore(%run_scoped3A_1086 : memref<!tpu.dma_semaphore, #tpu.memory_space<semaphore_mem>>) src(%dma_wait3A_1094 : memref<80x128xf32, #tpu.memory_space<vmem_shared>>) dst(%arg8 : memref<80x128xf32, #tpu.memory_space<vmem>>)
      tpu.yield
    }) : () -> ()
    %add3A_1056 = arith.constant 0 : i32
    %add3A_1057 = arith.addi %multiple_of3A, %add3A_1056 : i32
    "tpu.region"() ({
      %run_scoped3A_1086 = tpu.sem_alloc : memref<!tpu.dma_semaphore, #tpu.memory_space<semaphore_mem>>
      %dma_start3A_1087 = arith.constant 0 : i32
      %dma_start3A_1088 = tpu.memref_slice %arg5[%arg0, %add3A_1057, %dma_start3A_1087] : memref<2x10240x128xf32, #tpu.memory_space<hbm>> -> memref<1x80x128xf32, #tpu.memory_space<hbm>>
      %dma_start3A_1089 = tpu.memref_squeeze %dma_start3A_1088 : memref<1x80x128xf32, #tpu.memory_space<hbm>> -> memref<80x128xf32, #tpu.memory_space<hbm>>
      %dma_start3A_1090 = arith.constant 0 : i32
      %dma_start3A_1091 = tpu.memref_slice %arg5[%arg0, %add3A_1057, %dma_start3A_1090] : memref<2x10240x128xf32, #tpu.memory_space<hbm>> -> memref<1x80x128xf32, #tpu.memory_space<hbm>>
      %dma_start3A_1092 = tpu.memref_squeeze %dma_start3A_1091 : memref<1x80x128xf32, #tpu.memory_space<hbm>> -> memref<80x128xf32, #tpu.memory_space<hbm>>
      tpu.enqueue_dma source(%arg8 : memref<80x128xf32, #tpu.memory_space<vmem>>) target(%dma_start3A_1092 : memref<80x128xf32, #tpu.memory_space<hbm>>) target_semaphore(%run_scoped3A_1086 : memref<!tpu.dma_semaphore, #tpu.memory_space<semaphore_mem>>)
      %dma_wait3A_1093 = arith.constant 0 : i32
      %dma_wait3A_1094 = tpu.memref_slice %arg5[%arg0, %add3A_1057, %dma_wait3A_1093] : memref<2x10240x128xf32, #tpu.memory_space<hbm>> -> memref<1x80x128xf32, #tpu.memory_space<hbm>>
      %dma_wait3A_1095 = tpu.memref_squeeze %dma_wait3A_1094 : memref<1x80x128xf32, #tpu.memory_space<hbm>> -> memref<80x128xf32, #tpu.memory_space<hbm>>
      %dma_wait3A_1096 = arith.constant 0 : i32
      %dma_wait3A_1097 = tpu.memref_slice %arg5[%arg0, %add3A_1057, %dma_wait3A_1096] : memref<2x10240x128xf32, #tpu.memory_space<hbm>> -> memref<1x80x128xf32, #tpu.memory_space<hbm>>
      %dma_wait3A_1098 = tpu.memref_squeeze %dma_wait3A_1097 : memref<1x80x128xf32, #tpu.memory_space<hbm>> -> memref<80x128xf32, #tpu.memory_space<hbm>>
      tpu.wait_dma2 semaphore(%run_scoped3A_1086 : memref<!tpu.dma_semaphore, #tpu.memory_space<semaphore_mem>>) src(%arg8 : memref<80x128xf32, #tpu.memory_space<vmem>>) dst(%dma_wait3A_1098 : memref<80x128xf32, #tpu.memory_space<hbm>>)
      tpu.yield
    }) : () -> ()
    %add3A_1058 = arith.constant 80 : i32
    %add3A_1059 = arith.addi %multiple_of3A, %add3A_1058 : i32
    "tpu.region"() ({
      %run_scoped3A_1086 = tpu.sem_alloc : memref<!tpu.dma_semaphore, #tpu.memory_space<semaphore_mem>>
      %dma_start3A_1087 = arith.constant 0 : i32
      %dma_start3A_1088 = tpu.memref_slice %arg11[%add3A_1059, %dma_start3A_1087] : memref<10240x128xf32, #tpu.memory_space<vmem_shared>> -> memref<80x128xf32, #tpu.memory_space<vmem_shared>>
      %dma_start3A_1089 = arith.constant 0 : i32
      %dma_start3A_1090 = tpu.memref_slice %arg11[%add3A_1059, %dma_start3A_1089] : memref<10240x128xf32, #tpu.memory_space<vmem_shared>> -> memref<80x128xf32, #tpu.memory_space<vmem_shared>>
      tpu.enqueue_dma source(%dma_start3A_1090 : memref<80x128xf32, #tpu.memory_space<vmem_shared>>) target(%arg8 : memref<80x128xf32, #tpu.memory_space<vmem>>) target_semaphore(%run_scoped3A_1086 : memref<!tpu.dma_semaphore, #tpu.memory_space<semaphore_mem>>)
      %dma_wait3A_1091 = arith.constant 0 : i32
      %dma_wait3A_1092 = tpu.memref_slice %arg11[%add3A_1059, %dma_wait3A_1091] : memref<10240x128xf32, #tpu.memory_space<vmem_shared>> -> memref<80x128xf32, #tpu.memory_space<vmem_shared>>
      %dma_wait3A_1093 = arith.constant 0 : i32
      %dma_wait3A_1094 = tpu.memref_slice %arg11[%add3A_1059, %dma_wait3A_1093] : memref<10240x128xf32, #tpu.memory_space<vmem_shared>> -> memref<80x128xf32, #tpu.memory_space<vmem_shared>>
      tpu.wait_dma2 semaphore(%run_scoped3A_1086 : memref<!tpu.dma_semaphore, #tpu.memory_space<semaphore_mem>>) src(%dma_wait3A_1094 : memref<80x128xf32, #tpu.memory_space<vmem_shared>>) dst(%arg8 : memref<80x128xf32, #tpu.memory_space<vmem>>)
      tpu.yield
    }) : () -> ()
    %add3A_1060 = arith.constant 80 : i32
    %add3A_1061 = arith.addi %multiple_of3A, %add3A_1060 : i32
    "tpu.region"() ({
      %run_scoped3A_1086 = tpu.sem_alloc : memref<!tpu.dma_semaphore, #tpu.memory_space<semaphore_mem>>
      %dma_start3A_1087 = arith.constant 0 : i32
      %dma_start3A_1088 = tpu.memref_slice %arg5[%arg0, %add3A_1061, %dma_start3A_1087] : memref<2x10240x128xf32, #tpu.memory_space<hbm>> -> memref<1x80x128xf32, #tpu.memory_space<hbm>>
      %dma_start3A_1089 = tpu.memref_squeeze %dma_start3A_1088 : memref<1x80x128xf32, #tpu.memory_space<hbm>> -> memref<80x128xf32, #tpu.memory_space<hbm>>
      %dma_start3A_1090 = arith.constant 0 : i32
      %dma_start3A_1091 = tpu.memref_slice %arg5[%arg0, %add3A_1061, %dma_start3A_1090] : memref<2x10240x128xf32, #tpu.memory_space<hbm>> -> memref<1x80x128xf32, #tpu.memory_space<hbm>>
      %dma_start3A_1092 = tpu.memref_squeeze %dma_start3A_1091 : memref<1x80x128xf32, #tpu.memory_space<hbm>> -> memref<80x128xf32, #tpu.memory_space<hbm>>
      tpu.enqueue_dma source(%arg8 : memref<80x128xf32, #tpu.memory_space<vmem>>) target(%dma_start3A_1092 : memref<80x128xf32, #tpu.memory_space<hbm>>) target_semaphore(%run_scoped3A_1086 : memref<!tpu.dma_semaphore, #tpu.memory_space<semaphore_mem>>)
      %dma_wait3A_1093 = arith.constant 0 : i32
      %dma_wait3A_1094 = tpu.memref_slice %arg5[%arg0, %add3A_1061, %dma_wait3A_1093] : memref<2x10240x128xf32, #tpu.memory_space<hbm>> -> memref<1x80x128xf32, #tpu.memory_space<hbm>>
      %dma_wait3A_1095 = tpu.memref_squeeze %dma_wait3A_1094 : memref<1x80x128xf32, #tpu.memory_space<hbm>> -> memref<80x128xf32, #tpu.memory_space<hbm>>
      %dma_wait3A_1096 = arith.constant 0 : i32
      %dma_wait3A_1097 = tpu.memref_slice %arg5[%arg0, %add3A_1061, %dma_wait3A_1096] : memref<2x10240x128xf32, #tpu.memory_space<hbm>> -> memref<1x80x128xf32, #tpu.memory_space<hbm>>
      %dma_wait3A_1098 = tpu.memref_squeeze %dma_wait3A_1097 : memref<1x80x128xf32, #tpu.memory_space<hbm>> -> memref<80x128xf32, #tpu.memory_space<hbm>>
      tpu.wait_dma2 semaphore(%run_scoped3A_1086 : memref<!tpu.dma_semaphore, #tpu.memory_space<semaphore_mem>>) src(%arg8 : memref<80x128xf32, #tpu.memory_space<vmem>>) dst(%dma_wait3A_1098 : memref<80x128xf32, #tpu.memory_space<hbm>>)
      tpu.yield
    }) : () -> ()
    %add3A_1062 = arith.constant 160 : i32
    %add3A_1063 = arith.addi %multiple_of3A, %add3A_1062 : i32
    "tpu.region"() ({
      %run_scoped3A_1086 = tpu.sem_alloc : memref<!tpu.dma_semaphore, #tpu.memory_space<semaphore_mem>>
      %dma_start3A_1087 = arith.constant 0 : i32
      %dma_start3A_1088 = tpu.memref_slice %arg11[%add3A_1063, %dma_start3A_1087] : memref<10240x128xf32, #tpu.memory_space<vmem_shared>> -> memref<80x128xf32, #tpu.memory_space<vmem_shared>>
      %dma_start3A_1089 = arith.constant 0 : i32
      %dma_start3A_1090 = tpu.memref_slice %arg11[%add3A_1063, %dma_start3A_1089] : memref<10240x128xf32, #tpu.memory_space<vmem_shared>> -> memref<80x128xf32, #tpu.memory_space<vmem_shared>>
      tpu.enqueue_dma source(%dma_start3A_1090 : memref<80x128xf32, #tpu.memory_space<vmem_shared>>) target(%arg8 : memref<80x128xf32, #tpu.memory_space<vmem>>) target_semaphore(%run_scoped3A_1086 : memref<!tpu.dma_semaphore, #tpu.memory_space<semaphore_mem>>)
      %dma_wait3A_1091 = arith.constant 0 : i32
      %dma_wait3A_1092 = tpu.memref_slice %arg11[%add3A_1063, %dma_wait3A_1091] : memref<10240x128xf32, #tpu.memory_space<vmem_shared>> -> memref<80x128xf32, #tpu.memory_space<vmem_shared>>
      %dma_wait3A_1093 = arith.constant 0 : i32
      %dma_wait3A_1094 = tpu.memref_slice %arg11[%add3A_1063, %dma_wait3A_1093] : memref<10240x128xf32, #tpu.memory_space<vmem_shared>> -> memref<80x128xf32, #tpu.memory_space<vmem_shared>>
      tpu.wait_dma2 semaphore(%run_scoped3A_1086 : memref<!tpu.dma_semaphore, #tpu.memory_space<semaphore_mem>>) src(%dma_wait3A_1094 : memref<80x128xf32, #tpu.memory_space<vmem_shared>>) dst(%arg8 : memref<80x128xf32, #tpu.memory_space<vmem>>)
      tpu.yield
    }) : () -> ()
    %add3A_1064 = arith.constant 160 : i32
    %add3A_1065 = arith.addi %multiple_of3A, %add3A_1064 : i32
    "tpu.region"() ({
      %run_scoped3A_1086 = tpu.sem_alloc : memref<!tpu.dma_semaphore, #tpu.memory_space<semaphore_mem>>
      %dma_start3A_1087 = arith.constant 0 : i32
      %dma_start3A_1088 = tpu.memref_slice %arg5[%arg0, %add3A_1065, %dma_start3A_1087] : memref<2x10240x128xf32, #tpu.memory_space<hbm>> -> memref<1x80x128xf32, #tpu.memory_space<hbm>>
      %dma_start3A_1089 = tpu.memref_squeeze %dma_start3A_1088 : memref<1x80x128xf32, #tpu.memory_space<hbm>> -> memref<80x128xf32, #tpu.memory_space<hbm>>
      %dma_start3A_1090 = arith.constant 0 : i32
      %dma_start3A_1091 = tpu.memref_slice %arg5[%arg0, %add3A_1065, %dma_start3A_1090] : memref<2x10240x128xf32, #tpu.memory_space<hbm>> -> memref<1x80x128xf32, #tpu.memory_space<hbm>>
      %dma_start3A_1092 = tpu.memref_squeeze %dma_start3A_1091 : memref<1x80x128xf32, #tpu.memory_space<hbm>> -> memref<80x128xf32, #tpu.memory_space<hbm>>
      tpu.enqueue_dma source(%arg8 : memref<80x128xf32, #tpu.memory_space<vmem>>) target(%dma_start3A_1092 : memref<80x128xf32, #tpu.memory_space<hbm>>) target_semaphore(%run_scoped3A_1086 : memref<!tpu.dma_semaphore, #tpu.memory_space<semaphore_mem>>)
      %dma_wait3A_1093 = arith.constant 0 : i32
      %dma_wait3A_1094 = tpu.memref_slice %arg5[%arg0, %add3A_1065, %dma_wait3A_1093] : memref<2x10240x128xf32, #tpu.memory_space<hbm>> -> memref<1x80x128xf32, #tpu.memory_space<hbm>>
      %dma_wait3A_1095 = tpu.memref_squeeze %dma_wait3A_1094 : memref<1x80x128xf32, #tpu.memory_space<hbm>> -> memref<80x128xf32, #tpu.memory_space<hbm>>
      %dma_wait3A_1096 = arith.constant 0 : i32
      %dma_wait3A_1097 = tpu.memref_slice %arg5[%arg0, %add3A_1065, %dma_wait3A_1096] : memref<2x10240x128xf32, #tpu.memory_space<hbm>> -> memref<1x80x128xf32, #tpu.memory_space<hbm>>
      %dma_wait3A_1098 = tpu.memref_squeeze %dma_wait3A_1097 : memref<1x80x128xf32, #tpu.memory_space<hbm>> -> memref<80x128xf32, #tpu.memory_space<hbm>>
      tpu.wait_dma2 semaphore(%run_scoped3A_1086 : memref<!tpu.dma_semaphore, #tpu.memory_space<semaphore_mem>>) src(%arg8 : memref<80x128xf32, #tpu.memory_space<vmem>>) dst(%dma_wait3A_1098 : memref<80x128xf32, #tpu.memory_space<hbm>>)
      tpu.yield
    }) : () -> ()
    %add3A_1066 = arith.constant 240 : i32
    %add3A_1067 = arith.addi %multiple_of3A, %add3A_1066 : i32
    "tpu.region"() ({
      %run_scoped3A_1086 = tpu.sem_alloc : memref<!tpu.dma_semaphore, #tpu.memory_space<semaphore_mem>>
      %dma_start3A_1087 = arith.constant 0 : i32
      %dma_start3A_1088 = tpu.memref_slice %arg11[%add3A_1067, %dma_start3A_1087] : memref<10240x128xf32, #tpu.memory_space<vmem_shared>> -> memref<80x128xf32, #tpu.memory_space<vmem_shared>>
      %dma_start3A_1089 = arith.constant 0 : i32
      %dma_start3A_1090 = tpu.memref_slice %arg11[%add3A_1067, %dma_start3A_1089] : memref<10240x128xf32, #tpu.memory_space<vmem_shared>> -> memref<80x128xf32, #tpu.memory_space<vmem_shared>>
      tpu.enqueue_dma source(%dma_start3A_1090 : memref<80x128xf32, #tpu.memory_space<vmem_shared>>) target(%arg8 : memref<80x128xf32, #tpu.memory_space<vmem>>) target_semaphore(%run_scoped3A_1086 : memref<!tpu.dma_semaphore, #tpu.memory_space<semaphore_mem>>)
      %dma_wait3A_1091 = arith.constant 0 : i32
      %dma_wait3A_1092 = tpu.memref_slice %arg11[%add3A_1067, %dma_wait3A_1091] : memref<10240x128xf32, #tpu.memory_space<vmem_shared>> -> memref<80x128xf32, #tpu.memory_space<vmem_shared>>
      %dma_wait3A_1093 = arith.constant 0 : i32
      %dma_wait3A_1094 = tpu.memref_slice %arg11[%add3A_1067, %dma_wait3A_1093] : memref<10240x128xf32, #tpu.memory_space<vmem_shared>> -> memref<80x128xf32, #tpu.memory_space<vmem_shared>>
      tpu.wait_dma2 semaphore(%run_scoped3A_1086 : memref<!tpu.dma_semaphore, #tpu.memory_space<semaphore_mem>>) src(%dma_wait3A_1094 : memref<80x128xf32, #tpu.memory_space<vmem_shared>>) dst(%arg8 : memref<80x128xf32, #tpu.memory_space<vmem>>)
      tpu.yield
    }) : () -> ()
    %add3A_1068 = arith.constant 240 : i32
    %add3A_1069 = arith.addi %multiple_of3A, %add3A_1068 : i32
    "tpu.region"() ({
      %run_scoped3A_1086 = tpu.sem_alloc : memref<!tpu.dma_semaphore, #tpu.memory_space<semaphore_mem>>
      %dma_start3A_1087 = arith.constant 0 : i32
      %dma_start3A_1088 = tpu.memref_slice %arg5[%arg0, %add3A_1069, %dma_start3A_1087] : memref<2x10240x128xf32, #tpu.memory_space<hbm>> -> memref<1x80x128xf32, #tpu.memory_space<hbm>>
      %dma_start3A_1089 = tpu.memref_squeeze %dma_start3A_1088 : memref<1x80x128xf32, #tpu.memory_space<hbm>> -> memref<80x128xf32, #tpu.memory_space<hbm>>
      %dma_start3A_1090 = arith.constant 0 : i32
      %dma_start3A_1091 = tpu.memref_slice %arg5[%arg0, %add3A_1069, %dma_start3A_1090] : memref<2x10240x128xf32, #tpu.memory_space<hbm>> -> memref<1x80x128xf32, #tpu.memory_space<hbm>>
      %dma_start3A_1092 = tpu.memref_squeeze %dma_start3A_1091 : memref<1x80x128xf32, #tpu.memory_space<hbm>> -> memref<80x128xf32, #tpu.memory_space<hbm>>
      tpu.enqueue_dma source(%arg8 : memref<80x128xf32, #tpu.memory_space<vmem>>) target(%dma_start3A_1092 : memref<80x128xf32, #tpu.memory_space<hbm>>) target_semaphore(%run_scoped3A_1086 : memref<!tpu.dma_semaphore, #tpu.memory_space<semaphore_mem>>)
      %dma_wait3A_1093 = arith.constant 0 : i32
      %dma_wait3A_1094 = tpu.memref_slice %arg5[%arg0, %add3A_1069, %dma_wait3A_1093] : memref<2x10240x128xf32, #tpu.memory_space<hbm>> -> memref<1x80x128xf32, #tpu.memory_space<hbm>>
      %dma_wait3A_1095 = tpu.memref_squeeze %dma_wait3A_1094 : memref<1x80x128xf32, #tpu.memory_space<hbm>> -> memref<80x128xf32, #tpu.memory_space<hbm>>
      %dma_wait3A_1096 = arith.constant 0 : i32
      %dma_wait3A_1097 = tpu.memref_slice %arg5[%arg0, %add3A_1069, %dma_wait3A_1096] : memref<2x10240x128xf32, #tpu.memory_space<hbm>> -> memref<1x80x128xf32, #tpu.memory_space<hbm>>
      %dma_wait3A_1098 = tpu.memref_squeeze %dma_wait3A_1097 : memref<1x80x128xf32, #tpu.memory_space<hbm>> -> memref<80x128xf32, #tpu.memory_space<hbm>>
      tpu.wait_dma2 semaphore(%run_scoped3A_1086 : memref<!tpu.dma_semaphore, #tpu.memory_space<semaphore_mem>>) src(%arg8 : memref<80x128xf32, #tpu.memory_space<vmem>>) dst(%dma_wait3A_1098 : memref<80x128xf32, #tpu.memory_space<hbm>>)
      tpu.yield
    }) : () -> ()
    %add3A_1070 = arith.constant 320 : i32
    %add3A_1071 = arith.addi %multiple_of3A, %add3A_1070 : i32
    "tpu.region"() ({
      %run_scoped3A_1086 = tpu.sem_alloc : memref<!tpu.dma_semaphore, #tpu.memory_space<semaphore_mem>>
      %dma_start3A_1087 = arith.constant 0 : i32
      %dma_start3A_1088 = tpu.memref_slice %arg11[%add3A_1071, %dma_start3A_1087] : memref<10240x128xf32, #tpu.memory_space<vmem_shared>> -> memref<80x128xf32, #tpu.memory_space<vmem_shared>>
      %dma_start3A_1089 = arith.constant 0 : i32
      %dma_start3A_1090 = tpu.memref_slice %arg11[%add3A_1071, %dma_start3A_1089] : memref<10240x128xf32, #tpu.memory_space<vmem_shared>> -> memref<80x128xf32, #tpu.memory_space<vmem_shared>>
      tpu.enqueue_dma source(%dma_start3A_1090 : memref<80x128xf32, #tpu.memory_space<vmem_shared>>) target(%arg8 : memref<80x128xf32, #tpu.memory_space<vmem>>) target_semaphore(%run_scoped3A_1086 : memref<!tpu.dma_semaphore, #tpu.memory_space<semaphore_mem>>)
      %dma_wait3A_1091 = arith.constant 0 : i32
      %dma_wait3A_1092 = tpu.memref_slice %arg11[%add3A_1071, %dma_wait3A_1091] : memref<10240x128xf32, #tpu.memory_space<vmem_shared>> -> memref<80x128xf32, #tpu.memory_space<vmem_shared>>
      %dma_wait3A_1093 = arith.constant 0 : i32
      %dma_wait3A_1094 = tpu.memref_slice %arg11[%add3A_1071, %dma_wait3A_1093] : memref<10240x128xf32, #tpu.memory_space<vmem_shared>> -> memref<80x128xf32, #tpu.memory_space<vmem_shared>>
      tpu.wait_dma2 semaphore(%run_scoped3A_1086 : memref<!tpu.dma_semaphore, #tpu.memory_space<semaphore_mem>>) src(%dma_wait3A_1094 : memref<80x128xf32, #tpu.memory_space<vmem_shared>>) dst(%arg8 : memref<80x128xf32, #tpu.memory_space<vmem>>)
      tpu.yield
    }) : () -> ()
    %add3A_1072 = arith.constant 320 : i32
    %add3A_1073 = arith.addi %multiple_of3A, %add3A_1072 : i32
    "tpu.region"() ({
      %run_scoped3A_1086 = tpu.sem_alloc : memref<!tpu.dma_semaphore, #tpu.memory_space<semaphore_mem>>
      %dma_start3A_1087 = arith.constant 0 : i32
      %dma_start3A_1088 = tpu.memref_slice %arg5[%arg0, %add3A_1073, %dma_start3A_1087] : memref<2x10240x128xf32, #tpu.memory_space<hbm>> -> memref<1x80x128xf32, #tpu.memory_space<hbm>>
      %dma_start3A_1089 = tpu.memref_squeeze %dma_start3A_1088 : memref<1x80x128xf32, #tpu.memory_space<hbm>> -> memref<80x128xf32, #tpu.memory_space<hbm>>
      %dma_start3A_1090 = arith.constant 0 : i32
      %dma_start3A_1091 = tpu.memref_slice %arg5[%arg0, %add3A_1073, %dma_start3A_1090] : memref<2x10240x128xf32, #tpu.memory_space<hbm>> -> memref<1x80x128xf32, #tpu.memory_space<hbm>>
      %dma_start3A_1092 = tpu.memref_squeeze %dma_start3A_1091 : memref<1x80x128xf32, #tpu.memory_space<hbm>> -> memref<80x128xf32, #tpu.memory_space<hbm>>
      tpu.enqueue_dma source(%arg8 : memref<80x128xf32, #tpu.memory_space<vmem>>) target(%dma_start3A_1092 : memref<80x128xf32, #tpu.memory_space<hbm>>) target_semaphore(%run_scoped3A_1086 : memref<!tpu.dma_semaphore, #tpu.memory_space<semaphore_mem>>)
      %dma_wait3A_1093 = arith.constant 0 : i32
      %dma_wait3A_1094 = tpu.memref_slice %arg5[%arg0, %add3A_1073, %dma_wait3A_1093] : memref<2x10240x128xf32, #tpu.memory_space<hbm>> -> memref<1x80x128xf32, #tpu.memory_space<hbm>>
      %dma_wait3A_1095 = tpu.memref_squeeze %dma_wait3A_1094 : memref<1x80x128xf32, #tpu.memory_space<hbm>> -> memref<80x128xf32, #tpu.memory_space<hbm>>
      %dma_wait3A_1096 = arith.constant 0 : i32
      %dma_wait3A_1097 = tpu.memref_slice %arg5[%arg0, %add3A_1073, %dma_wait3A_1096] : memref<2x10240x128xf32, #tpu.memory_space<hbm>> -> memref<1x80x128xf32, #tpu.memory_space<hbm>>
      %dma_wait3A_1098 = tpu.memref_squeeze %dma_wait3A_1097 : memref<1x80x128xf32, #tpu.memory_space<hbm>> -> memref<80x128xf32, #tpu.memory_space<hbm>>
      tpu.wait_dma2 semaphore(%run_scoped3A_1086 : memref<!tpu.dma_semaphore, #tpu.memory_space<semaphore_mem>>) src(%arg8 : memref<80x128xf32, #tpu.memory_space<vmem>>) dst(%dma_wait3A_1098 : memref<80x128xf32, #tpu.memory_space<hbm>>)
      tpu.yield
    }) : () -> ()
    %add3A_1074 = arith.constant 400 : i32
    %add3A_1075 = arith.addi %multiple_of3A, %add3A_1074 : i32
    "tpu.region"() ({
      %run_scoped3A_1086 = tpu.sem_alloc : memref<!tpu.dma_semaphore, #tpu.memory_space<semaphore_mem>>
      %dma_start3A_1087 = arith.constant 0 : i32
      %dma_start3A_1088 = tpu.memref_slice %arg11[%add3A_1075, %dma_start3A_1087] : memref<10240x128xf32, #tpu.memory_space<vmem_shared>> -> memref<80x128xf32, #tpu.memory_space<vmem_shared>>
      %dma_start3A_1089 = arith.constant 0 : i32
      %dma_start3A_1090 = tpu.memref_slice %arg11[%add3A_1075, %dma_start3A_1089] : memref<10240x128xf32, #tpu.memory_space<vmem_shared>> -> memref<80x128xf32, #tpu.memory_space<vmem_shared>>
      tpu.enqueue_dma source(%dma_start3A_1090 : memref<80x128xf32, #tpu.memory_space<vmem_shared>>) target(%arg8 : memref<80x128xf32, #tpu.memory_space<vmem>>) target_semaphore(%run_scoped3A_1086 : memref<!tpu.dma_semaphore, #tpu.memory_space<semaphore_mem>>)
      %dma_wait3A_1091 = arith.constant 0 : i32
      %dma_wait3A_1092 = tpu.memref_slice %arg11[%add3A_1075, %dma_wait3A_1091] : memref<10240x128xf32, #tpu.memory_space<vmem_shared>> -> memref<80x128xf32, #tpu.memory_space<vmem_shared>>
      %dma_wait3A_1093 = arith.constant 0 : i32
      %dma_wait3A_1094 = tpu.memref_slice %arg11[%add3A_1075, %dma_wait3A_1093] : memref<10240x128xf32, #tpu.memory_space<vmem_shared>> -> memref<80x128xf32, #tpu.memory_space<vmem_shared>>
      tpu.wait_dma2 semaphore(%run_scoped3A_1086 : memref<!tpu.dma_semaphore, #tpu.memory_space<semaphore_mem>>) src(%dma_wait3A_1094 : memref<80x128xf32, #tpu.memory_space<vmem_shared>>) dst(%arg8 : memref<80x128xf32, #tpu.memory_space<vmem>>)
      tpu.yield
    }) : () -> ()
    %add3A_1076 = arith.constant 400 : i32
    %add3A_1077 = arith.addi %multiple_of3A, %add3A_1076 : i32
    "tpu.region"() ({
      %run_scoped3A_1086 = tpu.sem_alloc : memref<!tpu.dma_semaphore, #tpu.memory_space<semaphore_mem>>
      %dma_start3A_1087 = arith.constant 0 : i32
      %dma_start3A_1088 = tpu.memref_slice %arg5[%arg0, %add3A_1077, %dma_start3A_1087] : memref<2x10240x128xf32, #tpu.memory_space<hbm>> -> memref<1x80x128xf32, #tpu.memory_space<hbm>>
      %dma_start3A_1089 = tpu.memref_squeeze %dma_start3A_1088 : memref<1x80x128xf32, #tpu.memory_space<hbm>> -> memref<80x128xf32, #tpu.memory_space<hbm>>
      %dma_start3A_1090 = arith.constant 0 : i32
      %dma_start3A_1091 = tpu.memref_slice %arg5[%arg0, %add3A_1077, %dma_start3A_1090] : memref<2x10240x128xf32, #tpu.memory_space<hbm>> -> memref<1x80x128xf32, #tpu.memory_space<hbm>>
      %dma_start3A_1092 = tpu.memref_squeeze %dma_start3A_1091 : memref<1x80x128xf32, #tpu.memory_space<hbm>> -> memref<80x128xf32, #tpu.memory_space<hbm>>
      tpu.enqueue_dma source(%arg8 : memref<80x128xf32, #tpu.memory_space<vmem>>) target(%dma_start3A_1092 : memref<80x128xf32, #tpu.memory_space<hbm>>) target_semaphore(%run_scoped3A_1086 : memref<!tpu.dma_semaphore, #tpu.memory_space<semaphore_mem>>)
      %dma_wait3A_1093 = arith.constant 0 : i32
      %dma_wait3A_1094 = tpu.memref_slice %arg5[%arg0, %add3A_1077, %dma_wait3A_1093] : memref<2x10240x128xf32, #tpu.memory_space<hbm>> -> memref<1x80x128xf32, #tpu.memory_space<hbm>>
      %dma_wait3A_1095 = tpu.memref_squeeze %dma_wait3A_1094 : memref<1x80x128xf32, #tpu.memory_space<hbm>> -> memref<80x128xf32, #tpu.memory_space<hbm>>
      %dma_wait3A_1096 = arith.constant 0 : i32
      %dma_wait3A_1097 = tpu.memref_slice %arg5[%arg0, %add3A_1077, %dma_wait3A_1096] : memref<2x10240x128xf32, #tpu.memory_space<hbm>> -> memref<1x80x128xf32, #tpu.memory_space<hbm>>
      %dma_wait3A_1098 = tpu.memref_squeeze %dma_wait3A_1097 : memref<1x80x128xf32, #tpu.memory_space<hbm>> -> memref<80x128xf32, #tpu.memory_space<hbm>>
      tpu.wait_dma2 semaphore(%run_scoped3A_1086 : memref<!tpu.dma_semaphore, #tpu.memory_space<semaphore_mem>>) src(%arg8 : memref<80x128xf32, #tpu.memory_space<vmem>>) dst(%dma_wait3A_1098 : memref<80x128xf32, #tpu.memory_space<hbm>>)
      tpu.yield
    }) : () -> ()
    %add3A_1078 = arith.constant 480 : i32
    %add3A_1079 = arith.addi %multiple_of3A, %add3A_1078 : i32
    "tpu.region"() ({
      %run_scoped3A_1086 = tpu.sem_alloc : memref<!tpu.dma_semaphore, #tpu.memory_space<semaphore_mem>>
      %dma_start3A_1087 = arith.constant 0 : i32
      %dma_start3A_1088 = tpu.memref_slice %arg11[%add3A_1079, %dma_start3A_1087] : memref<10240x128xf32, #tpu.memory_space<vmem_shared>> -> memref<80x128xf32, #tpu.memory_space<vmem_shared>>
      %dma_start3A_1089 = arith.constant 0 : i32
      %dma_start3A_1090 = tpu.memref_slice %arg11[%add3A_1079, %dma_start3A_1089] : memref<10240x128xf32, #tpu.memory_space<vmem_shared>> -> memref<80x128xf32, #tpu.memory_space<vmem_shared>>
      tpu.enqueue_dma source(%dma_start3A_1090 : memref<80x128xf32, #tpu.memory_space<vmem_shared>>) target(%arg8 : memref<80x128xf32, #tpu.memory_space<vmem>>) target_semaphore(%run_scoped3A_1086 : memref<!tpu.dma_semaphore, #tpu.memory_space<semaphore_mem>>)
      %dma_wait3A_1091 = arith.constant 0 : i32
      %dma_wait3A_1092 = tpu.memref_slice %arg11[%add3A_1079, %dma_wait3A_1091] : memref<10240x128xf32, #tpu.memory_space<vmem_shared>> -> memref<80x128xf32, #tpu.memory_space<vmem_shared>>
      %dma_wait3A_1093 = arith.constant 0 : i32
      %dma_wait3A_1094 = tpu.memref_slice %arg11[%add3A_1079, %dma_wait3A_1093] : memref<10240x128xf32, #tpu.memory_space<vmem_shared>> -> memref<80x128xf32, #tpu.memory_space<vmem_shared>>
      tpu.wait_dma2 semaphore(%run_scoped3A_1086 : memref<!tpu.dma_semaphore, #tpu.memory_space<semaphore_mem>>) src(%dma_wait3A_1094 : memref<80x128xf32, #tpu.memory_space<vmem_shared>>) dst(%arg8 : memref<80x128xf32, #tpu.memory_space<vmem>>)
      tpu.yield
    }) : () -> ()
    %add3A_1080 = arith.constant 480 : i32
    %add3A_1081 = arith.addi %multiple_of3A, %add3A_1080 : i32
    "tpu.region"() ({
      %run_scoped3A_1086 = tpu.sem_alloc : memref<!tpu.dma_semaphore, #tpu.memory_space<semaphore_mem>>
      %dma_start3A_1087 = arith.constant 0 : i32
      %dma_start3A_1088 = tpu.memref_slice %arg5[%arg0, %add3A_1081, %dma_start3A_1087] : memref<2x10240x128xf32, #tpu.memory_space<hbm>> -> memref<1x80x128xf32, #tpu.memory_space<hbm>>
      %dma_start3A_1089 = tpu.memref_squeeze %dma_start3A_1088 : memref<1x80x128xf32, #tpu.memory_space<hbm>> -> memref<80x128xf32, #tpu.memory_space<hbm>>
      %dma_start3A_1090 = arith.constant 0 : i32
      %dma_start3A_1091 = tpu.memref_slice %arg5[%arg0, %add3A_1081, %dma_start3A_1090] : memref<2x10240x128xf32, #tpu.memory_space<hbm>> -> memref<1x80x128xf32, #tpu.memory_space<hbm>>
      %dma_start3A_1092 = tpu.memref_squeeze %dma_start3A_1091 : memref<1x80x128xf32, #tpu.memory_space<hbm>> -> memref<80x128xf32, #tpu.memory_space<hbm>>
      tpu.enqueue_dma source(%arg8 : memref<80x128xf32, #tpu.memory_space<vmem>>) target(%dma_start3A_1092 : memref<80x128xf32, #tpu.memory_space<hbm>>) target_semaphore(%run_scoped3A_1086 : memref<!tpu.dma_semaphore, #tpu.memory_space<semaphore_mem>>)
      %dma_wait3A_1093 = arith.constant 0 : i32
      %dma_wait3A_1094 = tpu.memref_slice %arg5[%arg0, %add3A_1081, %dma_wait3A_1093] : memref<2x10240x128xf32, #tpu.memory_space<hbm>> -> memref<1x80x128xf32, #tpu.memory_space<hbm>>
      %dma_wait3A_1095 = tpu.memref_squeeze %dma_wait3A_1094 : memref<1x80x128xf32, #tpu.memory_space<hbm>> -> memref<80x128xf32, #tpu.memory_space<hbm>>
      %dma_wait3A_1096 = arith.constant 0 : i32
      %dma_wait3A_1097 = tpu.memref_slice %arg5[%arg0, %add3A_1081, %dma_wait3A_1096] : memref<2x10240x128xf32, #tpu.memory_space<hbm>> -> memref<1x80x128xf32, #tpu.memory_space<hbm>>
      %dma_wait3A_1098 = tpu.memref_squeeze %dma_wait3A_1097 : memref<1x80x128xf32, #tpu.memory_space<hbm>> -> memref<80x128xf32, #tpu.memory_space<hbm>>
      tpu.wait_dma2 semaphore(%run_scoped3A_1086 : memref<!tpu.dma_semaphore, #tpu.memory_space<semaphore_mem>>) src(%arg8 : memref<80x128xf32, #tpu.memory_space<vmem>>) dst(%dma_wait3A_1098 : memref<80x128xf32, #tpu.memory_space<hbm>>)
      tpu.yield
    }) : () -> ()
    %add3A_1082 = arith.constant 560 : i32
    %add3A_1083 = arith.addi %multiple_of3A, %add3A_1082 : i32
    "tpu.region"() ({
      %run_scoped3A_1086 = tpu.sem_alloc : memref<!tpu.dma_semaphore, #tpu.memory_space<semaphore_mem>>
      %dma_start3A_1087 = arith.constant 0 : i32
      %dma_start3A_1088 = tpu.memref_slice %arg11[%add3A_1083, %dma_start3A_1087] : memref<10240x128xf32, #tpu.memory_space<vmem_shared>> -> memref<80x128xf32, #tpu.memory_space<vmem_shared>>
      %dma_start3A_1089 = arith.constant 0 : i32
      %dma_start3A_1090 = tpu.memref_slice %arg11[%add3A_1083, %dma_start3A_1089] : memref<10240x128xf32, #tpu.memory_space<vmem_shared>> -> memref<80x128xf32, #tpu.memory_space<vmem_shared>>
      tpu.enqueue_dma source(%dma_start3A_1090 : memref<80x128xf32, #tpu.memory_space<vmem_shared>>) target(%arg8 : memref<80x128xf32, #tpu.memory_space<vmem>>) target_semaphore(%run_scoped3A_1086 : memref<!tpu.dma_semaphore, #tpu.memory_space<semaphore_mem>>)
      %dma_wait3A_1091 = arith.constant 0 : i32
      %dma_wait3A_1092 = tpu.memref_slice %arg11[%add3A_1083, %dma_wait3A_1091] : memref<10240x128xf32, #tpu.memory_space<vmem_shared>> -> memref<80x128xf32, #tpu.memory_space<vmem_shared>>
      %dma_wait3A_1093 = arith.constant 0 : i32
      %dma_wait3A_1094 = tpu.memref_slice %arg11[%add3A_1083, %dma_wait3A_1093] : memref<10240x128xf32, #tpu.memory_space<vmem_shared>> -> memref<80x128xf32, #tpu.memory_space<vmem_shared>>
      tpu.wait_dma2 semaphore(%run_scoped3A_1086 : memref<!tpu.dma_semaphore, #tpu.memory_space<semaphore_mem>>) src(%dma_wait3A_1094 : memref<80x128xf32, #tpu.memory_space<vmem_shared>>) dst(%arg8 : memref<80x128xf32, #tpu.memory_space<vmem>>)
      tpu.yield
    }) : () -> ()
    %add3A_1084 = arith.constant 560 : i32
    %add3A_1085 = arith.addi %multiple_of3A, %add3A_1084 : i32
    "tpu.region"() ({
      %run_scoped3A_1086 = tpu.sem_alloc : memref<!tpu.dma_semaphore, #tpu.memory_space<semaphore_mem>>
      %dma_start3A_1087 = arith.constant 0 : i32
      %dma_start3A_1088 = tpu.memref_slice %arg5[%arg0, %add3A_1085, %dma_start3A_1087] : memref<2x10240x128xf32, #tpu.memory_space<hbm>> -> memref<1x80x128xf32, #tpu.memory_space<hbm>>
      %dma_start3A_1089 = tpu.memref_squeeze %dma_start3A_1088 : memref<1x80x128xf32, #tpu.memory_space<hbm>> -> memref<80x128xf32, #tpu.memory_space<hbm>>
      %dma_start3A_1090 = arith.constant 0 : i32
      %dma_start3A_1091 = tpu.memref_slice %arg5[%arg0, %add3A_1085, %dma_start3A_1090] : memref<2x10240x128xf32, #tpu.memory_space<hbm>> -> memref<1x80x128xf32, #tpu.memory_space<hbm>>
      %dma_start3A_1092 = tpu.memref_squeeze %dma_start3A_1091 : memref<1x80x128xf32, #tpu.memory_space<hbm>> -> memref<80x128xf32, #tpu.memory_space<hbm>>
      tpu.enqueue_dma source(%arg8 : memref<80x128xf32, #tpu.memory_space<vmem>>) target(%dma_start3A_1092 : memref<80x128xf32, #tpu.memory_space<hbm>>) target_semaphore(%run_scoped3A_1086 : memref<!tpu.dma_semaphore, #tpu.memory_space<semaphore_mem>>)
      %dma_wait3A_1093 = arith.constant 0 : i32
      %dma_wait3A_1094 = tpu.memref_slice %arg5[%arg0, %add3A_1085, %dma_wait3A_1093] : memref<2x10240x128xf32, #tpu.memory_space<hbm>> -> memref<1x80x128xf32, #tpu.memory_space<hbm>>
      %dma_wait3A_1095 = tpu.memref_squeeze %dma_wait3A_1094 : memref<1x80x128xf32, #tpu.memory_space<hbm>> -> memref<80x128xf32, #tpu.memory_space<hbm>>
      %dma_wait3A_1096 = arith.constant 0 : i32
      %dma_wait3A_1097 = tpu.memref_slice %arg5[%arg0, %add3A_1085, %dma_wait3A_1096] : memref<2x10240x128xf32, #tpu.memory_space<hbm>> -> memref<1x80x128xf32, #tpu.memory_space<hbm>>
      %dma_wait3A_1098 = tpu.memref_squeeze %dma_wait3A_1097 : memref<1x80x128xf32, #tpu.memory_space<hbm>> -> memref<80x128xf32, #tpu.memory_space<hbm>>
      tpu.wait_dma2 semaphore(%run_scoped3A_1086 : memref<!tpu.dma_semaphore, #tpu.memory_space<semaphore_mem>>) src(%arg8 : memref<80x128xf32, #tpu.memory_space<vmem>>) dst(%dma_wait3A_1098 : memref<80x128xf32, #tpu.memory_space<hbm>>)
      tpu.yield
    }) : () -> ()
    return
  }
}

#map = affine_map<(d0, d1) -> (0, 0)>
#map1 = affine_map<(d0, d1) -> (0)>
module attributes {stable_mosaic.version = 14 : i64} {
  func.func @_scatter_body(%arg0: i32, %arg1: i32, %arg2: memref<10000x64xf32, #tpu.memory_space<hbm>>, %arg3: memref<10000xi32, #tpu.memory_space<hbm>>, %arg4: memref<10000x64xf32, #tpu.memory_space<hbm>>, %arg5: memref<104xi32, #tpu.memory_space<vmem>>, %arg6: memref<104x64xf32, #tpu.memory_space<vmem>>, %arg7: memref<16xi32, #tpu.memory_space<vmem>>, %arg8: memref<16x64xf32, #tpu.memory_space<vmem>>, %arg9: memref<!tpu.dma_semaphore, #tpu.memory_space<semaphore_mem>>) attributes {dimension_semantics = [#tpu.dimension_semantics<core_parallel>, #tpu.dimension_semantics<subcore_parallel>], iteration_bounds = array<i64: 2, 16>, scalar_prefetch = 0 : i64, scratch_operands = 5 : i64, tpu.core_type = #tpu.core_type<sc_vector_subcore>, window_params = [{transform_indices = #map}, {transform_indices = #map1}, {transform_indices = #map}]} {
    %mul3A = arith.constant 16 : i32
    %mul3A_0 = arith.muli %arg0, %mul3A : i32
    %add3A = arith.addi %mul3A_0, %arg1 : i32
    %mul3A_1 = arith.constant 312 : i32
    %mul3A_2 = arith.muli %add3A, %mul3A_1 : i32
    %add3A_3 = arith.constant 0 : i32
    %add3A_4 = arith.addi %mul3A_2, %add3A_3 : i32
    %multiple_of3A = tpu.assume_multiple %add3A_4, 8 : i32
    "tpu.region"() ({
      %run_scoped3A = tpu.sem_alloc : memref<!tpu.dma_semaphore, #tpu.memory_space<semaphore_mem>>
      %dma_start3A_29 = tpu.memref_slice %arg3[%multiple_of3A] : memref<10000xi32, #tpu.memory_space<hbm>> -> memref<104xi32, #tpu.memory_space<hbm>>
      %dma_start3A_30 = tpu.memref_slice %arg3[%multiple_of3A] : memref<10000xi32, #tpu.memory_space<hbm>> -> memref<104xi32, #tpu.memory_space<hbm>>
      tpu.enqueue_dma source(%dma_start3A_30 : memref<104xi32, #tpu.memory_space<hbm>>) target(%arg5 : memref<104xi32, #tpu.memory_space<vmem>>) target_semaphore(%run_scoped3A : memref<!tpu.dma_semaphore, #tpu.memory_space<semaphore_mem>>)
      %dma_wait3A_31 = tpu.memref_slice %arg3[%multiple_of3A] : memref<10000xi32, #tpu.memory_space<hbm>> -> memref<104xi32, #tpu.memory_space<hbm>>
      %dma_wait3A_32 = tpu.memref_slice %arg3[%multiple_of3A] : memref<10000xi32, #tpu.memory_space<hbm>> -> memref<104xi32, #tpu.memory_space<hbm>>
      tpu.wait_dma2 semaphore(%run_scoped3A : memref<!tpu.dma_semaphore, #tpu.memory_space<semaphore_mem>>) src(%dma_wait3A_32 : memref<104xi32, #tpu.memory_space<hbm>>) dst(%arg5 : memref<104xi32, #tpu.memory_space<vmem>>)
      tpu.yield
    }) : () -> ()
    "tpu.region"() ({
      %run_scoped3A = tpu.sem_alloc : memref<!tpu.dma_semaphore, #tpu.memory_space<semaphore_mem>>
      %dma_start3A_29 = arith.constant 0 : i32
      %dma_start3A_30 = tpu.memref_slice %arg2[%multiple_of3A, %dma_start3A_29] : memref<10000x64xf32, #tpu.memory_space<hbm>> -> memref<104x64xf32, #tpu.memory_space<hbm>>
      %dma_start3A_31 = arith.constant 0 : i32
      %dma_start3A_32 = tpu.memref_slice %arg2[%multiple_of3A, %dma_start3A_31] : memref<10000x64xf32, #tpu.memory_space<hbm>> -> memref<104x64xf32, #tpu.memory_space<hbm>>
      tpu.enqueue_dma source(%dma_start3A_32 : memref<104x64xf32, #tpu.memory_space<hbm>>) target(%arg6 : memref<104x64xf32, #tpu.memory_space<vmem>>) target_semaphore(%run_scoped3A : memref<!tpu.dma_semaphore, #tpu.memory_space<semaphore_mem>>)
      %dma_wait3A_33 = arith.constant 0 : i32
      %dma_wait3A_34 = tpu.memref_slice %arg2[%multiple_of3A, %dma_wait3A_33] : memref<10000x64xf32, #tpu.memory_space<hbm>> -> memref<104x64xf32, #tpu.memory_space<hbm>>
      %dma_wait3A_35 = arith.constant 0 : i32
      %dma_wait3A_36 = tpu.memref_slice %arg2[%multiple_of3A, %dma_wait3A_35] : memref<10000x64xf32, #tpu.memory_space<hbm>> -> memref<104x64xf32, #tpu.memory_space<hbm>>
      tpu.wait_dma2 semaphore(%run_scoped3A : memref<!tpu.dma_semaphore, #tpu.memory_space<semaphore_mem>>) src(%dma_wait3A_36 : memref<104x64xf32, #tpu.memory_space<hbm>>) dst(%arg6 : memref<104x64xf32, #tpu.memory_space<vmem>>)
      tpu.yield
    }) : () -> ()
    %dma_start3A = arith.constant 0 : i32
    %dma_start3A_5 = arith.constant 0 : i32
    %dma_start3A_6 = tpu.memref_slice %arg4[%dma_start3A, %dma_start3A_5] : memref<10000x64xf32, #tpu.memory_space<hbm>> -> memref<10000x64xf32, #tpu.memory_space<hbm>>
    tpu.enqueue_indirect_dma source(%arg6 : memref<104x64xf32, #tpu.memory_space<vmem>>) target(%dma_start3A_6 : memref<10000x64xf32, #tpu.memory_space<hbm>>) offsets(%arg5 : memref<104xi32, #tpu.memory_space<vmem>>) semaphore(%arg9 : memref<!tpu.dma_semaphore, #tpu.memory_space<semaphore_mem>>)
    %dma_wait3A = arith.constant 0 : i32
    %dma_wait3A_7 = arith.constant 0 : i32
    %dma_wait3A_8 = tpu.memref_slice %arg4[%dma_wait3A, %dma_wait3A_7] : memref<10000x64xf32, #tpu.memory_space<hbm>> -> memref<10000x64xf32, #tpu.memory_space<hbm>>
    tpu.wait_indirect_dma semaphore(%arg9 : memref<!tpu.dma_semaphore, #tpu.memory_space<semaphore_mem>>) src(%arg6 : memref<104x64xf32, #tpu.memory_space<vmem>>) dst(%dma_wait3A_8 : memref<10000x64xf32, #tpu.memory_space<hbm>>)
    %add3A_9 = arith.constant 104 : i32
    %add3A_10 = arith.addi %mul3A_2, %add3A_9 : i32
    %multiple_of3A_11 = tpu.assume_multiple %add3A_10, 8 : i32
    "tpu.region"() ({
      %run_scoped3A = tpu.sem_alloc : memref<!tpu.dma_semaphore, #tpu.memory_space<semaphore_mem>>
      %dma_start3A_29 = tpu.memref_slice %arg3[%multiple_of3A_11] : memref<10000xi32, #tpu.memory_space<hbm>> -> memref<104xi32, #tpu.memory_space<hbm>>
      %dma_start3A_30 = tpu.memref_slice %arg3[%multiple_of3A_11] : memref<10000xi32, #tpu.memory_space<hbm>> -> memref<104xi32, #tpu.memory_space<hbm>>
      tpu.enqueue_dma source(%dma_start3A_30 : memref<104xi32, #tpu.memory_space<hbm>>) target(%arg5 : memref<104xi32, #tpu.memory_space<vmem>>) target_semaphore(%run_scoped3A : memref<!tpu.dma_semaphore, #tpu.memory_space<semaphore_mem>>)
      %dma_wait3A_31 = tpu.memref_slice %arg3[%multiple_of3A_11] : memref<10000xi32, #tpu.memory_space<hbm>> -> memref<104xi32, #tpu.memory_space<hbm>>
      %dma_wait3A_32 = tpu.memref_slice %arg3[%multiple_of3A_11] : memref<10000xi32, #tpu.memory_space<hbm>> -> memref<104xi32, #tpu.memory_space<hbm>>
      tpu.wait_dma2 semaphore(%run_scoped3A : memref<!tpu.dma_semaphore, #tpu.memory_space<semaphore_mem>>) src(%dma_wait3A_32 : memref<104xi32, #tpu.memory_space<hbm>>) dst(%arg5 : memref<104xi32, #tpu.memory_space<vmem>>)
      tpu.yield
    }) : () -> ()
    "tpu.region"() ({
      %run_scoped3A = tpu.sem_alloc : memref<!tpu.dma_semaphore, #tpu.memory_space<semaphore_mem>>
      %dma_start3A_29 = arith.constant 0 : i32
      %dma_start3A_30 = tpu.memref_slice %arg2[%multiple_of3A_11, %dma_start3A_29] : memref<10000x64xf32, #tpu.memory_space<hbm>> -> memref<104x64xf32, #tpu.memory_space<hbm>>
      %dma_start3A_31 = arith.constant 0 : i32
      %dma_start3A_32 = tpu.memref_slice %arg2[%multiple_of3A_11, %dma_start3A_31] : memref<10000x64xf32, #tpu.memory_space<hbm>> -> memref<104x64xf32, #tpu.memory_space<hbm>>
      tpu.enqueue_dma source(%dma_start3A_32 : memref<104x64xf32, #tpu.memory_space<hbm>>) target(%arg6 : memref<104x64xf32, #tpu.memory_space<vmem>>) target_semaphore(%run_scoped3A : memref<!tpu.dma_semaphore, #tpu.memory_space<semaphore_mem>>)
      %dma_wait3A_33 = arith.constant 0 : i32
      %dma_wait3A_34 = tpu.memref_slice %arg2[%multiple_of3A_11, %dma_wait3A_33] : memref<10000x64xf32, #tpu.memory_space<hbm>> -> memref<104x64xf32, #tpu.memory_space<hbm>>
      %dma_wait3A_35 = arith.constant 0 : i32
      %dma_wait3A_36 = tpu.memref_slice %arg2[%multiple_of3A_11, %dma_wait3A_35] : memref<10000x64xf32, #tpu.memory_space<hbm>> -> memref<104x64xf32, #tpu.memory_space<hbm>>
      tpu.wait_dma2 semaphore(%run_scoped3A : memref<!tpu.dma_semaphore, #tpu.memory_space<semaphore_mem>>) src(%dma_wait3A_36 : memref<104x64xf32, #tpu.memory_space<hbm>>) dst(%arg6 : memref<104x64xf32, #tpu.memory_space<vmem>>)
      tpu.yield
    }) : () -> ()
    %dma_start3A_12 = arith.constant 0 : i32
    %dma_start3A_13 = arith.constant 0 : i32
    %dma_start3A_14 = tpu.memref_slice %arg4[%dma_start3A_12, %dma_start3A_13] : memref<10000x64xf32, #tpu.memory_space<hbm>> -> memref<10000x64xf32, #tpu.memory_space<hbm>>
    tpu.enqueue_indirect_dma source(%arg6 : memref<104x64xf32, #tpu.memory_space<vmem>>) target(%dma_start3A_14 : memref<10000x64xf32, #tpu.memory_space<hbm>>) offsets(%arg5 : memref<104xi32, #tpu.memory_space<vmem>>) semaphore(%arg9 : memref<!tpu.dma_semaphore, #tpu.memory_space<semaphore_mem>>)
    %dma_wait3A_15 = arith.constant 0 : i32
    %dma_wait3A_16 = arith.constant 0 : i32
    %dma_wait3A_17 = tpu.memref_slice %arg4[%dma_wait3A_15, %dma_wait3A_16] : memref<10000x64xf32, #tpu.memory_space<hbm>> -> memref<10000x64xf32, #tpu.memory_space<hbm>>
    tpu.wait_indirect_dma semaphore(%arg9 : memref<!tpu.dma_semaphore, #tpu.memory_space<semaphore_mem>>) src(%arg6 : memref<104x64xf32, #tpu.memory_space<vmem>>) dst(%dma_wait3A_17 : memref<10000x64xf32, #tpu.memory_space<hbm>>)
    %add3A_18 = arith.constant 208 : i32
    %add3A_19 = arith.addi %mul3A_2, %add3A_18 : i32
    %multiple_of3A_20 = tpu.assume_multiple %add3A_19, 8 : i32
    "tpu.region"() ({
      %run_scoped3A = tpu.sem_alloc : memref<!tpu.dma_semaphore, #tpu.memory_space<semaphore_mem>>
      %dma_start3A_29 = tpu.memref_slice %arg3[%multiple_of3A_20] : memref<10000xi32, #tpu.memory_space<hbm>> -> memref<104xi32, #tpu.memory_space<hbm>>
      %dma_start3A_30 = tpu.memref_slice %arg3[%multiple_of3A_20] : memref<10000xi32, #tpu.memory_space<hbm>> -> memref<104xi32, #tpu.memory_space<hbm>>
      tpu.enqueue_dma source(%dma_start3A_30 : memref<104xi32, #tpu.memory_space<hbm>>) target(%arg5 : memref<104xi32, #tpu.memory_space<vmem>>) target_semaphore(%run_scoped3A : memref<!tpu.dma_semaphore, #tpu.memory_space<semaphore_mem>>)
      %dma_wait3A_31 = tpu.memref_slice %arg3[%multiple_of3A_20] : memref<10000xi32, #tpu.memory_space<hbm>> -> memref<104xi32, #tpu.memory_space<hbm>>
      %dma_wait3A_32 = tpu.memref_slice %arg3[%multiple_of3A_20] : memref<10000xi32, #tpu.memory_space<hbm>> -> memref<104xi32, #tpu.memory_space<hbm>>
      tpu.wait_dma2 semaphore(%run_scoped3A : memref<!tpu.dma_semaphore, #tpu.memory_space<semaphore_mem>>) src(%dma_wait3A_32 : memref<104xi32, #tpu.memory_space<hbm>>) dst(%arg5 : memref<104xi32, #tpu.memory_space<vmem>>)
      tpu.yield
    }) : () -> ()
    "tpu.region"() ({
      %run_scoped3A = tpu.sem_alloc : memref<!tpu.dma_semaphore, #tpu.memory_space<semaphore_mem>>
      %dma_start3A_29 = arith.constant 0 : i32
      %dma_start3A_30 = tpu.memref_slice %arg2[%multiple_of3A_20, %dma_start3A_29] : memref<10000x64xf32, #tpu.memory_space<hbm>> -> memref<104x64xf32, #tpu.memory_space<hbm>>
      %dma_start3A_31 = arith.constant 0 : i32
      %dma_start3A_32 = tpu.memref_slice %arg2[%multiple_of3A_20, %dma_start3A_31] : memref<10000x64xf32, #tpu.memory_space<hbm>> -> memref<104x64xf32, #tpu.memory_space<hbm>>
      tpu.enqueue_dma source(%dma_start3A_32 : memref<104x64xf32, #tpu.memory_space<hbm>>) target(%arg6 : memref<104x64xf32, #tpu.memory_space<vmem>>) target_semaphore(%run_scoped3A : memref<!tpu.dma_semaphore, #tpu.memory_space<semaphore_mem>>)
      %dma_wait3A_33 = arith.constant 0 : i32
      %dma_wait3A_34 = tpu.memref_slice %arg2[%multiple_of3A_20, %dma_wait3A_33] : memref<10000x64xf32, #tpu.memory_space<hbm>> -> memref<104x64xf32, #tpu.memory_space<hbm>>
      %dma_wait3A_35 = arith.constant 0 : i32
      %dma_wait3A_36 = tpu.memref_slice %arg2[%multiple_of3A_20, %dma_wait3A_35] : memref<10000x64xf32, #tpu.memory_space<hbm>> -> memref<104x64xf32, #tpu.memory_space<hbm>>
      tpu.wait_dma2 semaphore(%run_scoped3A : memref<!tpu.dma_semaphore, #tpu.memory_space<semaphore_mem>>) src(%dma_wait3A_36 : memref<104x64xf32, #tpu.memory_space<hbm>>) dst(%arg6 : memref<104x64xf32, #tpu.memory_space<vmem>>)
      tpu.yield
    }) : () -> ()
    %dma_start3A_21 = arith.constant 0 : i32
    %dma_start3A_22 = arith.constant 0 : i32
    %dma_start3A_23 = tpu.memref_slice %arg4[%dma_start3A_21, %dma_start3A_22] : memref<10000x64xf32, #tpu.memory_space<hbm>> -> memref<10000x64xf32, #tpu.memory_space<hbm>>
    tpu.enqueue_indirect_dma source(%arg6 : memref<104x64xf32, #tpu.memory_space<vmem>>) target(%dma_start3A_23 : memref<10000x64xf32, #tpu.memory_space<hbm>>) offsets(%arg5 : memref<104xi32, #tpu.memory_space<vmem>>) semaphore(%arg9 : memref<!tpu.dma_semaphore, #tpu.memory_space<semaphore_mem>>)
    %dma_wait3A_24 = arith.constant 0 : i32
    %dma_wait3A_25 = arith.constant 0 : i32
    %dma_wait3A_26 = tpu.memref_slice %arg4[%dma_wait3A_24, %dma_wait3A_25] : memref<10000x64xf32, #tpu.memory_space<hbm>> -> memref<10000x64xf32, #tpu.memory_space<hbm>>
    tpu.wait_indirect_dma semaphore(%arg9 : memref<!tpu.dma_semaphore, #tpu.memory_space<semaphore_mem>>) src(%arg6 : memref<104x64xf32, #tpu.memory_space<vmem>>) dst(%dma_wait3A_26 : memref<10000x64xf32, #tpu.memory_space<hbm>>)
    %eq3A = arith.constant 31 : i32
    %eq3A_27 = arith.cmpi eq, %add3A, %eq3A : i32
    %convert_element_type3A = arith.extui %eq3A_27 : i1 to i32
    %cond3A = arith.constant 0 : i32
    %cond3A_28 = arith.cmpi ne, %convert_element_type3A, %cond3A : i32
    scf.if %cond3A_28 {
      "tpu.region"() ({
        %run_scoped3A = tpu.sem_alloc : memref<!tpu.dma_semaphore, #tpu.memory_space<semaphore_mem>>
        %dma_start3A_35 = arith.constant 9984 : i32
        %dma_start3A_36 = tpu.memref_slice %arg3[%dma_start3A_35] : memref<10000xi32, #tpu.memory_space<hbm>> -> memref<16xi32, #tpu.memory_space<hbm>>
        %dma_start3A_37 = arith.constant 9984 : i32
        %dma_start3A_38 = tpu.memref_slice %arg3[%dma_start3A_37] : memref<10000xi32, #tpu.memory_space<hbm>> -> memref<16xi32, #tpu.memory_space<hbm>>
        tpu.enqueue_dma source(%dma_start3A_38 : memref<16xi32, #tpu.memory_space<hbm>>) target(%arg7 : memref<16xi32, #tpu.memory_space<vmem>>) target_semaphore(%run_scoped3A : memref<!tpu.dma_semaphore, #tpu.memory_space<semaphore_mem>>)
        %dma_wait3A_39 = arith.constant 9984 : i32
        %dma_wait3A_40 = tpu.memref_slice %arg3[%dma_wait3A_39] : memref<10000xi32, #tpu.memory_space<hbm>> -> memref<16xi32, #tpu.memory_space<hbm>>
        %dma_wait3A_41 = arith.constant 9984 : i32
        %dma_wait3A_42 = tpu.memref_slice %arg3[%dma_wait3A_41] : memref<10000xi32, #tpu.memory_space<hbm>> -> memref<16xi32, #tpu.memory_space<hbm>>
        tpu.wait_dma2 semaphore(%run_scoped3A : memref<!tpu.dma_semaphore, #tpu.memory_space<semaphore_mem>>) src(%dma_wait3A_42 : memref<16xi32, #tpu.memory_space<hbm>>) dst(%arg7 : memref<16xi32, #tpu.memory_space<vmem>>)
        tpu.yield
      }) : () -> ()
      "tpu.region"() ({
        %run_scoped3A = tpu.sem_alloc : memref<!tpu.dma_semaphore, #tpu.memory_space<semaphore_mem>>
        %dma_start3A_35 = arith.constant 9984 : i32
        %dma_start3A_36 = arith.constant 0 : i32
        %dma_start3A_37 = tpu.memref_slice %arg2[%dma_start3A_35, %dma_start3A_36] : memref<10000x64xf32, #tpu.memory_space<hbm>> -> memref<16x64xf32, #tpu.memory_space<hbm>>
        %dma_start3A_38 = arith.constant 9984 : i32
        %dma_start3A_39 = arith.constant 0 : i32
        %dma_start3A_40 = tpu.memref_slice %arg2[%dma_start3A_38, %dma_start3A_39] : memref<10000x64xf32, #tpu.memory_space<hbm>> -> memref<16x64xf32, #tpu.memory_space<hbm>>
        tpu.enqueue_dma source(%dma_start3A_40 : memref<16x64xf32, #tpu.memory_space<hbm>>) target(%arg8 : memref<16x64xf32, #tpu.memory_space<vmem>>) target_semaphore(%run_scoped3A : memref<!tpu.dma_semaphore, #tpu.memory_space<semaphore_mem>>)
        %dma_wait3A_41 = arith.constant 9984 : i32
        %dma_wait3A_42 = arith.constant 0 : i32
        %dma_wait3A_43 = tpu.memref_slice %arg2[%dma_wait3A_41, %dma_wait3A_42] : memref<10000x64xf32, #tpu.memory_space<hbm>> -> memref<16x64xf32, #tpu.memory_space<hbm>>
        %dma_wait3A_44 = arith.constant 9984 : i32
        %dma_wait3A_45 = arith.constant 0 : i32
        %dma_wait3A_46 = tpu.memref_slice %arg2[%dma_wait3A_44, %dma_wait3A_45] : memref<10000x64xf32, #tpu.memory_space<hbm>> -> memref<16x64xf32, #tpu.memory_space<hbm>>
        tpu.wait_dma2 semaphore(%run_scoped3A : memref<!tpu.dma_semaphore, #tpu.memory_space<semaphore_mem>>) src(%dma_wait3A_46 : memref<16x64xf32, #tpu.memory_space<hbm>>) dst(%arg8 : memref<16x64xf32, #tpu.memory_space<vmem>>)
        tpu.yield
      }) : () -> ()
      %dma_start3A_29 = arith.constant 0 : i32
      %dma_start3A_30 = arith.constant 0 : i32
      %dma_start3A_31 = tpu.memref_slice %arg4[%dma_start3A_29, %dma_start3A_30] : memref<10000x64xf32, #tpu.memory_space<hbm>> -> memref<10000x64xf32, #tpu.memory_space<hbm>>
      tpu.enqueue_indirect_dma source(%arg8 : memref<16x64xf32, #tpu.memory_space<vmem>>) target(%dma_start3A_31 : memref<10000x64xf32, #tpu.memory_space<hbm>>) offsets(%arg7 : memref<16xi32, #tpu.memory_space<vmem>>) semaphore(%arg9 : memref<!tpu.dma_semaphore, #tpu.memory_space<semaphore_mem>>)
      %dma_wait3A_32 = arith.constant 0 : i32
      %dma_wait3A_33 = arith.constant 0 : i32
      %dma_wait3A_34 = tpu.memref_slice %arg4[%dma_wait3A_32, %dma_wait3A_33] : memref<10000x64xf32, #tpu.memory_space<hbm>> -> memref<10000x64xf32, #tpu.memory_space<hbm>>
      tpu.wait_indirect_dma semaphore(%arg9 : memref<!tpu.dma_semaphore, #tpu.memory_space<semaphore_mem>>) src(%arg8 : memref<16x64xf32, #tpu.memory_space<vmem>>) dst(%dma_wait3A_34 : memref<10000x64xf32, #tpu.memory_space<hbm>>)
    } else {
    }
    return
  }
}

module attributes {stable_mosaic.version = 14 : i64} {
  func.func @_xw_scale_body(%arg0: i32, %arg1: memref<1000x128xf32, #tpu.memory_space<vmem>>, %arg2: memref<128x128xf32, #tpu.memory_space<vmem>>, %arg3: memref<2x1000x1xf32, #tpu.memory_space<vmem>>, %arg4: memref<1000x128xf32, #tpu.memory_space<vmem>>) attributes {dimension_semantics = [#tpu.dimension_semantics<arbitrary>], iteration_bounds = array<i64: 10>, scalar_prefetch = 0 : i64, scratch_operands = 0 : i64, tpu.core_type = #tpu.core_type<tc>, window_params = [{transform_indices = @transform_0, window_bounds = array<i64: 1000, 128>}, {pipeline_mode = #tpu.pipeline_mode<synchronous>, transform_indices = @transform_1, window_bounds = array<i64: 128, 128>}, {transform_indices = @transform_2, window_bounds = array<i64: 2, 1000, 1>}, {transform_indices = @transform_3, window_bounds = array<i64: 1000, 128>}]} {
    %get3A = arith.constant 0 : index
    %get3A_0 = arith.constant 0 : index
    %get3A_1 = arith.constant 0 : index
    %get3A_2 = vector.load %arg3[%get3A, %get3A_0, %get3A_1] : memref<2x1000x1xf32, #tpu.memory_space<vmem>>, vector<1x1000x1xf32>
    %get3A_3 = vector.shape_cast %get3A_2 : vector<1x1000x1xf32> to vector<1000x1xf32>
    %get3A_4 = arith.constant 1 : index
    %get3A_5 = arith.constant 0 : index
    %get3A_6 = arith.constant 0 : index
    %get3A_7 = vector.load %arg3[%get3A_4, %get3A_5, %get3A_6] : memref<2x1000x1xf32, #tpu.memory_space<vmem>>, vector<1x1000x1xf32>
    %get3A_8 = vector.shape_cast %get3A_7 : vector<1x1000x1xf32> to vector<1000x1xf32>
    %add3A = arith.addf %get3A_3, %get3A_8 : vector<1000x1xf32>
    %add3A_9 = arith.constant 1.000000e+00 : f32
    %add3A_10 = vector.broadcast %add3A_9 : f32 to vector<1000x1xf32>
    %add3A_11 = arith.addf %add3A, %add3A_10 : vector<1000x1xf32>
    %rsqrt3A = math.rsqrt %add3A_11 : vector<1000x1xf32>
    %get3A_12 = arith.constant 0 : index
    %get3A_13 = arith.constant 0 : index
    %get3A_14 = vector.load %arg1[%get3A_12, %get3A_13] : memref<1000x128xf32, #tpu.memory_space<vmem>>, vector<1000x128xf32>
    %get3A_15 = arith.constant 0 : index
    %get3A_16 = arith.constant 0 : index
    %get3A_17 = vector.load %arg2[%get3A_15, %get3A_16] : memref<128x128xf32, #tpu.memory_space<vmem>>, vector<128x128xf32>
    %dot_general3A = arith.constant dense<0.000000e+00> : vector<1000x128xf32>
    %dot_general3A_18 = tpu.matmul %get3A_14, %get3A_17, %dot_general3A {dimension_numbers = #tpu.dot_dimension_numbers<[1], [0], [0], [1], [0, 0, 1, 1], [], []>, transpose_lhs_hint = false} : vector<1000x128xf32>, vector<128x128xf32>, vector<1000x128xf32> -> vector<1000x128xf32>
    %mul3A = vector.broadcast %rsqrt3A : vector<1000x1xf32> to vector<1000x128xf32>
    %mul3A_19 = arith.mulf %dot_general3A_18, %mul3A : vector<1000x128xf32>
    %swap3A = arith.constant 0 : index
    %swap3A_20 = arith.constant 0 : index
    %swap3A_21 = vector.load %arg4[%swap3A, %swap3A_20] : memref<1000x128xf32, #tpu.memory_space<vmem>>, vector<1000x128xf32>
    tpu.vector_store %arg4[%swap3A, %swap3A_20], %mul3A_19 {strides = array<i32>} : memref<1000x128xf32, #tpu.memory_space<vmem>>, vector<1000x128xf32>,
    return
  }
  func.func @transform_0(%arg0: i32) -> (i32, i32) {
    %c0_i32 = arith.constant 0 : i32
    %c0_i32_0 = arith.constant 0 : i32
    return %arg0, %c0_i32 : i32, i32
  }
  func.func @transform_1(%arg0: i32) -> (i32, i32) {
    %c0_i32 = arith.constant 0 : i32
    %c0_i32_0 = arith.constant 0 : i32
    %c0_i32_1 = arith.constant 0 : i32
    return %c0_i32, %c0_i32_0 : i32, i32
  }
  func.func @transform_2(%arg0: i32) -> (i32, i32, i32) {
    %c0_i32 = arith.constant 0 : i32
    %c0_i32_0 = arith.constant 0 : i32
    %c0_i32_1 = arith.constant 0 : i32
    return %c0_i32, %arg0, %c0_i32_0 : i32, i32, i32
  }
  func.func @transform_3(%arg0: i32) -> (i32, i32) {
    %c0_i32 = arith.constant 0 : i32
    %c0_i32_0 = arith.constant 0 : i32
    return %arg0, %c0_i32 : i32, i32
  }
}

module attributes {stable_mosaic.version = 14 : i64} {
  func.func @_layer1_body(%arg0: i32, %arg1: memref<2x1000x128xf32, #tpu.memory_space<vmem>>, %arg2: memref<1000x128xf32, #tpu.memory_space<vmem>>, %arg3: memref<2x1000x1xf32, #tpu.memory_space<vmem>>, %arg4: memref<1x128xf32, #tpu.memory_space<vmem>>, %arg5: memref<128x64xf32, #tpu.memory_space<vmem>>, %arg6: memref<1000x64xf32, #tpu.memory_space<vmem>>) attributes {dimension_semantics = [#tpu.dimension_semantics<arbitrary>], iteration_bounds = array<i64: 10>, scalar_prefetch = 0 : i64, scratch_operands = 0 : i64, tpu.core_type = #tpu.core_type<tc>, window_params = [{transform_indices = @transform_0, window_bounds = array<i64: 2, 1000, 128>}, {transform_indices = @transform_1, window_bounds = array<i64: 1000, 128>}, {transform_indices = @transform_2, window_bounds = array<i64: 2, 1000, 1>}, {pipeline_mode = #tpu.pipeline_mode<synchronous>, transform_indices = @transform_3, window_bounds = array<i64: 1, 128>}, {pipeline_mode = #tpu.pipeline_mode<synchronous>, transform_indices = @transform_4, window_bounds = array<i64: 128, 64>}, {transform_indices = @transform_5, window_bounds = array<i64: 1000, 64>}]} {
    %get3A = arith.constant 0 : index
    %get3A_0 = arith.constant 0 : index
    %get3A_1 = arith.constant 0 : index
    %get3A_2 = vector.load %arg3[%get3A, %get3A_0, %get3A_1] : memref<2x1000x1xf32, #tpu.memory_space<vmem>>, vector<1x1000x1xf32>
    %get3A_3 = vector.shape_cast %get3A_2 : vector<1x1000x1xf32> to vector<1000x1xf32>
    %get3A_4 = arith.constant 1 : index
    %get3A_5 = arith.constant 0 : index
    %get3A_6 = arith.constant 0 : index
    %get3A_7 = vector.load %arg3[%get3A_4, %get3A_5, %get3A_6] : memref<2x1000x1xf32, #tpu.memory_space<vmem>>, vector<1x1000x1xf32>
    %get3A_8 = vector.shape_cast %get3A_7 : vector<1x1000x1xf32> to vector<1000x1xf32>
    %add3A = arith.addf %get3A_3, %get3A_8 : vector<1000x1xf32>
    %add3A_9 = arith.constant 1.000000e+00 : f32
    %add3A_10 = vector.broadcast %add3A_9 : f32 to vector<1000x1xf32>
    %add3A_11 = arith.addf %add3A, %add3A_10 : vector<1000x1xf32>
    %rsqrt3A = math.rsqrt %add3A_11 : vector<1000x1xf32>
    %get3A_12 = arith.constant 0 : index
    %get3A_13 = arith.constant 0 : index
    %get3A_14 = arith.constant 0 : index
    %get3A_15 = vector.load %arg1[%get3A_12, %get3A_13, %get3A_14] : memref<2x1000x128xf32, #tpu.memory_space<vmem>>, vector<1x1000x128xf32>
    %get3A_16 = vector.shape_cast %get3A_15 : vector<1x1000x128xf32> to vector<1000x128xf32>
    %get3A_17 = arith.constant 1 : index
    %get3A_18 = arith.constant 0 : index
    %get3A_19 = arith.constant 0 : index
    %get3A_20 = vector.load %arg1[%get3A_17, %get3A_18, %get3A_19] : memref<2x1000x128xf32, #tpu.memory_space<vmem>>, vector<1x1000x128xf32>
    %get3A_21 = vector.shape_cast %get3A_20 : vector<1x1000x128xf32> to vector<1000x128xf32>
    %add3A_22 = arith.addf %get3A_16, %get3A_21 : vector<1000x128xf32>
    %get3A_23 = arith.constant 0 : index
    %get3A_24 = arith.constant 0 : index
    %get3A_25 = vector.load %arg2[%get3A_23, %get3A_24] : memref<1000x128xf32, #tpu.memory_space<vmem>>, vector<1000x128xf32>
    %add3A_26 = arith.addf %add3A_22, %get3A_25 : vector<1000x128xf32>
    %mul3A = vector.broadcast %rsqrt3A : vector<1000x1xf32> to vector<1000x128xf32>
    %mul3A_27 = arith.mulf %add3A_26, %mul3A : vector<1000x128xf32>
    %get3A_28 = arith.constant 0 : index
    %get3A_29 = arith.constant 0 : index
    %get3A_30 = vector.load %arg4[%get3A_28, %get3A_29] : memref<1x128xf32, #tpu.memory_space<vmem>>, vector<1x128xf32>
    %add3A_31 = vector.broadcast %get3A_30 : vector<1x128xf32> to vector<1000x128xf32>
    %add3A_32 = arith.addf %mul3A_27, %add3A_31 : vector<1000x128xf32>
    %max3A = arith.constant 0.000000e+00 : f32
    %max3A_33 = vector.broadcast %max3A : f32 to vector<1000x128xf32>
    %max3A_34 = arith.maximumf %add3A_32, %max3A_33 : vector<1000x128xf32>
    %get3A_35 = arith.constant 0 : index
    %get3A_36 = arith.constant 0 : index
    %get3A_37 = vector.load %arg5[%get3A_35, %get3A_36] : memref<128x64xf32, #tpu.memory_space<vmem>>, vector<128x64xf32>
    %dot_general3A = arith.constant dense<0.000000e+00> : vector<1000x64xf32>
    %dot_general3A_38 = tpu.matmul %max3A_34, %get3A_37, %dot_general3A {dimension_numbers = #tpu.dot_dimension_numbers<[1], [0], [0], [1], [0, 0, 1, 1], [], []>, transpose_lhs_hint = false} : vector<1000x128xf32>, vector<128x64xf32>, vector<1000x64xf32> -> vector<1000x64xf32>
    %mul3A_39 = vector.broadcast %rsqrt3A : vector<1000x1xf32> to vector<1000x64xf32>
    %mul3A_40 = arith.mulf %dot_general3A_38, %mul3A_39 : vector<1000x64xf32>
    %swap3A = arith.constant 0 : index
    %swap3A_41 = arith.constant 0 : index
    %swap3A_42 = vector.load %arg6[%swap3A, %swap3A_41] : memref<1000x64xf32, #tpu.memory_space<vmem>>, vector<1000x64xf32>
    tpu.vector_store %arg6[%swap3A, %swap3A_41], %mul3A_40 {strides = array<i32>} : memref<1000x64xf32, #tpu.memory_space<vmem>>, vector<1000x64xf32>,
    return
  }
  func.func @transform_0(%arg0: i32) -> (i32, i32, i32) {
    %c0_i32 = arith.constant 0 : i32
    %c0_i32_0 = arith.constant 0 : i32
    %c0_i32_1 = arith.constant 0 : i32
    return %c0_i32, %arg0, %c0_i32_0 : i32, i32, i32
  }
  func.func @transform_1(%arg0: i32) -> (i32, i32) {
    %c0_i32 = arith.constant 0 : i32
    %c0_i32_0 = arith.constant 0 : i32
    return %arg0, %c0_i32 : i32, i32
  }
  func.func @transform_2(%arg0: i32) -> (i32, i32, i32) {
    %c0_i32 = arith.constant 0 : i32
    %c0_i32_0 = arith.constant 0 : i32
    %c0_i32_1 = arith.constant 0 : i32
    return %c0_i32, %arg0, %c0_i32_0 : i32, i32, i32
  }
  func.func @transform_3(%arg0: i32) -> (i32, i32) {
    %c0_i32 = arith.constant 0 : i32
    %c0_i32_0 = arith.constant 0 : i32
    %c0_i32_1 = arith.constant 0 : i32
    return %c0_i32, %c0_i32_0 : i32, i32
  }
  func.func @transform_4(%arg0: i32) -> (i32, i32) {
    %c0_i32 = arith.constant 0 : i32
    %c0_i32_0 = arith.constant 0 : i32
    %c0_i32_1 = arith.constant 0 : i32
    return %c0_i32, %c0_i32_0 : i32, i32
  }
  func.func @transform_5(%arg0: i32) -> (i32, i32) {
    %c0_i32 = arith.constant 0 : i32
    %c0_i32_0 = arith.constant 0 : i32
    return %arg0, %c0_i32 : i32, i32
  }
}

module attributes {stable_mosaic.version = 14 : i64} {
  func.func @_layer2_body(%arg0: i32, %arg1: memref<2x1000x64xf32, #tpu.memory_space<vmem>>, %arg2: memref<1000x64xf32, #tpu.memory_space<vmem>>, %arg3: memref<2x1000x1xf32, #tpu.memory_space<vmem>>, %arg4: memref<1x64xf32, #tpu.memory_space<vmem>>, %arg5: memref<1000x64xf32, #tpu.memory_space<vmem>>) attributes {dimension_semantics = [#tpu.dimension_semantics<arbitrary>], iteration_bounds = array<i64: 10>, scalar_prefetch = 0 : i64, scratch_operands = 0 : i64, tpu.core_type = #tpu.core_type<tc>, window_params = [{transform_indices = @transform_0, window_bounds = array<i64: 2, 1000, 64>}, {transform_indices = @transform_1, window_bounds = array<i64: 1000, 64>}, {transform_indices = @transform_2, window_bounds = array<i64: 2, 1000, 1>}, {pipeline_mode = #tpu.pipeline_mode<synchronous>, transform_indices = @transform_3, window_bounds = array<i64: 1, 64>}, {transform_indices = @transform_4, window_bounds = array<i64: 1000, 64>}]} {
    %get3A = arith.constant 0 : index
    %get3A_0 = arith.constant 0 : index
    %get3A_1 = arith.constant 0 : index
    %get3A_2 = vector.load %arg3[%get3A, %get3A_0, %get3A_1] : memref<2x1000x1xf32, #tpu.memory_space<vmem>>, vector<1x1000x1xf32>
    %get3A_3 = vector.shape_cast %get3A_2 : vector<1x1000x1xf32> to vector<1000x1xf32>
    %get3A_4 = arith.constant 1 : index
    %get3A_5 = arith.constant 0 : index
    %get3A_6 = arith.constant 0 : index
    %get3A_7 = vector.load %arg3[%get3A_4, %get3A_5, %get3A_6] : memref<2x1000x1xf32, #tpu.memory_space<vmem>>, vector<1x1000x1xf32>
    %get3A_8 = vector.shape_cast %get3A_7 : vector<1x1000x1xf32> to vector<1000x1xf32>
    %add3A = arith.addf %get3A_3, %get3A_8 : vector<1000x1xf32>
    %add3A_9 = arith.constant 1.000000e+00 : f32
    %add3A_10 = vector.broadcast %add3A_9 : f32 to vector<1000x1xf32>
    %add3A_11 = arith.addf %add3A, %add3A_10 : vector<1000x1xf32>
    %rsqrt3A = math.rsqrt %add3A_11 : vector<1000x1xf32>
    %get3A_12 = arith.constant 0 : index
    %get3A_13 = arith.constant 0 : index
    %get3A_14 = arith.constant 0 : index
    %get3A_15 = vector.load %arg1[%get3A_12, %get3A_13, %get3A_14] : memref<2x1000x64xf32, #tpu.memory_space<vmem>>, vector<1x1000x64xf32>
    %get3A_16 = vector.shape_cast %get3A_15 : vector<1x1000x64xf32> to vector<1000x64xf32>
    %get3A_17 = arith.constant 1 : index
    %get3A_18 = arith.constant 0 : index
    %get3A_19 = arith.constant 0 : index
    %get3A_20 = vector.load %arg1[%get3A_17, %get3A_18, %get3A_19] : memref<2x1000x64xf32, #tpu.memory_space<vmem>>, vector<1x1000x64xf32>
    %get3A_21 = vector.shape_cast %get3A_20 : vector<1x1000x64xf32> to vector<1000x64xf32>
    %add3A_22 = arith.addf %get3A_16, %get3A_21 : vector<1000x64xf32>
    %get3A_23 = arith.constant 0 : index
    %get3A_24 = arith.constant 0 : index
    %get3A_25 = vector.load %arg2[%get3A_23, %get3A_24] : memref<1000x64xf32, #tpu.memory_space<vmem>>, vector<1000x64xf32>
    %add3A_26 = arith.addf %add3A_22, %get3A_25 : vector<1000x64xf32>
    %mul3A = vector.broadcast %rsqrt3A : vector<1000x1xf32> to vector<1000x64xf32>
    %mul3A_27 = arith.mulf %add3A_26, %mul3A : vector<1000x64xf32>
    %get3A_28 = arith.constant 0 : index
    %get3A_29 = arith.constant 0 : index
    %get3A_30 = vector.load %arg4[%get3A_28, %get3A_29] : memref<1x64xf32, #tpu.memory_space<vmem>>, vector<1x64xf32>
    %add3A_31 = vector.broadcast %get3A_30 : vector<1x64xf32> to vector<1000x64xf32>
    %add3A_32 = arith.addf %mul3A_27, %add3A_31 : vector<1000x64xf32>
    %swap3A = arith.constant 0 : index
    %swap3A_33 = arith.constant 0 : index
    %swap3A_34 = vector.load %arg5[%swap3A, %swap3A_33] : memref<1000x64xf32, #tpu.memory_space<vmem>>, vector<1000x64xf32>
    tpu.vector_store %arg5[%swap3A, %swap3A_33], %add3A_32 {strides = array<i32>} : memref<1000x64xf32, #tpu.memory_space<vmem>>, vector<1000x64xf32>,
    return
  }
  func.func @transform_0(%arg0: i32) -> (i32, i32, i32) {
    %c0_i32 = arith.constant 0 : i32
    %c0_i32_0 = arith.constant 0 : i32
    %c0_i32_1 = arith.constant 0 : i32
    return %c0_i32, %arg0, %c0_i32_0 : i32, i32, i32
  }
  func.func @transform_1(%arg0: i32) -> (i32, i32) {
    %c0_i32 = arith.constant 0 : i32
    %c0_i32_0 = arith.constant 0 : i32
    return %arg0, %c0_i32 : i32, i32
  }
  func.func @transform_2(%arg0: i32) -> (i32, i32, i32) {
    %c0_i32 = arith.constant 0 : i32
    %c0_i32_0 = arith.constant 0 : i32
    %c0_i32_1 = arith.constant 0 : i32
    return %c0_i32, %arg0, %c0_i32_0 : i32, i32, i32
  }
  func.func @transform_3(%arg0: i32) -> (i32, i32) {
    %c0_i32 = arith.constant 0 : i32
    %c0_i32_0 = arith.constant 0 : i32
    %c0_i32_1 = arith.constant 0 : i32
    return %c0_i32, %c0_i32_0 : i32, i32
  }
  func.func @transform_4(%arg0: i32) -> (i32, i32) {
    %c0_i32 = arith.constant 0 : i32
    %c0_i32_0 = arith.constant 0 : i32
    return %arg0, %c0_i32 : i32, i32
  }
}

module attributes {stable_mosaic.version = 14 : i64} {
  func.func @_conv_body(%arg0: i32, %arg1: memref<10000x64xf32, #tpu.memory_space<vmem>>, %arg2: memref<10000x1xf32, #tpu.memory_space<vmem>>, %arg3: memref<5x64x64xf32, #tpu.memory_space<vmem>>, %arg4: memref<1x64xf32, #tpu.memory_space<vmem>>, %arg5: memref<5x64x64xf32, #tpu.memory_space<vmem>>, %arg6: memref<1x64xf32, #tpu.memory_space<vmem>>, %arg7: memref<128x64xf32, #tpu.memory_space<vmem>>, %arg8: memref<1x64xf32, #tpu.memory_space<vmem>>, %arg9: memref<10000x64xf32, #tpu.memory_space<vmem>>) attributes {dimension_semantics = [#tpu.dimension_semantics<arbitrary>], iteration_bounds = array<i64: 1>, scalar_prefetch = 0 : i64, scratch_operands = 0 : i64, tpu.core_type = #tpu.core_type<tc>, window_params = [{pipeline_mode = #tpu.pipeline_mode<synchronous>, transform_indices = @transform_0, window_bounds = array<i64: 10000, 64>}, {pipeline_mode = #tpu.pipeline_mode<synchronous>, transform_indices = @transform_1, window_bounds = array<i64: 10000, 1>}, {pipeline_mode = #tpu.pipeline_mode<synchronous>, transform_indices = @transform_2, window_bounds = array<i64: 5, 64, 64>}, {pipeline_mode = #tpu.pipeline_mode<synchronous>, transform_indices = @transform_3, window_bounds = array<i64: 1, 64>}, {pipeline_mode = #tpu.pipeline_mode<synchronous>, transform_indices = @transform_4, window_bounds = array<i64: 5, 64, 64>}, {pipeline_mode = #tpu.pipeline_mode<synchronous>, transform_indices = @transform_5, window_bounds = array<i64: 1, 64>}, {pipeline_mode = #tpu.pipeline_mode<synchronous>, transform_indices = @transform_6, window_bounds = array<i64: 128, 64>}, {pipeline_mode = #tpu.pipeline_mode<synchronous>, transform_indices = @transform_7, window_bounds = array<i64: 1, 64>}, {pipeline_mode = #tpu.pipeline_mode<synchronous>, transform_indices = @transform_8, window_bounds = array<i64: 10000, 64>}]} {
    %get3A = arith.constant 0 : index
    %get3A_0 = arith.constant 0 : index
    %get3A_1 = vector.load %arg1[%get3A, %get3A_0] : memref<10000x64xf32, #tpu.memory_space<vmem>>, vector<10000x64xf32>
    %get3A_2 = arith.constant 0 : index
    %get3A_3 = arith.constant 0 : index
    %get3A_4 = vector.load %arg2[%get3A_2, %get3A_3] : memref<10000x1xf32, #tpu.memory_space<vmem>>, vector<10000x1xf32>
    %mul3A = vector.broadcast %get3A_4 : vector<10000x1xf32> to vector<10000x64xf32>
    %mul3A_5 = arith.mulf %get3A_1, %mul3A : vector<10000x64xf32>
    %iota3A = tpu.iota {dimensions = array<i32: 0>} : vector<10000x1xi32>
    %broadcast_in_dim3A = arith.constant 0.000000e+00 : f32
    %broadcast_in_dim3A_6 = vector.broadcast %broadcast_in_dim3A : f32 to vector<10000x64xf32>
    %roll3A = arith.constant 2 : i32
    %roll3A_7 = tpu.dynamic_rotate %mul3A_5 by %roll3A dim 0 : vector<10000x64xf32>, i32 -> vector<10000x64xf32>
    %lt3A = arith.constant 2 : i32
    %lt3A_8 = vector.broadcast %lt3A : i32 to vector<10000x1xi32>
    %lt3A_9 = arith.cmpi slt, %iota3A, %lt3A_8 : vector<10000x1xi32>
    %jit3A = arith.constant 0.000000e+00 : f32
    %broadcast_in_dim3A_10 = vector.shape_cast %lt3A_9 : vector<10000x1xi1> to vector<10000x1xi1>
    %broadcast_in_dim3A_11 = vector.broadcast %broadcast_in_dim3A_10 : vector<10000x1xi1> to vector<10000x64xi1>
    %broadcast_in_dim3A_12 = vector.broadcast %jit3A : f32 to vector<10000x64xf32>
    %select_n3A = arith.select %broadcast_in_dim3A_11, %broadcast_in_dim3A_12, %roll3A_7 : vector<10000x64xi1>, vector<10000x64xf32>
    %get3A_13 = arith.constant 0 : index
    %get3A_14 = arith.constant 0 : index
    %get3A_15 = arith.constant 0 : index
    %get3A_16 = vector.load %arg3[%get3A_13, %get3A_14, %get3A_15] : memref<5x64x64xf32, #tpu.memory_space<vmem>>, vector<1x64x64xf32>
    %get3A_17 = vector.shape_cast %get3A_16 : vector<1x64x64xf32> to vector<64x64xf32>
    %dot_general3A = arith.constant dense<0.000000e+00> : vector<10000x64xf32>
    %dot_general3A_18 = tpu.matmul %select_n3A, %get3A_17, %dot_general3A {dimension_numbers = #tpu.dot_dimension_numbers<[1], [0], [0], [1], [0, 0, 1, 1], [], []>, transpose_lhs_hint = false} : vector<10000x64xf32>, vector<64x64xf32>, vector<10000x64xf32> -> vector<10000x64xf32>
    %add3A = arith.addf %broadcast_in_dim3A_6, %dot_general3A_18 : vector<10000x64xf32>
    %roll3A_19 = arith.constant 1 : i32
    %roll3A_20 = tpu.dynamic_rotate %mul3A_5 by %roll3A_19 dim 0 : vector<10000x64xf32>, i32 -> vector<10000x64xf32>
    %lt3A_21 = arith.constant 1 : i32
    %lt3A_22 = vector.broadcast %lt3A_21 : i32 to vector<10000x1xi32>
    %lt3A_23 = arith.cmpi slt, %iota3A, %lt3A_22 : vector<10000x1xi32>
    %jit3A_24 = arith.constant 0.000000e+00 : f32
    %broadcast_in_dim3A_25 = vector.shape_cast %lt3A_23 : vector<10000x1xi1> to vector<10000x1xi1>
    %broadcast_in_dim3A_26 = vector.broadcast %broadcast_in_dim3A_25 : vector<10000x1xi1> to vector<10000x64xi1>
    %broadcast_in_dim3A_27 = vector.broadcast %jit3A_24 : f32 to vector<10000x64xf32>
    %select_n3A_28 = arith.select %broadcast_in_dim3A_26, %broadcast_in_dim3A_27, %roll3A_20 : vector<10000x64xi1>, vector<10000x64xf32>
    %get3A_29 = arith.constant 1 : index
    %get3A_30 = arith.constant 0 : index
    %get3A_31 = arith.constant 0 : index
    %get3A_32 = vector.load %arg3[%get3A_29, %get3A_30, %get3A_31] : memref<5x64x64xf32, #tpu.memory_space<vmem>>, vector<1x64x64xf32>
    %get3A_33 = vector.shape_cast %get3A_32 : vector<1x64x64xf32> to vector<64x64xf32>
    %dot_general3A_34 = arith.constant dense<0.000000e+00> : vector<10000x64xf32>
    %dot_general3A_35 = tpu.matmul %select_n3A_28, %get3A_33, %dot_general3A_34 {dimension_numbers = #tpu.dot_dimension_numbers<[1], [0], [0], [1], [0, 0, 1, 1], [], []>, transpose_lhs_hint = false} : vector<10000x64xf32>, vector<64x64xf32>, vector<10000x64xf32> -> vector<10000x64xf32>
    %add3A_36 = arith.addf %add3A, %dot_general3A_35 : vector<10000x64xf32>
    %roll3A_37 = arith.constant 0 : i32
    %roll3A_38 = tpu.dynamic_rotate %mul3A_5 by %roll3A_37 dim 0 : vector<10000x64xf32>, i32 -> vector<10000x64xf32>
    %get3A_39 = arith.constant 2 : index
    %get3A_40 = arith.constant 0 : index
    %get3A_41 = arith.constant 0 : index
    %get3A_42 = vector.load %arg3[%get3A_39, %get3A_40, %get3A_41] : memref<5x64x64xf32, #tpu.memory_space<vmem>>, vector<1x64x64xf32>
    %get3A_43 = vector.shape_cast %get3A_42 : vector<1x64x64xf32> to vector<64x64xf32>
    %dot_general3A_44 = arith.constant dense<0.000000e+00> : vector<10000x64xf32>
    %dot_general3A_45 = tpu.matmul %roll3A_38, %get3A_43, %dot_general3A_44 {dimension_numbers = #tpu.dot_dimension_numbers<[1], [0], [0], [1], [0, 0, 1, 1], [], []>, transpose_lhs_hint = false} : vector<10000x64xf32>, vector<64x64xf32>, vector<10000x64xf32> -> vector<10000x64xf32>
    %add3A_46 = arith.addf %add3A_36, %dot_general3A_45 : vector<10000x64xf32>
    %roll3A_47 = arith.constant 9999 : i32
    %roll3A_48 = tpu.dynamic_rotate %mul3A_5 by %roll3A_47 dim 0 : vector<10000x64xf32>, i32 -> vector<10000x64xf32>
    %ge3A = arith.constant 9999 : i32
    %ge3A_49 = vector.broadcast %ge3A : i32 to vector<10000x1xi32>
    %ge3A_50 = arith.cmpi sge, %iota3A, %ge3A_49 : vector<10000x1xi32>
    %jit3A_51 = arith.constant 0.000000e+00 : f32
    %broadcast_in_dim3A_52 = vector.shape_cast %ge3A_50 : vector<10000x1xi1> to vector<10000x1xi1>
    %broadcast_in_dim3A_53 = vector.broadcast %broadcast_in_dim3A_52 : vector<10000x1xi1> to vector<10000x64xi1>
    %broadcast_in_dim3A_54 = vector.broadcast %jit3A_51 : f32 to vector<10000x64xf32>
    %select_n3A_55 = arith.select %broadcast_in_dim3A_53, %broadcast_in_dim3A_54, %roll3A_48 : vector<10000x64xi1>, vector<10000x64xf32>
    %get3A_56 = arith.constant 3 : index
    %get3A_57 = arith.constant 0 : index
    %get3A_58 = arith.constant 0 : index
    %get3A_59 = vector.load %arg3[%get3A_56, %get3A_57, %get3A_58] : memref<5x64x64xf32, #tpu.memory_space<vmem>>, vector<1x64x64xf32>
    %get3A_60 = vector.shape_cast %get3A_59 : vector<1x64x64xf32> to vector<64x64xf32>
    %dot_general3A_61 = arith.constant dense<0.000000e+00> : vector<10000x64xf32>
    %dot_general3A_62 = tpu.matmul %select_n3A_55, %get3A_60, %dot_general3A_61 {dimension_numbers = #tpu.dot_dimension_numbers<[1], [0], [0], [1], [0, 0, 1, 1], [], []>, transpose_lhs_hint = false} : vector<10000x64xf32>, vector<64x64xf32>, vector<10000x64xf32> -> vector<10000x64xf32>
    %add3A_63 = arith.addf %add3A_46, %dot_general3A_62 : vector<10000x64xf32>
    %roll3A_64 = arith.constant 9998 : i32
    %roll3A_65 = tpu.dynamic_rotate %mul3A_5 by %roll3A_64 dim 0 : vector<10000x64xf32>, i32 -> vector<10000x64xf32>
    %ge3A_66 = arith.constant 9998 : i32
    %ge3A_67 = vector.broadcast %ge3A_66 : i32 to vector<10000x1xi32>
    %ge3A_68 = arith.cmpi sge, %iota3A, %ge3A_67 : vector<10000x1xi32>
    %jit3A_69 = arith.constant 0.000000e+00 : f32
    %broadcast_in_dim3A_70 = vector.shape_cast %ge3A_68 : vector<10000x1xi1> to vector<10000x1xi1>
    %broadcast_in_dim3A_71 = vector.broadcast %broadcast_in_dim3A_70 : vector<10000x1xi1> to vector<10000x64xi1>
    %broadcast_in_dim3A_72 = vector.broadcast %jit3A_69 : f32 to vector<10000x64xf32>
    %select_n3A_73 = arith.select %broadcast_in_dim3A_71, %broadcast_in_dim3A_72, %roll3A_65 : vector<10000x64xi1>, vector<10000x64xf32>
    %get3A_74 = arith.constant 4 : index
    %get3A_75 = arith.constant 0 : index
    %get3A_76 = arith.constant 0 : index
    %get3A_77 = vector.load %arg3[%get3A_74, %get3A_75, %get3A_76] : memref<5x64x64xf32, #tpu.memory_space<vmem>>, vector<1x64x64xf32>
    %get3A_78 = vector.shape_cast %get3A_77 : vector<1x64x64xf32> to vector<64x64xf32>
    %dot_general3A_79 = arith.constant dense<0.000000e+00> : vector<10000x64xf32>
    %dot_general3A_80 = tpu.matmul %select_n3A_73, %get3A_78, %dot_general3A_79 {dimension_numbers = #tpu.dot_dimension_numbers<[1], [0], [0], [1], [0, 0, 1, 1], [], []>, transpose_lhs_hint = false} : vector<10000x64xf32>, vector<64x64xf32>, vector<10000x64xf32> -> vector<10000x64xf32>
    %add3A_81 = arith.addf %add3A_63, %dot_general3A_80 : vector<10000x64xf32>
    %get3A_82 = arith.constant 0 : index
    %get3A_83 = arith.constant 0 : index
    %get3A_84 = vector.load %arg4[%get3A_82, %get3A_83] : memref<1x64xf32, #tpu.memory_space<vmem>>, vector<1x64xf32>
    %add3A_85 = vector.broadcast %get3A_84 : vector<1x64xf32> to vector<10000x64xf32>
    %add3A_86 = arith.addf %add3A_81, %add3A_85 : vector<10000x64xf32>
    %max3A = arith.constant 0.000000e+00 : f32
    %max3A_87 = vector.broadcast %max3A : f32 to vector<10000x64xf32>
    %max3A_88 = arith.maximumf %add3A_86, %max3A_87 : vector<10000x64xf32>
    %broadcast_in_dim3A_89 = arith.constant 0.000000e+00 : f32
    %broadcast_in_dim3A_90 = vector.broadcast %broadcast_in_dim3A_89 : f32 to vector<10000x64xf32>
    %roll3A_91 = arith.constant 2 : i32
    %roll3A_92 = tpu.dynamic_rotate %max3A_88 by %roll3A_91 dim 0 : vector<10000x64xf32>, i32 -> vector<10000x64xf32>
    %lt3A_93 = arith.constant 2 : i32
    %lt3A_94 = vector.broadcast %lt3A_93 : i32 to vector<10000x1xi32>
    %lt3A_95 = arith.cmpi slt, %iota3A, %lt3A_94 : vector<10000x1xi32>
    %jit3A_96 = arith.constant 0.000000e+00 : f32
    %broadcast_in_dim3A_97 = vector.shape_cast %lt3A_95 : vector<10000x1xi1> to vector<10000x1xi1>
    %broadcast_in_dim3A_98 = vector.broadcast %broadcast_in_dim3A_97 : vector<10000x1xi1> to vector<10000x64xi1>
    %broadcast_in_dim3A_99 = vector.broadcast %jit3A_96 : f32 to vector<10000x64xf32>
    %select_n3A_100 = arith.select %broadcast_in_dim3A_98, %broadcast_in_dim3A_99, %roll3A_92 : vector<10000x64xi1>, vector<10000x64xf32>
    %get3A_101 = arith.constant 0 : index
    %get3A_102 = arith.constant 0 : index
    %get3A_103 = arith.constant 0 : index
    %get3A_104 = vector.load %arg5[%get3A_101, %get3A_102, %get3A_103] : memref<5x64x64xf32, #tpu.memory_space<vmem>>, vector<1x64x64xf32>
    %get3A_105 = vector.shape_cast %get3A_104 : vector<1x64x64xf32> to vector<64x64xf32>
    %dot_general3A_106 = arith.constant dense<0.000000e+00> : vector<10000x64xf32>
    %dot_general3A_107 = tpu.matmul %select_n3A_100, %get3A_105, %dot_general3A_106 {dimension_numbers = #tpu.dot_dimension_numbers<[1], [0], [0], [1], [0, 0, 1, 1], [], []>, transpose_lhs_hint = false} : vector<10000x64xf32>, vector<64x64xf32>, vector<10000x64xf32> -> vector<10000x64xf32>
    %add3A_108 = arith.addf %broadcast_in_dim3A_90, %dot_general3A_107 : vector<10000x64xf32>
    %roll3A_109 = arith.constant 1 : i32
    %roll3A_110 = tpu.dynamic_rotate %max3A_88 by %roll3A_109 dim 0 : vector<10000x64xf32>, i32 -> vector<10000x64xf32>
    %lt3A_111 = arith.constant 1 : i32
    %lt3A_112 = vector.broadcast %lt3A_111 : i32 to vector<10000x1xi32>
    %lt3A_113 = arith.cmpi slt, %iota3A, %lt3A_112 : vector<10000x1xi32>
    %jit3A_114 = arith.constant 0.000000e+00 : f32
    %broadcast_in_dim3A_115 = vector.shape_cast %lt3A_113 : vector<10000x1xi1> to vector<10000x1xi1>
    %broadcast_in_dim3A_116 = vector.broadcast %broadcast_in_dim3A_115 : vector<10000x1xi1> to vector<10000x64xi1>
    %broadcast_in_dim3A_117 = vector.broadcast %jit3A_114 : f32 to vector<10000x64xf32>
    %select_n3A_118 = arith.select %broadcast_in_dim3A_116, %broadcast_in_dim3A_117, %roll3A_110 : vector<10000x64xi1>, vector<10000x64xf32>
    %get3A_119 = arith.constant 1 : index
    %get3A_120 = arith.constant 0 : index
    %get3A_121 = arith.constant 0 : index
    %get3A_122 = vector.load %arg5[%get3A_119, %get3A_120, %get3A_121] : memref<5x64x64xf32, #tpu.memory_space<vmem>>, vector<1x64x64xf32>
    %get3A_123 = vector.shape_cast %get3A_122 : vector<1x64x64xf32> to vector<64x64xf32>
    %dot_general3A_124 = arith.constant dense<0.000000e+00> : vector<10000x64xf32>
    %dot_general3A_125 = tpu.matmul %select_n3A_118, %get3A_123, %dot_general3A_124 {dimension_numbers = #tpu.dot_dimension_numbers<[1], [0], [0], [1], [0, 0, 1, 1], [], []>, transpose_lhs_hint = false} : vector<10000x64xf32>, vector<64x64xf32>, vector<10000x64xf32> -> vector<10000x64xf32>
    %add3A_126 = arith.addf %add3A_108, %dot_general3A_125 : vector<10000x64xf32>
    %roll3A_127 = arith.constant 0 : i32
    %roll3A_128 = tpu.dynamic_rotate %max3A_88 by %roll3A_127 dim 0 : vector<10000x64xf32>, i32 -> vector<10000x64xf32>
    %get3A_129 = arith.constant 2 : index
    %get3A_130 = arith.constant 0 : index
    %get3A_131 = arith.constant 0 : index
    %get3A_132 = vector.load %arg5[%get3A_129, %get3A_130, %get3A_131] : memref<5x64x64xf32, #tpu.memory_space<vmem>>, vector<1x64x64xf32>
    %get3A_133 = vector.shape_cast %get3A_132 : vector<1x64x64xf32> to vector<64x64xf32>
    %dot_general3A_134 = arith.constant dense<0.000000e+00> : vector<10000x64xf32>
    %dot_general3A_135 = tpu.matmul %roll3A_128, %get3A_133, %dot_general3A_134 {dimension_numbers = #tpu.dot_dimension_numbers<[1], [0], [0], [1], [0, 0, 1, 1], [], []>, transpose_lhs_hint = false} : vector<10000x64xf32>, vector<64x64xf32>, vector<10000x64xf32> -> vector<10000x64xf32>
    %add3A_136 = arith.addf %add3A_126, %dot_general3A_135 : vector<10000x64xf32>
    %roll3A_137 = arith.constant 9999 : i32
    %roll3A_138 = tpu.dynamic_rotate %max3A_88 by %roll3A_137 dim 0 : vector<10000x64xf32>, i32 -> vector<10000x64xf32>
    %ge3A_139 = arith.constant 9999 : i32
    %ge3A_140 = vector.broadcast %ge3A_139 : i32 to vector<10000x1xi32>
    %ge3A_141 = arith.cmpi sge, %iota3A, %ge3A_140 : vector<10000x1xi32>
    %jit3A_142 = arith.constant 0.000000e+00 : f32
    %broadcast_in_dim3A_143 = vector.shape_cast %ge3A_141 : vector<10000x1xi1> to vector<10000x1xi1>
    %broadcast_in_dim3A_144 = vector.broadcast %broadcast_in_dim3A_143 : vector<10000x1xi1> to vector<10000x64xi1>
    %broadcast_in_dim3A_145 = vector.broadcast %jit3A_142 : f32 to vector<10000x64xf32>
    %select_n3A_146 = arith.select %broadcast_in_dim3A_144, %broadcast_in_dim3A_145, %roll3A_138 : vector<10000x64xi1>, vector<10000x64xf32>
    %get3A_147 = arith.constant 3 : index
    %get3A_148 = arith.constant 0 : index
    %get3A_149 = arith.constant 0 : index
    %get3A_150 = vector.load %arg5[%get3A_147, %get3A_148, %get3A_149] : memref<5x64x64xf32, #tpu.memory_space<vmem>>, vector<1x64x64xf32>
    %get3A_151 = vector.shape_cast %get3A_150 : vector<1x64x64xf32> to vector<64x64xf32>
    %dot_general3A_152 = arith.constant dense<0.000000e+00> : vector<10000x64xf32>
    %dot_general3A_153 = tpu.matmul %select_n3A_146, %get3A_151, %dot_general3A_152 {dimension_numbers = #tpu.dot_dimension_numbers<[1], [0], [0], [1], [0, 0, 1, 1], [], []>, transpose_lhs_hint = false} : vector<10000x64xf32>, vector<64x64xf32>, vector<10000x64xf32> -> vector<10000x64xf32>
    %add3A_154 = arith.addf %add3A_136, %dot_general3A_153 : vector<10000x64xf32>
    %roll3A_155 = arith.constant 9998 : i32
    %roll3A_156 = tpu.dynamic_rotate %max3A_88 by %roll3A_155 dim 0 : vector<10000x64xf32>, i32 -> vector<10000x64xf32>
    %ge3A_157 = arith.constant 9998 : i32
    %ge3A_158 = vector.broadcast %ge3A_157 : i32 to vector<10000x1xi32>
    %ge3A_159 = arith.cmpi sge, %iota3A, %ge3A_158 : vector<10000x1xi32>
    %jit3A_160 = arith.constant 0.000000e+00 : f32
    %broadcast_in_dim3A_161 = vector.shape_cast %ge3A_159 : vector<10000x1xi1> to vector<10000x1xi1>
    %broadcast_in_dim3A_162 = vector.broadcast %broadcast_in_dim3A_161 : vector<10000x1xi1> to vector<10000x64xi1>
    %broadcast_in_dim3A_163 = vector.broadcast %jit3A_160 : f32 to vector<10000x64xf32>
    %select_n3A_164 = arith.select %broadcast_in_dim3A_162, %broadcast_in_dim3A_163, %roll3A_156 : vector<10000x64xi1>, vector<10000x64xf32>
    %get3A_165 = arith.constant 4 : index
    %get3A_166 = arith.constant 0 : index
    %get3A_167 = arith.constant 0 : index
    %get3A_168 = vector.load %arg5[%get3A_165, %get3A_166, %get3A_167] : memref<5x64x64xf32, #tpu.memory_space<vmem>>, vector<1x64x64xf32>
    %get3A_169 = vector.shape_cast %get3A_168 : vector<1x64x64xf32> to vector<64x64xf32>
    %dot_general3A_170 = arith.constant dense<0.000000e+00> : vector<10000x64xf32>
    %dot_general3A_171 = tpu.matmul %select_n3A_164, %get3A_169, %dot_general3A_170 {dimension_numbers = #tpu.dot_dimension_numbers<[1], [0], [0], [1], [0, 0, 1, 1], [], []>, transpose_lhs_hint = false} : vector<10000x64xf32>, vector<64x64xf32>, vector<10000x64xf32> -> vector<10000x64xf32>
    %add3A_172 = arith.addf %add3A_154, %dot_general3A_171 : vector<10000x64xf32>
    %get3A_173 = arith.constant 0 : index
    %get3A_174 = arith.constant 0 : index
    %get3A_175 = vector.load %arg6[%get3A_173, %get3A_174] : memref<1x64xf32, #tpu.memory_space<vmem>>, vector<1x64xf32>
    %add3A_176 = vector.broadcast %get3A_175 : vector<1x64xf32> to vector<10000x64xf32>
    %add3A_177 = arith.addf %add3A_172, %add3A_176 : vector<10000x64xf32>
    %get3A_178 = arith.constant 0 : index
    %get3A_179 = arith.constant 0 : index
    %get3A_180 = vector.load %arg7[%get3A_178, %get3A_179] : memref<128x64xf32, #tpu.memory_space<vmem>>, vector<64x64xf32>
    %dot_general3A_181 = arith.constant dense<0.000000e+00> : vector<10000x64xf32>
    %dot_general3A_182 = tpu.matmul %get3A_1, %get3A_180, %dot_general3A_181 {dimension_numbers = #tpu.dot_dimension_numbers<[1], [0], [0], [1], [0, 0, 1, 1], [], []>, transpose_lhs_hint = false} : vector<10000x64xf32>, vector<64x64xf32>, vector<10000x64xf32> -> vector<10000x64xf32>
    %get3A_183 = arith.constant 64 : index
    %get3A_184 = arith.constant 0 : index
    %get3A_185 = vector.load %arg7[%get3A_183, %get3A_184] : memref<128x64xf32, #tpu.memory_space<vmem>>, vector<64x64xf32>
    %dot_general3A_186 = arith.constant dense<0.000000e+00> : vector<10000x64xf32>
    %dot_general3A_187 = tpu.matmul %add3A_177, %get3A_185, %dot_general3A_186 {dimension_numbers = #tpu.dot_dimension_numbers<[1], [0], [0], [1], [0, 0, 1, 1], [], []>, transpose_lhs_hint = false} : vector<10000x64xf32>, vector<64x64xf32>, vector<10000x64xf32> -> vector<10000x64xf32>
    %add3A_188 = arith.addf %dot_general3A_182, %dot_general3A_187 : vector<10000x64xf32>
    %get3A_189 = arith.constant 0 : index
    %get3A_190 = arith.constant 0 : index
    %get3A_191 = vector.load %arg8[%get3A_189, %get3A_190] : memref<1x64xf32, #tpu.memory_space<vmem>>, vector<1x64xf32>
    %add3A_192 = vector.broadcast %get3A_191 : vector<1x64xf32> to vector<10000x64xf32>
    %add3A_193 = arith.addf %add3A_188, %add3A_192 : vector<10000x64xf32>
    %swap3A = arith.constant 0 : index
    %swap3A_194 = arith.constant 0 : index
    %swap3A_195 = vector.load %arg9[%swap3A, %swap3A_194] : memref<10000x64xf32, #tpu.memory_space<vmem>>, vector<10000x64xf32>
    tpu.vector_store %arg9[%swap3A, %swap3A_194], %add3A_193 {strides = array<i32>} : memref<10000x64xf32, #tpu.memory_space<vmem>>, vector<10000x64xf32>,
    return
  }
  func.func @transform_0(%arg0: i32) -> (i32, i32) {
    %c0_i32 = arith.constant 0 : i32
    %c0_i32_0 = arith.constant 0 : i32
    %c0_i32_1 = arith.constant 0 : i32
    return %c0_i32, %c0_i32_0 : i32, i32
  }
  func.func @transform_1(%arg0: i32) -> (i32, i32) {
    %c0_i32 = arith.constant 0 : i32
    %c0_i32_0 = arith.constant 0 : i32
    %c0_i32_1 = arith.constant 0 : i32
    return %c0_i32, %c0_i32_0 : i32, i32
  }
  func.func @transform_2(%arg0: i32) -> (i32, i32, i32) {
    %c0_i32 = arith.constant 0 : i32
    %c0_i32_0 = arith.constant 0 : i32
    %c0_i32_1 = arith.constant 0 : i32
    %c0_i32_2 = arith.constant 0 : i32
    return %c0_i32, %c0_i32_0, %c0_i32_1 : i32, i32, i32
  }
  func.func @transform_3(%arg0: i32) -> (i32, i32) {
    %c0_i32 = arith.constant 0 : i32
    %c0_i32_0 = arith.constant 0 : i32
    %c0_i32_1 = arith.constant 0 : i32
    return %c0_i32, %c0_i32_0 : i32, i32
  }
  func.func @transform_4(%arg0: i32) -> (i32, i32, i32) {
    %c0_i32 = arith.constant 0 : i32
    %c0_i32_0 = arith.constant 0 : i32
    %c0_i32_1 = arith.constant 0 : i32
    %c0_i32_2 = arith.constant 0 : i32
    return %c0_i32, %c0_i32_0, %c0_i32_1 : i32, i32, i32
  }
  func.func @transform_5(%arg0: i32) -> (i32, i32) {
    %c0_i32 = arith.constant 0 : i32
    %c0_i32_0 = arith.constant 0 : i32
    %c0_i32_1 = arith.constant 0 : i32
    return %c0_i32, %c0_i32_0 : i32, i32
  }
  func.func @transform_6(%arg0: i32) -> (i32, i32) {
    %c0_i32 = arith.constant 0 : i32
    %c0_i32_0 = arith.constant 0 : i32
    %c0_i32_1 = arith.constant 0 : i32
    return %c0_i32, %c0_i32_0 : i32, i32
  }
  func.func @transform_7(%arg0: i32) -> (i32, i32) {
    %c0_i32 = arith.constant 0 : i32
    %c0_i32_0 = arith.constant 0 : i32
    %c0_i32_1 = arith.constant 0 : i32
    return %c0_i32, %c0_i32_0 : i32, i32
  }
  func.func @transform_8(%arg0: i32) -> (i32, i32) {
    %c0_i32 = arith.constant 0 : i32
    %c0_i32_0 = arith.constant 0 : i32
    %c0_i32_1 = arith.constant 0 : i32
    return %c0_i32, %c0_i32_0 : i32, i32
  }
}

</mosaic_0001>

<sc_bundles>
// kernel: kernel.11.cloned.1.call-start
scs
__scs_entry_jumppad:
0x0: {  	(pc) =	sbr.rel $0x88, $3  }
0x1: {  	(tag) =	ssettag $0x0;
	lr =	simm.s32 $0x1  }
0x2: {  	[smem:$0x3F93] =	sst lr;
	_ =	strace $0xD0000000  }
0x3: {  	_ = 	snop  }
0x4: {  	_ = 	snop  }
0x5: {  	_ = 	snop  }
0x6: {  	_ = 	snop  }
0x7: {  	_ = 	snop  }
__scs_overlays_trampoline_lowered:
0x8: {  	[smem:$0x3FA2] =	sst s0  }
0x9: {  	[smem:$0x3FA3] =	sst s1  }
0xa: {  	[smem:$0x3FA4] =	sst s2  }
0xb: {  	[smem:$0x3FA5] =	sst s3  }
0xc: {  	[smem:$0x3FA6] =	sst s4  }
0xd: {  	[smem:$0x3FA7] =	sst s5  }
0xe: {  	[smem:$0x3FA8] =	sst s6  }
0xf: {  	[smem:$0x3FA9] =	sst s7  }
0x10: {  	[smem:$0x3FAA] =	sst s8  }
0x11: {  	[smem:$0x3FAB] =	sst s9;
	s0 =	simm.s32 @!p0 $0x0  }
0x12: {  	s1 =	sld [smem:$0x3F91];
	s0 =	simm.s32 @p0 $0x1  }
0x13: {  	[smem:$0x3FAC] =	sst s0;
	s0 =	simm.s32 @!p1 $0x0  }
0x14: {  	s2 =	sld [smem:$0x3F90];
	s0 =	simm.s32 @p1 $0x1  }
0x15: {  	[smem:$0x3FAD] =	sst s0;
	s0 =	simm.s32 @!p2 $0x0  }
0x16: {  	s3 =	sld [smem:$0x3FDB];
	s0 =	simm.s32 @p2 $0x1  }
0x17: {  	s4 =	simm.s32 $0x1BF5;
	[smem:$0x3FAF] =	sst s0  }
0x18: {  	s0 =	sld [smem:$0x3F92];
	_ =	swait.ge [sflag:s4], $0x0  }
0x19: {  	s7 =	sld [smem:$0x3F93]  }
0x1a: {  	s8 =	sadd.s32 $0xFFFFE003, lr  }
0x1b: {  	s9 =	sadd.s32 $0xFFFFFEF7, lr;
	s5 =	simm.s32 $0xFFFFFFFF;
	p2 =	slt.u32 s8, $0xFFFFF086  }
0x1c: {  	p1 =	slt.u32 s9, $0xF7A;
	s5 =	simm.s32 @!p2 $0x0  }
0x1d: {  	s5 =	simm.s32 @p1 $0x1;
	p0 =	seq.s32 s7, s2  }
0x1e: {  	s7 =	smul.u32 @!p0 $0xF7A, s2;
	p2 =	seq.s32 @!p0 s5, $0x0  }
0x1f: {  	s9 =	smul.u32 $0xF7A, s1;
	s8 =	simm.s32 @!p0 $0x1BF5;
	p2 =	por !p2, p0  }
0x20: {  	[sflag:s8] =	ssyncset.s32 @!p0 $0xFFFFF086;
	s6 =	sadd.s32 @!p0 s3, s7;
	s7 =	simm.s32 @!p0 $0x108  }
0x21: {  	s3 =	sadd.s32 s3, s9;
	s6 =	sadd.s32 @!p0 $0x88, s6;
	s7 =	simm.s32 @p2 $0x1082  }
0x22: {  	[simem:s7], [sflag:s8] =	dma.local @!p0 [hbm:s6], $0xF7A  }
0x23: {  	s9 =	sor.u32 $0xD0000000, s2;
	s6 =	simm.s32 $0x108;
	_ =	swait.ge @!p0 [sflag:s8], $0x0  }
0x24: {  	s3 =	sadd.s32 $0x88, s3;
	s6 =	simm.s32 @!p1 $0x1082;
	[sflag:s4] =	ssyncset.s32 $0xFFFFF086  }
0x25: {  	[simem:s6], [sflag:s4] =	dma.local [hbm:s3], $0xF7A  }
0x26: {  	[smem:$0x3F93] =	sst s1;
	(tag) =	ssettag s2;
	_ =	strace s9  }
0x27: {  	s1 =	sld [smem:$0x3FA3]  }
0x28: {  	s2 =	sld [smem:$0x3FA4]  }
0x29: {  	s4 =	sld [smem:$0x3FA6]  }
0x2a: {  	p0 =	seq.s32 s5, $0x0;
	s5 =	sld [smem:$0x3FA7]  }
0x2b: {  	s6 =	sld [smem:$0x3FA8]  }
0x2c: {  	s7 =	sld [smem:$0x3FA9]  }
0x2d: {  	s3 =	simm.s32 $0x108;
	s8 =	sld [smem:$0x3FAA]  }
0x2e: {  	s3 =	simm.s32 @!p0 $0x1082;
	s9 =	sld [smem:$0x3FAB]  }
0x2f: {  	lr =	sadd.s32 s0, s3;
	s0 =	sld [smem:$0x3FA2]  }
0x30: {  	s3 =	sld [smem:$0x3FA5]  }
0x31: {  	[smem:$0x3FAE] =	sst s10  }
0x32: {  	s10 =	sld [smem:$0x3FAC];
	_ =	sdelay $0x3  }
0x33: {  	p0 =	seq.s32 s10, $0x1;
	s10 =	sld [smem:$0x3FAE];
	_ =	sdelay $0x3  }
0x34: {  	[smem:$0x3FAE] =	sst s10  }
0x35: {  	s10 =	sld [smem:$0x3FAD];
	_ =	sdelay $0x3  }
0x36: {  	p1 =	seq.s32 s10, $0x1;
	s10 =	sld [smem:$0x3FAE];
	_ =	sdelay $0x3  }
0x37: {  	[smem:$0x3FAE] =	sst s10  }
0x38: {  	s10 =	sld [smem:$0x3FAF]  }
0x39: {  	_ = 	snop;
	(pc) =	sbr.ind lr, $3  }
0x3a: {  	_ = 	snop  }
0x3b: {  	_ = 	snop  }
0x3c: {  	p2 =	seq.s32 s10, $0x1;
	s10 =	sld [smem:$0x3FAE]  }
0x3d: {  	_ =	shalt  }
0x3e: {  	_ =	shalt  }
0x3f: {  	_ =	shalt  }
0x40: {  	_ =	shalt  }
0x41: {  	_ =	shalt  }
0x42: {  	_ =	shalt  }
0x43: {  	_ =	shalt  }
0x44: {  	_ =	shalt  }
0x45: {  	_ =	shalt  }
0x46: {  	_ =	shalt  }
0x47: {  	_ =	shalt  }
0x48: {  	_ =	shalt  }
0x49: {  	_ =	shalt  }
0x4a: {  	_ =	shalt  }
0x4b: {  	_ =	shalt  }
0x4c: {  	_ =	shalt  }
0x4d: {  	_ =	shalt  }
0x4e: {  	_ =	shalt  }
0x4f: {  	_ =	shalt  }
0x50: {  	_ =	shalt  }
0x51: {  	_ =	shalt  }
0x52: {  	_ =	shalt  }
0x53: {  	_ =	shalt  }
0x54: {  	_ =	shalt  }
0x55: {  	_ =	shalt  }
0x56: {  	_ =	shalt  }
0x57: {  	_ =	shalt  }
0x58: {  	_ =	shalt  }
0x59: {  	_ =	shalt  }
0x5a: {  	_ =	shalt  }
0x5b: {  	_ =	shalt  }
0x5c: {  	_ =	shalt  }
0x5d: {  	_ =	shalt  }
0x5e: {  	_ =	shalt  }
0x5f: {  	_ =	shalt  }
0x60: {  	_ =	shalt  }
0x61: {  	_ =	shalt  }
0x62: {  	_ =	shalt  }
0x63: {  	_ =	shalt  }
0x64: {  	_ =	shalt  }
0x65: {  	_ =	shalt  }
0x66: {  	_ =	shalt  }
0x67: {  	_ =	shalt  }
0x68: {  	_ =	shalt  }
0x69: {  	_ =	shalt  }
0x6a: {  	_ =	shalt  }
0x6b: {  	_ =	shalt  }
0x6c: {  	_ =	shalt  }
0x6d: {  	_ =	shalt  }
0x6e: {  	_ =	shalt  }
0x6f: {  	_ =	shalt  }
0x70: {  	_ =	shalt  }
0x71: {  	_ =	shalt  }
0x72: {  	_ =	shalt  }
0x73: {  	_ =	shalt  }
0x74: {  	_ =	shalt  }
0x75: {  	_ =	shalt  }
0x76: {  	_ =	shalt  }
0x77: {  	_ =	shalt  }
0x78: {  	_ =	shalt  }
0x79: {  	_ =	shalt  }
0x7a: {  	_ =	shalt  }
0x7b: {  	_ =	shalt  }
0x7c: {  	_ =	shalt  }
0x7d: {  	_ =	shalt  }
0x7e: {  	_ =	shalt  }
0x7f: {  	_ =	shalt  }
0x80: {  	_ =	shalt  }
0x81: {  	_ =	shalt  }
0x82: {  	_ =	shalt  }
0x83: {  	_ =	shalt  }
0x84: {  	_ =	shalt  }
0x85: {  	_ =	shalt  }
0x86: {  	_ =	shalt  }
0x87: {  	_ =	shalt  }
.Lfunc_end0:
.L_simem_size_0:
called_computation_lowered:
.L_overlay_start_0:
0x88: {  	s2 =	sld [smem:$0x3FD9]  }
0x89: {  	s3 =	sld [smem:$0x3FFE];
	_ =	sdelay $0x1  }
0x8a: {  	s1 =	srdreg.scid  }
0x8b: {  	s0 =	sand.u32 $0x1, s1  }
0x8c: {  	s17 =	sshll.u32 s0, $0xA;
	s2 =	sadd.s32 s3, s2  }
0x8d: {  	s2 =	sadd.s32 s2, s17  }
0x8e: {  	[smem:$0x3FBA] =	sst s2  }
0x8f: {  	_ = 	snop  }
0x90: {  	s2 =	sld [smem:$0x3FD0];
	(tm) =	ssettm $0x1  }
0x91: {  	s18 =	sld [smem:$0x3FFB];
	_ =	sdelay $0x3  }
0x92: {  	_ =	strace s18  }
0x93: {  	s3 =	sld [smem:$0x3FFC];
	_ =	sdelay $0x3  }
0x94: {  	_ =	strace s3  }
0x95: {  	s3 =	sld [smem:$0x3FFD];
	_ =	sdelay $0x3  }
0x96: {  	_ =	strace s3  }
0x97: {  	_ =	strace $0x8FFFFFFF  }
0x98: {  	s19 =	sld [smem:$0x3FDB];
	_ =	sdelay $0x1  }
0x99: {  	s4 =	simm.s32 $_scs_section_size  }
0x9a: {  	s5 =	simm.s32 $_size__tile_overlayer_lowered;
	s6 =	simm.s32 $_tile_overlayer_lowered  }
0x9b: {  	s22 =	simm.s32 $0x1BFF;
	s21 =	sshll.u32 s6, $0x1;
	s3 =	sadd.s32 s4, s19  }
0x9c: {  	s7 =	simm.s32 $0x0;
	s20 =	sshll.u32 s5, $0x1;
	s5 =	sadd.s32 s21, s3  }
0x9d: {  	[timem:s7], [sflag:s22] =	dma.local [hbm:s5], s20  }
0x9e: {  	_ =	swait.ge [sflag:s22], s20  }
0x9f: {  	s4 =	ssub.s32 $0x0, s20;
	[sflag:s22] =	ssyncset.done $0x0  }
0xa0: {  	[sflag:s22] =	ssyncadd.s32 s4;
	_ =	sdelay $0x1  }
0xa1: {  	s23 =	simm.s32 $0x1B8B  }
0xa2: {  	_ =	swait.ge [sflag:s23], $0x1  }
0xa3: {  	[sflag:s23] =	ssyncset.done $0x0  }
0xa4: {  	s25 =	simm.s32 $0x1B8E;
	s24 =	sld [smem:$0x3FFE];
	[sflag:s23] =	ssyncadd.s32 $0xFFFFFFFF  }
0xa5: {  	s26 =	simm.s32 $execute0_lowered;
	[smem:$0x3FD2] =	sst s25  }
0xa6: {  	s5 =	sshll.u32 s26, $0x1;
	_ =	strace $0x80000046;
	[dreg:$0x1] =	wrdreg $0xFFFFFFFF  }
0xa7: {  	s28 =	simm.s32 $_size_execute0_lowered;
	s3 =	sadd.s32 s3, s5;
	[dreg:$0x0] =	wrdreg $0x0  }
0xa8: {  	s5 =	sshll.u32 s28, $0x1;
	[dreg:$0x2] =	wrdreg s3  }
0xa9: {  	[dreg:$0x3] =	wrdreg s5  }
0xaa: {  	[dreg:$0x4] =	wrdreg $0xC0  }
0xab: {  	_ =	task [dreg:s7], $0x5FFFF  }
0xac: {  	[dreg:$0x1] =	wrdreg $0xFFFFFFFF  }
0xad: {  	[dreg:$0x0] =	wrdreg $0x60  }
0xae: {  	[dreg:$0x2] =	wrdreg s2  }
0xaf: {  	[dreg:$0x3] =	wrdreg s24  }
0xb0: {  	[dreg:$0x4] =	wrdreg $0x41000  }
0xb1: {  	[dreg:$0x5] =	wrdreg $0x9  }
0xb2: {  	_ =	task.clear_ibuf [dreg:s7], $0x6FFFF;
	_ =	strace $0x90000046  }
0xb3: {  	s29 =	simm.s32 $0x9;
	_ =	strace $0x80000048  }
0xb4: {  	_ =	swait.ge [sflag:s29], $0x1  }
0xb5: {  	[sflag:s29] =	ssyncadd.s32 $0xFFFFFFFF  }
0xb6: {  	_ =	strace $0x90000048  }
0xb7: {  	_ =	sfence  }
0xb8: {  	s30 =	sld [smem:$0x0];
	_ =	sdelay $0x2  }
0xb9: {  	s31 =	sshll.u32 s1, $0xD;
	s1 =	sshrl.u32 s1, $0x2  }
0xba: {  	s3 =	sand.u32 $0x4000, s31;
	s1 =	sadd.s32 s1, s30  }
0xbb: {  	s0 =	sor.u32 s3, s0;
	s1 =	sshll.u32 s1, $0x11  }
0xbc: {  	s0 =	sor.u32 s1, s0  }
0xbd: {  	s0 =	sadd.s32 $0x8F2B, s0  }
0xbe: {  	[sflag:s0] =	ssyncadd.remote.s32 $0x1  }
0xbf: {  	_ =	sfence.sel $0xFFFF  }
0xc0: {  	[dreg:$0x0] =	wrdreg $0xFFFFFFFF;
	(pc) =	sbr.abs _section_cstart, $3  }
0xc1: {  	[dreg:$0x1] =	wrdreg $0xFFFFFFFF  }
0xc2: {  	_ =	task.clear_ibuf [dreg:s7], $0x2FFFF;
	_ =	strace $0x9FFFFFFF  }
0xc3: {  	(tm) =	ssettm $0x7FFFFFFF  }
tec
execute0_lowered:
.L_overlay_start_1:
0x0: {  	(tag) =	ssettag $0x1  }
0x1: {  	s12 =	rddreg [dreg:$0x0]  }
0x2: {  	s5 =	rddreg [dreg:$0x1];
	s1 =	srdreg.scid  }
0x3: {  	s0 =	stileid.u32;
	s2 =	rddreg [dreg:$0x2]  }
0x4: {  	s3 =	simm.s32 $0x0;
	s22 =	simm.s32 $0x4080;
	s23 =	simm.s32 $0x1  }
0x5: {  	s24 =	simm.s32 $0x50;
	s25 =	simm.s32 $0x4000;
	s26 =	simm.s32 $0x0  }
0x6: {  	s13 =	sand.u32 $0x1, s1;
	s4 =	smul.u32 $0x280, s0;
	s1 =	rddreg [dreg:$0x3]  }
0x7: {  	[smem:$0x7FF] =	sst s3;
	s14 =	sshll.u32 s0, $0xB;
	s6 =	smul.u32 $0x2800, s13  }
0x8: {  	s7 =	ssub.s32 $0x2, s13;
	s13 =	sshll.u32 s13, $0xF;
	s12 =	sadd.s32 s12, s14  }
0x9: {  	_ =	strace $0x80000047;
	s8 =	sshrl.u32 s7, $0x1;
	s12 =	sadd.s32 s13, s12  }
0xa: {  	s6 =	sadd.s32 s4, s6;
	s4 =	sadd.s32 s4, s2;
	s21 =	ssub.s32 s7, s8  }
0xb: {  	s6 =	sshrl.u32 s6, $0x3;
	s7 =	sadd.s32 $0xF0, s4;
	s8 =	sadd.s32 $0x140, s4  }
0xc: {  	s9 =	sadd.s32 $0x190, s4;
	s10 =	sadd.s32 $0x1E0, s4;
	s11 =	sadd.s32 $0x230, s4  }
0xd: {  	s21 =	smax.u32 s21, $0x1;
	s20 =	sadd.s32 s6, s5;
	s5 =	sadd.s32 $0x50, s4  }
0xe: {  	s6 =	sadd.s32 $0xA0, s4;
	s13 =	sadd.s32 $0x13C00, s20;
	s14 =	sadd.s32 $0x13C0A, s20  }
0xf: {  	s15 =	sadd.s32 $0x13C14, s20;
	s16 =	sadd.s32 $0x13C1E, s20;
	s17 =	sadd.s32 $0x13C28, s20  }
0x10: {  	v0 =	vimm.f32 $1.000000000e+00;
	v1 =	vimm.f32 $0.0e+00;
	s18 =	sadd.s32 $0x13C32, s20;
	s19 =	sadd.s32 $0x13C3C, s20;
	s20 =	sadd.s32 $0x13C46, s20  }
.LBB2_1:
0x11: {  	[tilespmem:$0x4000] =	vst v0  }
0x12: {  	[tilespmem:$0x4080] =	vst v1  }
0x13: {  	[tilespmem:$0x4010] =	vst v0  }
0x14: {  	[tilespmem:$0x4090] =	vst v1  }
0x15: {  	[tilespmem:$0x4020] =	vst v0  }
0x16: {  	[tilespmem:$0x40A0] =	vst v1  }
0x17: {  	[tilespmem:$0x4030] =	vst v0  }
0x18: {  	[tilespmem:$0x40B0] =	vst v1  }
0x19: {  	[tilespmem:$0x4040] =	vst v0  }
0x1a: {  	[tilespmem:$0x40C0] =	vst v1  }
0x1b: {  	[spmem:s4] =	stream.linear.scatter [tilespmem:s22], [sflag:$0x1], $0x50, $0x38;
	[tilespmem:$0x4380] =	vst v63  }
0x1c: {  	_ =	swait.ge [sflag:s23], $0x50  }
0x1d: {  	[sflag:s23] =	ssyncset.done $0x0  }
0x1e: {  	[sflag:s23] =	ssyncadd.s32 $0xFFFFFFB0  }
0x1f: {  	[spmem:s5] =	stream.linear.scatter [tilespmem:s22], [sflag:$0x1], $0x50, $0x38;
	[tilespmem:$0x4380] =	vst v63  }
0x20: {  	_ =	swait.ge [sflag:s23], $0x50  }
0x21: {  	[sflag:s23] =	ssyncset.done $0x0  }
0x22: {  	[sflag:s23] =	ssyncadd.s32 $0xFFFFFFB0  }
0x23: {  	[spmem:s6] =	stream.linear.scatter [tilespmem:s22], [sflag:$0x1], $0x50, $0x38;
	[tilespmem:$0x4380] =	vst v63  }
0x24: {  	_ =	swait.ge [sflag:s23], $0x50  }
0x25: {  	[sflag:s23] =	ssyncset.done $0x0  }
0x26: {  	[sflag:s23] =	ssyncadd.s32 $0xFFFFFFB0  }
0x27: {  	[spmem:s7] =	stream.linear.scatter [tilespmem:s22], [sflag:$0x1], $0x50, $0x38;
	[tilespmem:$0x4380] =	vst v63  }
0x28: {  	_ =	swait.ge [sflag:s23], $0x50  }
0x29: {  	[sflag:s23] =	ssyncset.done $0x0  }
0x2a: {  	[sflag:s23] =	ssyncadd.s32 $0xFFFFFFB0  }
0x2b: {  	[spmem:s8] =	stream.linear.scatter [tilespmem:s22], [sflag:$0x1], $0x50, $0x38;
	[tilespmem:$0x4380] =	vst v63  }
0x2c: {  	_ =	swait.ge [sflag:s23], $0x50  }
0x2d: {  	[sflag:s23] =	ssyncset.done $0x0  }
0x2e: {  	[sflag:s23] =	ssyncadd.s32 $0xFFFFFFB0  }
0x2f: {  	[spmem:s9] =	stream.linear.scatter [tilespmem:s22], [sflag:$0x1], $0x50, $0x38;
	[tilespmem:$0x4380] =	vst v63  }
0x30: {  	_ =	swait.ge [sflag:s23], $0x50  }
0x31: {  	[sflag:s23] =	ssyncset.done $0x0  }
0x32: {  	[sflag:s23] =	ssyncadd.s32 $0xFFFFFFB0  }
0x33: {  	[spmem:s10] =	stream.linear.scatter [tilespmem:s22], [sflag:$0x1], $0x50, $0x38;
	[tilespmem:$0x4380] =	vst v63  }
0x34: {  	_ =	swait.ge [sflag:s23], $0x50  }
0x35: {  	[sflag:s23] =	ssyncset.done $0x0  }
0x36: {  	[sflag:s23] =	ssyncadd.s32 $0xFFFFFFB0  }
0x37: {  	[spmem:s11] =	stream.linear.scatter [tilespmem:s22], [sflag:$0x1], $0x50, $0x38;
	[tilespmem:$0x4380] =	vst v63  }
0x38: {  	_ =	swait.ge [sflag:s23], $0x50  }
0x39: {  	[sflag:s23] =	ssyncset.done $0x0  }
0x3a: {  	[sflag:s23] =	ssyncadd.s32 $0xFFFFFFB0  }
0x3b: {  	[tilespmem:s3], [sflag:$0x1] =	stream.linear.gather [hbm4b:s12+s3], $0x3E80, $0x38;
	[tilespmem:$0x4380] =	vst v63  }
0x3c: {  	_ =	swait.ge [sflag:s23], $0x3E80  }
0x3d: {  	[sflag:s23] =	ssyncset.done $0x0  }
0x3e: {  	[sflag:s23] =	ssyncadd.s32 $0xFFFFC180  }
0x3f: {  	s28 =	simm.s32 $0x0;
	[bflag:$0x0] =	sbarrier.arrive $0xFFFF  }
0x40: {  	[spmem:s2] =	stream.indirect.scatter.add.f32 [tilespmem:s25], [sflag:$0x1], $0x1, s28, s24, $0xb8;
	[tilespmem:$0x4380] =	vst v63  }
0x41: {  	_ =	swait.ge [sflag:s23], $0x50  }
0x42: {  	s28 =	simm.s32 $0x200;
	[sflag:s23] =	ssyncset.done $0x0  }
.LBB2_2:
0x43: {  	s29 =	sshra.s32 s28, $0x2;
	[sflag:s23] =	ssyncadd.s32 $0xFFFFFFB0;
	p0 =	sne.s32 s28, $0xF800  }
0x44: {  	[spmem:s2] =	stream.indirect.scatter.add.f32 [tilespmem:s25], [sflag:$0x1], $0x1, s29, s24, $0xb8;
	[tilespmem:$0x4380] =	vst v63  }
.Ltmp0:
0x45: {  	_ = 	snop;
	(pc) =	sbr.rel @p0 .LBB2_2-.Ltmp0, $4  }
0x46: {  	_ = 	snop  }
0x47: {  	s28 =	sadd.s32 $0x200, s28  }
0x48: {  	_ =	swait.ge [sflag:s23], $0x50  }
0x49: {  	[sflag:s23] =	ssyncset.done $0x0  }
0x4a: {  	[sflag:s23] =	ssyncadd.s32 $0xFFFFFFB0  }
0x4b: {  	[bflag:$0x0] =	sbarrier.arrive $0xFFFF  }
0x4c: {  	[tilespmem:s22], [sflag:$0x1] =	stream.linear.gather [spmem:s4], $0x50, $0x38;
	[tilespmem:$0x4380] =	vst v63  }
0x4d: {  	_ =	swait.ge [sflag:s23], $0x50  }
0x4e: {  	[sflag:s23] =	ssyncset.done $0x0  }
0x4f: {  	[sflag:s23] =	ssyncadd.s32 $0xFFFFFFB0  }
0x50: {  	[hbm4b:s13+s3] =	stream.linear.scatter [tilespmem:s22], [sflag:$0x1], $0x50, $0x38;
	[tilespmem:$0x4380] =	vst v63  }
0x51: {  	_ =	swait.ge [sflag:s23], $0x50  }
0x52: {  	[sflag:s23] =	ssyncset.done $0x0  }
0x53: {  	[sflag:s23] =	ssyncadd.s32 $0xFFFFFFB0  }
0x54: {  	[tilespmem:s22], [sflag:$0x1] =	stream.linear.gather [spmem:s5], $0x50, $0x38;
	[tilespmem:$0x4380] =	vst v63  }
0x55: {  	_ =	swait.ge [sflag:s23], $0x50  }
0x56: {  	[sflag:s23] =	ssyncset.done $0x0  }
0x57: {  	[sflag:s23] =	ssyncadd.s32 $0xFFFFFFB0  }
0x58: {  	[hbm4b:s14+s3] =	stream.linear.scatter [tilespmem:s22], [sflag:$0x1], $0x50, $0x38;
	[tilespmem:$0x4380] =	vst v63  }
0x59: {  	_ =	swait.ge [sflag:s23], $0x50  }
0x5a: {  	[sflag:s23] =	ssyncset.done $0x0  }
0x5b: {  	[sflag:s23] =	ssyncadd.s32 $0xFFFFFFB0  }
0x5c: {  	[tilespmem:s22], [sflag:$0x1] =	stream.linear.gather [spmem:s6], $0x50, $0x38;
	[tilespmem:$0x4380] =	vst v63  }
0x5d: {  	_ =	swait.ge [sflag:s23], $0x50  }
0x5e: {  	[sflag:s23] =	ssyncset.done $0x0  }
0x5f: {  	[sflag:s23] =	ssyncadd.s32 $0xFFFFFFB0  }
0x60: {  	[hbm4b:s15+s3] =	stream.linear.scatter [tilespmem:s22], [sflag:$0x1], $0x50, $0x38;
	[tilespmem:$0x4380] =	vst v63  }
0x61: {  	_ =	swait.ge [sflag:s23], $0x50  }
0x62: {  	[sflag:s23] =	ssyncset.done $0x0  }
0x63: {  	[sflag:s23] =	ssyncadd.s32 $0xFFFFFFB0  }
0x64: {  	[tilespmem:s22], [sflag:$0x1] =	stream.linear.gather [spmem:s7], $0x50, $0x38;
	[tilespmem:$0x4380] =	vst v63  }
0x65: {  	_ =	swait.ge [sflag:s23], $0x50  }
0x66: {  	[sflag:s23] =	ssyncset.done $0x0  }
0x67: {  	[sflag:s23] =	ssyncadd.s32 $0xFFFFFFB0  }
0x68: {  	[hbm4b:s16+s3] =	stream.linear.scatter [tilespmem:s22], [sflag:$0x1], $0x50, $0x38;
	[tilespmem:$0x4380] =	vst v63  }
0x69: {  	_ =	swait.ge [sflag:s23], $0x50  }
0x6a: {  	[sflag:s23] =	ssyncset.done $0x0  }
0x6b: {  	[sflag:s23] =	ssyncadd.s32 $0xFFFFFFB0  }
0x6c: {  	[tilespmem:s22], [sflag:$0x1] =	stream.linear.gather [spmem:s8], $0x50, $0x38;
	[tilespmem:$0x4380] =	vst v63  }
0x6d: {  	_ =	swait.ge [sflag:s23], $0x50  }
0x6e: {  	[sflag:s23] =	ssyncset.done $0x0  }
0x6f: {  	[sflag:s23] =	ssyncadd.s32 $0xFFFFFFB0  }
0x70: {  	[hbm4b:s17+s3] =	stream.linear.scatter [tilespmem:s22], [sflag:$0x1], $0x50, $0x38;
	[tilespmem:$0x4380] =	vst v63  }
0x71: {  	_ =	swait.ge [sflag:s23], $0x50  }
0x72: {  	[sflag:s23] =	ssyncset.done $0x0  }
0x73: {  	[sflag:s23] =	ssyncadd.s32 $0xFFFFFFB0  }
0x74: {  	[tilespmem:s22], [sflag:$0x1] =	stream.linear.gather [spmem:s9], $0x50, $0x38;
	[tilespmem:$0x4380] =	vst v63  }
0x75: {  	_ =	swait.ge [sflag:s23], $0x50  }
0x76: {  	[sflag:s23] =	ssyncset.done $0x0  }
0x77: {  	[sflag:s23] =	ssyncadd.s32 $0xFFFFFFB0  }
0x78: {  	[hbm4b:s18+s3] =	stream.linear.scatter [tilespmem:s22], [sflag:$0x1], $0x50, $0x38;
	[tilespmem:$0x4380] =	vst v63  }
0x79: {  	_ =	swait.ge [sflag:s23], $0x50  }
0x7a: {  	[sflag:s23] =	ssyncset.done $0x0  }
0x7b: {  	[sflag:s23] =	ssyncadd.s32 $0xFFFFFFB0  }
0x7c: {  	[tilespmem:s22], [sflag:$0x1] =	stream.linear.gather [spmem:s10], $0x50, $0x38;
	[tilespmem:$0x4380] =	vst v63  }
0x7d: {  	_ =	swait.ge [sflag:s23], $0x50  }
0x7e: {  	[sflag:s23] =	ssyncset.done $0x0  }
0x7f: {  	[sflag:s23] =	ssyncadd.s32 $0xFFFFFFB0  }
0x80: {  	[hbm4b:s19+s3] =	stream.linear.scatter [tilespmem:s22], [sflag:$0x1], $0x50, $0x38;
	[tilespmem:$0x4380] =	vst v63  }
0x81: {  	_ =	swait.ge [sflag:s23], $0x50  }
0x82: {  	[sflag:s23] =	ssyncset.done $0x0  }
0x83: {  	[sflag:s23] =	ssyncadd.s32 $0xFFFFFFB0  }
0x84: {  	[tilespmem:s22], [sflag:$0x1] =	stream.linear.gather [spmem:s11], $0x50, $0x38;
	[tilespmem:$0x4380] =	vst v63  }
0x85: {  	s26 =	sadd.s32 $0x1, s26;
	_ =	swait.ge [sflag:s23], $0x50  }
0x86: {  	p0 =	sne.s32 s26, s21;
	[sflag:s23] =	ssyncset.done $0x0  }
.Ltmp1:
0x87: {  	[sflag:s23] =	ssyncadd.s32 $0xFFFFFFB0;
	(pc) =	sbr.rel @p0 .LBB2_1-.Ltmp1, $4  }
0x88: {  	[hbm4b:s20+s3] =	stream.linear.scatter [tilespmem:s22], [sflag:$0x1], $0x50, $0x38;
	[tilespmem:$0x4380] =	vst v63  }
0x89: {  	_ =	swait.ge [sflag:s23], $0x50  }
0x8a: {  	[sflag:s23] =	ssyncset.done $0x0  }
0x8b: {  	[sflag:s23] =	ssyncadd.s32 $0xFFFFFFB0  }
0x8c: {  	_ =	sfence.sel $0x180000  }
0x8d: {  	[bflag:$0x0] =	sbarrier.arrive $0xFFFF  }
0x8e: {  	p0 =	sne.s32 s0, $0x0;
	_ =	strace $0x90000047  }
0x8f: {  	s0 =	sadd.s32 @!p0 $0x100000, s1;
	[bflag:$0x2] =	sbarrier.arrive $0xFFFF  }
0x90: {  	[sflag:s0] =	ssyncadd.tile.s32 @!p0 $0x1;
	_ =	shalt  }
.Lfunc_end2:
_tile_overlayer_lowered:
.L_overlay_start_2:
0x91: {  	(tag) =	ssettag $0x2  }
0x92: {  	s0 =	rddreg [dreg:$0x0];
	s2 =	stileid.u32  }
0x93: {  	s1 =	rddreg [dreg:$0x1];
	p0 =	sne.s32 s2, $0x0  }
0x94: {  	s3 =	rddreg [dreg:$0x2];
	[bflag:$0x3] =	sbarrier.arrive $0xFFFF;
	s2 =	simm.s32 @!p0 $0x1C01  }
0x95: {  	[timem:s3], [sflag:s2] =	dma.local @!p0 [hbm:s0], s1  }
0x96: {  	s0 =	simm.s32 @!p0 $0x1  }
0x97: {  	_ =	swait.ge @!p0 [sflag:s0], s1  }
0x98: {  	s1 =	ssub.s32 @!p0 $0x0, s1;
	[sflag:s0] =	ssyncset.done @!p0 $0x0  }
0x99: {  	[sflag:s0] =	ssyncadd.s32 @!p0 s1  }
0x9a: {  	[bflag:$0x3] =	sbarrier.arrive $0xFFFF  }
0x9b: {  	_ =	shalt  }

// kernel: kernel.14.cloned.1.call-start
scs
__scs_entry_jumppad:
0x0: {  	(pc) =	sbr.rel $0x88, $3  }
0x1: {  	(tag) =	ssettag $0x0;
	lr =	simm.s32 $0x1  }
0x2: {  	[smem:$0x3F93] =	sst lr;
	_ =	strace $0xD0000000  }
0x3: {  	_ = 	snop  }
0x4: {  	_ = 	snop  }
0x5: {  	_ = 	snop  }
0x6: {  	_ = 	snop  }
0x7: {  	_ = 	snop  }
__scs_overlays_trampoline_lowered:
0x8: {  	[smem:$0x3FA2] =	sst s0  }
0x9: {  	[smem:$0x3FA3] =	sst s1  }
0xa: {  	[smem:$0x3FA4] =	sst s2  }
0xb: {  	[smem:$0x3FA5] =	sst s3  }
0xc: {  	[smem:$0x3FA6] =	sst s4  }
0xd: {  	[smem:$0x3FA7] =	sst s5  }
0xe: {  	[smem:$0x3FA8] =	sst s6  }
0xf: {  	[smem:$0x3FA9] =	sst s7  }
0x10: {  	[smem:$0x3FAA] =	sst s8  }
0x11: {  	[smem:$0x3FAB] =	sst s9;
	s0 =	simm.s32 @!p0 $0x0  }
0x12: {  	s1 =	sld [smem:$0x3F91];
	s0 =	simm.s32 @p0 $0x1  }
0x13: {  	[smem:$0x3FAC] =	sst s0;
	s0 =	simm.s32 @!p1 $0x0  }
0x14: {  	s2 =	sld [smem:$0x3F90];
	s0 =	simm.s32 @p1 $0x1  }
0x15: {  	[smem:$0x3FAD] =	sst s0;
	s0 =	simm.s32 @!p2 $0x0  }
0x16: {  	s3 =	sld [smem:$0x3FDB];
	s0 =	simm.s32 @p2 $0x1  }
0x17: {  	s4 =	simm.s32 $0x1BF5;
	[smem:$0x3FAF] =	sst s0  }
0x18: {  	s0 =	sld [smem:$0x3F92];
	_ =	swait.ge [sflag:s4], $0x0  }
0x19: {  	s7 =	sld [smem:$0x3F93]  }
0x1a: {  	s8 =	sadd.s32 $0xFFFFE003, lr  }
0x1b: {  	s9 =	sadd.s32 $0xFFFFFEF7, lr;
	s5 =	simm.s32 $0xFFFFFFFF;
	p2 =	slt.u32 s8, $0xFFFFF086  }
0x1c: {  	p1 =	slt.u32 s9, $0xF7A;
	s5 =	simm.s32 @!p2 $0x0  }
0x1d: {  	s5 =	simm.s32 @p1 $0x1;
	p0 =	seq.s32 s7, s2  }
0x1e: {  	s7 =	smul.u32 @!p0 $0xF7A, s2;
	p2 =	seq.s32 @!p0 s5, $0x0  }
0x1f: {  	s9 =	smul.u32 $0xF7A, s1;
	s8 =	simm.s32 @!p0 $0x1BF5;
	p2 =	por !p2, p0  }
0x20: {  	[sflag:s8] =	ssyncset.s32 @!p0 $0xFFFFF086;
	s6 =	sadd.s32 @!p0 s3, s7;
	s7 =	simm.s32 @!p0 $0x108  }
0x21: {  	s3 =	sadd.s32 s3, s9;
	s6 =	sadd.s32 @!p0 $0x88, s6;
	s7 =	simm.s32 @p2 $0x1082  }
0x22: {  	[simem:s7], [sflag:s8] =	dma.local @!p0 [hbm:s6], $0xF7A  }
0x23: {  	s9 =	sor.u32 $0xD0000000, s2;
	s6 =	simm.s32 $0x108;
	_ =	swait.ge @!p0 [sflag:s8], $0x0  }
0x24: {  	s3 =	sadd.s32 $0x88, s3;
	s6 =	simm.s32 @!p1 $0x1082;
	[sflag:s4] =	ssyncset.s32 $0xFFFFF086  }
0x25: {  	[simem:s6], [sflag:s4] =	dma.local [hbm:s3], $0xF7A  }
0x26: {  	[smem:$0x3F93] =	sst s1;
	(tag) =	ssettag s2;
	_ =	strace s9  }
0x27: {  	s1 =	sld [smem:$0x3FA3]  }
0x28: {  	s2 =	sld [smem:$0x3FA4]  }
0x29: {  	s4 =	sld [smem:$0x3FA6]  }
0x2a: {  	p0 =	seq.s32 s5, $0x0;
	s5 =	sld [smem:$0x3FA7]  }
0x2b: {  	s6 =	sld [smem:$0x3FA8]  }
0x2c: {  	s7 =	sld [smem:$0x3FA9]  }
0x2d: {  	s3 =	simm.s32 $0x108;
	s8 =	sld [smem:$0x3FAA]  }
0x2e: {  	s3 =	simm.s32 @!p0 $0x1082;
	s9 =	sld [smem:$0x3FAB]  }
0x2f: {  	lr =	sadd.s32 s0, s3;
	s0 =	sld [smem:$0x3FA2]  }
0x30: {  	s3 =	sld [smem:$0x3FA5]  }
0x31: {  	[smem:$0x3FAE] =	sst s10  }
0x32: {  	s10 =	sld [smem:$0x3FAC];
	_ =	sdelay $0x3  }
0x33: {  	p0 =	seq.s32 s10, $0x1;
	s10 =	sld [smem:$0x3FAE];
	_ =	sdelay $0x3  }
0x34: {  	[smem:$0x3FAE] =	sst s10  }
0x35: {  	s10 =	sld [smem:$0x3FAD];
	_ =	sdelay $0x3  }
0x36: {  	p1 =	seq.s32 s10, $0x1;
	s10 =	sld [smem:$0x3FAE];
	_ =	sdelay $0x3  }
0x37: {  	[smem:$0x3FAE] =	sst s10  }
0x38: {  	s10 =	sld [smem:$0x3FAF]  }
0x39: {  	_ = 	snop;
	(pc) =	sbr.ind lr, $3  }
0x3a: {  	_ = 	snop  }
0x3b: {  	_ = 	snop  }
0x3c: {  	p2 =	seq.s32 s10, $0x1;
	s10 =	sld [smem:$0x3FAE]  }
0x3d: {  	_ =	shalt  }
0x3e: {  	_ =	shalt  }
0x3f: {  	_ =	shalt  }
0x40: {  	_ =	shalt  }
0x41: {  	_ =	shalt  }
0x42: {  	_ =	shalt  }
0x43: {  	_ =	shalt  }
0x44: {  	_ =	shalt  }
0x45: {  	_ =	shalt  }
0x46: {  	_ =	shalt  }
0x47: {  	_ =	shalt  }
0x48: {  	_ =	shalt  }
0x49: {  	_ =	shalt  }
0x4a: {  	_ =	shalt  }
0x4b: {  	_ =	shalt  }
0x4c: {  	_ =	shalt  }
0x4d: {  	_ =	shalt  }
0x4e: {  	_ =	shalt  }
0x4f: {  	_ =	shalt  }
0x50: {  	_ =	shalt  }
0x51: {  	_ =	shalt  }
0x52: {  	_ =	shalt  }
0x53: {  	_ =	shalt  }
0x54: {  	_ =	shalt  }
0x55: {  	_ =	shalt  }
0x56: {  	_ =	shalt  }
0x57: {  	_ =	shalt  }
0x58: {  	_ =	shalt  }
0x59: {  	_ =	shalt  }
0x5a: {  	_ =	shalt  }
0x5b: {  	_ =	shalt  }
0x5c: {  	_ =	shalt  }
0x5d: {  	_ =	shalt  }
0x5e: {  	_ =	shalt  }
0x5f: {  	_ =	shalt  }
0x60: {  	_ =	shalt  }
0x61: {  	_ =	shalt  }
0x62: {  	_ =	shalt  }
0x63: {  	_ =	shalt  }
0x64: {  	_ =	shalt  }
0x65: {  	_ =	shalt  }
0x66: {  	_ =	shalt  }
0x67: {  	_ =	shalt  }
0x68: {  	_ =	shalt  }
0x69: {  	_ =	shalt  }
0x6a: {  	_ =	shalt  }
0x6b: {  	_ =	shalt  }
0x6c: {  	_ =	shalt  }
0x6d: {  	_ =	shalt  }
0x6e: {  	_ =	shalt  }
0x6f: {  	_ =	shalt  }
0x70: {  	_ =	shalt  }
0x71: {  	_ =	shalt  }
0x72: {  	_ =	shalt  }
0x73: {  	_ =	shalt  }
0x74: {  	_ =	shalt  }
0x75: {  	_ =	shalt  }
0x76: {  	_ =	shalt  }
0x77: {  	_ =	shalt  }
0x78: {  	_ =	shalt  }
0x79: {  	_ =	shalt  }
0x7a: {  	_ =	shalt  }
0x7b: {  	_ =	shalt  }
0x7c: {  	_ =	shalt  }
0x7d: {  	_ =	shalt  }
0x7e: {  	_ =	shalt  }
0x7f: {  	_ =	shalt  }
0x80: {  	_ =	shalt  }
0x81: {  	_ =	shalt  }
0x82: {  	_ =	shalt  }
0x83: {  	_ =	shalt  }
0x84: {  	_ =	shalt  }
0x85: {  	_ =	shalt  }
0x86: {  	_ =	shalt  }
0x87: {  	_ =	shalt  }
.Lfunc_end0:
.L_simem_size_0:
called_computation.1_lowered:
.L_overlay_start_0:
0x88: {  	s2 =	sld [smem:$0x3FD9]  }
0x89: {  	s3 =	sld [smem:$0x3FFE];
	_ =	sdelay $0x1  }
0x8a: {  	s1 =	srdreg.scid  }
0x8b: {  	s0 =	sand.u32 $0x1, s1  }
0x8c: {  	s16 =	sshll.u32 s0, $0xA;
	s2 =	sadd.s32 s3, s2  }
0x8d: {  	s2 =	sadd.s32 s2, s16  }
0x8e: {  	[smem:$0x3FBA] =	sst s2  }
0x8f: {  	_ = 	snop  }
0x90: {  	(tm) =	ssettm $0x1  }
0x91: {  	s17 =	sld [smem:$0x3FFB];
	_ =	sdelay $0x3  }
0x92: {  	_ =	strace s17  }
0x93: {  	s2 =	sld [smem:$0x3FFC];
	_ =	sdelay $0x3  }
0x94: {  	_ =	strace s2  }
0x95: {  	s2 =	sld [smem:$0x3FFD];
	_ =	sdelay $0x3  }
0x96: {  	_ =	strace s2  }
0x97: {  	_ =	strace $0x8FFFFFFF  }
0x98: {  	s18 =	sld [smem:$0x3FDB];
	_ =	sdelay $0x1  }
0x99: {  	s19 =	simm.s32 $_scs_section_size  }
0x9a: {  	s4 =	simm.s32 $_size__tile_overlayer_lowered;
	s5 =	simm.s32 $_tile_overlayer_lowered  }
0x9b: {  	s22 =	simm.s32 $0x1BFF;
	s21 =	sshll.u32 s5, $0x1;
	s2 =	sadd.s32 s19, s18  }
0x9c: {  	s6 =	simm.s32 $0x0;
	s20 =	sshll.u32 s4, $0x1;
	s4 =	sadd.s32 s21, s2  }
0x9d: {  	[timem:s6], [sflag:s22] =	dma.local [hbm:s4], s20  }
0x9e: {  	_ =	swait.ge [sflag:s22], s20  }
0x9f: {  	s3 =	ssub.s32 $0x0, s20;
	[sflag:s22] =	ssyncset.done $0x0  }
0xa0: {  	[sflag:s22] =	ssyncadd.s32 s3;
	_ =	sdelay $0x1  }
0xa1: {  	s23 =	simm.s32 $0x1B8B  }
0xa2: {  	_ =	swait.ge [sflag:s23], $0x1  }
0xa3: {  	[sflag:s23] =	ssyncset.done $0x0  }
0xa4: {  	s25 =	simm.s32 $0x1B8E;
	s24 =	sld [smem:$0x3FFE];
	[sflag:s23] =	ssyncadd.s32 $0xFFFFFFFF  }
0xa5: {  	s26 =	simm.s32 $execute0_lowered;
	[smem:$0x3FD2] =	sst s25  }
0xa6: {  	s4 =	sshll.u32 s26, $0x1;
	_ =	strace $0x80000049;
	[dreg:$0x1] =	wrdreg $0xFFFFFFFF  }
0xa7: {  	s28 =	simm.s32 $_size_execute0_lowered;
	s2 =	sadd.s32 s2, s4;
	[dreg:$0x0] =	wrdreg $0x0  }
0xa8: {  	s4 =	sshll.u32 s28, $0x1;
	[dreg:$0x2] =	wrdreg s2  }
0xa9: {  	[dreg:$0x3] =	wrdreg s4  }
0xaa: {  	[dreg:$0x4] =	wrdreg $0xC0  }
0xab: {  	_ =	task [dreg:s6], $0x5FFFF  }
0xac: {  	[dreg:$0x1] =	wrdreg $0xFFFFFFFF  }
0xad: {  	[dreg:$0x0] =	wrdreg $0x60  }
0xae: {  	[dreg:$0x2] =	wrdreg s24  }
0xaf: {  	[dreg:$0x3] =	wrdreg $0xA6200  }
0xb0: {  	[dreg:$0x4] =	wrdreg $0x9  }
0xb1: {  	_ =	task.clear_ibuf [dreg:s6], $0x5FFFF;
	_ =	strace $0x90000049  }
0xb2: {  	s29 =	simm.s32 $0x9;
	_ =	strace $0x8000004B  }
0xb3: {  	_ =	swait.ge [sflag:s29], $0x1  }
0xb4: {  	[sflag:s29] =	ssyncadd.s32 $0xFFFFFFFF  }
0xb5: {  	_ =	strace $0x9000004B  }
0xb6: {  	_ =	sfence  }
0xb7: {  	s30 =	sld [smem:$0x0];
	_ =	sdelay $0x2  }
0xb8: {  	s31 =	sshll.u32 s1, $0xD;
	s1 =	sshrl.u32 s1, $0x2  }
0xb9: {  	s3 =	sand.u32 $0x4000, s31;
	s1 =	sadd.s32 s1, s30  }
0xba: {  	s0 =	sor.u32 s3, s0;
	s1 =	sshll.u32 s1, $0x11  }
0xbb: {  	s0 =	sor.u32 s1, s0  }
0xbc: {  	s0 =	sadd.s32 $0x8F2B, s0  }
0xbd: {  	[sflag:s0] =	ssyncadd.remote.s32 $0x1  }
0xbe: {  	_ =	sfence.sel $0xFFFF  }
0xbf: {  	[dreg:$0x0] =	wrdreg $0xFFFFFFFF;
	(pc) =	sbr.abs _section_cstart, $3  }
0xc0: {  	[dreg:$0x1] =	wrdreg $0xFFFFFFFF  }
0xc1: {  	_ =	task.clear_ibuf [dreg:s6], $0x2FFFF;
	_ =	strace $0x9FFFFFFF  }
0xc2: {  	(tm) =	ssettm $0x7FFFFFFF  }
0xc3: {  	_ =	shalt  }
tec
execute0_lowered:
.L_overlay_start_1:
0x0: {  	(tag) =	ssettag $0x1  }
0x1: {  	s0 =	rddreg [dreg:$0x0]  }
0x2: {  	s1 =	rddreg [dreg:$0x1]  }
0x3: {  	s2 =	srdreg.scid;
	s3 =	simm.s32 $0x0;
	s9 =	stileid.u32  }
0x4: {  	s29 =	simm.s32 $0x50;
	s30 =	simm.s32 $0x4E20;
	s31 =	simm.s32 $0x7620  }
0x5: {  	s28 =	simm.s32 $0x0;
	s2 =	sand.u32 $0x1, s2;
	s6 =	smul.u32 $0x50000, s9  }
0x6: {  	[smem:$0x7FF] =	sst s3;
	s8 =	sadd.s32 $0x89000, s0;
	s20 =	smul.u32 $0x14000, s9  }
0x7: {  	s4 =	sshll.u32 s2, $0x4;
	_ =	strace $0x8000004A;
	s25 =	ssub.s32 $0x2, s2  }
0x8: {  	s2 =	smul.u32 $0x140000, s2;
	s5 =	sor.u32 s9, s4;
	s4 =	sadd.s32 $0x61E00, s0  }
0x9: {  	s26 =	sshrl.u32 s25, $0x1;
	s6 =	sshrl.u32 s6, $0x2;
	s11 =	sor.u32 $0x2800, s20  }
0xa: {  	s12 =	sadd.s32 s20, s1;
	s15 =	sadd.s32 $0x7800, s20;
	s16 =	sadd.s32 $0xA000, s20  }
0xb: {  	s21 =	sadd.s32 $0xC800, s20;
	s23 =	sadd.s32 $0xF000, s20;
	s7 =	smul.u32 $0x4E2, s5  }
0xc: {  	s24 =	ssub.s32 s25, s26;
	s5 =	sadd.s32 s6, s1;
	s10 =	sadd.s32 s20, s2  }
0xd: {  	[dreg:$0x4] =	wrdreg s12;
	s12 =	sadd.s32 $0x5000, s20;
	s17 =	sadd.s32 s2, s15  }
0xe: {  	s18 =	sadd.s32 s2, s16;
	s16 =	sadd.s32 s16, s1;
	s22 =	sadd.s32 s2, s21  }
0xf: {  	s25 =	sadd.s32 s2, s23;
	s14 =	sadd.s32 s2, s12;
	s6 =	sadd.s32 s0, s7  }
0x10: {  	s12 =	sadd.s32 s12, s1;
	s19 =	sshrl.u32 s18, $0x3;
	s0 =	sadd.s32 $0x9E00, s6  }
0x11: {  	s18 =	sadd.s32 s21, s1;
	[dreg:$0x3] =	wrdreg s0;
	s0 =	sshrl.u32 s10, $0x3  }
0x12: {  	s24 =	smax.u32 s24, $0x1;
	s10 =	sadd.s32 s2, s11;
	s0 =	sadd.s32 s8, s0  }
0x13: {  	s13 =	sshrl.u32 s10, $0x3;
	s10 =	sadd.s32 s11, s1;
	[dreg:$0x5] =	wrdreg s0  }
0x14: {  	s11 =	sadd.s32 s8, s13;
	s0 =	sshrl.u32 s14, $0x3;
	s14 =	sadd.s32 s15, s1  }
0x15: {  	s13 =	sadd.s32 s8, s0;
	s0 =	sshrl.u32 s17, $0x3;
	s17 =	sadd.s32 s8, s19  }
0x16: {  	s15 =	sadd.s32 s8, s0;
	s0 =	sshrl.u32 s22, $0x3;
	s22 =	sadd.s32 $0x11800, s20  }
0x17: {  	s20 =	sadd.s32 s23, s1;
	s19 =	sadd.s32 s8, s0;
	s0 =	sshrl.u32 s25, $0x3  }
0x18: {  	s2 =	sadd.s32 s2, s22;
	s22 =	sadd.s32 s22, s1;
	s25 =	simm.s32 $0x9E20  }
0x19: {  	s21 =	sadd.s32 s8, s0;
	s26 =	sshrl.u32 s2, $0x3;
	s0 =	simm.s32 $0x1  }
0x1a: {  	v0 =	vimm.f32 $0.0e+00;
	s2 =	simm.s32 $0x2;
	s23 =	sadd.s32 s8, s26;
	s26 =	simm.s32 $0x3  }
.LBB2_1:
0x1b: {  	[tilespmem:$0x9E20] =	vst v0  }
0x1c: {  	[tilespmem:$0x9E30] =	vst v0  }
0x1d: {  	[tilespmem:$0x9E40] =	vst v0  }
0x1e: {  	[tilespmem:$0x9E50] =	vst v0  }
0x1f: {  	[tilespmem:$0x9E60] =	vst v0  }
0x20: {  	[tilespmem:$0x9E70] =	vst v0  }
0x21: {  	[tilespmem:$0x9E80] =	vst v0  }
0x22: {  	[tilespmem:$0x9E90] =	vst v0  }
0x23: {  	[tilespmem:$0x9EA0] =	vst v0  }
0x24: {  	[tilespmem:$0x9EB0] =	vst v0  }
0x25: {  	[tilespmem:$0x9EC0] =	vst v0  }
0x26: {  	[tilespmem:$0x9ED0] =	vst v0  }
0x27: {  	[tilespmem:$0x9EE0] =	vst v0  }
0x28: {  	[tilespmem:$0x9EF0] =	vst v0  }
0x29: {  	[tilespmem:$0x9F00] =	vst v0  }
0x2a: {  	[tilespmem:$0x9F10] =	vst v0  }
0x2b: {  	[tilespmem:$0x9F20] =	vst v0  }
0x2c: {  	[tilespmem:$0x9F30] =	vst v0  }
0x2d: {  	[tilespmem:$0x9F40] =	vst v0  }
0x2e: {  	[tilespmem:$0x9F50] =	vst v0  }
0x2f: {  	[tilespmem:$0x9F60] =	vst v0  }
0x30: {  	[tilespmem:$0x9F70] =	vst v0  }
0x31: {  	[tilespmem:$0x9F80] =	vst v0  }
0x32: {  	[tilespmem:$0x9F90] =	vst v0  }
0x33: {  	[tilespmem:$0x9FA0] =	vst v0  }
0x34: {  	[tilespmem:$0x9FB0] =	vst v0  }
0x35: {  	[tilespmem:$0x9FC0] =	vst v0  }
0x36: {  	[tilespmem:$0x9FD0] =	vst v0  }
0x37: {  	[tilespmem:$0x9FE0] =	vst v0  }
0x38: {  	[tilespmem:$0x9FF0] =	vst v0  }
0x39: {  	[tilespmem:$0xA000] =	vst v0  }
0x3a: {  	[tilespmem:$0xA010] =	vst v0  }
0x3b: {  	[tilespmem:$0xA020] =	vst v0  }
0x3c: {  	[tilespmem:$0xA030] =	vst v0  }
0x3d: {  	[tilespmem:$0xA040] =	vst v0  }
0x3e: {  	[tilespmem:$0xA050] =	vst v0  }
0x3f: {  	[tilespmem:$0xA060] =	vst v0  }
0x40: {  	[tilespmem:$0xA070] =	vst v0  }
0x41: {  	[tilespmem:$0xA080] =	vst v0  }
0x42: {  	[tilespmem:$0xA090] =	vst v0  }
0x43: {  	[tilespmem:$0xA0A0] =	vst v0  }
0x44: {  	[tilespmem:$0xA0B0] =	vst v0  }
0x45: {  	[tilespmem:$0xA0C0] =	vst v0  }
0x46: {  	[tilespmem:$0xA0D0] =	vst v0  }
0x47: {  	[tilespmem:$0xA0E0] =	vst v0  }
0x48: {  	[tilespmem:$0xA0F0] =	vst v0  }
0x49: {  	[tilespmem:$0xA100] =	vst v0  }
0x4a: {  	[tilespmem:$0xA110] =	vst v0  }
0x4b: {  	[tilespmem:$0xA120] =	vst v0  }
0x4c: {  	[tilespmem:$0xA130] =	vst v0  }
0x4d: {  	[tilespmem:$0xA140] =	vst v0  }
0x4e: {  	[tilespmem:$0xA150] =	vst v0  }
0x4f: {  	[tilespmem:$0xA160] =	vst v0  }
0x50: {  	[tilespmem:$0xA170] =	vst v0  }
0x51: {  	[tilespmem:$0xA180] =	vst v0  }
0x52: {  	[tilespmem:$0xA190] =	vst v0  }
0x53: {  	[tilespmem:$0xA1A0] =	vst v0  }
0x54: {  	[tilespmem:$0xA1B0] =	vst v0  }
0x55: {  	[tilespmem:$0xA1C0] =	vst v0  }
0x56: {  	[tilespmem:$0xA1D0] =	vst v0  }
0x57: {  	[tilespmem:$0xA1E0] =	vst v0  }
0x58: {  	[tilespmem:$0xA1F0] =	vst v0  }
0x59: {  	[tilespmem:$0xA200] =	vst v0  }
0x5a: {  	[tilespmem:$0xA210] =	vst v0  }
0x5b: {  	[tilespmem:$0xA220] =	vst v0  }
0x5c: {  	[tilespmem:$0xA230] =	vst v0  }
0x5d: {  	[tilespmem:$0xA240] =	vst v0  }
0x5e: {  	[tilespmem:$0xA250] =	vst v0  }
0x5f: {  	[tilespmem:$0xA260] =	vst v0  }
0x60: {  	[tilespmem:$0xA270] =	vst v0  }
0x61: {  	[tilespmem:$0xA280] =	vst v0  }
0x62: {  	[tilespmem:$0xA290] =	vst v0  }
0x63: {  	[tilespmem:$0xA2A0] =	vst v0  }
0x64: {  	[tilespmem:$0xA2B0] =	vst v0  }
0x65: {  	[tilespmem:$0xA2C0] =	vst v0  }
0x66: {  	[tilespmem:$0xA2D0] =	vst v0  }
0x67: {  	[tilespmem:$0xA2E0] =	vst v0  }
0x68: {  	[tilespmem:$0xA2F0] =	vst v0  }
0x69: {  	[tilespmem:$0xA300] =	vst v0  }
0x6a: {  	[tilespmem:$0xA310] =	vst v0  }
0x6b: {  	[tilespmem:$0xA320] =	vst v0  }
0x6c: {  	[tilespmem:$0xA330] =	vst v0  }
0x6d: {  	[tilespmem:$0xA340] =	vst v0  }
0x6e: {  	[tilespmem:$0xA350] =	vst v0  }
0x6f: {  	[tilespmem:$0xA360] =	vst v0  }
0x70: {  	[tilespmem:$0xA370] =	vst v0  }
0x71: {  	[tilespmem:$0xA380] =	vst v0  }
0x72: {  	[tilespmem:$0xA390] =	vst v0  }
0x73: {  	[tilespmem:$0xA3A0] =	vst v0  }
0x74: {  	[tilespmem:$0xA3B0] =	vst v0  }
0x75: {  	[tilespmem:$0xA3C0] =	vst v0  }
0x76: {  	[tilespmem:$0xA3D0] =	vst v0  }
0x77: {  	[tilespmem:$0xA3E0] =	vst v0  }
0x78: {  	[tilespmem:$0xA3F0] =	vst v0  }
0x79: {  	[tilespmem:$0xA400] =	vst v0  }
0x7a: {  	[tilespmem:$0xA410] =	vst v0  }
0x7b: {  	[tilespmem:$0xA420] =	vst v0  }
0x7c: {  	[tilespmem:$0xA430] =	vst v0  }
0x7d: {  	[tilespmem:$0xA440] =	vst v0  }
0x7e: {  	[tilespmem:$0xA450] =	vst v0  }
0x7f: {  	[tilespmem:$0xA460] =	vst v0  }
0x80: {  	[tilespmem:$0xA470] =	vst v0  }
0x81: {  	[tilespmem:$0xA480] =	vst v0  }
0x82: {  	[tilespmem:$0xA490] =	vst v0  }
0x83: {  	[tilespmem:$0xA4A0] =	vst v0  }
0x84: {  	[tilespmem:$0xA4B0] =	vst v0  }
0x85: {  	[tilespmem:$0xA4C0] =	vst v0  }
0x86: {  	[tilespmem:$0xA4D0] =	vst v0  }
0x87: {  	[tilespmem:$0xA4E0] =	vst v0  }
0x88: {  	[tilespmem:$0xA4F0] =	vst v0  }
0x89: {  	[tilespmem:$0xA500] =	vst v0  }
0x8a: {  	[tilespmem:$0xA510] =	vst v0  }
0x8b: {  	[tilespmem:$0xA520] =	vst v0  }
0x8c: {  	[tilespmem:$0xA530] =	vst v0  }
0x8d: {  	[tilespmem:$0xA540] =	vst v0  }
0x8e: {  	[tilespmem:$0xA550] =	vst v0  }
0x8f: {  	[tilespmem:$0xA560] =	vst v0  }
0x90: {  	[tilespmem:$0xA570] =	vst v0  }
0x91: {  	[tilespmem:$0xA580] =	vst v0  }
0x92: {  	[tilespmem:$0xA590] =	vst v0  }
0x93: {  	[tilespmem:$0xA5A0] =	vst v0  }
0x94: {  	[tilespmem:$0xA5B0] =	vst v0  }
0x95: {  	[tilespmem:$0xA5C0] =	vst v0  }
0x96: {  	[tilespmem:$0xA5D0] =	vst v0  }
0x97: {  	[tilespmem:$0xA5E0] =	vst v0  }
0x98: {  	[tilespmem:$0xA5F0] =	vst v0  }
0x99: {  	[tilespmem:$0xA600] =	vst v0  }
0x9a: {  	[tilespmem:$0xA610] =	vst v0;
	s7 =	sadd.s32 $0x0, s5  }
0x9b: {  	[spmem:s7] =	stream.linear.scatter [tilespmem:s25], [sflag:$0x3], $0x800, $0x38;
	[tilespmem:$0x1E620] =	vst v63  }
0x9c: {  	s7 =	simm.s32 $0x2000;
	_ =	swait.ge [sflag:s26], $0x800  }
.LBB2_2:
0x9d: {  	s8 =	sshra.s32 s7, $0x2;
	[sflag:s26] =	ssyncset.done $0x0;
	p0 =	sne.s32 s7, $0x4E000  }
.Ltmp0:
0x9e: {  	s8 =	sadd.s32 s8, s5;
	[sflag:s26] =	ssyncadd.s32 $0xFFFFF800;
	(pc) =	sbr.rel @p0 .LBB2_2-.Ltmp0, $3  }
0x9f: {  	[spmem:s8] =	stream.linear.scatter [tilespmem:s25], [sflag:$0x3], $0x800, $0x38;
	[tilespmem:$0x1E620] =	vst v63  }
0xa0: {  	s7 =	sadd.s32 $0x2000, s7;
	_ =	sdelay $0x1  }
0xa1: {  	_ =	swait.ge [sflag:s26], $0x800  }
0xa2: {  	[sflag:s26] =	ssyncset.done $0x0  }
0xa3: {  	s7 =	simm.s32 $0x0;
	[sflag:s26] =	ssyncadd.s32 $0xFFFFF800  }
0xa4: {  	[tilespmem:s7], [sflag:$0x3] =	stream.linear.gather [hbm4b:s6+s7], $0x2710, $0x38;
	[tilespmem:$0x1E620] =	vst v63  }
0xa5: {  	_ =	swait.ge [sflag:s26], $0x2710  }
0xa6: {  	[sflag:s26] =	ssyncset.done $0x0  }
0xa7: {  	s9 =	simm.s32 $0x2710;
	s8 =	rddreg [dreg:$0x3];
	[sflag:s26] =	ssyncadd.s32 $0xFFFFD8F0  }
0xa8: {  	[tilespmem:s9], [sflag:$0x3] =	stream.linear.gather [hbm4b:s8+s7], $0x2710, $0x38;
	[tilespmem:$0x1E620] =	vst v63  }
0xa9: {  	_ =	swait.ge [sflag:s26], $0x2710  }
0xaa: {  	[sflag:s26] =	ssyncset.done $0x0  }
0xab: {  	[sflag:s26] =	ssyncadd.s32 $0xFFFFD8F0  }
0xac: {  	[bflag:$0x0] =	sbarrier.arrive $0xFFFF  }
0xad: {  	[tilespmem:s30], [sflag:$0x1] =	stream.indirect.gather [hbm4b:s4+s29], $0x80, s7, s29, $0xb8;
	[tilespmem:$0x1E620] =	vst v63  }
0xae: {  	_ = 	snop  }
0xaf: {  	[tilespmem:s31], [sflag:$0x2] =	stream.indirect.gather [hbm4b:s4+s29], $0x80, s29, s29, $0xb8;
	[tilespmem:$0x1E620] =	vst v63  }
0xb0: {  	_ =	swait.ge [sflag:s0], $0x2800  }
0xb1: {  	[sflag:s0] =	ssyncset.done $0x0  }
0xb2: {  	s9 =	simm.s32 $0x2710;
	[sflag:s0] =	ssyncadd.s32 $0xFFFFD800  }
0xb3: {  	[spmem:s1] =	stream.indirect.scatter.add.f32 [tilespmem:s30], [sflag:$0x3], $0x80, s9, s29, $0xb8;
	[tilespmem:$0x1E620] =	vst v63  }
0xb4: {  	_ =	swait.ge [sflag:s26], $0x2800  }
0xb5: {  	[sflag:s26] =	ssyncset.done $0x0  }
0xb6: {  	s8 =	simm.s32 $0xA0;
	[sflag:s26] =	ssyncadd.s32 $0xFFFFD800  }
0xb7: {  	[tilespmem:s30], [sflag:$0x1] =	stream.indirect.gather [hbm4b:s4+s29], $0x80, s8, s29, $0xb8;
	[tilespmem:$0x1E620] =	vst v63  }
0xb8: {  	_ =	swait.ge [sflag:s2], $0x2800  }
0xb9: {  	[sflag:s2] =	ssyncset.done $0x0  }
0xba: {  	s9 =	simm.s32 $0x2760;
	[sflag:s2] =	ssyncadd.s32 $0xFFFFD800  }
0xbb: {  	[spmem:s1] =	stream.indirect.scatter.add.f32 [tilespmem:s31], [sflag:$0x3], $0x80, s9, s29, $0xb8;
	[tilespmem:$0x1E620] =	vst v63  }
0xbc: {  	_ =	swait.ge [sflag:s26], $0x2800  }
0xbd: {  	[sflag:s26] =	ssyncset.done $0x0  }
0xbe: {  	s7 =	simm.s32 $0x280;
	s8 =	simm.s32 $0xF0;
	[sflag:s26] =	ssyncadd.s32 $0xFFFFD800  }
.LBB2_4:
0xbf: {  	[tilespmem:s31], [sflag:$0x2] =	stream.indirect.gather [hbm4b:s4+s29], $0x80, s8, s29, $0xb8;
	[tilespmem:$0x1E620] =	vst v63  }
0xc0: {  	s8 =	smov.u32 s7  }
0xc1: {  	p0 =	sne.s32 s7, $0x9600;
	s7 =	sadd.s32 $0x280, s7;
	_ =	swait.ge [sflag:s0], $0x2800  }
0xc2: {  	s8 =	sshra.s32 s8, $0x2;
	[sflag:s0] =	ssyncset.done $0x0  }
0xc3: {  	s9 =	sadd.s32 $0x2710, s8;
	[sflag:s0] =	ssyncadd.s32 $0xFFFFD800  }
0xc4: {  	[spmem:s1] =	stream.indirect.scatter.add.f32 [tilespmem:s30], [sflag:$0x3], $0x80, s9, s29, $0xb8;
	[tilespmem:$0x1E620] =	vst v63  }
0xc5: {  	_ =	swait.ge [sflag:s26], $0x2800  }
0xc6: {  	[sflag:s26] =	ssyncset.done $0x0  }
0xc7: {  	s9 =	sadd.s32 $0xA0, s8;
	[sflag:s26] =	ssyncadd.s32 $0xFFFFD800  }
0xc8: {  	[tilespmem:s30], [sflag:$0x1] =	stream.indirect.gather [hbm4b:s4+s29], $0x80, s9, s29, $0xb8;
	[tilespmem:$0x1E620] =	vst v63  }
0xc9: {  	_ =	swait.ge [sflag:s2], $0x2800  }
0xca: {  	[sflag:s2] =	ssyncset.done $0x0  }
.Ltmp1:
0xcb: {  	s9 =	sadd.s32 $0x2760, s8;
	[sflag:s2] =	ssyncadd.s32 $0xFFFFD800;
	(pc) =	sbr.rel @p0 .LBB2_4-.Ltmp1, $4  }
0xcc: {  	[spmem:s1] =	stream.indirect.scatter.add.f32 [tilespmem:s31], [sflag:$0x3], $0x80, s9, s29, $0xb8;
	[tilespmem:$0x1E620] =	vst v63  }
0xcd: {  	_ =	swait.ge [sflag:s26], $0x2800  }
0xce: {  	[sflag:s26] =	ssyncset.done $0x0  }
0xcf: {  	s8 =	sadd.s32 $0xF0, s8;
	[sflag:s26] =	ssyncadd.s32 $0xFFFFD800  }
0xd0: {  	[tilespmem:s31], [sflag:$0x2] =	stream.indirect.gather [hbm4b:s4+s29], $0x80, s8, s29, $0xb8;
	[tilespmem:$0x1E620] =	vst v63  }
0xd1: {  	_ =	swait.ge [sflag:s0], $0x2800  }
0xd2: {  	[sflag:s0] =	ssyncset.done $0x0  }
0xd3: {  	s7 =	simm.s32 $0x4D30;
	[sflag:s0] =	ssyncadd.s32 $0xFFFFD800  }
0xd4: {  	[spmem:s1] =	stream.indirect.scatter.add.f32 [tilespmem:s30], [sflag:$0x3], $0x80, s7, s29, $0xb8;
	[tilespmem:$0x1E620] =	vst v63  }
0xd5: {  	_ =	swait.ge [sflag:s26], $0x2800  }
0xd6: {  	[sflag:s26] =	ssyncset.done $0x0  }
0xd7: {  	s9 =	simm.s32 $0x26C0;
	[sflag:s26] =	ssyncadd.s32 $0xFFFFD800  }
0xd8: {  	[tilespmem:s30], [sflag:$0x1] =	stream.indirect.gather [hbm4b:s4+s29], $0x80, s9, s29, $0xb8;
	[tilespmem:$0x1E620] =	vst v63  }
0xd9: {  	_ =	swait.ge [sflag:s2], $0x2800  }
0xda: {  	[sflag:s2] =	ssyncset.done $0x0  }
0xdb: {  	s8 =	simm.s32 $0x4D80;
	[sflag:s2] =	ssyncadd.s32 $0xFFFFD800  }
0xdc: {  	[spmem:s1] =	stream.indirect.scatter.add.f32 [tilespmem:s31], [sflag:$0x3], $0x80, s8, s29, $0xb8;
	[tilespmem:$0x1E620] =	vst v63  }
0xdd: {  	_ =	swait.ge [sflag:s26], $0x2800  }
0xde: {  	[sflag:s26] =	ssyncset.done $0x0  }
0xdf: {  	[sflag:s26] =	ssyncadd.s32 $0xFFFFD800  }
0xe0: {  	_ =	swait.ge [sflag:s0], $0x2800  }
0xe1: {  	[sflag:s0] =	ssyncset.done $0x0  }
0xe2: {  	s9 =	simm.s32 $0x4DD0;
	[sflag:s0] =	ssyncadd.s32 $0xFFFFD800  }
0xe3: {  	[spmem:s1] =	stream.indirect.scatter.add.f32 [tilespmem:s30], [sflag:$0x3], $0x80, s9, s29, $0xb8;
	[tilespmem:$0x1E620] =	vst v63  }
0xe4: {  	_ =	swait.ge [sflag:s26], $0x2800  }
0xe5: {  	[sflag:s26] =	ssyncset.done $0x0  }
0xe6: {  	[sflag:s26] =	ssyncadd.s32 $0xFFFFD800  }
0xe7: {  	[bflag:$0x0] =	sbarrier.arrive $0xFFFF  }
0xe8: {  	s8 =	rddreg [dreg:$0x4]  }
0xe9: {  	[tilespmem:s30], [sflag:$0x3] =	stream.linear.gather [spmem:s8], $0x2800, $0x38;
	[tilespmem:$0x1E620] =	vst v63  }
0xea: {  	_ =	swait.ge [sflag:s26], $0x2800  }
0xeb: {  	[sflag:s26] =	ssyncset.done $0x0  }
0xec: {  	s9 =	rddreg [dreg:$0x5];
	[sflag:s26] =	ssyncadd.s32 $0xFFFFD800  }
0xed: {  	[hbm4b:s9+s3] =	stream.linear.scatter [tilespmem:s30], [sflag:$0x3], $0x2800, $0x38;
	[tilespmem:$0x1E620] =	vst v63  }
0xee: {  	_ =	swait.ge [sflag:s26], $0x2800  }
0xef: {  	[sflag:s26] =	ssyncset.done $0x0  }
0xf0: {  	[sflag:s26] =	ssyncadd.s32 $0xFFFFD800  }
0xf1: {  	[tilespmem:s30], [sflag:$0x3] =	stream.linear.gather [spmem:s10], $0x2800, $0x38;
	[tilespmem:$0x1E620] =	vst v63  }
0xf2: {  	_ =	swait.ge [sflag:s26], $0x2800  }
0xf3: {  	[sflag:s26] =	ssyncset.done $0x0  }
0xf4: {  	[sflag:s26] =	ssyncadd.s32 $0xFFFFD800  }
0xf5: {  	[hbm4b:s11+s3] =	stream.linear.scatter [tilespmem:s30], [sflag:$0x3], $0x2800, $0x38;
	[tilespmem:$0x1E620] =	vst v63  }
0xf6: {  	_ =	swait.ge [sflag:s26], $0x2800  }
0xf7: {  	[sflag:s26] =	ssyncset.done $0x0  }
0xf8: {  	[sflag:s26] =	ssyncadd.s32 $0xFFFFD800  }
0xf9: {  	[tilespmem:s30], [sflag:$0x3] =	stream.linear.gather [spmem:s12], $0x2800, $0x38;
	[tilespmem:$0x1E620] =	vst v63  }
0xfa: {  	_ =	swait.ge [sflag:s26], $0x2800  }
0xfb: {  	[sflag:s26] =	ssyncset.done $0x0  }
0xfc: {  	[sflag:s26] =	ssyncadd.s32 $0xFFFFD800  }
0xfd: {  	[hbm4b:s13+s3] =	stream.linear.scatter [tilespmem:s30], [sflag:$0x3], $0x2800, $0x38;
	[tilespmem:$0x1E620] =	vst v63  }
0xfe: {  	_ =	swait.ge [sflag:s26], $0x2800  }
0xff: {  	[sflag:s26] =	ssyncset.done $0x0  }
0x100: {  	[sflag:s26] =	ssyncadd.s32 $0xFFFFD800  }
0x101: {  	[tilespmem:s30], [sflag:$0x3] =	stream.linear.gather [spmem:s14], $0x2800, $0x38;
	[tilespmem:$0x1E620] =	vst v63  }
0x102: {  	_ =	swait.ge [sflag:s26], $0x2800  }
0x103: {  	[sflag:s26] =	ssyncset.done $0x0  }
0x104: {  	[sflag:s26] =	ssyncadd.s32 $0xFFFFD800  }
0x105: {  	[hbm4b:s15+s3] =	stream.linear.scatter [tilespmem:s30], [sflag:$0x3], $0x2800, $0x38;
	[tilespmem:$0x1E620] =	vst v63  }
0x106: {  	_ =	swait.ge [sflag:s26], $0x2800  }
0x107: {  	[sflag:s26] =	ssyncset.done $0x0  }
0x108: {  	[sflag:s26] =	ssyncadd.s32 $0xFFFFD800  }
0x109: {  	[tilespmem:s30], [sflag:$0x3] =	stream.linear.gather [spmem:s16], $0x2800, $0x38;
	[tilespmem:$0x1E620] =	vst v63  }
0x10a: {  	_ =	swait.ge [sflag:s26], $0x2800  }
0x10b: {  	[sflag:s26] =	ssyncset.done $0x0  }
0x10c: {  	[sflag:s26] =	ssyncadd.s32 $0xFFFFD800  }
0x10d: {  	[hbm4b:s17+s3] =	stream.linear.scatter [tilespmem:s30], [sflag:$0x3], $0x2800, $0x38;
	[tilespmem:$0x1E620] =	vst v63  }
0x10e: {  	_ =	swait.ge [sflag:s26], $0x2800  }
0x10f: {  	[sflag:s26] =	ssyncset.done $0x0  }
0x110: {  	[sflag:s26] =	ssyncadd.s32 $0xFFFFD800  }
0x111: {  	[tilespmem:s30], [sflag:$0x3] =	stream.linear.gather [spmem:s18], $0x2800, $0x38;
	[tilespmem:$0x1E620] =	vst v63  }
0x112: {  	_ =	swait.ge [sflag:s26], $0x2800  }
0x113: {  	[sflag:s26] =	ssyncset.done $0x0  }
0x114: {  	[sflag:s26] =	ssyncadd.s32 $0xFFFFD800  }
0x115: {  	[hbm4b:s19+s3] =	stream.linear.scatter [tilespmem:s30], [sflag:$0x3], $0x2800, $0x38;
	[tilespmem:$0x1E620] =	vst v63  }
0x116: {  	_ =	swait.ge [sflag:s26], $0x2800  }
0x117: {  	[sflag:s26] =	ssyncset.done $0x0  }
0x118: {  	[sflag:s26] =	ssyncadd.s32 $0xFFFFD800  }
0x119: {  	[tilespmem:s30], [sflag:$0x3] =	stream.linear.gather [spmem:s20], $0x2800, $0x38;
	[tilespmem:$0x1E620] =	vst v63  }
0x11a: {  	_ =	swait.ge [sflag:s26], $0x2800  }
0x11b: {  	[sflag:s26] =	ssyncset.done $0x0  }
0x11c: {  	[sflag:s26] =	ssyncadd.s32 $0xFFFFD800  }
0x11d: {  	[hbm4b:s21+s3] =	stream.linear.scatter [tilespmem:s30], [sflag:$0x3], $0x2800, $0x38;
	[tilespmem:$0x1E620] =	vst v63  }
0x11e: {  	_ =	swait.ge [sflag:s26], $0x2800  }
0x11f: {  	[sflag:s26] =	ssyncset.done $0x0  }
0x120: {  	[sflag:s26] =	ssyncadd.s32 $0xFFFFD800  }
0x121: {  	[tilespmem:s30], [sflag:$0x3] =	stream.linear.gather [spmem:s22], $0x2800, $0x38;
	[tilespmem:$0x1E620] =	vst v63  }
0x122: {  	s28 =	sadd.s32 $0x1, s28;
	_ =	swait.ge [sflag:s26], $0x2800  }
0x123: {  	p0 =	sne.s32 s28, s24;
	[sflag:s26] =	ssyncset.done $0x0  }
.Ltmp2:
0x124: {  	[sflag:s26] =	ssyncadd.s32 $0xFFFFD800;
	(pc) =	sbr.rel @p0 .LBB2_1-.Ltmp2, $4  }
0x125: {  	[hbm4b:s23+s3] =	stream.linear.scatter [tilespmem:s30], [sflag:$0x3], $0x2800, $0x38;
	[tilespmem:$0x1E620] =	vst v63  }
0x126: {  	_ =	swait.ge [sflag:s26], $0x2800  }
0x127: {  	[sflag:s26] =	ssyncset.done $0x0  }
0x128: {  	[sflag:s26] =	ssyncadd.s32 $0xFFFFD800  }
0x129: {  	_ =	sfence.sel $0x180000  }
0x12a: {  	[bflag:$0x0] =	sbarrier.arrive $0xFFFF  }
0x12b: {  	_ =	strace $0x9000004A  }
0x12c: {  	s0 =	stileid.u32;
	[bflag:$0x2] =	sbarrier.arrive $0xFFFF  }
0x12d: {  	p0 =	sne.s32 s0, $0x0;
	s0 =	rddreg [dreg:$0x2]  }
0x12e: {  	s0 =	sadd.s32 @!p0 $0x100000, s0  }
0x12f: {  	[sflag:s0] =	ssyncadd.tile.s32 @!p0 $0x1;
	_ =	shalt  }
.Lfunc_end2:
_tile_overlayer_lowered:
.L_overlay_start_2:
0x130: {  	(tag) =	ssettag $0x2  }
0x131: {  	s0 =	rddreg [dreg:$0x0];
	s2 =	stileid.u32  }
0x132: {  	s1 =	rddreg [dreg:$0x1];
	p0 =	sne.s32 s2, $0x0  }
0x133: {  	s3 =	rddreg [dreg:$0x2];
	[bflag:$0x3] =	sbarrier.arrive $0xFFFF;
	s2 =	simm.s32 @!p0 $0x1C03  }
0x134: {  	[timem:s3], [sflag:s2] =	dma.local @!p0 [hbm:s0], s1  }
0x135: {  	s0 =	simm.s32 @!p0 $0x3  }
0x136: {  	_ =	swait.ge @!p0 [sflag:s0], s1  }
0x137: {  	s1 =	ssub.s32 @!p0 $0x0, s1;
	[sflag:s0] =	ssyncset.done @!p0 $0x0  }
0x138: {  	[sflag:s0] =	ssyncadd.s32 @!p0 s1  }
0x139: {  	[bflag:$0x3] =	sbarrier.arrive $0xFFFF  }
0x13a: {  	_ =	shalt  }

// kernel: kernel.17.cloned.1.call-start
scs
__scs_entry_jumppad:
0x0: {  	(pc) =	sbr.rel $0x88, $3  }
0x1: {  	(tag) =	ssettag $0x0;
	lr =	simm.s32 $0x1  }
0x2: {  	[smem:$0x3F93] =	sst lr;
	_ =	strace $0xD0000000  }
0x3: {  	_ = 	snop  }
0x4: {  	_ = 	snop  }
0x5: {  	_ = 	snop  }
0x6: {  	_ = 	snop  }
0x7: {  	_ = 	snop  }
__scs_overlays_trampoline_lowered:
0x8: {  	[smem:$0x3FA2] =	sst s0  }
0x9: {  	[smem:$0x3FA3] =	sst s1  }
0xa: {  	[smem:$0x3FA4] =	sst s2  }
0xb: {  	[smem:$0x3FA5] =	sst s3  }
0xc: {  	[smem:$0x3FA6] =	sst s4  }
0xd: {  	[smem:$0x3FA7] =	sst s5  }
0xe: {  	[smem:$0x3FA8] =	sst s6  }
0xf: {  	[smem:$0x3FA9] =	sst s7  }
0x10: {  	[smem:$0x3FAA] =	sst s8  }
0x11: {  	[smem:$0x3FAB] =	sst s9;
	s0 =	simm.s32 @!p0 $0x0  }
0x12: {  	s1 =	sld [smem:$0x3F91];
	s0 =	simm.s32 @p0 $0x1  }
0x13: {  	[smem:$0x3FAC] =	sst s0;
	s0 =	simm.s32 @!p1 $0x0  }
0x14: {  	s2 =	sld [smem:$0x3F90];
	s0 =	simm.s32 @p1 $0x1  }
0x15: {  	[smem:$0x3FAD] =	sst s0;
	s0 =	simm.s32 @!p2 $0x0  }
0x16: {  	s3 =	sld [smem:$0x3FDB];
	s0 =	simm.s32 @p2 $0x1  }
0x17: {  	s4 =	simm.s32 $0x1BF5;
	[smem:$0x3FAF] =	sst s0  }
0x18: {  	s0 =	sld [smem:$0x3F92];
	_ =	swait.ge [sflag:s4], $0x0  }
0x19: {  	s7 =	sld [smem:$0x3F93]  }
0x1a: {  	s8 =	sadd.s32 $0xFFFFE003, lr  }
0x1b: {  	s9 =	sadd.s32 $0xFFFFFEF7, lr;
	s5 =	simm.s32 $0xFFFFFFFF;
	p2 =	slt.u32 s8, $0xFFFFF086  }
0x1c: {  	p1 =	slt.u32 s9, $0xF7A;
	s5 =	simm.s32 @!p2 $0x0  }
0x1d: {  	s5 =	simm.s32 @p1 $0x1;
	p0 =	seq.s32 s7, s2  }
0x1e: {  	s7 =	smul.u32 @!p0 $0xF7A, s2;
	p2 =	seq.s32 @!p0 s5, $0x0  }
0x1f: {  	s9 =	smul.u32 $0xF7A, s1;
	s8 =	simm.s32 @!p0 $0x1BF5;
	p2 =	por !p2, p0  }
0x20: {  	[sflag:s8] =	ssyncset.s32 @!p0 $0xFFFFF086;
	s6 =	sadd.s32 @!p0 s3, s7;
	s7 =	simm.s32 @!p0 $0x108  }
0x21: {  	s3 =	sadd.s32 s3, s9;
	s6 =	sadd.s32 @!p0 $0x88, s6;
	s7 =	simm.s32 @p2 $0x1082  }
0x22: {  	[simem:s7], [sflag:s8] =	dma.local @!p0 [hbm:s6], $0xF7A  }
0x23: {  	s9 =	sor.u32 $0xD0000000, s2;
	s6 =	simm.s32 $0x108;
	_ =	swait.ge @!p0 [sflag:s8], $0x0  }
0x24: {  	s3 =	sadd.s32 $0x88, s3;
	s6 =	simm.s32 @!p1 $0x1082;
	[sflag:s4] =	ssyncset.s32 $0xFFFFF086  }
0x25: {  	[simem:s6], [sflag:s4] =	dma.local [hbm:s3], $0xF7A  }
0x26: {  	[smem:$0x3F93] =	sst s1;
	(tag) =	ssettag s2;
	_ =	strace s9  }
0x27: {  	s1 =	sld [smem:$0x3FA3]  }
0x28: {  	s2 =	sld [smem:$0x3FA4]  }
0x29: {  	s4 =	sld [smem:$0x3FA6]  }
0x2a: {  	p0 =	seq.s32 s5, $0x0;
	s5 =	sld [smem:$0x3FA7]  }
0x2b: {  	s6 =	sld [smem:$0x3FA8]  }
0x2c: {  	s7 =	sld [smem:$0x3FA9]  }
0x2d: {  	s3 =	simm.s32 $0x108;
	s8 =	sld [smem:$0x3FAA]  }
0x2e: {  	s3 =	simm.s32 @!p0 $0x1082;
	s9 =	sld [smem:$0x3FAB]  }
0x2f: {  	lr =	sadd.s32 s0, s3;
	s0 =	sld [smem:$0x3FA2]  }
0x30: {  	s3 =	sld [smem:$0x3FA5]  }
0x31: {  	[smem:$0x3FAE] =	sst s10  }
0x32: {  	s10 =	sld [smem:$0x3FAC];
	_ =	sdelay $0x3  }
0x33: {  	p0 =	seq.s32 s10, $0x1;
	s10 =	sld [smem:$0x3FAE];
	_ =	sdelay $0x3  }
0x34: {  	[smem:$0x3FAE] =	sst s10  }
0x35: {  	s10 =	sld [smem:$0x3FAD];
	_ =	sdelay $0x3  }
0x36: {  	p1 =	seq.s32 s10, $0x1;
	s10 =	sld [smem:$0x3FAE];
	_ =	sdelay $0x3  }
0x37: {  	[smem:$0x3FAE] =	sst s10  }
0x38: {  	s10 =	sld [smem:$0x3FAF]  }
0x39: {  	_ = 	snop;
	(pc) =	sbr.ind lr, $3  }
0x3a: {  	_ = 	snop  }
0x3b: {  	_ = 	snop  }
0x3c: {  	p2 =	seq.s32 s10, $0x1;
	s10 =	sld [smem:$0x3FAE]  }
0x3d: {  	_ =	shalt  }
0x3e: {  	_ =	shalt  }
0x3f: {  	_ =	shalt  }
0x40: {  	_ =	shalt  }
0x41: {  	_ =	shalt  }
0x42: {  	_ =	shalt  }
0x43: {  	_ =	shalt  }
0x44: {  	_ =	shalt  }
0x45: {  	_ =	shalt  }
0x46: {  	_ =	shalt  }
0x47: {  	_ =	shalt  }
0x48: {  	_ =	shalt  }
0x49: {  	_ =	shalt  }
0x4a: {  	_ =	shalt  }
0x4b: {  	_ =	shalt  }
0x4c: {  	_ =	shalt  }
0x4d: {  	_ =	shalt  }
0x4e: {  	_ =	shalt  }
0x4f: {  	_ =	shalt  }
0x50: {  	_ =	shalt  }
0x51: {  	_ =	shalt  }
0x52: {  	_ =	shalt  }
0x53: {  	_ =	shalt  }
0x54: {  	_ =	shalt  }
0x55: {  	_ =	shalt  }
0x56: {  	_ =	shalt  }
0x57: {  	_ =	shalt  }
0x58: {  	_ =	shalt  }
0x59: {  	_ =	shalt  }
0x5a: {  	_ =	shalt  }
0x5b: {  	_ =	shalt  }
0x5c: {  	_ =	shalt  }
0x5d: {  	_ =	shalt  }
0x5e: {  	_ =	shalt  }
0x5f: {  	_ =	shalt  }
0x60: {  	_ =	shalt  }
0x61: {  	_ =	shalt  }
0x62: {  	_ =	shalt  }
0x63: {  	_ =	shalt  }
0x64: {  	_ =	shalt  }
0x65: {  	_ =	shalt  }
0x66: {  	_ =	shalt  }
0x67: {  	_ =	shalt  }
0x68: {  	_ =	shalt  }
0x69: {  	_ =	shalt  }
0x6a: {  	_ =	shalt  }
0x6b: {  	_ =	shalt  }
0x6c: {  	_ =	shalt  }
0x6d: {  	_ =	shalt  }
0x6e: {  	_ =	shalt  }
0x6f: {  	_ =	shalt  }
0x70: {  	_ =	shalt  }
0x71: {  	_ =	shalt  }
0x72: {  	_ =	shalt  }
0x73: {  	_ =	shalt  }
0x74: {  	_ =	shalt  }
0x75: {  	_ =	shalt  }
0x76: {  	_ =	shalt  }
0x77: {  	_ =	shalt  }
0x78: {  	_ =	shalt  }
0x79: {  	_ =	shalt  }
0x7a: {  	_ =	shalt  }
0x7b: {  	_ =	shalt  }
0x7c: {  	_ =	shalt  }
0x7d: {  	_ =	shalt  }
0x7e: {  	_ =	shalt  }
0x7f: {  	_ =	shalt  }
0x80: {  	_ =	shalt  }
0x81: {  	_ =	shalt  }
0x82: {  	_ =	shalt  }
0x83: {  	_ =	shalt  }
0x84: {  	_ =	shalt  }
0x85: {  	_ =	shalt  }
0x86: {  	_ =	shalt  }
0x87: {  	_ =	shalt  }
.Lfunc_end0:
.L_simem_size_0:
called_computation.2_lowered:
.L_overlay_start_0:
0x88: {  	s2 =	sld [smem:$0x3FD9]  }
0x89: {  	s3 =	sld [smem:$0x3FFE];
	_ =	sdelay $0x1  }
0x8a: {  	s1 =	srdreg.scid  }
0x8b: {  	s0 =	sand.u32 $0x1, s1  }
0x8c: {  	s17 =	sshll.u32 s0, $0xA;
	s2 =	sadd.s32 s3, s2  }
0x8d: {  	s2 =	sadd.s32 s2, s17  }
0x8e: {  	[smem:$0x3FBA] =	sst s2  }
0x8f: {  	_ = 	snop  }
0x90: {  	s2 =	sld [smem:$0x3FD0];
	(tm) =	ssettm $0x1  }
0x91: {  	s18 =	sld [smem:$0x3FFB];
	_ =	sdelay $0x3  }
0x92: {  	_ =	strace s18  }
0x93: {  	s3 =	sld [smem:$0x3FFC];
	_ =	sdelay $0x3  }
0x94: {  	_ =	strace s3  }
0x95: {  	s3 =	sld [smem:$0x3FFD];
	_ =	sdelay $0x3  }
0x96: {  	_ =	strace s3  }
0x97: {  	_ =	strace $0x8FFFFFFF  }
0x98: {  	s19 =	sld [smem:$0x3FDB];
	_ =	sdelay $0x1  }
0x99: {  	s4 =	simm.s32 $_scs_section_size  }
0x9a: {  	s5 =	simm.s32 $_size__tile_overlayer_lowered;
	s6 =	simm.s32 $_tile_overlayer_lowered  }
0x9b: {  	s22 =	simm.s32 $0x1BFF;
	s21 =	sshll.u32 s6, $0x1;
	s3 =	sadd.s32 s4, s19  }
0x9c: {  	s7 =	simm.s32 $0x0;
	s20 =	sshll.u32 s5, $0x1;
	s5 =	sadd.s32 s21, s3  }
0x9d: {  	[timem:s7], [sflag:s22] =	dma.local [hbm:s5], s20  }
0x9e: {  	_ =	swait.ge [sflag:s22], s20  }
0x9f: {  	s4 =	ssub.s32 $0x0, s20;
	[sflag:s22] =	ssyncset.done $0x0  }
0xa0: {  	[sflag:s22] =	ssyncadd.s32 s4;
	_ =	sdelay $0x1  }
0xa1: {  	s23 =	simm.s32 $0x1B8B  }
0xa2: {  	_ =	swait.ge [sflag:s23], $0x1  }
0xa3: {  	[sflag:s23] =	ssyncset.done $0x0  }
0xa4: {  	s25 =	simm.s32 $0x1B8E;
	s24 =	sld [smem:$0x3FFE];
	[sflag:s23] =	ssyncadd.s32 $0xFFFFFFFF  }
0xa5: {  	s26 =	simm.s32 $execute0_lowered;
	[smem:$0x3FD2] =	sst s25  }
0xa6: {  	s5 =	sshll.u32 s26, $0x1;
	_ =	strace $0x8000004C;
	[dreg:$0x1] =	wrdreg $0xFFFFFFFF  }
0xa7: {  	s28 =	simm.s32 $_size_execute0_lowered;
	s3 =	sadd.s32 s3, s5;
	[dreg:$0x0] =	wrdreg $0x0  }
0xa8: {  	s5 =	sshll.u32 s28, $0x1;
	[dreg:$0x2] =	wrdreg s3  }
0xa9: {  	[dreg:$0x3] =	wrdreg s5  }
0xaa: {  	[dreg:$0x4] =	wrdreg $0xC0  }
0xab: {  	_ =	task [dreg:s7], $0x5FFFF  }
0xac: {  	[dreg:$0x1] =	wrdreg $0xFFFFFFFF  }
0xad: {  	[dreg:$0x0] =	wrdreg $0x60  }
0xae: {  	[dreg:$0x2] =	wrdreg s2  }
0xaf: {  	[dreg:$0x3] =	wrdreg s24  }
0xb0: {  	[dreg:$0x4] =	wrdreg $0x7A200  }
0xb1: {  	[dreg:$0x5] =	wrdreg $0x9  }
0xb2: {  	_ =	task.clear_ibuf [dreg:s7], $0x6FFFF;
	_ =	strace $0x9000004C  }
0xb3: {  	s29 =	simm.s32 $0x9;
	_ =	strace $0x8000004E  }
0xb4: {  	_ =	swait.ge [sflag:s29], $0x1  }
0xb5: {  	[sflag:s29] =	ssyncadd.s32 $0xFFFFFFFF  }
0xb6: {  	_ =	strace $0x9000004E  }
0xb7: {  	_ =	sfence  }
0xb8: {  	s30 =	sld [smem:$0x0];
	_ =	sdelay $0x2  }
0xb9: {  	s31 =	sshll.u32 s1, $0xD;
	s1 =	sshrl.u32 s1, $0x2  }
0xba: {  	s3 =	sand.u32 $0x4000, s31;
	s1 =	sadd.s32 s1, s30  }
0xbb: {  	s0 =	sor.u32 s3, s0;
	s1 =	sshll.u32 s1, $0x11  }
0xbc: {  	s0 =	sor.u32 s1, s0  }
0xbd: {  	s0 =	sadd.s32 $0x8F2B, s0  }
0xbe: {  	[sflag:s0] =	ssyncadd.remote.s32 $0x1  }
0xbf: {  	_ =	sfence.sel $0xFFFF  }
0xc0: {  	[dreg:$0x0] =	wrdreg $0xFFFFFFFF;
	(pc) =	sbr.abs _section_cstart, $3  }
0xc1: {  	[dreg:$0x1] =	wrdreg $0xFFFFFFFF  }
0xc2: {  	_ =	task.clear_ibuf [dreg:s7], $0x2FFFF;
	_ =	strace $0x9FFFFFFF  }
0xc3: {  	(tm) =	ssettm $0x7FFFFFFF  }
tec
execute0_lowered:
.L_overlay_start_1:
0x0: {  	(tag) =	ssettag $0x1  }
0x1: {  	s1 =	rddreg [dreg:$0x0]  }
0x2: {  	s0 =	rddreg [dreg:$0x1]  }
0x3: {  	s2 =	rddreg [dreg:$0x2];
	s3 =	srdreg.scid;
	s4 =	simm.s32 $0x0  }
0x4: {  	s9 =	stileid.u32;
	s29 =	simm.s32 $0x50;
	s30 =	simm.s32 $0x4E20  }
0x5: {  	s31 =	simm.s32 $0x6220;
	s28 =	simm.s32 $0x0;
	s3 =	sand.u32 $0x1, s3  }
0x6: {  	[smem:$0x7FF] =	sst s4;
	s6 =	smul.u32 $0x28000, s9;
	s8 =	sadd.s32 $0x61E00, s0  }
0x7: {  	s20 =	smul.u32 $0xA000, s9;
	s5 =	sshll.u32 s3, $0x4;
	_ =	strace $0x8000004D  }
0x8: {  	s25 =	ssub.s32 $0x2, s3;
	s3 =	smul.u32 $0xA0000, s3;
	s5 =	sor.u32 s9, s5  }
0x9: {  	s26 =	sshrl.u32 s25, $0x1;
	s6 =	sshrl.u32 s6, $0x2;
	s11 =	sor.u32 $0x1400, s20  }
0xa: {  	s12 =	sadd.s32 s20, s2;
	s15 =	sadd.s32 $0x3C00, s20;
	s16 =	sadd.s32 $0x5000, s20  }
0xb: {  	s21 =	sadd.s32 $0x6400, s20;
	s23 =	sadd.s32 $0x7800, s20;
	s7 =	smul.u32 $0x4E2, s5  }
0xc: {  	s24 =	ssub.s32 s25, s26;
	s5 =	sadd.s32 s6, s2;
	s10 =	sadd.s32 s20, s3  }
0xd: {  	[dreg:$0x5] =	wrdreg s12;
	s12 =	sadd.s32 $0x2800, s20;
	s17 =	sadd.s32 s3, s15  }
0xe: {  	s18 =	sadd.s32 s3, s16;
	s16 =	sadd.s32 s16, s2;
	s22 =	sadd.s32 s3, s21  }
0xf: {  	s25 =	sadd.s32 s3, s23;
	s14 =	sadd.s32 s3, s12;
	s6 =	sadd.s32 s0, s7  }
0x10: {  	s12 =	sadd.s32 s12, s2;
	s19 =	sshrl.u32 s18, $0x3;
	s0 =	sadd.s32 $0x9E00, s6  }
0x11: {  	s18 =	sadd.s32 s21, s2;
	[dreg:$0x4] =	wrdreg s0;
	s0 =	sshrl.u32 s10, $0x3  }
0x12: {  	s24 =	smax.u32 s24, $0x1;
	s10 =	sadd.s32 s3, s11;
	s0 =	sadd.s32 s8, s0  }
0x13: {  	s13 =	sshrl.u32 s10, $0x3;
	s10 =	sadd.s32 s11, s2;
	[dreg:$0x6] =	wrdreg s0  }
0x14: {  	s11 =	sadd.s32 s8, s13;
	s0 =	sshrl.u32 s14, $0x3;
	s14 =	sadd.s32 s15, s2  }
0x15: {  	s13 =	sadd.s32 s8, s0;
	s0 =	sshrl.u32 s17, $0x3;
	s17 =	sadd.s32 s8, s19  }
0x16: {  	s15 =	sadd.s32 s8, s0;
	s0 =	sshrl.u32 s22, $0x3;
	s22 =	sadd.s32 $0x8C00, s20  }
0x17: {  	s20 =	sadd.s32 s23, s2;
	s19 =	sadd.s32 s8, s0;
	s0 =	sshrl.u32 s25, $0x3  }
0x18: {  	s3 =	sadd.s32 s3, s22;
	s22 =	sadd.s32 s22, s2;
	s25 =	simm.s32 $0x7620  }
0x19: {  	s21 =	sadd.s32 s8, s0;
	s26 =	sshrl.u32 s3, $0x3;
	s0 =	simm.s32 $0x1  }
0x1a: {  	v0 =	vimm.f32 $0.0e+00;
	s3 =	simm.s32 $0x2;
	s23 =	sadd.s32 s8, s26;
	s26 =	simm.s32 $0x3  }
.LBB2_1:
0x1b: {  	[tilespmem:$0x7620] =	vst v0  }
0x1c: {  	[tilespmem:$0x7630] =	vst v0  }
0x1d: {  	[tilespmem:$0x7640] =	vst v0  }
0x1e: {  	[tilespmem:$0x7650] =	vst v0  }
0x1f: {  	[tilespmem:$0x7660] =	vst v0  }
0x20: {  	[tilespmem:$0x7670] =	vst v0  }
0x21: {  	[tilespmem:$0x7680] =	vst v0  }
0x22: {  	[tilespmem:$0x7690] =	vst v0  }
0x23: {  	[tilespmem:$0x76A0] =	vst v0  }
0x24: {  	[tilespmem:$0x76B0] =	vst v0  }
0x25: {  	[tilespmem:$0x76C0] =	vst v0  }
0x26: {  	[tilespmem:$0x76D0] =	vst v0  }
0x27: {  	[tilespmem:$0x76E0] =	vst v0  }
0x28: {  	[tilespmem:$0x76F0] =	vst v0  }
0x29: {  	[tilespmem:$0x7700] =	vst v0  }
0x2a: {  	[tilespmem:$0x7710] =	vst v0  }
0x2b: {  	[tilespmem:$0x7720] =	vst v0  }
0x2c: {  	[tilespmem:$0x7730] =	vst v0  }
0x2d: {  	[tilespmem:$0x7740] =	vst v0  }
0x2e: {  	[tilespmem:$0x7750] =	vst v0  }
0x2f: {  	[tilespmem:$0x7760] =	vst v0  }
0x30: {  	[tilespmem:$0x7770] =	vst v0  }
0x31: {  	[tilespmem:$0x7780] =	vst v0  }
0x32: {  	[tilespmem:$0x7790] =	vst v0  }
0x33: {  	[tilespmem:$0x77A0] =	vst v0  }
0x34: {  	[tilespmem:$0x77B0] =	vst v0  }
0x35: {  	[tilespmem:$0x77C0] =	vst v0  }
0x36: {  	[tilespmem:$0x77D0] =	vst v0  }
0x37: {  	[tilespmem:$0x77E0] =	vst v0  }
0x38: {  	[tilespmem:$0x77F0] =	vst v0  }
0x39: {  	[tilespmem:$0x7800] =	vst v0  }
0x3a: {  	[tilespmem:$0x7810] =	vst v0  }
0x3b: {  	[tilespmem:$0x7820] =	vst v0  }
0x3c: {  	[tilespmem:$0x7830] =	vst v0  }
0x3d: {  	[tilespmem:$0x7840] =	vst v0  }
0x3e: {  	[tilespmem:$0x7850] =	vst v0  }
0x3f: {  	[tilespmem:$0x7860] =	vst v0  }
0x40: {  	[tilespmem:$0x7870] =	vst v0  }
0x41: {  	[tilespmem:$0x7880] =	vst v0  }
0x42: {  	[tilespmem:$0x7890] =	vst v0  }
0x43: {  	[tilespmem:$0x78A0] =	vst v0  }
0x44: {  	[tilespmem:$0x78B0] =	vst v0  }
0x45: {  	[tilespmem:$0x78C0] =	vst v0  }
0x46: {  	[tilespmem:$0x78D0] =	vst v0  }
0x47: {  	[tilespmem:$0x78E0] =	vst v0  }
0x48: {  	[tilespmem:$0x78F0] =	vst v0  }
0x49: {  	[tilespmem:$0x7900] =	vst v0  }
0x4a: {  	[tilespmem:$0x7910] =	vst v0  }
0x4b: {  	[tilespmem:$0x7920] =	vst v0  }
0x4c: {  	[tilespmem:$0x7930] =	vst v0  }
0x4d: {  	[tilespmem:$0x7940] =	vst v0  }
0x4e: {  	[tilespmem:$0x7950] =	vst v0  }
0x4f: {  	[tilespmem:$0x7960] =	vst v0  }
0x50: {  	[tilespmem:$0x7970] =	vst v0  }
0x51: {  	[tilespmem:$0x7980] =	vst v0  }
0x52: {  	[tilespmem:$0x7990] =	vst v0  }
0x53: {  	[tilespmem:$0x79A0] =	vst v0  }
0x54: {  	[tilespmem:$0x79B0] =	vst v0  }
0x55: {  	[tilespmem:$0x79C0] =	vst v0  }
0x56: {  	[tilespmem:$0x79D0] =	vst v0  }
0x57: {  	[tilespmem:$0x79E0] =	vst v0  }
0x58: {  	[tilespmem:$0x79F0] =	vst v0  }
0x59: {  	[tilespmem:$0x7A00] =	vst v0  }
0x5a: {  	[tilespmem:$0x7A10] =	vst v0;
	s7 =	sadd.s32 $0x0, s5  }
0x5b: {  	[spmem:s7] =	stream.linear.scatter [tilespmem:s25], [sflag:$0x3], $0x400, $0x38;
	[tilespmem:$0x11A20] =	vst v63  }
0x5c: {  	s7 =	simm.s32 $0x1000;
	_ =	swait.ge [sflag:s26], $0x400  }
.LBB2_2:
0x5d: {  	s8 =	sshra.s32 s7, $0x2;
	[sflag:s26] =	ssyncset.done $0x0;
	p0 =	sne.s32 s7, $0x27000  }
.Ltmp0:
0x5e: {  	s8 =	sadd.s32 s8, s5;
	[sflag:s26] =	ssyncadd.s32 $0xFFFFFC00;
	(pc) =	sbr.rel @p0 .LBB2_2-.Ltmp0, $3  }
0x5f: {  	[spmem:s8] =	stream.linear.scatter [tilespmem:s25], [sflag:$0x3], $0x400, $0x38;
	[tilespmem:$0x11A20] =	vst v63  }
0x60: {  	s7 =	sadd.s32 $0x1000, s7;
	_ =	sdelay $0x1  }
0x61: {  	_ =	swait.ge [sflag:s26], $0x400  }
0x62: {  	[sflag:s26] =	ssyncset.done $0x0  }
0x63: {  	s7 =	simm.s32 $0x0;
	[sflag:s26] =	ssyncadd.s32 $0xFFFFFC00  }
0x64: {  	[tilespmem:s7], [sflag:$0x3] =	stream.linear.gather [hbm4b:s6+s7], $0x2710, $0x38;
	[tilespmem:$0x11A20] =	vst v63  }
0x65: {  	_ =	swait.ge [sflag:s26], $0x2710  }
0x66: {  	[sflag:s26] =	ssyncset.done $0x0  }
0x67: {  	s9 =	simm.s32 $0x2710;
	s8 =	rddreg [dreg:$0x4];
	[sflag:s26] =	ssyncadd.s32 $0xFFFFD8F0  }
0x68: {  	[tilespmem:s9], [sflag:$0x3] =	stream.linear.gather [hbm4b:s8+s7], $0x2710, $0x38;
	[tilespmem:$0x11A20] =	vst v63  }
0x69: {  	_ =	swait.ge [sflag:s26], $0x2710  }
0x6a: {  	[sflag:s26] =	ssyncset.done $0x0  }
0x6b: {  	[sflag:s26] =	ssyncadd.s32 $0xFFFFD8F0  }
0x6c: {  	[bflag:$0x0] =	sbarrier.arrive $0xFFFF  }
0x6d: {  	[tilespmem:s30], [sflag:$0x1] =	stream.indirect.gather [hbm4b:s1+s29], $0x40, s7, s29, $0xb8;
	[tilespmem:$0x11A20] =	vst v63  }
0x6e: {  	_ = 	snop  }
0x6f: {  	[tilespmem:s31], [sflag:$0x2] =	stream.indirect.gather [hbm4b:s1+s29], $0x40, s29, s29, $0xb8;
	[tilespmem:$0x11A20] =	vst v63  }
0x70: {  	_ =	swait.ge [sflag:s0], $0x1400  }
0x71: {  	[sflag:s0] =	ssyncset.done $0x0  }
0x72: {  	s9 =	simm.s32 $0x2710;
	[sflag:s0] =	ssyncadd.s32 $0xFFFFEC00  }
0x73: {  	[spmem:s2] =	stream.indirect.scatter.add.f32 [tilespmem:s30], [sflag:$0x3], $0x40, s9, s29, $0xb8;
	[tilespmem:$0x11A20] =	vst v63  }
0x74: {  	_ =	swait.ge [sflag:s26], $0x1400  }
0x75: {  	[sflag:s26] =	ssyncset.done $0x0  }
0x76: {  	s8 =	simm.s32 $0xA0;
	[sflag:s26] =	ssyncadd.s32 $0xFFFFEC00  }
0x77: {  	[tilespmem:s30], [sflag:$0x1] =	stream.indirect.gather [hbm4b:s1+s29], $0x40, s8, s29, $0xb8;
	[tilespmem:$0x11A20] =	vst v63  }
0x78: {  	_ =	swait.ge [sflag:s3], $0x1400  }
0x79: {  	[sflag:s3] =	ssyncset.done $0x0  }
0x7a: {  	s9 =	simm.s32 $0x2760;
	[sflag:s3] =	ssyncadd.s32 $0xFFFFEC00  }
0x7b: {  	[spmem:s2] =	stream.indirect.scatter.add.f32 [tilespmem:s31], [sflag:$0x3], $0x40, s9, s29, $0xb8;
	[tilespmem:$0x11A20] =	vst v63  }
0x7c: {  	_ =	swait.ge [sflag:s26], $0x1400  }
0x7d: {  	[sflag:s26] =	ssyncset.done $0x0  }
0x7e: {  	s7 =	simm.s32 $0x280;
	s8 =	simm.s32 $0xF0;
	[sflag:s26] =	ssyncadd.s32 $0xFFFFEC00  }
.LBB2_4:
0x7f: {  	[tilespmem:s31], [sflag:$0x2] =	stream.indirect.gather [hbm4b:s1+s29], $0x40, s8, s29, $0xb8;
	[tilespmem:$0x11A20] =	vst v63  }
0x80: {  	s8 =	smov.u32 s7  }
0x81: {  	p0 =	sne.s32 s7, $0x9600;
	s7 =	sadd.s32 $0x280, s7;
	_ =	swait.ge [sflag:s0], $0x1400  }
0x82: {  	s8 =	sshra.s32 s8, $0x2;
	[sflag:s0] =	ssyncset.done $0x0  }
0x83: {  	s9 =	sadd.s32 $0x2710, s8;
	[sflag:s0] =	ssyncadd.s32 $0xFFFFEC00  }
0x84: {  	[spmem:s2] =	stream.indirect.scatter.add.f32 [tilespmem:s30], [sflag:$0x3], $0x40, s9, s29, $0xb8;
	[tilespmem:$0x11A20] =	vst v63  }
0x85: {  	_ =	swait.ge [sflag:s26], $0x1400  }
0x86: {  	[sflag:s26] =	ssyncset.done $0x0  }
0x87: {  	s9 =	sadd.s32 $0xA0, s8;
	[sflag:s26] =	ssyncadd.s32 $0xFFFFEC00  }
0x88: {  	[tilespmem:s30], [sflag:$0x1] =	stream.indirect.gather [hbm4b:s1+s29], $0x40, s9, s29, $0xb8;
	[tilespmem:$0x11A20] =	vst v63  }
0x89: {  	_ =	swait.ge [sflag:s3], $0x1400  }
0x8a: {  	[sflag:s3] =	ssyncset.done $0x0  }
.Ltmp1:
0x8b: {  	s9 =	sadd.s32 $0x2760, s8;
	[sflag:s3] =	ssyncadd.s32 $0xFFFFEC00;
	(pc) =	sbr.rel @p0 .LBB2_4-.Ltmp1, $4  }
0x8c: {  	[spmem:s2] =	stream.indirect.scatter.add.f32 [tilespmem:s31], [sflag:$0x3], $0x40, s9, s29, $0xb8;
	[tilespmem:$0x11A20] =	vst v63  }
0x8d: {  	_ =	swait.ge [sflag:s26], $0x1400  }
0x8e: {  	[sflag:s26] =	ssyncset.done $0x0  }
0x8f: {  	s8 =	sadd.s32 $0xF0, s8;
	[sflag:s26] =	ssyncadd.s32 $0xFFFFEC00  }
0x90: {  	[tilespmem:s31], [sflag:$0x2] =	stream.indirect.gather [hbm4b:s1+s29], $0x40, s8, s29, $0xb8;
	[tilespmem:$0x11A20] =	vst v63  }
0x91: {  	_ =	swait.ge [sflag:s0], $0x1400  }
0x92: {  	[sflag:s0] =	ssyncset.done $0x0  }
0x93: {  	s7 =	simm.s32 $0x4D30;
	[sflag:s0] =	ssyncadd.s32 $0xFFFFEC00  }
0x94: {  	[spmem:s2] =	stream.indirect.scatter.add.f32 [tilespmem:s30], [sflag:$0x3], $0x40, s7, s29, $0xb8;
	[tilespmem:$0x11A20] =	vst v63  }
0x95: {  	_ =	swait.ge [sflag:s26], $0x1400  }
0x96: {  	[sflag:s26] =	ssyncset.done $0x0  }
0x97: {  	s9 =	simm.s32 $0x26C0;
	[sflag:s26] =	ssyncadd.s32 $0xFFFFEC00  }
0x98: {  	[tilespmem:s30], [sflag:$0x1] =	stream.indirect.gather [hbm4b:s1+s29], $0x40, s9, s29, $0xb8;
	[tilespmem:$0x11A20] =	vst v63  }
0x99: {  	_ =	swait.ge [sflag:s3], $0x1400  }
0x9a: {  	[sflag:s3] =	ssyncset.done $0x0  }
0x9b: {  	s8 =	simm.s32 $0x4D80;
	[sflag:s3] =	ssyncadd.s32 $0xFFFFEC00  }
0x9c: {  	[spmem:s2] =	stream.indirect.scatter.add.f32 [tilespmem:s31], [sflag:$0x3], $0x40, s8, s29, $0xb8;
	[tilespmem:$0x11A20] =	vst v63  }
0x9d: {  	_ =	swait.ge [sflag:s26], $0x1400  }
0x9e: {  	[sflag:s26] =	ssyncset.done $0x0  }
0x9f: {  	[sflag:s26] =	ssyncadd.s32 $0xFFFFEC00  }
0xa0: {  	_ =	swait.ge [sflag:s0], $0x1400  }
0xa1: {  	[sflag:s0] =	ssyncset.done $0x0  }
0xa2: {  	s9 =	simm.s32 $0x4DD0;
	[sflag:s0] =	ssyncadd.s32 $0xFFFFEC00  }
0xa3: {  	[spmem:s2] =	stream.indirect.scatter.add.f32 [tilespmem:s30], [sflag:$0x3], $0x40, s9, s29, $0xb8;
	[tilespmem:$0x11A20] =	vst v63  }
0xa4: {  	_ =	swait.ge [sflag:s26], $0x1400  }
0xa5: {  	[sflag:s26] =	ssyncset.done $0x0  }
0xa6: {  	[sflag:s26] =	ssyncadd.s32 $0xFFFFEC00  }
0xa7: {  	[bflag:$0x0] =	sbarrier.arrive $0xFFFF  }
0xa8: {  	s8 =	rddreg [dreg:$0x5]  }
0xa9: {  	[tilespmem:s30], [sflag:$0x3] =	stream.linear.gather [spmem:s8], $0x1400, $0x38;
	[tilespmem:$0x11A20] =	vst v63  }
0xaa: {  	_ =	swait.ge [sflag:s26], $0x1400  }
0xab: {  	[sflag:s26] =	ssyncset.done $0x0  }
0xac: {  	s9 =	rddreg [dreg:$0x6];
	[sflag:s26] =	ssyncadd.s32 $0xFFFFEC00  }
0xad: {  	[hbm4b:s9+s4] =	stream.linear.scatter [tilespmem:s30], [sflag:$0x3], $0x1400, $0x38;
	[tilespmem:$0x11A20] =	vst v63  }
0xae: {  	_ =	swait.ge [sflag:s26], $0x1400  }
0xaf: {  	[sflag:s26] =	ssyncset.done $0x0  }
0xb0: {  	[sflag:s26] =	ssyncadd.s32 $0xFFFFEC00  }
0xb1: {  	[tilespmem:s30], [sflag:$0x3] =	stream.linear.gather [spmem:s10], $0x1400, $0x38;
	[tilespmem:$0x11A20] =	vst v63  }
0xb2: {  	_ =	swait.ge [sflag:s26], $0x1400  }
0xb3: {  	[sflag:s26] =	ssyncset.done $0x0  }
0xb4: {  	[sflag:s26] =	ssyncadd.s32 $0xFFFFEC00  }
0xb5: {  	[hbm4b:s11+s4] =	stream.linear.scatter [tilespmem:s30], [sflag:$0x3], $0x1400, $0x38;
	[tilespmem:$0x11A20] =	vst v63  }
0xb6: {  	_ =	swait.ge [sflag:s26], $0x1400  }
0xb7: {  	[sflag:s26] =	ssyncset.done $0x0  }
0xb8: {  	[sflag:s26] =	ssyncadd.s32 $0xFFFFEC00  }
0xb9: {  	[tilespmem:s30], [sflag:$0x3] =	stream.linear.gather [spmem:s12], $0x1400, $0x38;
	[tilespmem:$0x11A20] =	vst v63  }
0xba: {  	_ =	swait.ge [sflag:s26], $0x1400  }
0xbb: {  	[sflag:s26] =	ssyncset.done $0x0  }
0xbc: {  	[sflag:s26] =	ssyncadd.s32 $0xFFFFEC00  }
0xbd: {  	[hbm4b:s13+s4] =	stream.linear.scatter [tilespmem:s30], [sflag:$0x3], $0x1400, $0x38;
	[tilespmem:$0x11A20] =	vst v63  }
0xbe: {  	_ =	swait.ge [sflag:s26], $0x1400  }
0xbf: {  	[sflag:s26] =	ssyncset.done $0x0  }
0xc0: {  	[sflag:s26] =	ssyncadd.s32 $0xFFFFEC00  }
0xc1: {  	[tilespmem:s30], [sflag:$0x3] =	stream.linear.gather [spmem:s14], $0x1400, $0x38;
	[tilespmem:$0x11A20] =	vst v63  }
0xc2: {  	_ =	swait.ge [sflag:s26], $0x1400  }
0xc3: {  	[sflag:s26] =	ssyncset.done $0x0  }
0xc4: {  	[sflag:s26] =	ssyncadd.s32 $0xFFFFEC00  }
0xc5: {  	[hbm4b:s15+s4] =	stream.linear.scatter [tilespmem:s30], [sflag:$0x3], $0x1400, $0x38;
	[tilespmem:$0x11A20] =	vst v63  }
0xc6: {  	_ =	swait.ge [sflag:s26], $0x1400  }
0xc7: {  	[sflag:s26] =	ssyncset.done $0x0  }
0xc8: {  	[sflag:s26] =	ssyncadd.s32 $0xFFFFEC00  }
0xc9: {  	[tilespmem:s30], [sflag:$0x3] =	stream.linear.gather [spmem:s16], $0x1400, $0x38;
	[tilespmem:$0x11A20] =	vst v63  }
0xca: {  	_ =	swait.ge [sflag:s26], $0x1400  }
0xcb: {  	[sflag:s26] =	ssyncset.done $0x0  }
0xcc: {  	[sflag:s26] =	ssyncadd.s32 $0xFFFFEC00  }
0xcd: {  	[hbm4b:s17+s4] =	stream.linear.scatter [tilespmem:s30], [sflag:$0x3], $0x1400, $0x38;
	[tilespmem:$0x11A20] =	vst v63  }
0xce: {  	_ =	swait.ge [sflag:s26], $0x1400  }
0xcf: {  	[sflag:s26] =	ssyncset.done $0x0  }
0xd0: {  	[sflag:s26] =	ssyncadd.s32 $0xFFFFEC00  }
0xd1: {  	[tilespmem:s30], [sflag:$0x3] =	stream.linear.gather [spmem:s18], $0x1400, $0x38;
	[tilespmem:$0x11A20] =	vst v63  }
0xd2: {  	_ =	swait.ge [sflag:s26], $0x1400  }
0xd3: {  	[sflag:s26] =	ssyncset.done $0x0  }
0xd4: {  	[sflag:s26] =	ssyncadd.s32 $0xFFFFEC00  }
0xd5: {  	[hbm4b:s19+s4] =	stream.linear.scatter [tilespmem:s30], [sflag:$0x3], $0x1400, $0x38;
	[tilespmem:$0x11A20] =	vst v63  }
0xd6: {  	_ =	swait.ge [sflag:s26], $0x1400  }
0xd7: {  	[sflag:s26] =	ssyncset.done $0x0  }
0xd8: {  	[sflag:s26] =	ssyncadd.s32 $0xFFFFEC00  }
0xd9: {  	[tilespmem:s30], [sflag:$0x3] =	stream.linear.gather [spmem:s20], $0x1400, $0x38;
	[tilespmem:$0x11A20] =	vst v63  }
0xda: {  	_ =	swait.ge [sflag:s26], $0x1400  }
0xdb: {  	[sflag:s26] =	ssyncset.done $0x0  }
0xdc: {  	[sflag:s26] =	ssyncadd.s32 $0xFFFFEC00  }
0xdd: {  	[hbm4b:s21+s4] =	stream.linear.scatter [tilespmem:s30], [sflag:$0x3], $0x1400, $0x38;
	[tilespmem:$0x11A20] =	vst v63  }
0xde: {  	_ =	swait.ge [sflag:s26], $0x1400  }
0xdf: {  	[sflag:s26] =	ssyncset.done $0x0  }
0xe0: {  	[sflag:s26] =	ssyncadd.s32 $0xFFFFEC00  }
0xe1: {  	[tilespmem:s30], [sflag:$0x3] =	stream.linear.gather [spmem:s22], $0x1400, $0x38;
	[tilespmem:$0x11A20] =	vst v63  }
0xe2: {  	s28 =	sadd.s32 $0x1, s28;
	_ =	swait.ge [sflag:s26], $0x1400  }
0xe3: {  	p0 =	sne.s32 s28, s24;
	[sflag:s26] =	ssyncset.done $0x0  }
.Ltmp2:
0xe4: {  	[sflag:s26] =	ssyncadd.s32 $0xFFFFEC00;
	(pc) =	sbr.rel @p0 .LBB2_1-.Ltmp2, $4  }
0xe5: {  	[hbm4b:s23+s4] =	stream.linear.scatter [tilespmem:s30], [sflag:$0x3], $0x1400, $0x38;
	[tilespmem:$0x11A20] =	vst v63  }
0xe6: {  	_ =	swait.ge [sflag:s26], $0x1400  }
0xe7: {  	[sflag:s26] =	ssyncset.done $0x0  }
0xe8: {  	[sflag:s26] =	ssyncadd.s32 $0xFFFFEC00  }
0xe9: {  	_ =	sfence.sel $0x180000  }
0xea: {  	[bflag:$0x0] =	sbarrier.arrive $0xFFFF  }
0xeb: {  	_ =	strace $0x9000004D  }
0xec: {  	s0 =	stileid.u32;
	[bflag:$0x2] =	sbarrier.arrive $0xFFFF  }
0xed: {  	p0 =	sne.s32 s0, $0x0;
	s0 =	rddreg [dreg:$0x3]  }
0xee: {  	s0 =	sadd.s32 @!p0 $0x100000, s0  }
0xef: {  	[sflag:s0] =	ssyncadd.tile.s32 @!p0 $0x1;
	_ =	shalt  }
.Lfunc_end2:
_tile_overlayer_lowered:
.L_overlay_start_2:
0xf0: {  	(tag) =	ssettag $0x2  }
0xf1: {  	s0 =	rddreg [dreg:$0x0];
	s2 =	stileid.u32  }
0xf2: {  	s1 =	rddreg [dreg:$0x1];
	p0 =	sne.s32 s2, $0x0  }
0xf3: {  	s3 =	rddreg [dreg:$0x2];
	[bflag:$0x3] =	sbarrier.arrive $0xFFFF;
	s2 =	simm.s32 @!p0 $0x1C03  }
0xf4: {  	[timem:s3], [sflag:s2] =	dma.local @!p0 [hbm:s0], s1  }
0xf5: {  	s0 =	simm.s32 @!p0 $0x3  }
0xf6: {  	_ =	swait.ge @!p0 [sflag:s0], s1  }
0xf7: {  	s1 =	ssub.s32 @!p0 $0x0, s1;
	[sflag:s0] =	ssyncset.done @!p0 $0x0  }
0xf8: {  	[sflag:s0] =	ssyncadd.s32 @!p0 s1  }
0xf9: {  	[bflag:$0x3] =	sbarrier.arrive $0xFFFF  }
0xfa: {  	_ =	shalt  }

// kernel: kernel.20.cloned.1.call-start
scs
__scs_entry_jumppad:
0x0: {  	(pc) =	sbr.rel $0x88, $3  }
0x1: {  	(tag) =	ssettag $0x0;
	lr =	simm.s32 $0x1  }
0x2: {  	[smem:$0x3F93] =	sst lr;
	_ =	strace $0xD0000000  }
0x3: {  	_ = 	snop  }
0x4: {  	_ = 	snop  }
0x5: {  	_ = 	snop  }
0x6: {  	_ = 	snop  }
0x7: {  	_ = 	snop  }
__scs_overlays_trampoline_lowered:
0x8: {  	[smem:$0x3FA2] =	sst s0  }
0x9: {  	[smem:$0x3FA3] =	sst s1  }
0xa: {  	[smem:$0x3FA4] =	sst s2  }
0xb: {  	[smem:$0x3FA5] =	sst s3  }
0xc: {  	[smem:$0x3FA6] =	sst s4  }
0xd: {  	[smem:$0x3FA7] =	sst s5  }
0xe: {  	[smem:$0x3FA8] =	sst s6  }
0xf: {  	[smem:$0x3FA9] =	sst s7  }
0x10: {  	[smem:$0x3FAA] =	sst s8  }
0x11: {  	[smem:$0x3FAB] =	sst s9;
	s0 =	simm.s32 @!p0 $0x0  }
0x12: {  	s1 =	sld [smem:$0x3F91];
	s0 =	simm.s32 @p0 $0x1  }
0x13: {  	[smem:$0x3FAC] =	sst s0;
	s0 =	simm.s32 @!p1 $0x0  }
0x14: {  	s2 =	sld [smem:$0x3F90];
	s0 =	simm.s32 @p1 $0x1  }
0x15: {  	[smem:$0x3FAD] =	sst s0;
	s0 =	simm.s32 @!p2 $0x0  }
0x16: {  	s3 =	sld [smem:$0x3FDB];
	s0 =	simm.s32 @p2 $0x1  }
0x17: {  	s4 =	simm.s32 $0x1BF5;
	[smem:$0x3FAF] =	sst s0  }
0x18: {  	s0 =	sld [smem:$0x3F92];
	_ =	swait.ge [sflag:s4], $0x0  }
0x19: {  	s7 =	sld [smem:$0x3F93]  }
0x1a: {  	s8 =	sadd.s32 $0xFFFFE003, lr  }
0x1b: {  	s9 =	sadd.s32 $0xFFFFFEF7, lr;
	s5 =	simm.s32 $0xFFFFFFFF;
	p2 =	slt.u32 s8, $0xFFFFF086  }
0x1c: {  	p1 =	slt.u32 s9, $0xF7A;
	s5 =	simm.s32 @!p2 $0x0  }
0x1d: {  	s5 =	simm.s32 @p1 $0x1;
	p0 =	seq.s32 s7, s2  }
0x1e: {  	s7 =	smul.u32 @!p0 $0xF7A, s2;
	p2 =	seq.s32 @!p0 s5, $0x0  }
0x1f: {  	s9 =	smul.u32 $0xF7A, s1;
	s8 =	simm.s32 @!p0 $0x1BF5;
	p2 =	por !p2, p0  }
0x20: {  	[sflag:s8] =	ssyncset.s32 @!p0 $0xFFFFF086;
	s6 =	sadd.s32 @!p0 s3, s7;
	s7 =	simm.s32 @!p0 $0x108  }
0x21: {  	s3 =	sadd.s32 s3, s9;
	s6 =	sadd.s32 @!p0 $0x88, s6;
	s7 =	simm.s32 @p2 $0x1082  }
0x22: {  	[simem:s7], [sflag:s8] =	dma.local @!p0 [hbm:s6], $0xF7A  }
0x23: {  	s9 =	sor.u32 $0xD0000000, s2;
	s6 =	simm.s32 $0x108;
	_ =	swait.ge @!p0 [sflag:s8], $0x0  }
0x24: {  	s3 =	sadd.s32 $0x88, s3;
	s6 =	simm.s32 @!p1 $0x1082;
	[sflag:s4] =	ssyncset.s32 $0xFFFFF086  }
0x25: {  	[simem:s6], [sflag:s4] =	dma.local [hbm:s3], $0xF7A  }
0x26: {  	[smem:$0x3F93] =	sst s1;
	(tag) =	ssettag s2;
	_ =	strace s9  }
0x27: {  	s1 =	sld [smem:$0x3FA3]  }
0x28: {  	s2 =	sld [smem:$0x3FA4]  }
0x29: {  	s4 =	sld [smem:$0x3FA6]  }
0x2a: {  	p0 =	seq.s32 s5, $0x0;
	s5 =	sld [smem:$0x3FA7]  }
0x2b: {  	s6 =	sld [smem:$0x3FA8]  }
0x2c: {  	s7 =	sld [smem:$0x3FA9]  }
0x2d: {  	s3 =	simm.s32 $0x108;
	s8 =	sld [smem:$0x3FAA]  }
0x2e: {  	s3 =	simm.s32 @!p0 $0x1082;
	s9 =	sld [smem:$0x3FAB]  }
0x2f: {  	lr =	sadd.s32 s0, s3;
	s0 =	sld [smem:$0x3FA2]  }
0x30: {  	s3 =	sld [smem:$0x3FA5]  }
0x31: {  	[smem:$0x3FAE] =	sst s10  }
0x32: {  	s10 =	sld [smem:$0x3FAC];
	_ =	sdelay $0x3  }
0x33: {  	p0 =	seq.s32 s10, $0x1;
	s10 =	sld [smem:$0x3FAE];
	_ =	sdelay $0x3  }
0x34: {  	[smem:$0x3FAE] =	sst s10  }
0x35: {  	s10 =	sld [smem:$0x3FAD];
	_ =	sdelay $0x3  }
0x36: {  	p1 =	seq.s32 s10, $0x1;
	s10 =	sld [smem:$0x3FAE];
	_ =	sdelay $0x3  }
0x37: {  	[smem:$0x3FAE] =	sst s10  }
0x38: {  	s10 =	sld [smem:$0x3FAF]  }
0x39: {  	_ = 	snop;
	(pc) =	sbr.ind lr, $3  }
0x3a: {  	_ = 	snop  }
0x3b: {  	_ = 	snop  }
0x3c: {  	p2 =	seq.s32 s10, $0x1;
	s10 =	sld [smem:$0x3FAE]  }
0x3d: {  	_ =	shalt  }
0x3e: {  	_ =	shalt  }
0x3f: {  	_ =	shalt  }
0x40: {  	_ =	shalt  }
0x41: {  	_ =	shalt  }
0x42: {  	_ =	shalt  }
0x43: {  	_ =	shalt  }
0x44: {  	_ =	shalt  }
0x45: {  	_ =	shalt  }
0x46: {  	_ =	shalt  }
0x47: {  	_ =	shalt  }
0x48: {  	_ =	shalt  }
0x49: {  	_ =	shalt  }
0x4a: {  	_ =	shalt  }
0x4b: {  	_ =	shalt  }
0x4c: {  	_ =	shalt  }
0x4d: {  	_ =	shalt  }
0x4e: {  	_ =	shalt  }
0x4f: {  	_ =	shalt  }
0x50: {  	_ =	shalt  }
0x51: {  	_ =	shalt  }
0x52: {  	_ =	shalt  }
0x53: {  	_ =	shalt  }
0x54: {  	_ =	shalt  }
0x55: {  	_ =	shalt  }
0x56: {  	_ =	shalt  }
0x57: {  	_ =	shalt  }
0x58: {  	_ =	shalt  }
0x59: {  	_ =	shalt  }
0x5a: {  	_ =	shalt  }
0x5b: {  	_ =	shalt  }
0x5c: {  	_ =	shalt  }
0x5d: {  	_ =	shalt  }
0x5e: {  	_ =	shalt  }
0x5f: {  	_ =	shalt  }
0x60: {  	_ =	shalt  }
0x61: {  	_ =	shalt  }
0x62: {  	_ =	shalt  }
0x63: {  	_ =	shalt  }
0x64: {  	_ =	shalt  }
0x65: {  	_ =	shalt  }
0x66: {  	_ =	shalt  }
0x67: {  	_ =	shalt  }
0x68: {  	_ =	shalt  }
0x69: {  	_ =	shalt  }
0x6a: {  	_ =	shalt  }
0x6b: {  	_ =	shalt  }
0x6c: {  	_ =	shalt  }
0x6d: {  	_ =	shalt  }
0x6e: {  	_ =	shalt  }
0x6f: {  	_ =	shalt  }
0x70: {  	_ =	shalt  }
0x71: {  	_ =	shalt  }
0x72: {  	_ =	shalt  }
0x73: {  	_ =	shalt  }
0x74: {  	_ =	shalt  }
0x75: {  	_ =	shalt  }
0x76: {  	_ =	shalt  }
0x77: {  	_ =	shalt  }
0x78: {  	_ =	shalt  }
0x79: {  	_ =	shalt  }
0x7a: {  	_ =	shalt  }
0x7b: {  	_ =	shalt  }
0x7c: {  	_ =	shalt  }
0x7d: {  	_ =	shalt  }
0x7e: {  	_ =	shalt  }
0x7f: {  	_ =	shalt  }
0x80: {  	_ =	shalt  }
0x81: {  	_ =	shalt  }
0x82: {  	_ =	shalt  }
0x83: {  	_ =	shalt  }
0x84: {  	_ =	shalt  }
0x85: {  	_ =	shalt  }
0x86: {  	_ =	shalt  }
0x87: {  	_ =	shalt  }
.Lfunc_end0:
.L_simem_size_0:
called_computation.3_lowered:
.L_overlay_start_0:
0x88: {  	s2 =	sld [smem:$0x3FD9]  }
0x89: {  	s3 =	sld [smem:$0x3FFE];
	_ =	sdelay $0x1  }
0x8a: {  	s1 =	srdreg.scid  }
0x8b: {  	s0 =	sand.u32 $0x1, s1  }
0x8c: {  	s17 =	sshll.u32 s0, $0xA;
	s2 =	sadd.s32 s3, s2  }
0x8d: {  	s2 =	sadd.s32 s2, s17  }
0x8e: {  	[smem:$0x3FBA] =	sst s2  }
0x8f: {  	_ = 	snop  }
0x90: {  	s2 =	sld [smem:$0x3FD0];
	(tm) =	ssettm $0x1  }
0x91: {  	s18 =	sld [smem:$0x3FFB];
	_ =	sdelay $0x3  }
0x92: {  	_ =	strace s18  }
0x93: {  	s3 =	sld [smem:$0x3FFC];
	_ =	sdelay $0x3  }
0x94: {  	_ =	strace s3  }
0x95: {  	s3 =	sld [smem:$0x3FFD];
	_ =	sdelay $0x3  }
0x96: {  	_ =	strace s3  }
0x97: {  	_ =	strace $0x8FFFFFFF  }
0x98: {  	s19 =	sld [smem:$0x3FDB];
	_ =	sdelay $0x1  }
0x99: {  	s4 =	simm.s32 $_scs_section_size  }
0x9a: {  	s5 =	simm.s32 $_size__tile_overlayer_lowered;
	s6 =	simm.s32 $_tile_overlayer_lowered  }
0x9b: {  	s22 =	simm.s32 $0x1BFF;
	s21 =	sshll.u32 s6, $0x1;
	s3 =	sadd.s32 s4, s19  }
0x9c: {  	s7 =	simm.s32 $0x0;
	s20 =	sshll.u32 s5, $0x1;
	s5 =	sadd.s32 s21, s3  }
0x9d: {  	[timem:s7], [sflag:s22] =	dma.local [hbm:s5], s20  }
0x9e: {  	_ =	swait.ge [sflag:s22], s20  }
0x9f: {  	s4 =	ssub.s32 $0x0, s20;
	[sflag:s22] =	ssyncset.done $0x0  }
0xa0: {  	[sflag:s22] =	ssyncadd.s32 s4;
	_ =	sdelay $0x1  }
0xa1: {  	s23 =	simm.s32 $0x1B8B  }
0xa2: {  	_ =	swait.ge [sflag:s23], $0x1  }
0xa3: {  	[sflag:s23] =	ssyncset.done $0x0  }
0xa4: {  	s25 =	simm.s32 $0x1B8E;
	s24 =	sld [smem:$0x3FFE];
	[sflag:s23] =	ssyncadd.s32 $0xFFFFFFFF  }
0xa5: {  	s26 =	simm.s32 $execute0_lowered;
	[smem:$0x3FD2] =	sst s25  }
0xa6: {  	s5 =	sshll.u32 s26, $0x1;
	_ =	strace $0x8000004F;
	[dreg:$0x1] =	wrdreg $0xFFFFFFFF  }
0xa7: {  	s28 =	simm.s32 $_size_execute0_lowered;
	s3 =	sadd.s32 s3, s5;
	[dreg:$0x0] =	wrdreg $0x0  }
0xa8: {  	s5 =	sshll.u32 s28, $0x1;
	[dreg:$0x2] =	wrdreg s3  }
0xa9: {  	[dreg:$0x3] =	wrdreg s5  }
0xaa: {  	[dreg:$0x4] =	wrdreg $0xC0  }
0xab: {  	_ =	task [dreg:s7], $0x5FFFF  }
0xac: {  	[dreg:$0x1] =	wrdreg $0xFFFFFFFF  }
0xad: {  	[dreg:$0x0] =	wrdreg $0x60  }
0xae: {  	[dreg:$0x2] =	wrdreg s2  }
0xaf: {  	[dreg:$0x3] =	wrdreg s24  }
0xb0: {  	[dreg:$0x4] =	wrdreg $0x9  }
0xb1: {  	_ =	task.clear_ibuf [dreg:s7], $0x5FFFF;
	_ =	strace $0x9000004F  }
0xb2: {  	s29 =	simm.s32 $0x9;
	_ =	strace $0x80000051  }
0xb3: {  	_ =	swait.ge [sflag:s29], $0x1  }
0xb4: {  	[sflag:s29] =	ssyncadd.s32 $0xFFFFFFFF  }
0xb5: {  	_ =	strace $0x90000051  }
0xb6: {  	_ =	sfence  }
0xb7: {  	s30 =	sld [smem:$0x0];
	_ =	sdelay $0x2  }
0xb8: {  	s31 =	sshll.u32 s1, $0xD;
	s1 =	sshrl.u32 s1, $0x2  }
0xb9: {  	s3 =	sand.u32 $0x4000, s31;
	s1 =	sadd.s32 s1, s30  }
0xba: {  	s0 =	sor.u32 s3, s0;
	s1 =	sshll.u32 s1, $0x11  }
0xbb: {  	s0 =	sor.u32 s1, s0  }
0xbc: {  	s0 =	sadd.s32 $0x8F2B, s0  }
0xbd: {  	[sflag:s0] =	ssyncadd.remote.s32 $0x1  }
0xbe: {  	_ =	sfence.sel $0xFFFF  }
0xbf: {  	[dreg:$0x0] =	wrdreg $0xFFFFFFFF;
	(pc) =	sbr.abs _section_cstart, $3  }
0xc0: {  	[dreg:$0x1] =	wrdreg $0xFFFFFFFF  }
0xc1: {  	_ =	task.clear_ibuf [dreg:s7], $0x2FFFF;
	_ =	strace $0x9FFFFFFF  }
0xc2: {  	(tm) =	ssettm $0x7FFFFFFF  }
0xc3: {  	_ =	shalt  }
tec
execute0_lowered:
.L_overlay_start_1:
0x0: {  	(tag) =	ssettag $0x1  }
0x1: {  	s0 =	srdreg.scid  }
0x2: {  	s17 =	sand.u32 $0x1, s0  }
0x3: {  	s0 =	stileid.u32;
	s1 =	sshll.u32 s17, $0x4  }
0x4: {  	s13 =	sor.u32 s0, s1  }
0x5: {  	s2 =	rddreg [dreg:$0x0];
	s11 =	smul.u32 $0x138, s13  }
0x6: {  	s20 =	rddreg [dreg:$0x1];
	s3 =	simm.s32 $0x0  }
0x7: {  	s5 =	simm.s32 $0x2;
	[smem:$0x7FF] =	sst s3;
	s4 =	sshrl.u32 s11, $0x3  }
0x8: {  	s1 =	rddreg [dreg:$0x2];
	_ =	strace $0x80000050;
	s4 =	sadd.s32 s20, s4  }
0x9: {  	[tilespmem:s3], [sflag:$0x2] =	stream.linear.gather [hbm4b:s4+s3], $0x68, $0x38;
	[tilespmem:$0x1E78] =	vst v63  }
0xa: {  	_ =	swait.ge [sflag:s5], $0x68  }
0xb: {  	[sflag:s5] =	ssyncset.done $0x0  }
0xc: {  	s6 =	simm.s32 $0x68;
	s7 =	simm.s32 $0x1;
	[sflag:s5] =	ssyncadd.s32 $0xFFFFFF98  }
0xd: {  	[tilespmem:s6], [sflag:$0x1] =	stream.indirect.gather [hbm4b:s2+s6], $0x40, s3, s6, $0xb8;
	[tilespmem:$0x1E78] =	vst v63  }
0xe: {  	s8 =	smul.u32 $0x9C0, s13;
	_ =	swait.ge [sflag:s7], $0x1A00  }
0xf: {  	s12 =	sadd.s32 $0x600, s20;
	[sflag:s7] =	ssyncset.done $0x0  }
0x10: {  	s8 =	sadd.s32 s12, s8;
	[sflag:s7] =	ssyncadd.s32 $0xFFFFE600  }
0x11: {  	[hbm4b:s8+s3] =	stream.linear.scatter [tilespmem:s6], [sflag:$0x2], $0x1A00, $0x38;
	[tilespmem:$0x1E78] =	vst v63  }
0x12: {  	s10 =	sadd.s32 $0x68, s11;
	_ =	swait.ge [sflag:s5], $0x1A00  }
0x13: {  	s9 =	sshrl.u32 s10, $0x3;
	[sflag:s5] =	ssyncset.done $0x0  }
0x14: {  	s9 =	sadd.s32 s20, s9;
	[sflag:s5] =	ssyncadd.s32 $0xFFFFE600  }
0x15: {  	[tilespmem:s3], [sflag:$0x2] =	stream.linear.gather [hbm4b:s9+s3], $0x68, $0x38;
	[tilespmem:$0x1E78] =	vst v63  }
0x16: {  	_ =	swait.ge [sflag:s5], $0x68  }
0x17: {  	[sflag:s5] =	ssyncset.done $0x0  }
0x18: {  	[sflag:s5] =	ssyncadd.s32 $0xFFFFFF98  }
0x19: {  	[tilespmem:s6], [sflag:$0x1] =	stream.indirect.gather [hbm4b:s2+s6], $0x40, s3, s6, $0xb8;
	[tilespmem:$0x1E78] =	vst v63  }
0x1a: {  	_ =	swait.ge [sflag:s7], $0x1A00  }
0x1b: {  	s10 =	sshll.u32 s10, $0x3;
	[sflag:s7] =	ssyncset.done $0x0  }
0x1c: {  	s10 =	sadd.s32 s12, s10;
	[sflag:s7] =	ssyncadd.s32 $0xFFFFE600  }
0x1d: {  	[hbm4b:s10+s3] =	stream.linear.scatter [tilespmem:s6], [sflag:$0x2], $0x1A00, $0x38;
	[tilespmem:$0x1E78] =	vst v63  }
0x1e: {  	s14 =	sadd.s32 $0xD0, s11;
	_ =	swait.ge [sflag:s5], $0x1A00  }
0x1f: {  	s11 =	sshrl.u32 s14, $0x3;
	[sflag:s5] =	ssyncset.done $0x0  }
0x20: {  	s11 =	sadd.s32 s20, s11;
	[sflag:s5] =	ssyncadd.s32 $0xFFFFE600  }
0x21: {  	[tilespmem:s3], [sflag:$0x2] =	stream.linear.gather [hbm4b:s11+s3], $0x68, $0x38;
	[tilespmem:$0x1E78] =	vst v63  }
0x22: {  	_ =	swait.ge [sflag:s5], $0x68  }
0x23: {  	[sflag:s5] =	ssyncset.done $0x0  }
0x24: {  	[sflag:s5] =	ssyncadd.s32 $0xFFFFFF98  }
0x25: {  	[tilespmem:s6], [sflag:$0x1] =	stream.indirect.gather [hbm4b:s2+s6], $0x40, s3, s6, $0xb8;
	[tilespmem:$0x1E78] =	vst v63  }
0x26: {  	_ =	swait.ge [sflag:s7], $0x1A00  }
0x27: {  	s14 =	sshll.u32 s14, $0x3;
	[sflag:s7] =	ssyncset.done $0x0  }
0x28: {  	s21 =	ssub.s32 $0x2, s17;
	s12 =	sadd.s32 s12, s14;
	[sflag:s7] =	ssyncadd.s32 $0xFFFFE600  }
0x29: {  	[hbm4b:s12+s3] =	stream.linear.scatter [tilespmem:s6], [sflag:$0x2], $0x1A00, $0x38;
	[tilespmem:$0x1E78] =	vst v63  }
0x2a: {  	s22 =	sshrl.u32 s21, $0x1;
	p0 =	sne.s32 s13, $0x1F;
	_ =	swait.ge [sflag:s5], $0x1A00  }
0x2b: {  	s13 =	simm.s32 @!p0 $0x2;
	s15 =	simm.s32 @!p0 $0x0;
	[sflag:s5] =	ssyncset.done $0x0  }
0x2c: {  	s16 =	simm.s32 @!p0 $0x1A68;
	s14 =	sadd.s32 $0x4E0, s20;
	[sflag:s5] =	ssyncadd.s32 $0xFFFFE600  }
0x2d: {  	[tilespmem:s16], [sflag:$0x2] =	stream.linear.gather @!p0 [hbm4b:s14+s15], $0x10, $0x38;
	[tilespmem:$0x1E78] =	vst v63  }
0x2e: {  	s21 =	ssub.s32 s21, s22;
	s17 =	simm.s32 @!p0 $0x1;
	_ =	swait.ge @!p0 [sflag:s13], $0x10  }
0x2f: {  	s18 =	simm.s32 @!p0 $0x10;
	s21 =	smax.u32 s21, $0x1;
	[sflag:s13] =	ssyncset.done @!p0 $0x0  }
0x30: {  	s19 =	simm.s32 @!p0 $0x1A78;
	s21 =	sadd.s32 $0xFFFFFFFF, s21;
	[sflag:s13] =	ssyncadd.s32 @!p0 $0xFFFFFFF0  }
0x31: {  	[tilespmem:s19], [sflag:$0x1] =	stream.indirect.gather @!p0 [hbm4b:s2+s18], $0x40, s16, s18, $0xb8;
	[tilespmem:$0x1E78] =	vst v63  }
0x32: {  	p1 =	sne.s32 s21, $0x0;
	_ =	swait.ge @!p0 [sflag:s17], $0x400  }
.Ltmp0:
0x33: {  	[sflag:s17] =	ssyncset.done @!p0 $0x0;
	(pc) =	sbr.rel @!p1 .LBB2_2-.Ltmp0, $4  }
0x34: {  	s20 =	sadd.s32 $0x13E00, s20;
	[sflag:s17] =	ssyncadd.s32 @!p0 $0xFFFFFC00  }
0x35: {  	[hbm4b:s20+s15] =	stream.linear.scatter @!p0 [tilespmem:s19], [sflag:$0x2], $0x400, $0x38;
	[tilespmem:$0x1E78] =	vst v63  }
0x36: {  	_ =	swait.ge @!p0 [sflag:s13], $0x400  }
0x37: {  	[sflag:s13] =	ssyncset.done @!p0 $0x0  }
.LBB2_1:
0x38: {  	s21 =	sadd.s32 $0xFFFFFFFF, s21;
	[sflag:s13] =	ssyncadd.s32 @!p0 $0xFFFFFC00  }
0x39: {  	[tilespmem:s3], [sflag:$0x2] =	stream.linear.gather [hbm4b:s4+s3], $0x68, $0x38;
	[tilespmem:$0x1E78] =	vst v63  }
0x3a: {  	p1 =	sne.s32 s21, $0x0;
	_ =	swait.ge [sflag:s5], $0x68  }
0x3b: {  	[sflag:s5] =	ssyncset.done $0x0  }
0x3c: {  	[sflag:s5] =	ssyncadd.s32 $0xFFFFFF98  }
0x3d: {  	[tilespmem:s6], [sflag:$0x1] =	stream.indirect.gather [hbm4b:s2+s6], $0x40, s3, s6, $0xb8;
	[tilespmem:$0x1E78] =	vst v63  }
0x3e: {  	_ =	swait.ge [sflag:s7], $0x1A00  }
0x3f: {  	[sflag:s7] =	ssyncset.done $0x0  }
0x40: {  	[sflag:s7] =	ssyncadd.s32 $0xFFFFE600  }
0x41: {  	[hbm4b:s8+s3] =	stream.linear.scatter [tilespmem:s6], [sflag:$0x2], $0x1A00, $0x38;
	[tilespmem:$0x1E78] =	vst v63  }
0x42: {  	_ =	swait.ge [sflag:s5], $0x1A00  }
0x43: {  	[sflag:s5] =	ssyncset.done $0x0  }
0x44: {  	[sflag:s5] =	ssyncadd.s32 $0xFFFFE600  }
0x45: {  	[tilespmem:s3], [sflag:$0x2] =	stream.linear.gather [hbm4b:s9+s3], $0x68, $0x38;
	[tilespmem:$0x1E78] =	vst v63  }
0x46: {  	_ =	swait.ge [sflag:s5], $0x68  }
0x47: {  	[sflag:s5] =	ssyncset.done $0x0  }
0x48: {  	[sflag:s5] =	ssyncadd.s32 $0xFFFFFF98  }
0x49: {  	[tilespmem:s6], [sflag:$0x1] =	stream.indirect.gather [hbm4b:s2+s6], $0x40, s3, s6, $0xb8;
	[tilespmem:$0x1E78] =	vst v63  }
0x4a: {  	_ =	swait.ge [sflag:s7], $0x1A00  }
0x4b: {  	[sflag:s7] =	ssyncset.done $0x0  }
0x4c: {  	[sflag:s7] =	ssyncadd.s32 $0xFFFFE600  }
0x4d: {  	[hbm4b:s10+s3] =	stream.linear.scatter [tilespmem:s6], [sflag:$0x2], $0x1A00, $0x38;
	[tilespmem:$0x1E78] =	vst v63  }
0x4e: {  	_ =	swait.ge [sflag:s5], $0x1A00  }
0x4f: {  	[sflag:s5] =	ssyncset.done $0x0  }
0x50: {  	[sflag:s5] =	ssyncadd.s32 $0xFFFFE600  }
0x51: {  	[tilespmem:s3], [sflag:$0x2] =	stream.linear.gather [hbm4b:s11+s3], $0x68, $0x38;
	[tilespmem:$0x1E78] =	vst v63  }
0x52: {  	_ =	swait.ge [sflag:s5], $0x68  }
0x53: {  	[sflag:s5] =	ssyncset.done $0x0  }
0x54: {  	[sflag:s5] =	ssyncadd.s32 $0xFFFFFF98  }
0x55: {  	[tilespmem:s6], [sflag:$0x1] =	stream.indirect.gather [hbm4b:s2+s6], $0x40, s3, s6, $0xb8;
	[tilespmem:$0x1E78] =	vst v63  }
0x56: {  	_ =	swait.ge [sflag:s7], $0x1A00  }
0x57: {  	[sflag:s7] =	ssyncset.done $0x0  }
0x58: {  	[sflag:s7] =	ssyncadd.s32 $0xFFFFE600  }
0x59: {  	[hbm4b:s12+s3] =	stream.linear.scatter [tilespmem:s6], [sflag:$0x2], $0x1A00, $0x38;
	[tilespmem:$0x1E78] =	vst v63  }
0x5a: {  	_ =	swait.ge [sflag:s5], $0x1A00  }
0x5b: {  	[sflag:s5] =	ssyncset.done $0x0  }
0x5c: {  	[sflag:s5] =	ssyncadd.s32 $0xFFFFE600  }
0x5d: {  	[tilespmem:s16], [sflag:$0x2] =	stream.linear.gather @!p0 [hbm4b:s14+s15], $0x10, $0x38;
	[tilespmem:$0x1E78] =	vst v63  }
0x5e: {  	_ =	swait.ge @!p0 [sflag:s13], $0x10  }
0x5f: {  	[sflag:s13] =	ssyncset.done @!p0 $0x0  }
0x60: {  	[sflag:s13] =	ssyncadd.s32 @!p0 $0xFFFFFFF0  }
0x61: {  	[tilespmem:s19], [sflag:$0x1] =	stream.indirect.gather @!p0 [hbm4b:s2+s18], $0x40, s16, s18, $0xb8;
	[tilespmem:$0x1E78] =	vst v63  }
0x62: {  	_ =	swait.ge @!p0 [sflag:s17], $0x400  }
.Ltmp1:
0x63: {  	[sflag:s17] =	ssyncset.done @!p0 $0x0;
	(pc) =	sbr.rel @p1 .LBB2_1-.Ltmp1, $4  }
0x64: {  	[sflag:s17] =	ssyncadd.s32 @!p0 $0xFFFFFC00  }
0x65: {  	[hbm4b:s20+s15] =	stream.linear.scatter @!p0 [tilespmem:s19], [sflag:$0x2], $0x400, $0x38;
	[tilespmem:$0x1E78] =	vst v63  }
0x66: {  	_ =	swait.ge @!p0 [sflag:s13], $0x400  }
0x67: {  	[sflag:s13] =	ssyncset.done @!p0 $0x0  }
.LBB2_2:
0x68: {  	[sflag:s13] =	ssyncadd.s32 @!p0 $0xFFFFFC00  }
0x69: {  	_ =	sfence.sel $0x180000  }
0x6a: {  	[bflag:$0x0] =	sbarrier.arrive $0xFFFF  }
0x6b: {  	p0 =	sne.s32 s0, $0x0;
	_ =	strace $0x90000050  }
0x6c: {  	s0 =	sadd.s32 @!p0 $0x100000, s1;
	[bflag:$0x2] =	sbarrier.arrive $0xFFFF  }
0x6d: {  	[sflag:s0] =	ssyncadd.tile.s32 @!p0 $0x1;
	_ =	shalt  }
.Lfunc_end2:
_tile_overlayer_lowered:
.L_overlay_start_2:
0x6e: {  	(tag) =	ssettag $0x2  }
0x6f: {  	s0 =	rddreg [dreg:$0x0];
	s2 =	stileid.u32  }
0x70: {  	s1 =	rddreg [dreg:$0x1];
	p0 =	sne.s32 s2, $0x0  }
0x71: {  	s3 =	rddreg [dreg:$0x2];
	[bflag:$0x3] =	sbarrier.arrive $0xFFFF;
	s2 =	simm.s32 @!p0 $0x1C02  }
0x72: {  	[timem:s3], [sflag:s2] =	dma.local @!p0 [hbm:s0], s1  }
0x73: {  	s0 =	simm.s32 @!p0 $0x2  }
0x74: {  	_ =	swait.ge @!p0 [sflag:s0], s1  }
0x75: {  	s1 =	ssub.s32 @!p0 $0x0, s1;
	[sflag:s0] =	ssyncset.done @!p0 $0x0  }
0x76: {  	[sflag:s0] =	ssyncadd.s32 @!p0 s1  }
0x77: {  	[bflag:$0x3] =	sbarrier.arrive $0xFFFF  }
0x78: {  	_ =	shalt  }

// kernel: kernel.23.cloned.1.call-start
scs
__scs_entry_jumppad:
0x0: {  	(pc) =	sbr.rel $0x88, $3  }
0x1: {  	(tag) =	ssettag $0x0;
	lr =	simm.s32 $0x1  }
0x2: {  	[smem:$0x3F93] =	sst lr;
	_ =	strace $0xD0000000  }
0x3: {  	_ = 	snop  }
0x4: {  	_ = 	snop  }
0x5: {  	_ = 	snop  }
0x6: {  	_ = 	snop  }
0x7: {  	_ = 	snop  }
__scs_overlays_trampoline_lowered:
0x8: {  	[smem:$0x3FA2] =	sst s0  }
0x9: {  	[smem:$0x3FA3] =	sst s1  }
0xa: {  	[smem:$0x3FA4] =	sst s2  }
0xb: {  	[smem:$0x3FA5] =	sst s3  }
0xc: {  	[smem:$0x3FA6] =	sst s4  }
0xd: {  	[smem:$0x3FA7] =	sst s5  }
0xe: {  	[smem:$0x3FA8] =	sst s6  }
0xf: {  	[smem:$0x3FA9] =	sst s7  }
0x10: {  	[smem:$0x3FAA] =	sst s8  }
0x11: {  	[smem:$0x3FAB] =	sst s9;
	s0 =	simm.s32 @!p0 $0x0  }
0x12: {  	s1 =	sld [smem:$0x3F91];
	s0 =	simm.s32 @p0 $0x1  }
0x13: {  	[smem:$0x3FAC] =	sst s0;
	s0 =	simm.s32 @!p1 $0x0  }
0x14: {  	s2 =	sld [smem:$0x3F90];
	s0 =	simm.s32 @p1 $0x1  }
0x15: {  	[smem:$0x3FAD] =	sst s0;
	s0 =	simm.s32 @!p2 $0x0  }
0x16: {  	s3 =	sld [smem:$0x3FDB];
	s0 =	simm.s32 @p2 $0x1  }
0x17: {  	s4 =	simm.s32 $0x1BF5;
	[smem:$0x3FAF] =	sst s0  }
0x18: {  	s0 =	sld [smem:$0x3F92];
	_ =	swait.ge [sflag:s4], $0x0  }
0x19: {  	s7 =	sld [smem:$0x3F93]  }
0x1a: {  	s8 =	sadd.s32 $0xFFFFE003, lr  }
0x1b: {  	s9 =	sadd.s32 $0xFFFFFEF7, lr;
	s5 =	simm.s32 $0xFFFFFFFF;
	p2 =	slt.u32 s8, $0xFFFFF086  }
0x1c: {  	p1 =	slt.u32 s9, $0xF7A;
	s5 =	simm.s32 @!p2 $0x0  }
0x1d: {  	s5 =	simm.s32 @p1 $0x1;
	p0 =	seq.s32 s7, s2  }
0x1e: {  	s7 =	smul.u32 @!p0 $0xF7A, s2;
	p2 =	seq.s32 @!p0 s5, $0x0  }
0x1f: {  	s9 =	smul.u32 $0xF7A, s1;
	s8 =	simm.s32 @!p0 $0x1BF5;
	p2 =	por !p2, p0  }
0x20: {  	[sflag:s8] =	ssyncset.s32 @!p0 $0xFFFFF086;
	s6 =	sadd.s32 @!p0 s3, s7;
	s7 =	simm.s32 @!p0 $0x108  }
0x21: {  	s3 =	sadd.s32 s3, s9;
	s6 =	sadd.s32 @!p0 $0x88, s6;
	s7 =	simm.s32 @p2 $0x1082  }
0x22: {  	[simem:s7], [sflag:s8] =	dma.local @!p0 [hbm:s6], $0xF7A  }
0x23: {  	s9 =	sor.u32 $0xD0000000, s2;
	s6 =	simm.s32 $0x108;
	_ =	swait.ge @!p0 [sflag:s8], $0x0  }
0x24: {  	s3 =	sadd.s32 $0x88, s3;
	s6 =	simm.s32 @!p1 $0x1082;
	[sflag:s4] =	ssyncset.s32 $0xFFFFF086  }
0x25: {  	[simem:s6], [sflag:s4] =	dma.local [hbm:s3], $0xF7A  }
0x26: {  	[smem:$0x3F93] =	sst s1;
	(tag) =	ssettag s2;
	_ =	strace s9  }
0x27: {  	s1 =	sld [smem:$0x3FA3]  }
0x28: {  	s2 =	sld [smem:$0x3FA4]  }
0x29: {  	s4 =	sld [smem:$0x3FA6]  }
0x2a: {  	p0 =	seq.s32 s5, $0x0;
	s5 =	sld [smem:$0x3FA7]  }
0x2b: {  	s6 =	sld [smem:$0x3FA8]  }
0x2c: {  	s7 =	sld [smem:$0x3FA9]  }
0x2d: {  	s3 =	simm.s32 $0x108;
	s8 =	sld [smem:$0x3FAA]  }
0x2e: {  	s3 =	simm.s32 @!p0 $0x1082;
	s9 =	sld [smem:$0x3FAB]  }
0x2f: {  	lr =	sadd.s32 s0, s3;
	s0 =	sld [smem:$0x3FA2]  }
0x30: {  	s3 =	sld [smem:$0x3FA5]  }
0x31: {  	[smem:$0x3FAE] =	sst s10  }
0x32: {  	s10 =	sld [smem:$0x3FAC];
	_ =	sdelay $0x3  }
0x33: {  	p0 =	seq.s32 s10, $0x1;
	s10 =	sld [smem:$0x3FAE];
	_ =	sdelay $0x3  }
0x34: {  	[smem:$0x3FAE] =	sst s10  }
0x35: {  	s10 =	sld [smem:$0x3FAD];
	_ =	sdelay $0x3  }
0x36: {  	p1 =	seq.s32 s10, $0x1;
	s10 =	sld [smem:$0x3FAE];
	_ =	sdelay $0x3  }
0x37: {  	[smem:$0x3FAE] =	sst s10  }
0x38: {  	s10 =	sld [smem:$0x3FAF]  }
0x39: {  	_ = 	snop;
	(pc) =	sbr.ind lr, $3  }
0x3a: {  	_ = 	snop  }
0x3b: {  	_ = 	snop  }
0x3c: {  	p2 =	seq.s32 s10, $0x1;
	s10 =	sld [smem:$0x3FAE]  }
0x3d: {  	_ =	shalt  }
0x3e: {  	_ =	shalt  }
0x3f: {  	_ =	shalt  }
0x40: {  	_ =	shalt  }
0x41: {  	_ =	shalt  }
0x42: {  	_ =	shalt  }
0x43: {  	_ =	shalt  }
0x44: {  	_ =	shalt  }
0x45: {  	_ =	shalt  }
0x46: {  	_ =	shalt  }
0x47: {  	_ =	shalt  }
0x48: {  	_ =	shalt  }
0x49: {  	_ =	shalt  }
0x4a: {  	_ =	shalt  }
0x4b: {  	_ =	shalt  }
0x4c: {  	_ =	shalt  }
0x4d: {  	_ =	shalt  }
0x4e: {  	_ =	shalt  }
0x4f: {  	_ =	shalt  }
0x50: {  	_ =	shalt  }
0x51: {  	_ =	shalt  }
0x52: {  	_ =	shalt  }
0x53: {  	_ =	shalt  }
0x54: {  	_ =	shalt  }
0x55: {  	_ =	shalt  }
0x56: {  	_ =	shalt  }
0x57: {  	_ =	shalt  }
0x58: {  	_ =	shalt  }
0x59: {  	_ =	shalt  }
0x5a: {  	_ =	shalt  }
0x5b: {  	_ =	shalt  }
0x5c: {  	_ =	shalt  }
0x5d: {  	_ =	shalt  }
0x5e: {  	_ =	shalt  }
0x5f: {  	_ =	shalt  }
0x60: {  	_ =	shalt  }
0x61: {  	_ =	shalt  }
0x62: {  	_ =	shalt  }
0x63: {  	_ =	shalt  }
0x64: {  	_ =	shalt  }
0x65: {  	_ =	shalt  }
0x66: {  	_ =	shalt  }
0x67: {  	_ =	shalt  }
0x68: {  	_ =	shalt  }
0x69: {  	_ =	shalt  }
0x6a: {  	_ =	shalt  }
0x6b: {  	_ =	shalt  }
0x6c: {  	_ =	shalt  }
0x6d: {  	_ =	shalt  }
0x6e: {  	_ =	shalt  }
0x6f: {  	_ =	shalt  }
0x70: {  	_ =	shalt  }
0x71: {  	_ =	shalt  }
0x72: {  	_ =	shalt  }
0x73: {  	_ =	shalt  }
0x74: {  	_ =	shalt  }
0x75: {  	_ =	shalt  }
0x76: {  	_ =	shalt  }
0x77: {  	_ =	shalt  }
0x78: {  	_ =	shalt  }
0x79: {  	_ =	shalt  }
0x7a: {  	_ =	shalt  }
0x7b: {  	_ =	shalt  }
0x7c: {  	_ =	shalt  }
0x7d: {  	_ =	shalt  }
0x7e: {  	_ =	shalt  }
0x7f: {  	_ =	shalt  }
0x80: {  	_ =	shalt  }
0x81: {  	_ =	shalt  }
0x82: {  	_ =	shalt  }
0x83: {  	_ =	shalt  }
0x84: {  	_ =	shalt  }
0x85: {  	_ =	shalt  }
0x86: {  	_ =	shalt  }
0x87: {  	_ =	shalt  }
.Lfunc_end0:
.L_simem_size_0:
called_computation.4_lowered:
.L_overlay_start_0:
0x88: {  	s2 =	sld [smem:$0x3FD9]  }
0x89: {  	s3 =	sld [smem:$0x3FFE];
	_ =	sdelay $0x1  }
0x8a: {  	s1 =	srdreg.scid  }
0x8b: {  	s0 =	sand.u32 $0x1, s1  }
0x8c: {  	s17 =	sshll.u32 s0, $0xA;
	s2 =	sadd.s32 s3, s2  }
0x8d: {  	s2 =	sadd.s32 s2, s17  }
0x8e: {  	[smem:$0x3FBA] =	sst s2  }
0x8f: {  	_ = 	snop  }
0x90: {  	s2 =	sld [smem:$0x3FD0];
	(tm) =	ssettm $0x1  }
0x91: {  	s18 =	sld [smem:$0x3FFB];
	_ =	sdelay $0x3  }
0x92: {  	_ =	strace s18  }
0x93: {  	s3 =	sld [smem:$0x3FFC];
	_ =	sdelay $0x3  }
0x94: {  	_ =	strace s3  }
0x95: {  	s3 =	sld [smem:$0x3FFD];
	_ =	sdelay $0x3  }
0x96: {  	_ =	strace s3  }
0x97: {  	_ =	strace $0x8FFFFFFF  }
0x98: {  	s19 =	sld [smem:$0x3FDB];
	_ =	sdelay $0x1  }
0x99: {  	s4 =	simm.s32 $_scs_section_size  }
0x9a: {  	s5 =	simm.s32 $_size__tile_overlayer_lowered;
	s6 =	simm.s32 $_tile_overlayer_lowered  }
0x9b: {  	s22 =	simm.s32 $0x1BFF;
	s21 =	sshll.u32 s6, $0x1;
	s3 =	sadd.s32 s4, s19  }
0x9c: {  	s7 =	simm.s32 $0x0;
	s20 =	sshll.u32 s5, $0x1;
	s5 =	sadd.s32 s21, s3  }
0x9d: {  	[timem:s7], [sflag:s22] =	dma.local [hbm:s5], s20  }
0x9e: {  	_ =	swait.ge [sflag:s22], s20  }
0x9f: {  	s4 =	ssub.s32 $0x0, s20;
	[sflag:s22] =	ssyncset.done $0x0  }
0xa0: {  	[sflag:s22] =	ssyncadd.s32 s4;
	_ =	sdelay $0x1  }
0xa1: {  	s23 =	simm.s32 $0x1B8B  }
0xa2: {  	_ =	swait.ge [sflag:s23], $0x1  }
0xa3: {  	[sflag:s23] =	ssyncset.done $0x0  }
0xa4: {  	s25 =	simm.s32 $0x1B8E;
	s24 =	sld [smem:$0x3FFE];
	[sflag:s23] =	ssyncadd.s32 $0xFFFFFFFF  }
0xa5: {  	s26 =	simm.s32 $execute0_lowered;
	[smem:$0x3FD2] =	sst s25  }
0xa6: {  	s5 =	sshll.u32 s26, $0x1;
	_ =	strace $0x80000052;
	[dreg:$0x1] =	wrdreg $0xFFFFFFFF  }
0xa7: {  	s28 =	simm.s32 $_size_execute0_lowered;
	s3 =	sadd.s32 s3, s5;
	[dreg:$0x0] =	wrdreg $0x0  }
0xa8: {  	s5 =	sshll.u32 s28, $0x1;
	[dreg:$0x2] =	wrdreg s3  }
0xa9: {  	[dreg:$0x3] =	wrdreg s5  }
0xaa: {  	[dreg:$0x4] =	wrdreg $0xC0  }
0xab: {  	_ =	task [dreg:s7], $0x5FFFF  }
0xac: {  	[dreg:$0x1] =	wrdreg $0xFFFFFFFF  }
0xad: {  	[dreg:$0x0] =	wrdreg $0x60  }
0xae: {  	[dreg:$0x2] =	wrdreg s2  }
0xaf: {  	[dreg:$0x3] =	wrdreg s24  }
0xb0: {  	[dreg:$0x4] =	wrdreg $0x9  }
0xb1: {  	_ =	task.clear_ibuf [dreg:s7], $0x5FFFF;
	_ =	strace $0x90000052  }
0xb2: {  	s29 =	simm.s32 $0x9;
	_ =	strace $0x80000054  }
0xb3: {  	_ =	swait.ge [sflag:s29], $0x1  }
0xb4: {  	[sflag:s29] =	ssyncadd.s32 $0xFFFFFFFF  }
0xb5: {  	_ =	strace $0x90000054  }
0xb6: {  	_ =	sfence  }
0xb7: {  	s30 =	sld [smem:$0x0];
	_ =	sdelay $0x2  }
0xb8: {  	s31 =	sshll.u32 s1, $0xD;
	s1 =	sshrl.u32 s1, $0x2  }
0xb9: {  	s3 =	sand.u32 $0x4000, s31;
	s1 =	sadd.s32 s1, s30  }
0xba: {  	s0 =	sor.u32 s3, s0;
	s1 =	sshll.u32 s1, $0x11  }
0xbb: {  	s0 =	sor.u32 s1, s0  }
0xbc: {  	s0 =	sadd.s32 $0x8F2B, s0  }
0xbd: {  	[sflag:s0] =	ssyncadd.remote.s32 $0x1  }
0xbe: {  	_ =	sfence.sel $0xFFFF  }
0xbf: {  	[dreg:$0x0] =	wrdreg $0xFFFFFFFF;
	(pc) =	sbr.abs _section_cstart, $3  }
0xc0: {  	[dreg:$0x1] =	wrdreg $0xFFFFFFFF  }
0xc1: {  	_ =	task.clear_ibuf [dreg:s7], $0x2FFFF;
	_ =	strace $0x9FFFFFFF  }
0xc2: {  	(tm) =	ssettm $0x7FFFFFFF  }
0xc3: {  	_ =	shalt  }
tec
execute0_lowered:
.L_overlay_start_1:
0x0: {  	(tag) =	ssettag $0x1  }
0x1: {  	s0 =	srdreg.scid  }
0x2: {  	s13 =	sand.u32 $0x1, s0  }
0x3: {  	s0 =	stileid.u32;
	s1 =	sshll.u32 s13, $0x4  }
0x4: {  	s14 =	sor.u32 s0, s1  }
0x5: {  	s17 =	rddreg [dreg:$0x0];
	s11 =	smul.u32 $0x138, s14  }
0x6: {  	s15 =	rddreg [dreg:$0x1];
	s2 =	simm.s32 $0x0  }
0x7: {  	s4 =	simm.s32 $0x2;
	[smem:$0x7FF] =	sst s2;
	s3 =	sshrl.u32 s11, $0x3  }
0x8: {  	s1 =	rddreg [dreg:$0x2];
	_ =	strace $0x80000053;
	s3 =	sadd.s32 s15, s3  }
0x9: {  	[tilespmem:s2], [sflag:$0x2] =	stream.linear.gather [hbm4b:s3+s2], $0x68, $0x38;
	[tilespmem:$0x1E78] =	vst v63  }
0xa: {  	s5 =	smul.u32 $0x9C0, s14;
	_ =	swait.ge [sflag:s4], $0x68  }
0xb: {  	[sflag:s4] =	ssyncset.done $0x0  }
0xc: {  	s6 =	simm.s32 $0x68;
	s5 =	sadd.s32 s17, s5;
	[sflag:s4] =	ssyncadd.s32 $0xFFFFFF98  }
0xd: {  	[tilespmem:s6], [sflag:$0x2] =	stream.linear.gather [hbm4b:s5+s2], $0x1A00, $0x38;
	[tilespmem:$0x1E78] =	vst v63  }
0xe: {  	_ =	swait.ge [sflag:s4], $0x1A00  }
0xf: {  	[sflag:s4] =	ssyncset.done $0x0  }
0x10: {  	s8 =	simm.s32 $0x1;
	s7 =	sadd.s32 $0x600, s15;
	[sflag:s4] =	ssyncadd.s32 $0xFFFFE600  }
0x11: {  	[hbm4b:s7+s6] =	stream.indirect.scatter [tilespmem:s6], [sflag:$0x1], $0x40, s2, s6, $0xb8;
	[tilespmem:$0x1E78] =	vst v63  }
0x12: {  	s10 =	sadd.s32 $0x68, s11;
	_ =	swait.ge [sflag:s8], $0x1A00  }
0x13: {  	s9 =	sshrl.u32 s10, $0x3;
	[sflag:s8] =	ssyncset.done $0x0  }
0x14: {  	s9 =	sadd.s32 s15, s9;
	[sflag:s8] =	ssyncadd.s32 $0xFFFFE600  }
0x15: {  	[tilespmem:s2], [sflag:$0x2] =	stream.linear.gather [hbm4b:s9+s2], $0x68, $0x38;
	[tilespmem:$0x1E78] =	vst v63  }
0x16: {  	_ =	swait.ge [sflag:s4], $0x68  }
0x17: {  	s10 =	sshll.u32 s10, $0x3;
	[sflag:s4] =	ssyncset.done $0x0  }
0x18: {  	s10 =	sadd.s32 s17, s10;
	[sflag:s4] =	ssyncadd.s32 $0xFFFFFF98  }
0x19: {  	[tilespmem:s6], [sflag:$0x2] =	stream.linear.gather [hbm4b:s10+s2], $0x1A00, $0x38;
	[tilespmem:$0x1E78] =	vst v63  }
0x1a: {  	_ =	swait.ge [sflag:s4], $0x1A00  }
0x1b: {  	[sflag:s4] =	ssyncset.done $0x0  }
0x1c: {  	[sflag:s4] =	ssyncadd.s32 $0xFFFFE600  }
0x1d: {  	[hbm4b:s7+s6] =	stream.indirect.scatter [tilespmem:s6], [sflag:$0x1], $0x40, s2, s6, $0xb8;
	[tilespmem:$0x1E78] =	vst v63  }
0x1e: {  	s12 =	sadd.s32 $0xD0, s11;
	_ =	swait.ge [sflag:s8], $0x1A00  }
0x1f: {  	s11 =	sshrl.u32 s12, $0x3;
	[sflag:s8] =	ssyncset.done $0x0  }
0x20: {  	s11 =	sadd.s32 s15, s11;
	[sflag:s8] =	ssyncadd.s32 $0xFFFFE600  }
0x21: {  	[tilespmem:s2], [sflag:$0x2] =	stream.linear.gather [hbm4b:s11+s2], $0x68, $0x38;
	[tilespmem:$0x1E78] =	vst v63  }
0x22: {  	_ =	swait.ge [sflag:s4], $0x68  }
0x23: {  	s12 =	sshll.u32 s12, $0x3;
	[sflag:s4] =	ssyncset.done $0x0  }
0x24: {  	s12 =	sadd.s32 s17, s12;
	[sflag:s4] =	ssyncadd.s32 $0xFFFFFF98  }
0x25: {  	[tilespmem:s6], [sflag:$0x2] =	stream.linear.gather [hbm4b:s12+s2], $0x1A00, $0x38;
	[tilespmem:$0x1E78] =	vst v63  }
0x26: {  	_ =	swait.ge [sflag:s4], $0x1A00  }
0x27: {  	[sflag:s4] =	ssyncset.done $0x0  }
0x28: {  	s18 =	ssub.s32 $0x2, s13;
	[sflag:s4] =	ssyncadd.s32 $0xFFFFE600  }
0x29: {  	[hbm4b:s7+s6] =	stream.indirect.scatter [tilespmem:s6], [sflag:$0x1], $0x40, s2, s6, $0xb8;
	[tilespmem:$0x1E78] =	vst v63  }
0x2a: {  	s13 =	sadd.s32 $0x4E0, s15;
	p0 =	sne.s32 s14, $0x1F;
	_ =	swait.ge [sflag:s8], $0x1A00  }
0x2b: {  	s19 =	sshrl.u32 s18, $0x1;
	s14 =	simm.s32 @!p0 $0x2;
	[sflag:s8] =	ssyncset.done $0x0  }
0x2c: {  	s16 =	simm.s32 @!p0 $0x1A68;
	s15 =	simm.s32 @!p0 $0x0;
	[sflag:s8] =	ssyncadd.s32 $0xFFFFE600  }
0x2d: {  	[tilespmem:s16], [sflag:$0x2] =	stream.linear.gather @!p0 [hbm4b:s13+s15], $0x10, $0x38;
	[tilespmem:$0x1E78] =	vst v63  }
0x2e: {  	s19 =	ssub.s32 s18, s19;
	_ =	swait.ge @!p0 [sflag:s14], $0x10  }
0x2f: {  	s18 =	simm.s32 @!p0 $0x1A78;
	s19 =	smax.u32 s19, $0x1;
	[sflag:s14] =	ssyncset.done @!p0 $0x0  }
0x30: {  	s20 =	sadd.s32 $0xFFFFFFFF, s19;
	s17 =	sadd.s32 $0x13800, s17;
	[sflag:s14] =	ssyncadd.s32 @!p0 $0xFFFFFFF0  }
0x31: {  	[tilespmem:s18], [sflag:$0x2] =	stream.linear.gather @!p0 [hbm4b:s17+s15], $0x400, $0x38;
	[tilespmem:$0x1E78] =	vst v63  }
0x32: {  	p1 =	sne.s32 s20, $0x0;
	_ =	swait.ge @!p0 [sflag:s14], $0x400  }
.Ltmp0:
0x33: {  	[sflag:s14] =	ssyncset.done @!p0 $0x0;
	(pc) =	sbr.rel @!p1 .LBB2_2-.Ltmp0, $4  }
0x34: {  	s21 =	simm.s32 @!p0 $0x10;
	s19 =	simm.s32 @!p0 $0x1;
	[sflag:s14] =	ssyncadd.s32 @!p0 $0xFFFFFC00  }
0x35: {  	[hbm4b:s7+s21] =	stream.indirect.scatter @!p0 [tilespmem:s18], [sflag:$0x1], $0x40, s16, s21, $0xb8;
	[tilespmem:$0x1E78] =	vst v63  }
0x36: {  	_ =	swait.ge @!p0 [sflag:s19], $0x400  }
0x37: {  	[sflag:s19] =	ssyncset.done @!p0 $0x0  }
.LBB2_1:
0x38: {  	s20 =	sadd.s32 $0xFFFFFFFF, s20;
	[sflag:s19] =	ssyncadd.s32 @!p0 $0xFFFFFC00  }
0x39: {  	[tilespmem:s2], [sflag:$0x2] =	stream.linear.gather [hbm4b:s3+s2], $0x68, $0x38;
	[tilespmem:$0x1E78] =	vst v63  }
0x3a: {  	p1 =	sne.s32 s20, $0x0;
	_ =	swait.ge [sflag:s4], $0x68  }
0x3b: {  	[sflag:s4] =	ssyncset.done $0x0  }
0x3c: {  	[sflag:s4] =	ssyncadd.s32 $0xFFFFFF98  }
0x3d: {  	[tilespmem:s6], [sflag:$0x2] =	stream.linear.gather [hbm4b:s5+s2], $0x1A00, $0x38;
	[tilespmem:$0x1E78] =	vst v63  }
0x3e: {  	_ =	swait.ge [sflag:s4], $0x1A00  }
0x3f: {  	[sflag:s4] =	ssyncset.done $0x0  }
0x40: {  	[sflag:s4] =	ssyncadd.s32 $0xFFFFE600  }
0x41: {  	[hbm4b:s7+s6] =	stream.indirect.scatter [tilespmem:s6], [sflag:$0x1], $0x40, s2, s6, $0xb8;
	[tilespmem:$0x1E78] =	vst v63  }
0x42: {  	_ =	swait.ge [sflag:s8], $0x1A00  }
0x43: {  	[sflag:s8] =	ssyncset.done $0x0  }
0x44: {  	[sflag:s8] =	ssyncadd.s32 $0xFFFFE600  }
0x45: {  	[tilespmem:s2], [sflag:$0x2] =	stream.linear.gather [hbm4b:s9+s2], $0x68, $0x38;
	[tilespmem:$0x1E78] =	vst v63  }
0x46: {  	_ =	swait.ge [sflag:s4], $0x68  }
0x47: {  	[sflag:s4] =	ssyncset.done $0x0  }
0x48: {  	[sflag:s4] =	ssyncadd.s32 $0xFFFFFF98  }
0x49: {  	[tilespmem:s6], [sflag:$0x2] =	stream.linear.gather [hbm4b:s10+s2], $0x1A00, $0x38;
	[tilespmem:$0x1E78] =	vst v63  }
0x4a: {  	_ =	swait.ge [sflag:s4], $0x1A00  }
0x4b: {  	[sflag:s4] =	ssyncset.done $0x0  }
0x4c: {  	[sflag:s4] =	ssyncadd.s32 $0xFFFFE600  }
0x4d: {  	[hbm4b:s7+s6] =	stream.indirect.scatter [tilespmem:s6], [sflag:$0x1], $0x40, s2, s6, $0xb8;
	[tilespmem:$0x1E78] =	vst v63  }
0x4e: {  	_ =	swait.ge [sflag:s8], $0x1A00  }
0x4f: {  	[sflag:s8] =	ssyncset.done $0x0  }
0x50: {  	[sflag:s8] =	ssyncadd.s32 $0xFFFFE600  }
0x51: {  	[tilespmem:s2], [sflag:$0x2] =	stream.linear.gather [hbm4b:s11+s2], $0x68, $0x38;
	[tilespmem:$0x1E78] =	vst v63  }
0x52: {  	_ =	swait.ge [sflag:s4], $0x68  }
0x53: {  	[sflag:s4] =	ssyncset.done $0x0  }
0x54: {  	[sflag:s4] =	ssyncadd.s32 $0xFFFFFF98  }
0x55: {  	[tilespmem:s6], [sflag:$0x2] =	stream.linear.gather [hbm4b:s12+s2], $0x1A00, $0x38;
	[tilespmem:$0x1E78] =	vst v63  }
0x56: {  	_ =	swait.ge [sflag:s4], $0x1A00  }
0x57: {  	[sflag:s4] =	ssyncset.done $0x0  }
0x58: {  	[sflag:s4] =	ssyncadd.s32 $0xFFFFE600  }
0x59: {  	[hbm4b:s7+s6] =	stream.indirect.scatter [tilespmem:s6], [sflag:$0x1], $0x40, s2, s6, $0xb8;
	[tilespmem:$0x1E78] =	vst v63  }
0x5a: {  	_ =	swait.ge [sflag:s8], $0x1A00  }
0x5b: {  	[sflag:s8] =	ssyncset.done $0x0  }
0x5c: {  	[sflag:s8] =	ssyncadd.s32 $0xFFFFE600  }
0x5d: {  	[tilespmem:s16], [sflag:$0x2] =	stream.linear.gather @!p0 [hbm4b:s13+s15], $0x10, $0x38;
	[tilespmem:$0x1E78] =	vst v63  }
0x5e: {  	_ =	swait.ge @!p0 [sflag:s14], $0x10  }
0x5f: {  	[sflag:s14] =	ssyncset.done @!p0 $0x0  }
0x60: {  	[sflag:s14] =	ssyncadd.s32 @!p0 $0xFFFFFFF0  }
0x61: {  	[tilespmem:s18], [sflag:$0x2] =	stream.linear.gather @!p0 [hbm4b:s17+s15], $0x400, $0x38;
	[tilespmem:$0x1E78] =	vst v63  }
0x62: {  	_ =	swait.ge @!p0 [sflag:s14], $0x400  }
.Ltmp1:
0x63: {  	[sflag:s14] =	ssyncset.done @!p0 $0x0;
	(pc) =	sbr.rel @p1 .LBB2_1-.Ltmp1, $4  }
0x64: {  	[sflag:s14] =	ssyncadd.s32 @!p0 $0xFFFFFC00  }
0x65: {  	[hbm4b:s7+s21] =	stream.indirect.scatter @!p0 [tilespmem:s18], [sflag:$0x1], $0x40, s16, s21, $0xb8;
	[tilespmem:$0x1E78] =	vst v63  }
0x66: {  	_ =	swait.ge @!p0 [sflag:s19], $0x400  }
0x67: {  	[sflag:s19] =	ssyncset.done @!p0 $0x0  }
.LBB2_2:
0x68: {  	[sflag:s19] =	ssyncadd.s32 @!p0 $0xFFFFFC00  }
0x69: {  	_ =	sfence.sel $0x180000  }
0x6a: {  	[bflag:$0x0] =	sbarrier.arrive $0xFFFF  }
0x6b: {  	p0 =	sne.s32 s0, $0x0;
	_ =	strace $0x90000053  }
0x6c: {  	s0 =	sadd.s32 @!p0 $0x100000, s1;
	[bflag:$0x2] =	sbarrier.arrive $0xFFFF  }
0x6d: {  	[sflag:s0] =	ssyncadd.tile.s32 @!p0 $0x1;
	_ =	shalt  }
.Lfunc_end2:
_tile_overlayer_lowered:
.L_overlay_start_2:
0x6e: {  	(tag) =	ssettag $0x2  }
0x6f: {  	s0 =	rddreg [dreg:$0x0];
	s2 =	stileid.u32  }
0x70: {  	s1 =	rddreg [dreg:$0x1];
	p0 =	sne.s32 s2, $0x0  }
0x71: {  	s3 =	rddreg [dreg:$0x2];
	[bflag:$0x3] =	sbarrier.arrive $0xFFFF;
	s2 =	simm.s32 @!p0 $0x1C02  }
0x72: {  	[timem:s3], [sflag:s2] =	dma.local @!p0 [hbm:s0], s1  }
0x73: {  	s0 =	simm.s32 @!p0 $0x2  }
0x74: {  	_ =	swait.ge @!p0 [sflag:s0], s1  }
0x75: {  	s1 =	ssub.s32 @!p0 $0x0, s1;
	[sflag:s0] =	ssyncset.done @!p0 $0x0  }
0x76: {  	[sflag:s0] =	ssyncadd.s32 @!p0 s1  }
0x77: {  	[bflag:$0x3] =	sbarrier.arrive $0xFFFF  }
0x78: {  	_ =	shalt  }

</sc_bundles>
